<compile_context>
chip_gen: v7x
topology: tpu7x:2x2x1
jax: 0.10.2.dev20260603
libtpu: 0.0.44.dev20260713+nightly
codegen_flags: <defaults>
</compile_context>

<pallas_src>
import functools

import jax
import jax.numpy as jnp
from jax import lax
from jax.experimental import pallas as pl
from jax.experimental.pallas import tpu as pltpu
from jax.experimental.pallas import tpu_sc as plsc

VOCAB = 1000000
HIDDEN = 64
BATCH = 16384
SEQ = 200
NG = HIDDEN // 16

NC = 2
NS = 16
NW = NC * NS

ROWS_PER_TILE = BATCH // NW
CB = 4
IDS_PER_CHUNK = CB * SEQ
NCHUNK = ROWS_PER_TILE // CB
SEG = 80
NSEG = IDS_PER_CHUNK // SEG
UNROLL = 8


def _sc_pooled_sums(ids_flat, table):
    mesh = plsc.VectorSubcoreMesh(core_axis_name="c", subcore_axis_name="s")

    @functools.partial(
        pl.kernel,
        mesh=mesh,
        compiler_params=pltpu.CompilerParams(use_tc_tiling_on_sc=False),
        out_type=jax.ShapeDtypeStruct((BATCH, HIDDEN), jnp.float32),
        scratch_types=[
            pltpu.VMEM((2, IDS_PER_CHUNK), jnp.int32),
            pltpu.VMEM((2, IDS_PER_CHUNK, HIDDEN), jnp.float32),
            pltpu.VMEM((2, CB, HIDDEN), jnp.float32),
            pltpu.SemaphoreType.DMA,
            pltpu.SemaphoreType.DMA,
            pltpu.SemaphoreType.DMA,
            pltpu.SemaphoreType.DMA,
        ],
    )
    def k(ids_hbm, table_hbm, out_hbm,
          ids_v, rows_v, sums_v, sem_g0, sem_g1, sem_i, sem_o):
        cid = lax.axis_index("c")
        sid = lax.axis_index("s")
        wid = sid * NC + cid

        id0 = wid * (NCHUNK * IDS_PER_CHUNK)
        row0 = wid * ROWS_PER_TILE
        sem_g = (sem_g0, sem_g1)

        def ids_fire(c, b):
            pltpu.async_copy(
                ids_hbm.at[pl.ds(id0 + c * IDS_PER_CHUNK, IDS_PER_CHUNK)],
                ids_v.at[b], sem_i)

        def ids_wait(b):
            pltpu.make_async_copy(ids_hbm.at[pl.ds(0, IDS_PER_CHUNK)],
                                  ids_v.at[b], sem_i).wait()

        def gather_fire(b):
            for s in range(NSEG):
                pltpu.async_copy(
                    table_hbm.at[ids_v.at[b, pl.ds(s * SEG, SEG)]],
                    rows_v.at[b, pl.ds(s * SEG, SEG)],
                    sem_g[b])

        def gather_wait(b):
            pltpu.make_async_copy(table_hbm.at[pl.ds(0, IDS_PER_CHUNK)],
                                  rows_v.at[b], sem_g[b]).wait()

        def out_wait(b):
            pltpu.make_async_copy(sums_v.at[b],
                                  out_hbm.at[pl.ds(0, CB)], sem_o).wait()

        def reduce_and_out(c, b):
            rv = rows_v.at[b]
            sv = sums_v.at[b]
            for r in range(CB):
                def tok(t, acc):
                    i0 = r * SEQ + t * UNROLL
                    out = []
                    for g in range(NG):
                        sl = pl.ds(g * 16, 16)
                        vals = [rv[i0 + u, sl] for u in range(UNROLL)]
                        while len(vals) > 1:
                            vals = [vals[i] + vals[i + 1]
                                    for i in range(0, len(vals), 2)]
                        out.append(acc[g] + vals[0])
                    return tuple(out)
                acc0 = tuple(jnp.zeros((16,), jnp.float32)
                             for _ in range(NG))
                acc = lax.fori_loop(0, SEQ // UNROLL, tok, acc0)
                for g in range(NG):
                    sv[r, pl.ds(g * 16, 16)] = acc[g]
            pltpu.async_copy(sv, out_hbm.at[pl.ds(row0 + c * CB, CB)], sem_o)

        ids_fire(0, 0)
        ids_wait(0)
        gather_fire(0)
        ids_fire(1, 1)

        def step(kk, carry):
            for b in range(2):
                c = 2 * kk + b
                gather_wait(b)

                @pl.when(c + 1 < NCHUNK)
                def _():
                    ids_wait(1 - b)
                    gather_fire(1 - b)

                @pl.when(c + 2 < NCHUNK)
                def _():
                    ids_fire(c + 2, b)

                @pl.when(c >= 2)
                def _():
                    out_wait(b)

                reduce_and_out(c, b)
            return carry

        lax.fori_loop(0, NCHUNK // 2, step, 0)
        out_wait(0)
        out_wait(1)

    return k(ids_flat, table)


def _tc_pooler(sums, a, b):
    bt = 512

    def body(x_ref, a_ref, b_ref, o_ref):
        o_ref[...] = jnp.dot(x_ref[...], a_ref[...],
                             preferred_element_type=jnp.float32) + b_ref[...]

    return pl.pallas_call(
        body,
        grid=(BATCH // bt,),
        in_specs=[
            pl.BlockSpec((bt, HIDDEN), lambda i: (i, 0)),
            pl.BlockSpec((HIDDEN, HIDDEN), lambda i: (0, 0)),
            pl.BlockSpec((1, HIDDEN), lambda i: (0, 0)),
        ],
        out_specs=pl.BlockSpec((bt, HIDDEN), lambda i: (i, 0)),
        out_shape=jax.ShapeDtypeStruct((BATCH, HIDDEN), jnp.float32),
    )(sums, a, b)


def kernel(input_ids, embedding_table, pooler_w, pooler_b):
    ids_flat = jnp.reshape(input_ids.astype(jnp.int32), (BATCH * SEQ,))
    sums = _sc_pooled_sums(ids_flat, embedding_table)
    a = pooler_w.T * (1.0 / SEQ)
    b2d = jnp.reshape(pooler_b, (1, HIDDEN))
    return _tc_pooler(sums, a, b2d)

# --- scband reference (transcript-rebuilt; emitter-appended) ---
"""Pipeline reference for scband-dummy-text-model-41266045780236 (READ-ONLY COPY).

The authoritative reference and input builder live on the scoring server;
editing this copy changes nothing except your own understanding.
"""

import jax, jax.numpy as jnp
import numpy as np

VOCAB = 1000000
HIDDEN = 64
BATCH = 16384
SEQ = 200


def setup_inputs(seed: int = 0) -> dict:
    key = jax.random.key(seed)
    k_ids, k_emb, k_w, k_b = jax.random.split(key, 4)
    input_ids = jax.random.randint(k_ids, (BATCH, SEQ), 0, VOCAB, dtype=jnp.int64 if jax.config.jax_enable_x64 else jnp.int32)
    embedding_table = jax.random.normal(k_emb, (VOCAB, HIDDEN), dtype=jnp.float32)
    pooler_w = jax.random.normal(k_w, (HIDDEN, HIDDEN), dtype=jnp.float32) * (1.0 / np.sqrt(HIDDEN))
    pooler_b = jax.random.normal(k_b, (HIDDEN,), dtype=jnp.float32) * 0.01
    return {"input_ids": input_ids, "embedding_table": embedding_table, "pooler_w": pooler_w, "pooler_b": pooler_b}


def reference(input_ids, embedding_table, pooler_w, pooler_b):
    # embeds = self.embedding(input_ids)  -> gather
    embeds = jnp.take(embedding_table, input_ids, axis=0)  # [B, L, H]
    # pooled = embeds.mean(dim=1)
    pooled = jnp.mean(embeds, axis=1)  # [B, H]
    # pooler_output = self.pooler(pooled)  (torch Linear: x @ W.T + b)
    pooler_output = pooled @ pooler_w.T + pooler_b
    return pooler_output

if __name__ == "__main__":
    import jax
    _d = setup_inputs()
    print(jax.jit(kernel)(*tuple(_d.values())))

</pallas_src>

<mosaic_0001>
#map = affine_map<(d0, d1) -> (0)>
#map1 = affine_map<(d0, d1) -> (0, 0)>
module attributes {stable_mosaic.version = 14 : i64} {
  func.func @k(%arg0: i32, %arg1: i32, %arg2: memref<3276800xi32, #tpu.memory_space<hbm>>, %arg3: memref<1000000x64xf32, #tpu.memory_space<hbm>>, %arg4: memref<16384x64xf32, #tpu.memory_space<hbm>>, %arg5: memref<2x800xi32, #tpu.memory_space<vmem>>, %arg6: memref<2x800x64xf32, #tpu.memory_space<vmem>>, %arg7: memref<2x4x64xf32, #tpu.memory_space<vmem>>, %arg8: memref<!tpu.dma_semaphore, #tpu.memory_space<semaphore_mem>>, %arg9: memref<!tpu.dma_semaphore, #tpu.memory_space<semaphore_mem>>, %arg10: memref<!tpu.dma_semaphore, #tpu.memory_space<semaphore_mem>>, %arg11: memref<!tpu.dma_semaphore, #tpu.memory_space<semaphore_mem>>) attributes {dimension_semantics = [#tpu.dimension_semantics<core_parallel>, #tpu.dimension_semantics<subcore_parallel>], iteration_bounds = array<i64: 2, 16>, scalar_prefetch = 0 : i64, scratch_operands = 7 : i64, tpu.core_type = #tpu.core_type<sc_vector_subcore>, window_params = [{transform_indices = #map}, {transform_indices = #map1}, {transform_indices = #map1}]} {
    %mul3A = arith.constant 2 : i32
    %mul3A_0 = arith.muli %arg1, %mul3A : i32
    %add3A = arith.addi %mul3A_0, %arg0 : i32
    %mul3A_1 = arith.constant 102400 : i32
    %mul3A_2 = arith.muli %add3A, %mul3A_1 : i32
    %mul3A_3 = arith.constant 512 : i32
    %mul3A_4 = arith.muli %add3A, %mul3A_3 : i32
    %add3A_5 = arith.constant 0 : i32
    %add3A_6 = arith.addi %mul3A_2, %add3A_5 : i32
    %dma_start3A = arith.constant 0 : i32
    %dma_start3A_7 = arith.constant 0 : i32
    %dma_start3A_8 = tpu.memref_slice %arg5[%dma_start3A, %dma_start3A_7] : memref<2x800xi32, #tpu.memory_space<vmem>> -> memref<1x800xi32, #tpu.memory_space<vmem>>
    %dma_start3A_9 = tpu.memref_squeeze %dma_start3A_8 : memref<1x800xi32, #tpu.memory_space<vmem>> -> memref<800xi32, #tpu.memory_space<vmem>>
    %dma_start3A_10 = tpu.memref_slice %arg2[%add3A_6] : memref<3276800xi32, #tpu.memory_space<hbm>> -> memref<800xi32, #tpu.memory_space<hbm>>
    %dma_start3A_11 = arith.constant 0 : i32
    %dma_start3A_12 = tpu.memref_slice %arg5[%dma_start3A, %dma_start3A_11] : memref<2x800xi32, #tpu.memory_space<vmem>> -> memref<1x800xi32, #tpu.memory_space<vmem>>
    %dma_start3A_13 = tpu.memref_squeeze %dma_start3A_12 : memref<1x800xi32, #tpu.memory_space<vmem>> -> memref<800xi32, #tpu.memory_space<vmem>>
    %dma_start3A_14 = tpu.memref_slice %arg2[%add3A_6] : memref<3276800xi32, #tpu.memory_space<hbm>> -> memref<800xi32, #tpu.memory_space<hbm>>
    tpu.enqueue_dma source(%dma_start3A_14 : memref<800xi32, #tpu.memory_space<hbm>>) target(%dma_start3A_13 : memref<800xi32, #tpu.memory_space<vmem>>) target_semaphore(%arg10 : memref<!tpu.dma_semaphore, #tpu.memory_space<semaphore_mem>>)
    %dma_wait3A = arith.constant 0 : i32
    %dma_wait3A_15 = arith.constant 0 : i32
    %dma_wait3A_16 = tpu.memref_slice %arg5[%dma_wait3A, %dma_wait3A_15] : memref<2x800xi32, #tpu.memory_space<vmem>> -> memref<1x800xi32, #tpu.memory_space<vmem>>
    %dma_wait3A_17 = tpu.memref_squeeze %dma_wait3A_16 : memref<1x800xi32, #tpu.memory_space<vmem>> -> memref<800xi32, #tpu.memory_space<vmem>>
    %dma_wait3A_18 = arith.constant 0 : i32
    %dma_wait3A_19 = tpu.memref_slice %arg2[%dma_wait3A_18] : memref<3276800xi32, #tpu.memory_space<hbm>> -> memref<800xi32, #tpu.memory_space<hbm>>
    %dma_wait3A_20 = arith.constant 0 : i32
    %dma_wait3A_21 = tpu.memref_slice %arg5[%dma_wait3A, %dma_wait3A_20] : memref<2x800xi32, #tpu.memory_space<vmem>> -> memref<1x800xi32, #tpu.memory_space<vmem>>
    %dma_wait3A_22 = tpu.memref_squeeze %dma_wait3A_21 : memref<1x800xi32, #tpu.memory_space<vmem>> -> memref<800xi32, #tpu.memory_space<vmem>>
    %dma_wait3A_23 = arith.constant 0 : i32
    %dma_wait3A_24 = tpu.memref_slice %arg2[%dma_wait3A_23] : memref<3276800xi32, #tpu.memory_space<hbm>> -> memref<800xi32, #tpu.memory_space<hbm>>
    tpu.wait_dma2 semaphore(%arg10 : memref<!tpu.dma_semaphore, #tpu.memory_space<semaphore_mem>>) src(%dma_wait3A_24 : memref<800xi32, #tpu.memory_space<hbm>>) dst(%dma_wait3A_22 : memref<800xi32, #tpu.memory_space<vmem>>)
    %dma_start3A_25 = arith.constant 0 : i32
    %dma_start3A_26 = arith.constant 0 : i32
    %dma_start3A_27 = arith.constant 0 : i32
    %dma_start3A_28 = arith.constant 0 : i32
    %dma_start3A_29 = tpu.memref_slice %arg6[%dma_start3A_26, %dma_start3A_27, %dma_start3A_28] : memref<2x800x64xf32, #tpu.memory_space<vmem>> -> memref<1x80x64xf32, #tpu.memory_space<vmem>>
    %dma_start3A_30 = tpu.memref_squeeze %dma_start3A_29 : memref<1x80x64xf32, #tpu.memory_space<vmem>> -> memref<80x64xf32, #tpu.memory_space<vmem>>
    %dma_start3A_31 = arith.constant 0 : i32
    %dma_start3A_32 = tpu.memref_slice %arg5[%dma_start3A_25, %dma_start3A_31] : memref<2x800xi32, #tpu.memory_space<vmem>> -> memref<1x80xi32, #tpu.memory_space<vmem>>
    %dma_start3A_33 = tpu.memref_squeeze %dma_start3A_32 : memref<1x80xi32, #tpu.memory_space<vmem>> -> memref<80xi32, #tpu.memory_space<vmem>>
    %dma_start3A_34 = arith.constant 0 : i32
    %dma_start3A_35 = arith.constant 0 : i32
    %dma_start3A_36 = tpu.memref_slice %arg3[%dma_start3A_34, %dma_start3A_35] : memref<1000000x64xf32, #tpu.memory_space<hbm>> -> memref<1000000x64xf32, #tpu.memory_space<hbm>>
    tpu.enqueue_indirect_dma source(%dma_start3A_36 : memref<1000000x64xf32, #tpu.memory_space<hbm>>) target(%dma_start3A_30 : memref<80x64xf32, #tpu.memory_space<vmem>>) offsets(%dma_start3A_33 : memref<80xi32, #tpu.memory_space<vmem>>) semaphore(%arg8 : memref<!tpu.dma_semaphore, #tpu.memory_space<semaphore_mem>>)
    %dma_start3A_37 = arith.constant 0 : i32
    %dma_start3A_38 = arith.constant 0 : i32
    %dma_start3A_39 = arith.constant 80 : i32
    %dma_start3A_40 = arith.constant 0 : i32
    %dma_start3A_41 = tpu.memref_slice %arg6[%dma_start3A_38, %dma_start3A_39, %dma_start3A_40] : memref<2x800x64xf32, #tpu.memory_space<vmem>> -> memref<1x80x64xf32, #tpu.memory_space<vmem>>
    %dma_start3A_42 = tpu.memref_squeeze %dma_start3A_41 : memref<1x80x64xf32, #tpu.memory_space<vmem>> -> memref<80x64xf32, #tpu.memory_space<vmem>>
    %dma_start3A_43 = arith.constant 80 : i32
    %dma_start3A_44 = tpu.memref_slice %arg5[%dma_start3A_37, %dma_start3A_43] : memref<2x800xi32, #tpu.memory_space<vmem>> -> memref<1x80xi32, #tpu.memory_space<vmem>>
    %dma_start3A_45 = tpu.memref_squeeze %dma_start3A_44 : memref<1x80xi32, #tpu.memory_space<vmem>> -> memref<80xi32, #tpu.memory_space<vmem>>
    %dma_start3A_46 = arith.constant 0 : i32
    %dma_start3A_47 = arith.constant 0 : i32
    %dma_start3A_48 = tpu.memref_slice %arg3[%dma_start3A_46, %dma_start3A_47] : memref<1000000x64xf32, #tpu.memory_space<hbm>> -> memref<1000000x64xf32, #tpu.memory_space<hbm>>
    tpu.enqueue_indirect_dma source(%dma_start3A_48 : memref<1000000x64xf32, #tpu.memory_space<hbm>>) target(%dma_start3A_42 : memref<80x64xf32, #tpu.memory_space<vmem>>) offsets(%dma_start3A_45 : memref<80xi32, #tpu.memory_space<vmem>>) semaphore(%arg8 : memref<!tpu.dma_semaphore, #tpu.memory_space<semaphore_mem>>)
    %dma_start3A_49 = arith.constant 0 : i32
    %dma_start3A_50 = arith.constant 0 : i32
    %dma_start3A_51 = arith.constant 160 : i32
    %dma_start3A_52 = arith.constant 0 : i32
    %dma_start3A_53 = tpu.memref_slice %arg6[%dma_start3A_50, %dma_start3A_51, %dma_start3A_52] : memref<2x800x64xf32, #tpu.memory_space<vmem>> -> memref<1x80x64xf32, #tpu.memory_space<vmem>>
    %dma_start3A_54 = tpu.memref_squeeze %dma_start3A_53 : memref<1x80x64xf32, #tpu.memory_space<vmem>> -> memref<80x64xf32, #tpu.memory_space<vmem>>
    %dma_start3A_55 = arith.constant 160 : i32
    %dma_start3A_56 = tpu.memref_slice %arg5[%dma_start3A_49, %dma_start3A_55] : memref<2x800xi32, #tpu.memory_space<vmem>> -> memref<1x80xi32, #tpu.memory_space<vmem>>
    %dma_start3A_57 = tpu.memref_squeeze %dma_start3A_56 : memref<1x80xi32, #tpu.memory_space<vmem>> -> memref<80xi32, #tpu.memory_space<vmem>>
    %dma_start3A_58 = arith.constant 0 : i32
    %dma_start3A_59 = arith.constant 0 : i32
    %dma_start3A_60 = tpu.memref_slice %arg3[%dma_start3A_58, %dma_start3A_59] : memref<1000000x64xf32, #tpu.memory_space<hbm>> -> memref<1000000x64xf32, #tpu.memory_space<hbm>>
    tpu.enqueue_indirect_dma source(%dma_start3A_60 : memref<1000000x64xf32, #tpu.memory_space<hbm>>) target(%dma_start3A_54 : memref<80x64xf32, #tpu.memory_space<vmem>>) offsets(%dma_start3A_57 : memref<80xi32, #tpu.memory_space<vmem>>) semaphore(%arg8 : memref<!tpu.dma_semaphore, #tpu.memory_space<semaphore_mem>>)
    %dma_start3A_61 = arith.constant 0 : i32
    %dma_start3A_62 = arith.constant 0 : i32
    %dma_start3A_63 = arith.constant 240 : i32
    %dma_start3A_64 = arith.constant 0 : i32
    %dma_start3A_65 = tpu.memref_slice %arg6[%dma_start3A_62, %dma_start3A_63, %dma_start3A_64] : memref<2x800x64xf32, #tpu.memory_space<vmem>> -> memref<1x80x64xf32, #tpu.memory_space<vmem>>
    %dma_start3A_66 = tpu.memref_squeeze %dma_start3A_65 : memref<1x80x64xf32, #tpu.memory_space<vmem>> -> memref<80x64xf32, #tpu.memory_space<vmem>>
    %dma_start3A_67 = arith.constant 240 : i32
    %dma_start3A_68 = tpu.memref_slice %arg5[%dma_start3A_61, %dma_start3A_67] : memref<2x800xi32, #tpu.memory_space<vmem>> -> memref<1x80xi32, #tpu.memory_space<vmem>>
    %dma_start3A_69 = tpu.memref_squeeze %dma_start3A_68 : memref<1x80xi32, #tpu.memory_space<vmem>> -> memref<80xi32, #tpu.memory_space<vmem>>
    %dma_start3A_70 = arith.constant 0 : i32
    %dma_start3A_71 = arith.constant 0 : i32
    %dma_start3A_72 = tpu.memref_slice %arg3[%dma_start3A_70, %dma_start3A_71] : memref<1000000x64xf32, #tpu.memory_space<hbm>> -> memref<1000000x64xf32, #tpu.memory_space<hbm>>
    tpu.enqueue_indirect_dma source(%dma_start3A_72 : memref<1000000x64xf32, #tpu.memory_space<hbm>>) target(%dma_start3A_66 : memref<80x64xf32, #tpu.memory_space<vmem>>) offsets(%dma_start3A_69 : memref<80xi32, #tpu.memory_space<vmem>>) semaphore(%arg8 : memref<!tpu.dma_semaphore, #tpu.memory_space<semaphore_mem>>)
    %dma_start3A_73 = arith.constant 0 : i32
    %dma_start3A_74 = arith.constant 0 : i32
    %dma_start3A_75 = arith.constant 320 : i32
    %dma_start3A_76 = arith.constant 0 : i32
    %dma_start3A_77 = tpu.memref_slice %arg6[%dma_start3A_74, %dma_start3A_75, %dma_start3A_76] : memref<2x800x64xf32, #tpu.memory_space<vmem>> -> memref<1x80x64xf32, #tpu.memory_space<vmem>>
    %dma_start3A_78 = tpu.memref_squeeze %dma_start3A_77 : memref<1x80x64xf32, #tpu.memory_space<vmem>> -> memref<80x64xf32, #tpu.memory_space<vmem>>
    %dma_start3A_79 = arith.constant 320 : i32
    %dma_start3A_80 = tpu.memref_slice %arg5[%dma_start3A_73, %dma_start3A_79] : memref<2x800xi32, #tpu.memory_space<vmem>> -> memref<1x80xi32, #tpu.memory_space<vmem>>
    %dma_start3A_81 = tpu.memref_squeeze %dma_start3A_80 : memref<1x80xi32, #tpu.memory_space<vmem>> -> memref<80xi32, #tpu.memory_space<vmem>>
    %dma_start3A_82 = arith.constant 0 : i32
    %dma_start3A_83 = arith.constant 0 : i32
    %dma_start3A_84 = tpu.memref_slice %arg3[%dma_start3A_82, %dma_start3A_83] : memref<1000000x64xf32, #tpu.memory_space<hbm>> -> memref<1000000x64xf32, #tpu.memory_space<hbm>>
    tpu.enqueue_indirect_dma source(%dma_start3A_84 : memref<1000000x64xf32, #tpu.memory_space<hbm>>) target(%dma_start3A_78 : memref<80x64xf32, #tpu.memory_space<vmem>>) offsets(%dma_start3A_81 : memref<80xi32, #tpu.memory_space<vmem>>) semaphore(%arg8 : memref<!tpu.dma_semaphore, #tpu.memory_space<semaphore_mem>>)
    %dma_start3A_85 = arith.constant 0 : i32
    %dma_start3A_86 = arith.constant 0 : i32
    %dma_start3A_87 = arith.constant 400 : i32
    %dma_start3A_88 = arith.constant 0 : i32
    %dma_start3A_89 = tpu.memref_slice %arg6[%dma_start3A_86, %dma_start3A_87, %dma_start3A_88] : memref<2x800x64xf32, #tpu.memory_space<vmem>> -> memref<1x80x64xf32, #tpu.memory_space<vmem>>
    %dma_start3A_90 = tpu.memref_squeeze %dma_start3A_89 : memref<1x80x64xf32, #tpu.memory_space<vmem>> -> memref<80x64xf32, #tpu.memory_space<vmem>>
    %dma_start3A_91 = arith.constant 400 : i32
    %dma_start3A_92 = tpu.memref_slice %arg5[%dma_start3A_85, %dma_start3A_91] : memref<2x800xi32, #tpu.memory_space<vmem>> -> memref<1x80xi32, #tpu.memory_space<vmem>>
    %dma_start3A_93 = tpu.memref_squeeze %dma_start3A_92 : memref<1x80xi32, #tpu.memory_space<vmem>> -> memref<80xi32, #tpu.memory_space<vmem>>
    %dma_start3A_94 = arith.constant 0 : i32
    %dma_start3A_95 = arith.constant 0 : i32
    %dma_start3A_96 = tpu.memref_slice %arg3[%dma_start3A_94, %dma_start3A_95] : memref<1000000x64xf32, #tpu.memory_space<hbm>> -> memref<1000000x64xf32, #tpu.memory_space<hbm>>
    tpu.enqueue_indirect_dma source(%dma_start3A_96 : memref<1000000x64xf32, #tpu.memory_space<hbm>>) target(%dma_start3A_90 : memref<80x64xf32, #tpu.memory_space<vmem>>) offsets(%dma_start3A_93 : memref<80xi32, #tpu.memory_space<vmem>>) semaphore(%arg8 : memref<!tpu.dma_semaphore, #tpu.memory_space<semaphore_mem>>)
    %dma_start3A_97 = arith.constant 0 : i32
    %dma_start3A_98 = arith.constant 0 : i32
    %dma_start3A_99 = arith.constant 480 : i32
    %dma_start3A_100 = arith.constant 0 : i32
    %dma_start3A_101 = tpu.memref_slice %arg6[%dma_start3A_98, %dma_start3A_99, %dma_start3A_100] : memref<2x800x64xf32, #tpu.memory_space<vmem>> -> memref<1x80x64xf32, #tpu.memory_space<vmem>>
    %dma_start3A_102 = tpu.memref_squeeze %dma_start3A_101 : memref<1x80x64xf32, #tpu.memory_space<vmem>> -> memref<80x64xf32, #tpu.memory_space<vmem>>
    %dma_start3A_103 = arith.constant 480 : i32
    %dma_start3A_104 = tpu.memref_slice %arg5[%dma_start3A_97, %dma_start3A_103] : memref<2x800xi32, #tpu.memory_space<vmem>> -> memref<1x80xi32, #tpu.memory_space<vmem>>
    %dma_start3A_105 = tpu.memref_squeeze %dma_start3A_104 : memref<1x80xi32, #tpu.memory_space<vmem>> -> memref<80xi32, #tpu.memory_space<vmem>>
    %dma_start3A_106 = arith.constant 0 : i32
    %dma_start3A_107 = arith.constant 0 : i32
    %dma_start3A_108 = tpu.memref_slice %arg3[%dma_start3A_106, %dma_start3A_107] : memref<1000000x64xf32, #tpu.memory_space<hbm>> -> memref<1000000x64xf32, #tpu.memory_space<hbm>>
    tpu.enqueue_indirect_dma source(%dma_start3A_108 : memref<1000000x64xf32, #tpu.memory_space<hbm>>) target(%dma_start3A_102 : memref<80x64xf32, #tpu.memory_space<vmem>>) offsets(%dma_start3A_105 : memref<80xi32, #tpu.memory_space<vmem>>) semaphore(%arg8 : memref<!tpu.dma_semaphore, #tpu.memory_space<semaphore_mem>>)
    %dma_start3A_109 = arith.constant 0 : i32
    %dma_start3A_110 = arith.constant 0 : i32
    %dma_start3A_111 = arith.constant 560 : i32
    %dma_start3A_112 = arith.constant 0 : i32
    %dma_start3A_113 = tpu.memref_slice %arg6[%dma_start3A_110, %dma_start3A_111, %dma_start3A_112] : memref<2x800x64xf32, #tpu.memory_space<vmem>> -> memref<1x80x64xf32, #tpu.memory_space<vmem>>
    %dma_start3A_114 = tpu.memref_squeeze %dma_start3A_113 : memref<1x80x64xf32, #tpu.memory_space<vmem>> -> memref<80x64xf32, #tpu.memory_space<vmem>>
    %dma_start3A_115 = arith.constant 560 : i32
    %dma_start3A_116 = tpu.memref_slice %arg5[%dma_start3A_109, %dma_start3A_115] : memref<2x800xi32, #tpu.memory_space<vmem>> -> memref<1x80xi32, #tpu.memory_space<vmem>>
    %dma_start3A_117 = tpu.memref_squeeze %dma_start3A_116 : memref<1x80xi32, #tpu.memory_space<vmem>> -> memref<80xi32, #tpu.memory_space<vmem>>
    %dma_start3A_118 = arith.constant 0 : i32
    %dma_start3A_119 = arith.constant 0 : i32
    %dma_start3A_120 = tpu.memref_slice %arg3[%dma_start3A_118, %dma_start3A_119] : memref<1000000x64xf32, #tpu.memory_space<hbm>> -> memref<1000000x64xf32, #tpu.memory_space<hbm>>
    tpu.enqueue_indirect_dma source(%dma_start3A_120 : memref<1000000x64xf32, #tpu.memory_space<hbm>>) target(%dma_start3A_114 : memref<80x64xf32, #tpu.memory_space<vmem>>) offsets(%dma_start3A_117 : memref<80xi32, #tpu.memory_space<vmem>>) semaphore(%arg8 : memref<!tpu.dma_semaphore, #tpu.memory_space<semaphore_mem>>)
    %dma_start3A_121 = arith.constant 0 : i32
    %dma_start3A_122 = arith.constant 0 : i32
    %dma_start3A_123 = arith.constant 640 : i32
    %dma_start3A_124 = arith.constant 0 : i32
    %dma_start3A_125 = tpu.memref_slice %arg6[%dma_start3A_122, %dma_start3A_123, %dma_start3A_124] : memref<2x800x64xf32, #tpu.memory_space<vmem>> -> memref<1x80x64xf32, #tpu.memory_space<vmem>>
    %dma_start3A_126 = tpu.memref_squeeze %dma_start3A_125 : memref<1x80x64xf32, #tpu.memory_space<vmem>> -> memref<80x64xf32, #tpu.memory_space<vmem>>
    %dma_start3A_127 = arith.constant 640 : i32
    %dma_start3A_128 = tpu.memref_slice %arg5[%dma_start3A_121, %dma_start3A_127] : memref<2x800xi32, #tpu.memory_space<vmem>> -> memref<1x80xi32, #tpu.memory_space<vmem>>
    %dma_start3A_129 = tpu.memref_squeeze %dma_start3A_128 : memref<1x80xi32, #tpu.memory_space<vmem>> -> memref<80xi32, #tpu.memory_space<vmem>>
    %dma_start3A_130 = arith.constant 0 : i32
    %dma_start3A_131 = arith.constant 0 : i32
    %dma_start3A_132 = tpu.memref_slice %arg3[%dma_start3A_130, %dma_start3A_131] : memref<1000000x64xf32, #tpu.memory_space<hbm>> -> memref<1000000x64xf32, #tpu.memory_space<hbm>>
    tpu.enqueue_indirect_dma source(%dma_start3A_132 : memref<1000000x64xf32, #tpu.memory_space<hbm>>) target(%dma_start3A_126 : memref<80x64xf32, #tpu.memory_space<vmem>>) offsets(%dma_start3A_129 : memref<80xi32, #tpu.memory_space<vmem>>) semaphore(%arg8 : memref<!tpu.dma_semaphore, #tpu.memory_space<semaphore_mem>>)
    %dma_start3A_133 = arith.constant 0 : i32
    %dma_start3A_134 = arith.constant 0 : i32
    %dma_start3A_135 = arith.constant 720 : i32
    %dma_start3A_136 = arith.constant 0 : i32
    %dma_start3A_137 = tpu.memref_slice %arg6[%dma_start3A_134, %dma_start3A_135, %dma_start3A_136] : memref<2x800x64xf32, #tpu.memory_space<vmem>> -> memref<1x80x64xf32, #tpu.memory_space<vmem>>
    %dma_start3A_138 = tpu.memref_squeeze %dma_start3A_137 : memref<1x80x64xf32, #tpu.memory_space<vmem>> -> memref<80x64xf32, #tpu.memory_space<vmem>>
    %dma_start3A_139 = arith.constant 720 : i32
    %dma_start3A_140 = tpu.memref_slice %arg5[%dma_start3A_133, %dma_start3A_139] : memref<2x800xi32, #tpu.memory_space<vmem>> -> memref<1x80xi32, #tpu.memory_space<vmem>>
    %dma_start3A_141 = tpu.memref_squeeze %dma_start3A_140 : memref<1x80xi32, #tpu.memory_space<vmem>> -> memref<80xi32, #tpu.memory_space<vmem>>
    %dma_start3A_142 = arith.constant 0 : i32
    %dma_start3A_143 = arith.constant 0 : i32
    %dma_start3A_144 = tpu.memref_slice %arg3[%dma_start3A_142, %dma_start3A_143] : memref<1000000x64xf32, #tpu.memory_space<hbm>> -> memref<1000000x64xf32, #tpu.memory_space<hbm>>
    tpu.enqueue_indirect_dma source(%dma_start3A_144 : memref<1000000x64xf32, #tpu.memory_space<hbm>>) target(%dma_start3A_138 : memref<80x64xf32, #tpu.memory_space<vmem>>) offsets(%dma_start3A_141 : memref<80xi32, #tpu.memory_space<vmem>>) semaphore(%arg8 : memref<!tpu.dma_semaphore, #tpu.memory_space<semaphore_mem>>)
    %add3A_145 = arith.constant 800 : i32
    %add3A_146 = arith.addi %mul3A_2, %add3A_145 : i32
    %dma_start3A_147 = arith.constant 1 : i32
    %dma_start3A_148 = arith.constant 0 : i32
    %dma_start3A_149 = tpu.memref_slice %arg5[%dma_start3A_147, %dma_start3A_148] : memref<2x800xi32, #tpu.memory_space<vmem>> -> memref<1x800xi32, #tpu.memory_space<vmem>>
    %dma_start3A_150 = tpu.memref_squeeze %dma_start3A_149 : memref<1x800xi32, #tpu.memory_space<vmem>> -> memref<800xi32, #tpu.memory_space<vmem>>
    %dma_start3A_151 = tpu.memref_slice %arg2[%add3A_146] : memref<3276800xi32, #tpu.memory_space<hbm>> -> memref<800xi32, #tpu.memory_space<hbm>>
    %dma_start3A_152 = arith.constant 0 : i32
    %dma_start3A_153 = tpu.memref_slice %arg5[%dma_start3A_147, %dma_start3A_152] : memref<2x800xi32, #tpu.memory_space<vmem>> -> memref<1x800xi32, #tpu.memory_space<vmem>>
    %dma_start3A_154 = tpu.memref_squeeze %dma_start3A_153 : memref<1x800xi32, #tpu.memory_space<vmem>> -> memref<800xi32, #tpu.memory_space<vmem>>
    %dma_start3A_155 = tpu.memref_slice %arg2[%add3A_146] : memref<3276800xi32, #tpu.memory_space<hbm>> -> memref<800xi32, #tpu.memory_space<hbm>>
    tpu.enqueue_dma source(%dma_start3A_155 : memref<800xi32, #tpu.memory_space<hbm>>) target(%dma_start3A_154 : memref<800xi32, #tpu.memory_space<vmem>>) target_semaphore(%arg10 : memref<!tpu.dma_semaphore, #tpu.memory_space<semaphore_mem>>)
    %scan3A = arith.constant 0 : i32
    %scan3A_156 = arith.constant 0 : i32
    %scan3A_157 = arith.constant 64 : i32
    %scan3A_158 = arith.addi %scan3A_156, %scan3A_157 : i32
    %scan3A_159 = arith.constant 1 : i32
    scf.for %scan3A_191 = %scan3A_156 to %scan3A_158 step %scan3A_159  : i32 {
      %mul3A_192 = arith.constant 2 : i32
      %mul3A_193 = arith.muli %mul3A_192, %scan3A_191 : i32
      %add3A_194 = arith.constant 0 : i32
      %add3A_195 = arith.addi %mul3A_193, %add3A_194 : i32
      %dma_wait3A_196 = arith.constant 0 : i32
      %dma_wait3A_197 = arith.constant 0 : i32
      %dma_wait3A_198 = arith.constant 0 : i32
      %dma_wait3A_199 = tpu.memref_slice %arg6[%dma_wait3A_196, %dma_wait3A_197, %dma_wait3A_198] : memref<2x800x64xf32, #tpu.memory_space<vmem>> -> memref<1x800x64xf32, #tpu.memory_space<vmem>>
      %dma_wait3A_200 = tpu.memref_squeeze %dma_wait3A_199 : memref<1x800x64xf32, #tpu.memory_space<vmem>> -> memref<800x64xf32, #tpu.memory_space<vmem>>
      %dma_wait3A_201 = arith.constant 0 : i32
      %dma_wait3A_202 = arith.constant 0 : i32
      %dma_wait3A_203 = tpu.memref_slice %arg3[%dma_wait3A_201, %dma_wait3A_202] : memref<1000000x64xf32, #tpu.memory_space<hbm>> -> memref<800x64xf32, #tpu.memory_space<hbm>>
      %dma_wait3A_204 = arith.constant 0 : i32
      %dma_wait3A_205 = arith.constant 0 : i32
      %dma_wait3A_206 = tpu.memref_slice %arg6[%dma_wait3A_196, %dma_wait3A_204, %dma_wait3A_205] : memref<2x800x64xf32, #tpu.memory_space<vmem>> -> memref<1x800x64xf32, #tpu.memory_space<vmem>>
      %dma_wait3A_207 = tpu.memref_squeeze %dma_wait3A_206 : memref<1x800x64xf32, #tpu.memory_space<vmem>> -> memref<800x64xf32, #tpu.memory_space<vmem>>
      %dma_wait3A_208 = arith.constant 0 : i32
      %dma_wait3A_209 = arith.constant 0 : i32
      %dma_wait3A_210 = tpu.memref_slice %arg3[%dma_wait3A_208, %dma_wait3A_209] : memref<1000000x64xf32, #tpu.memory_space<hbm>> -> memref<800x64xf32, #tpu.memory_space<hbm>>
      tpu.wait_dma2 semaphore(%arg8 : memref<!tpu.dma_semaphore, #tpu.memory_space<semaphore_mem>>) src(%dma_wait3A_210 : memref<800x64xf32, #tpu.memory_space<hbm>>) dst(%dma_wait3A_207 : memref<800x64xf32, #tpu.memory_space<vmem>>)
      %add3A_211 = arith.constant 1 : i32
      %add3A_212 = arith.addi %add3A_195, %add3A_211 : i32
      %lt3A = arith.constant 128 : i32
      %lt3A_213 = arith.cmpi slt, %add3A_212, %lt3A : i32
      %convert_element_type3A = arith.extui %lt3A_213 : i1 to i32
      %cond3A = arith.constant 0 : i32
      %cond3A_214 = arith.cmpi ne, %convert_element_type3A, %cond3A : i32
      scf.if %cond3A_214 {
        %dma_wait3A_766 = arith.constant 1 : i32
        %dma_wait3A_767 = arith.constant 0 : i32
        %dma_wait3A_768 = tpu.memref_slice %arg5[%dma_wait3A_766, %dma_wait3A_767] : memref<2x800xi32, #tpu.memory_space<vmem>> -> memref<1x800xi32, #tpu.memory_space<vmem>>
        %dma_wait3A_769 = tpu.memref_squeeze %dma_wait3A_768 : memref<1x800xi32, #tpu.memory_space<vmem>> -> memref<800xi32, #tpu.memory_space<vmem>>
        %dma_wait3A_770 = arith.constant 0 : i32
        %dma_wait3A_771 = tpu.memref_slice %arg2[%dma_wait3A_770] : memref<3276800xi32, #tpu.memory_space<hbm>> -> memref<800xi32, #tpu.memory_space<hbm>>
        %dma_wait3A_772 = arith.constant 0 : i32
        %dma_wait3A_773 = tpu.memref_slice %arg5[%dma_wait3A_766, %dma_wait3A_772] : memref<2x800xi32, #tpu.memory_space<vmem>> -> memref<1x800xi32, #tpu.memory_space<vmem>>
        %dma_wait3A_774 = tpu.memref_squeeze %dma_wait3A_773 : memref<1x800xi32, #tpu.memory_space<vmem>> -> memref<800xi32, #tpu.memory_space<vmem>>
        %dma_wait3A_775 = arith.constant 0 : i32
        %dma_wait3A_776 = tpu.memref_slice %arg2[%dma_wait3A_775] : memref<3276800xi32, #tpu.memory_space<hbm>> -> memref<800xi32, #tpu.memory_space<hbm>>
        tpu.wait_dma2 semaphore(%arg10 : memref<!tpu.dma_semaphore, #tpu.memory_space<semaphore_mem>>) src(%dma_wait3A_776 : memref<800xi32, #tpu.memory_space<hbm>>) dst(%dma_wait3A_774 : memref<800xi32, #tpu.memory_space<vmem>>)
        %dma_start3A_777 = arith.constant 1 : i32
        %dma_start3A_778 = arith.constant 1 : i32
        %dma_start3A_779 = arith.constant 0 : i32
        %dma_start3A_780 = arith.constant 0 : i32
        %dma_start3A_781 = tpu.memref_slice %arg6[%dma_start3A_778, %dma_start3A_779, %dma_start3A_780] : memref<2x800x64xf32, #tpu.memory_space<vmem>> -> memref<1x80x64xf32, #tpu.memory_space<vmem>>
        %dma_start3A_782 = tpu.memref_squeeze %dma_start3A_781 : memref<1x80x64xf32, #tpu.memory_space<vmem>> -> memref<80x64xf32, #tpu.memory_space<vmem>>
        %dma_start3A_783 = arith.constant 0 : i32
        %dma_start3A_784 = tpu.memref_slice %arg5[%dma_start3A_777, %dma_start3A_783] : memref<2x800xi32, #tpu.memory_space<vmem>> -> memref<1x80xi32, #tpu.memory_space<vmem>>
        %dma_start3A_785 = tpu.memref_squeeze %dma_start3A_784 : memref<1x80xi32, #tpu.memory_space<vmem>> -> memref<80xi32, #tpu.memory_space<vmem>>
        %dma_start3A_786 = arith.constant 0 : i32
        %dma_start3A_787 = arith.constant 0 : i32
        %dma_start3A_788 = tpu.memref_slice %arg3[%dma_start3A_786, %dma_start3A_787] : memref<1000000x64xf32, #tpu.memory_space<hbm>> -> memref<1000000x64xf32, #tpu.memory_space<hbm>>
        tpu.enqueue_indirect_dma source(%dma_start3A_788 : memref<1000000x64xf32, #tpu.memory_space<hbm>>) target(%dma_start3A_782 : memref<80x64xf32, #tpu.memory_space<vmem>>) offsets(%dma_start3A_785 : memref<80xi32, #tpu.memory_space<vmem>>) semaphore(%arg9 : memref<!tpu.dma_semaphore, #tpu.memory_space<semaphore_mem>>)
        %dma_start3A_789 = arith.constant 1 : i32
        %dma_start3A_790 = arith.constant 1 : i32
        %dma_start3A_791 = arith.constant 80 : i32
        %dma_start3A_792 = arith.constant 0 : i32
        %dma_start3A_793 = tpu.memref_slice %arg6[%dma_start3A_790, %dma_start3A_791, %dma_start3A_792] : memref<2x800x64xf32, #tpu.memory_space<vmem>> -> memref<1x80x64xf32, #tpu.memory_space<vmem>>
        %dma_start3A_794 = tpu.memref_squeeze %dma_start3A_793 : memref<1x80x64xf32, #tpu.memory_space<vmem>> -> memref<80x64xf32, #tpu.memory_space<vmem>>
        %dma_start3A_795 = arith.constant 80 : i32
        %dma_start3A_796 = tpu.memref_slice %arg5[%dma_start3A_789, %dma_start3A_795] : memref<2x800xi32, #tpu.memory_space<vmem>> -> memref<1x80xi32, #tpu.memory_space<vmem>>
        %dma_start3A_797 = tpu.memref_squeeze %dma_start3A_796 : memref<1x80xi32, #tpu.memory_space<vmem>> -> memref<80xi32, #tpu.memory_space<vmem>>
        %dma_start3A_798 = arith.constant 0 : i32
        %dma_start3A_799 = arith.constant 0 : i32
        %dma_start3A_800 = tpu.memref_slice %arg3[%dma_start3A_798, %dma_start3A_799] : memref<1000000x64xf32, #tpu.memory_space<hbm>> -> memref<1000000x64xf32, #tpu.memory_space<hbm>>
        tpu.enqueue_indirect_dma source(%dma_start3A_800 : memref<1000000x64xf32, #tpu.memory_space<hbm>>) target(%dma_start3A_794 : memref<80x64xf32, #tpu.memory_space<vmem>>) offsets(%dma_start3A_797 : memref<80xi32, #tpu.memory_space<vmem>>) semaphore(%arg9 : memref<!tpu.dma_semaphore, #tpu.memory_space<semaphore_mem>>)
        %dma_start3A_801 = arith.constant 1 : i32
        %dma_start3A_802 = arith.constant 1 : i32
        %dma_start3A_803 = arith.constant 160 : i32
        %dma_start3A_804 = arith.constant 0 : i32
        %dma_start3A_805 = tpu.memref_slice %arg6[%dma_start3A_802, %dma_start3A_803, %dma_start3A_804] : memref<2x800x64xf32, #tpu.memory_space<vmem>> -> memref<1x80x64xf32, #tpu.memory_space<vmem>>
        %dma_start3A_806 = tpu.memref_squeeze %dma_start3A_805 : memref<1x80x64xf32, #tpu.memory_space<vmem>> -> memref<80x64xf32, #tpu.memory_space<vmem>>
        %dma_start3A_807 = arith.constant 160 : i32
        %dma_start3A_808 = tpu.memref_slice %arg5[%dma_start3A_801, %dma_start3A_807] : memref<2x800xi32, #tpu.memory_space<vmem>> -> memref<1x80xi32, #tpu.memory_space<vmem>>
        %dma_start3A_809 = tpu.memref_squeeze %dma_start3A_808 : memref<1x80xi32, #tpu.memory_space<vmem>> -> memref<80xi32, #tpu.memory_space<vmem>>
        %dma_start3A_810 = arith.constant 0 : i32
        %dma_start3A_811 = arith.constant 0 : i32
        %dma_start3A_812 = tpu.memref_slice %arg3[%dma_start3A_810, %dma_start3A_811] : memref<1000000x64xf32, #tpu.memory_space<hbm>> -> memref<1000000x64xf32, #tpu.memory_space<hbm>>
        tpu.enqueue_indirect_dma source(%dma_start3A_812 : memref<1000000x64xf32, #tpu.memory_space<hbm>>) target(%dma_start3A_806 : memref<80x64xf32, #tpu.memory_space<vmem>>) offsets(%dma_start3A_809 : memref<80xi32, #tpu.memory_space<vmem>>) semaphore(%arg9 : memref<!tpu.dma_semaphore, #tpu.memory_space<semaphore_mem>>)
        %dma_start3A_813 = arith.constant 1 : i32
        %dma_start3A_814 = arith.constant 1 : i32
        %dma_start3A_815 = arith.constant 240 : i32
        %dma_start3A_816 = arith.constant 0 : i32
        %dma_start3A_817 = tpu.memref_slice %arg6[%dma_start3A_814, %dma_start3A_815, %dma_start3A_816] : memref<2x800x64xf32, #tpu.memory_space<vmem>> -> memref<1x80x64xf32, #tpu.memory_space<vmem>>
        %dma_start3A_818 = tpu.memref_squeeze %dma_start3A_817 : memref<1x80x64xf32, #tpu.memory_space<vmem>> -> memref<80x64xf32, #tpu.memory_space<vmem>>
        %dma_start3A_819 = arith.constant 240 : i32
        %dma_start3A_820 = tpu.memref_slice %arg5[%dma_start3A_813, %dma_start3A_819] : memref<2x800xi32, #tpu.memory_space<vmem>> -> memref<1x80xi32, #tpu.memory_space<vmem>>
        %dma_start3A_821 = tpu.memref_squeeze %dma_start3A_820 : memref<1x80xi32, #tpu.memory_space<vmem>> -> memref<80xi32, #tpu.memory_space<vmem>>
        %dma_start3A_822 = arith.constant 0 : i32
        %dma_start3A_823 = arith.constant 0 : i32
        %dma_start3A_824 = tpu.memref_slice %arg3[%dma_start3A_822, %dma_start3A_823] : memref<1000000x64xf32, #tpu.memory_space<hbm>> -> memref<1000000x64xf32, #tpu.memory_space<hbm>>
        tpu.enqueue_indirect_dma source(%dma_start3A_824 : memref<1000000x64xf32, #tpu.memory_space<hbm>>) target(%dma_start3A_818 : memref<80x64xf32, #tpu.memory_space<vmem>>) offsets(%dma_start3A_821 : memref<80xi32, #tpu.memory_space<vmem>>) semaphore(%arg9 : memref<!tpu.dma_semaphore, #tpu.memory_space<semaphore_mem>>)
        %dma_start3A_825 = arith.constant 1 : i32
        %dma_start3A_826 = arith.constant 1 : i32
        %dma_start3A_827 = arith.constant 320 : i32
        %dma_start3A_828 = arith.constant 0 : i32
        %dma_start3A_829 = tpu.memref_slice %arg6[%dma_start3A_826, %dma_start3A_827, %dma_start3A_828] : memref<2x800x64xf32, #tpu.memory_space<vmem>> -> memref<1x80x64xf32, #tpu.memory_space<vmem>>
        %dma_start3A_830 = tpu.memref_squeeze %dma_start3A_829 : memref<1x80x64xf32, #tpu.memory_space<vmem>> -> memref<80x64xf32, #tpu.memory_space<vmem>>
        %dma_start3A_831 = arith.constant 320 : i32
        %dma_start3A_832 = tpu.memref_slice %arg5[%dma_start3A_825, %dma_start3A_831] : memref<2x800xi32, #tpu.memory_space<vmem>> -> memref<1x80xi32, #tpu.memory_space<vmem>>
        %dma_start3A_833 = tpu.memref_squeeze %dma_start3A_832 : memref<1x80xi32, #tpu.memory_space<vmem>> -> memref<80xi32, #tpu.memory_space<vmem>>
        %dma_start3A_834 = arith.constant 0 : i32
        %dma_start3A_835 = arith.constant 0 : i32
        %dma_start3A_836 = tpu.memref_slice %arg3[%dma_start3A_834, %dma_start3A_835] : memref<1000000x64xf32, #tpu.memory_space<hbm>> -> memref<1000000x64xf32, #tpu.memory_space<hbm>>
        tpu.enqueue_indirect_dma source(%dma_start3A_836 : memref<1000000x64xf32, #tpu.memory_space<hbm>>) target(%dma_start3A_830 : memref<80x64xf32, #tpu.memory_space<vmem>>) offsets(%dma_start3A_833 : memref<80xi32, #tpu.memory_space<vmem>>) semaphore(%arg9 : memref<!tpu.dma_semaphore, #tpu.memory_space<semaphore_mem>>)
        %dma_start3A_837 = arith.constant 1 : i32
        %dma_start3A_838 = arith.constant 1 : i32
        %dma_start3A_839 = arith.constant 400 : i32
        %dma_start3A_840 = arith.constant 0 : i32
        %dma_start3A_841 = tpu.memref_slice %arg6[%dma_start3A_838, %dma_start3A_839, %dma_start3A_840] : memref<2x800x64xf32, #tpu.memory_space<vmem>> -> memref<1x80x64xf32, #tpu.memory_space<vmem>>
        %dma_start3A_842 = tpu.memref_squeeze %dma_start3A_841 : memref<1x80x64xf32, #tpu.memory_space<vmem>> -> memref<80x64xf32, #tpu.memory_space<vmem>>
        %dma_start3A_843 = arith.constant 400 : i32
        %dma_start3A_844 = tpu.memref_slice %arg5[%dma_start3A_837, %dma_start3A_843] : memref<2x800xi32, #tpu.memory_space<vmem>> -> memref<1x80xi32, #tpu.memory_space<vmem>>
        %dma_start3A_845 = tpu.memref_squeeze %dma_start3A_844 : memref<1x80xi32, #tpu.memory_space<vmem>> -> memref<80xi32, #tpu.memory_space<vmem>>
        %dma_start3A_846 = arith.constant 0 : i32
        %dma_start3A_847 = arith.constant 0 : i32
        %dma_start3A_848 = tpu.memref_slice %arg3[%dma_start3A_846, %dma_start3A_847] : memref<1000000x64xf32, #tpu.memory_space<hbm>> -> memref<1000000x64xf32, #tpu.memory_space<hbm>>
        tpu.enqueue_indirect_dma source(%dma_start3A_848 : memref<1000000x64xf32, #tpu.memory_space<hbm>>) target(%dma_start3A_842 : memref<80x64xf32, #tpu.memory_space<vmem>>) offsets(%dma_start3A_845 : memref<80xi32, #tpu.memory_space<vmem>>) semaphore(%arg9 : memref<!tpu.dma_semaphore, #tpu.memory_space<semaphore_mem>>)
        %dma_start3A_849 = arith.constant 1 : i32
        %dma_start3A_850 = arith.constant 1 : i32
        %dma_start3A_851 = arith.constant 480 : i32
        %dma_start3A_852 = arith.constant 0 : i32
        %dma_start3A_853 = tpu.memref_slice %arg6[%dma_start3A_850, %dma_start3A_851, %dma_start3A_852] : memref<2x800x64xf32, #tpu.memory_space<vmem>> -> memref<1x80x64xf32, #tpu.memory_space<vmem>>
        %dma_start3A_854 = tpu.memref_squeeze %dma_start3A_853 : memref<1x80x64xf32, #tpu.memory_space<vmem>> -> memref<80x64xf32, #tpu.memory_space<vmem>>
        %dma_start3A_855 = arith.constant 480 : i32
        %dma_start3A_856 = tpu.memref_slice %arg5[%dma_start3A_849, %dma_start3A_855] : memref<2x800xi32, #tpu.memory_space<vmem>> -> memref<1x80xi32, #tpu.memory_space<vmem>>
        %dma_start3A_857 = tpu.memref_squeeze %dma_start3A_856 : memref<1x80xi32, #tpu.memory_space<vmem>> -> memref<80xi32, #tpu.memory_space<vmem>>
        %dma_start3A_858 = arith.constant 0 : i32
        %dma_start3A_859 = arith.constant 0 : i32
        %dma_start3A_860 = tpu.memref_slice %arg3[%dma_start3A_858, %dma_start3A_859] : memref<1000000x64xf32, #tpu.memory_space<hbm>> -> memref<1000000x64xf32, #tpu.memory_space<hbm>>
        tpu.enqueue_indirect_dma source(%dma_start3A_860 : memref<1000000x64xf32, #tpu.memory_space<hbm>>) target(%dma_start3A_854 : memref<80x64xf32, #tpu.memory_space<vmem>>) offsets(%dma_start3A_857 : memref<80xi32, #tpu.memory_space<vmem>>) semaphore(%arg9 : memref<!tpu.dma_semaphore, #tpu.memory_space<semaphore_mem>>)
        %dma_start3A_861 = arith.constant 1 : i32
        %dma_start3A_862 = arith.constant 1 : i32
        %dma_start3A_863 = arith.constant 560 : i32
        %dma_start3A_864 = arith.constant 0 : i32
        %dma_start3A_865 = tpu.memref_slice %arg6[%dma_start3A_862, %dma_start3A_863, %dma_start3A_864] : memref<2x800x64xf32, #tpu.memory_space<vmem>> -> memref<1x80x64xf32, #tpu.memory_space<vmem>>
        %dma_start3A_866 = tpu.memref_squeeze %dma_start3A_865 : memref<1x80x64xf32, #tpu.memory_space<vmem>> -> memref<80x64xf32, #tpu.memory_space<vmem>>
        %dma_start3A_867 = arith.constant 560 : i32
        %dma_start3A_868 = tpu.memref_slice %arg5[%dma_start3A_861, %dma_start3A_867] : memref<2x800xi32, #tpu.memory_space<vmem>> -> memref<1x80xi32, #tpu.memory_space<vmem>>
        %dma_start3A_869 = tpu.memref_squeeze %dma_start3A_868 : memref<1x80xi32, #tpu.memory_space<vmem>> -> memref<80xi32, #tpu.memory_space<vmem>>
        %dma_start3A_870 = arith.constant 0 : i32
        %dma_start3A_871 = arith.constant 0 : i32
        %dma_start3A_872 = tpu.memref_slice %arg3[%dma_start3A_870, %dma_start3A_871] : memref<1000000x64xf32, #tpu.memory_space<hbm>> -> memref<1000000x64xf32, #tpu.memory_space<hbm>>
        tpu.enqueue_indirect_dma source(%dma_start3A_872 : memref<1000000x64xf32, #tpu.memory_space<hbm>>) target(%dma_start3A_866 : memref<80x64xf32, #tpu.memory_space<vmem>>) offsets(%dma_start3A_869 : memref<80xi32, #tpu.memory_space<vmem>>) semaphore(%arg9 : memref<!tpu.dma_semaphore, #tpu.memory_space<semaphore_mem>>)
        %dma_start3A_873 = arith.constant 1 : i32
        %dma_start3A_874 = arith.constant 1 : i32
        %dma_start3A_875 = arith.constant 640 : i32
        %dma_start3A_876 = arith.constant 0 : i32
        %dma_start3A_877 = tpu.memref_slice %arg6[%dma_start3A_874, %dma_start3A_875, %dma_start3A_876] : memref<2x800x64xf32, #tpu.memory_space<vmem>> -> memref<1x80x64xf32, #tpu.memory_space<vmem>>
        %dma_start3A_878 = tpu.memref_squeeze %dma_start3A_877 : memref<1x80x64xf32, #tpu.memory_space<vmem>> -> memref<80x64xf32, #tpu.memory_space<vmem>>
        %dma_start3A_879 = arith.constant 640 : i32
        %dma_start3A_880 = tpu.memref_slice %arg5[%dma_start3A_873, %dma_start3A_879] : memref<2x800xi32, #tpu.memory_space<vmem>> -> memref<1x80xi32, #tpu.memory_space<vmem>>
        %dma_start3A_881 = tpu.memref_squeeze %dma_start3A_880 : memref<1x80xi32, #tpu.memory_space<vmem>> -> memref<80xi32, #tpu.memory_space<vmem>>
        %dma_start3A_882 = arith.constant 0 : i32
        %dma_start3A_883 = arith.constant 0 : i32
        %dma_start3A_884 = tpu.memref_slice %arg3[%dma_start3A_882, %dma_start3A_883] : memref<1000000x64xf32, #tpu.memory_space<hbm>> -> memref<1000000x64xf32, #tpu.memory_space<hbm>>
        tpu.enqueue_indirect_dma source(%dma_start3A_884 : memref<1000000x64xf32, #tpu.memory_space<hbm>>) target(%dma_start3A_878 : memref<80x64xf32, #tpu.memory_space<vmem>>) offsets(%dma_start3A_881 : memref<80xi32, #tpu.memory_space<vmem>>) semaphore(%arg9 : memref<!tpu.dma_semaphore, #tpu.memory_space<semaphore_mem>>)
        %dma_start3A_885 = arith.constant 1 : i32
        %dma_start3A_886 = arith.constant 1 : i32
        %dma_start3A_887 = arith.constant 720 : i32
        %dma_start3A_888 = arith.constant 0 : i32
        %dma_start3A_889 = tpu.memref_slice %arg6[%dma_start3A_886, %dma_start3A_887, %dma_start3A_888] : memref<2x800x64xf32, #tpu.memory_space<vmem>> -> memref<1x80x64xf32, #tpu.memory_space<vmem>>
        %dma_start3A_890 = tpu.memref_squeeze %dma_start3A_889 : memref<1x80x64xf32, #tpu.memory_space<vmem>> -> memref<80x64xf32, #tpu.memory_space<vmem>>
        %dma_start3A_891 = arith.constant 720 : i32
        %dma_start3A_892 = tpu.memref_slice %arg5[%dma_start3A_885, %dma_start3A_891] : memref<2x800xi32, #tpu.memory_space<vmem>> -> memref<1x80xi32, #tpu.memory_space<vmem>>
        %dma_start3A_893 = tpu.memref_squeeze %dma_start3A_892 : memref<1x80xi32, #tpu.memory_space<vmem>> -> memref<80xi32, #tpu.memory_space<vmem>>
        %dma_start3A_894 = arith.constant 0 : i32
        %dma_start3A_895 = arith.constant 0 : i32
        %dma_start3A_896 = tpu.memref_slice %arg3[%dma_start3A_894, %dma_start3A_895] : memref<1000000x64xf32, #tpu.memory_space<hbm>> -> memref<1000000x64xf32, #tpu.memory_space<hbm>>
        tpu.enqueue_indirect_dma source(%dma_start3A_896 : memref<1000000x64xf32, #tpu.memory_space<hbm>>) target(%dma_start3A_890 : memref<80x64xf32, #tpu.memory_space<vmem>>) offsets(%dma_start3A_893 : memref<80xi32, #tpu.memory_space<vmem>>) semaphore(%arg9 : memref<!tpu.dma_semaphore, #tpu.memory_space<semaphore_mem>>)
      } else {
      }
      %add3A_215 = arith.constant 2 : i32
      %add3A_216 = arith.addi %add3A_195, %add3A_215 : i32
      %lt3A_217 = arith.constant 128 : i32
      %lt3A_218 = arith.cmpi slt, %add3A_216, %lt3A_217 : i32
      %convert_element_type3A_219 = arith.extui %lt3A_218 : i1 to i32
      %cond3A_220 = arith.constant 0 : i32
      %cond3A_221 = arith.cmpi ne, %convert_element_type3A_219, %cond3A_220 : i32
      scf.if %cond3A_221 {
        %add3A_766 = arith.constant 2 : i32
        %add3A_767 = arith.addi %add3A_195, %add3A_766 : i32
        %mul3A_768 = arith.constant 800 : i32
        %mul3A_769 = arith.muli %add3A_767, %mul3A_768 : i32
        %add3A_770 = arith.addi %mul3A_2, %mul3A_769 : i32
        %dma_start3A_771 = arith.constant 0 : i32
        %dma_start3A_772 = arith.constant 0 : i32
        %dma_start3A_773 = tpu.memref_slice %arg5[%dma_start3A_771, %dma_start3A_772] : memref<2x800xi32, #tpu.memory_space<vmem>> -> memref<1x800xi32, #tpu.memory_space<vmem>>
        %dma_start3A_774 = tpu.memref_squeeze %dma_start3A_773 : memref<1x800xi32, #tpu.memory_space<vmem>> -> memref<800xi32, #tpu.memory_space<vmem>>
        %dma_start3A_775 = tpu.memref_slice %arg2[%add3A_770] : memref<3276800xi32, #tpu.memory_space<hbm>> -> memref<800xi32, #tpu.memory_space<hbm>>
        %dma_start3A_776 = arith.constant 0 : i32
        %dma_start3A_777 = tpu.memref_slice %arg5[%dma_start3A_771, %dma_start3A_776] : memref<2x800xi32, #tpu.memory_space<vmem>> -> memref<1x800xi32, #tpu.memory_space<vmem>>
        %dma_start3A_778 = tpu.memref_squeeze %dma_start3A_777 : memref<1x800xi32, #tpu.memory_space<vmem>> -> memref<800xi32, #tpu.memory_space<vmem>>
        %dma_start3A_779 = tpu.memref_slice %arg2[%add3A_770] : memref<3276800xi32, #tpu.memory_space<hbm>> -> memref<800xi32, #tpu.memory_space<hbm>>
        tpu.enqueue_dma source(%dma_start3A_779 : memref<800xi32, #tpu.memory_space<hbm>>) target(%dma_start3A_778 : memref<800xi32, #tpu.memory_space<vmem>>) target_semaphore(%arg10 : memref<!tpu.dma_semaphore, #tpu.memory_space<semaphore_mem>>)
      } else {
      }
      %ge3A = arith.constant 2 : i32
      %ge3A_222 = arith.cmpi sge, %add3A_195, %ge3A : i32
      %convert_element_type3A_223 = arith.extui %ge3A_222 : i1 to i32
      %cond3A_224 = arith.constant 0 : i32
      %cond3A_225 = arith.cmpi ne, %convert_element_type3A_223, %cond3A_224 : i32
      scf.if %cond3A_225 {
        %dma_wait3A_766 = arith.constant 0 : i32
        %dma_wait3A_767 = arith.constant 0 : i32
        %dma_wait3A_768 = arith.constant 0 : i32
        %dma_wait3A_769 = tpu.memref_slice %arg7[%dma_wait3A_766, %dma_wait3A_767, %dma_wait3A_768] : memref<2x4x64xf32, #tpu.memory_space<vmem>> -> memref<1x4x64xf32, #tpu.memory_space<vmem>>
        %dma_wait3A_770 = tpu.memref_squeeze %dma_wait3A_769 : memref<1x4x64xf32, #tpu.memory_space<vmem>> -> memref<4x64xf32, #tpu.memory_space<vmem>>
        %dma_wait3A_771 = arith.constant 0 : i32
        %dma_wait3A_772 = arith.constant 0 : i32
        %dma_wait3A_773 = tpu.memref_slice %arg4[%dma_wait3A_771, %dma_wait3A_772] : memref<16384x64xf32, #tpu.memory_space<hbm>> -> memref<4x64xf32, #tpu.memory_space<hbm>>
        %dma_wait3A_774 = arith.constant 0 : i32
        %dma_wait3A_775 = arith.constant 0 : i32
        %dma_wait3A_776 = tpu.memref_slice %arg4[%dma_wait3A_774, %dma_wait3A_775] : memref<16384x64xf32, #tpu.memory_space<hbm>> -> memref<4x64xf32, #tpu.memory_space<hbm>>
        %dma_wait3A_777 = arith.constant 0 : i32
        %dma_wait3A_778 = arith.constant 0 : i32
        %dma_wait3A_779 = tpu.memref_slice %arg7[%dma_wait3A_766, %dma_wait3A_777, %dma_wait3A_778] : memref<2x4x64xf32, #tpu.memory_space<vmem>> -> memref<1x4x64xf32, #tpu.memory_space<vmem>>
        %dma_wait3A_780 = tpu.memref_squeeze %dma_wait3A_779 : memref<1x4x64xf32, #tpu.memory_space<vmem>> -> memref<4x64xf32, #tpu.memory_space<vmem>>
        tpu.wait_dma2 semaphore(%arg11 : memref<!tpu.dma_semaphore, #tpu.memory_space<semaphore_mem>>) src(%dma_wait3A_780 : memref<4x64xf32, #tpu.memory_space<vmem>>) dst(%dma_wait3A_776 : memref<4x64xf32, #tpu.memory_space<hbm>>)
      } else {
      }
      %broadcast_in_dim3A = arith.constant 0.000000e+00 : f32
      %broadcast_in_dim3A_226 = vector.broadcast %broadcast_in_dim3A : f32 to vector<16xf32>
      %broadcast_in_dim3A_227 = arith.constant 0.000000e+00 : f32
      %broadcast_in_dim3A_228 = vector.broadcast %broadcast_in_dim3A_227 : f32 to vector<16xf32>
      %broadcast_in_dim3A_229 = arith.constant 0.000000e+00 : f32
      %broadcast_in_dim3A_230 = vector.broadcast %broadcast_in_dim3A_229 : f32 to vector<16xf32>
      %broadcast_in_dim3A_231 = arith.constant 0.000000e+00 : f32
      %broadcast_in_dim3A_232 = vector.broadcast %broadcast_in_dim3A_231 : f32 to vector<16xf32>
      %scan3A_233 = arith.constant 0 : i32
      %scan3A_234 = arith.constant 0 : i32
      %scan3A_235 = arith.constant 25 : i32
      %scan3A_236 = arith.addi %scan3A_234, %scan3A_235 : i32
      %scan3A_237 = arith.constant 1 : i32
      %scan3A_238:4 = scf.for %scan3A_766 = %scan3A_234 to %scan3A_236 step %scan3A_237 iter_args(%scan3A_767 = %broadcast_in_dim3A_226, %scan3A_768 = %broadcast_in_dim3A_228, %scan3A_769 = %broadcast_in_dim3A_230, %scan3A_770 = %broadcast_in_dim3A_232) -> (vector<16xf32>, vector<16xf32>, vector<16xf32>, vector<16xf32>)  : i32 {
        %mul3A_771 = arith.constant 8 : i32
        %mul3A_772 = arith.muli %scan3A_766, %mul3A_771 : i32
        %add3A_773 = arith.constant 0 : i32
        %add3A_774 = arith.addi %add3A_773, %mul3A_772 : i32
        %add3A_775 = arith.constant 0 : i32
        %add3A_776 = arith.addi %add3A_774, %add3A_775 : i32
        %get3A = arith.constant 0 : i32
        %get3A_777 = arith.constant 0 : i32
        %get3A_778 = tpu.memref_slice %arg6[%scan3A_233, %get3A, %get3A_777] : memref<2x800x64xf32, #tpu.memory_space<vmem>> -> memref<1x800x64xf32, #tpu.memory_space<vmem>>
        %get3A_779 = tpu.memref_squeeze %get3A_778 : memref<1x800x64xf32, #tpu.memory_space<vmem>> -> memref<800x64xf32, #tpu.memory_space<vmem>>
        %get3A_780 = arith.index_cast %add3A_776 : i32 to index
        %get3A_781 = arith.constant 0 : index
        %get3A_782 = tpu.vector_load %get3A_779[%get3A_780, %get3A_781] {strides = array<i32>} : memref<800x64xf32, #tpu.memory_space<vmem>>, vector<1x16xf32>,
        %get3A_783 = vector.shape_cast %get3A_782 : vector<1x16xf32> to vector<16xf32>
        %add3A_784 = arith.constant 1 : i32
        %add3A_785 = arith.addi %add3A_774, %add3A_784 : i32
        %get3A_786 = arith.constant 0 : i32
        %get3A_787 = arith.constant 0 : i32
        %get3A_788 = tpu.memref_slice %arg6[%scan3A_233, %get3A_786, %get3A_787] : memref<2x800x64xf32, #tpu.memory_space<vmem>> -> memref<1x800x64xf32, #tpu.memory_space<vmem>>
        %get3A_789 = tpu.memref_squeeze %get3A_788 : memref<1x800x64xf32, #tpu.memory_space<vmem>> -> memref<800x64xf32, #tpu.memory_space<vmem>>
        %get3A_790 = arith.index_cast %add3A_785 : i32 to index
        %get3A_791 = arith.constant 0 : index
        %get3A_792 = tpu.vector_load %get3A_789[%get3A_790, %get3A_791] {strides = array<i32>} : memref<800x64xf32, #tpu.memory_space<vmem>>, vector<1x16xf32>,
        %get3A_793 = vector.shape_cast %get3A_792 : vector<1x16xf32> to vector<16xf32>
        %add3A_794 = arith.constant 2 : i32
        %add3A_795 = arith.addi %add3A_774, %add3A_794 : i32
        %get3A_796 = arith.constant 0 : i32
        %get3A_797 = arith.constant 0 : i32
        %get3A_798 = tpu.memref_slice %arg6[%scan3A_233, %get3A_796, %get3A_797] : memref<2x800x64xf32, #tpu.memory_space<vmem>> -> memref<1x800x64xf32, #tpu.memory_space<vmem>>
        %get3A_799 = tpu.memref_squeeze %get3A_798 : memref<1x800x64xf32, #tpu.memory_space<vmem>> -> memref<800x64xf32, #tpu.memory_space<vmem>>
        %get3A_800 = arith.index_cast %add3A_795 : i32 to index
        %get3A_801 = arith.constant 0 : index
        %get3A_802 = tpu.vector_load %get3A_799[%get3A_800, %get3A_801] {strides = array<i32>} : memref<800x64xf32, #tpu.memory_space<vmem>>, vector<1x16xf32>,
        %get3A_803 = vector.shape_cast %get3A_802 : vector<1x16xf32> to vector<16xf32>
        %add3A_804 = arith.constant 3 : i32
        %add3A_805 = arith.addi %add3A_774, %add3A_804 : i32
        %get3A_806 = arith.constant 0 : i32
        %get3A_807 = arith.constant 0 : i32
        %get3A_808 = tpu.memref_slice %arg6[%scan3A_233, %get3A_806, %get3A_807] : memref<2x800x64xf32, #tpu.memory_space<vmem>> -> memref<1x800x64xf32, #tpu.memory_space<vmem>>
        %get3A_809 = tpu.memref_squeeze %get3A_808 : memref<1x800x64xf32, #tpu.memory_space<vmem>> -> memref<800x64xf32, #tpu.memory_space<vmem>>
        %get3A_810 = arith.index_cast %add3A_805 : i32 to index
        %get3A_811 = arith.constant 0 : index
        %get3A_812 = tpu.vector_load %get3A_809[%get3A_810, %get3A_811] {strides = array<i32>} : memref<800x64xf32, #tpu.memory_space<vmem>>, vector<1x16xf32>,
        %get3A_813 = vector.shape_cast %get3A_812 : vector<1x16xf32> to vector<16xf32>
        %add3A_814 = arith.constant 4 : i32
        %add3A_815 = arith.addi %add3A_774, %add3A_814 : i32
        %get3A_816 = arith.constant 0 : i32
        %get3A_817 = arith.constant 0 : i32
        %get3A_818 = tpu.memref_slice %arg6[%scan3A_233, %get3A_816, %get3A_817] : memref<2x800x64xf32, #tpu.memory_space<vmem>> -> memref<1x800x64xf32, #tpu.memory_space<vmem>>
        %get3A_819 = tpu.memref_squeeze %get3A_818 : memref<1x800x64xf32, #tpu.memory_space<vmem>> -> memref<800x64xf32, #tpu.memory_space<vmem>>
        %get3A_820 = arith.index_cast %add3A_815 : i32 to index
        %get3A_821 = arith.constant 0 : index
        %get3A_822 = tpu.vector_load %get3A_819[%get3A_820, %get3A_821] {strides = array<i32>} : memref<800x64xf32, #tpu.memory_space<vmem>>, vector<1x16xf32>,
        %get3A_823 = vector.shape_cast %get3A_822 : vector<1x16xf32> to vector<16xf32>
        %add3A_824 = arith.constant 5 : i32
        %add3A_825 = arith.addi %add3A_774, %add3A_824 : i32
        %get3A_826 = arith.constant 0 : i32
        %get3A_827 = arith.constant 0 : i32
        %get3A_828 = tpu.memref_slice %arg6[%scan3A_233, %get3A_826, %get3A_827] : memref<2x800x64xf32, #tpu.memory_space<vmem>> -> memref<1x800x64xf32, #tpu.memory_space<vmem>>
        %get3A_829 = tpu.memref_squeeze %get3A_828 : memref<1x800x64xf32, #tpu.memory_space<vmem>> -> memref<800x64xf32, #tpu.memory_space<vmem>>
        %get3A_830 = arith.index_cast %add3A_825 : i32 to index
        %get3A_831 = arith.constant 0 : index
        %get3A_832 = tpu.vector_load %get3A_829[%get3A_830, %get3A_831] {strides = array<i32>} : memref<800x64xf32, #tpu.memory_space<vmem>>, vector<1x16xf32>,
        %get3A_833 = vector.shape_cast %get3A_832 : vector<1x16xf32> to vector<16xf32>
        %add3A_834 = arith.constant 6 : i32
        %add3A_835 = arith.addi %add3A_774, %add3A_834 : i32
        %get3A_836 = arith.constant 0 : i32
        %get3A_837 = arith.constant 0 : i32
        %get3A_838 = tpu.memref_slice %arg6[%scan3A_233, %get3A_836, %get3A_837] : memref<2x800x64xf32, #tpu.memory_space<vmem>> -> memref<1x800x64xf32, #tpu.memory_space<vmem>>
        %get3A_839 = tpu.memref_squeeze %get3A_838 : memref<1x800x64xf32, #tpu.memory_space<vmem>> -> memref<800x64xf32, #tpu.memory_space<vmem>>
        %get3A_840 = arith.index_cast %add3A_835 : i32 to index
        %get3A_841 = arith.constant 0 : index
        %get3A_842 = tpu.vector_load %get3A_839[%get3A_840, %get3A_841] {strides = array<i32>} : memref<800x64xf32, #tpu.memory_space<vmem>>, vector<1x16xf32>,
        %get3A_843 = vector.shape_cast %get3A_842 : vector<1x16xf32> to vector<16xf32>
        %add3A_844 = arith.constant 7 : i32
        %add3A_845 = arith.addi %add3A_774, %add3A_844 : i32
        %get3A_846 = arith.constant 0 : i32
        %get3A_847 = arith.constant 0 : i32
        %get3A_848 = tpu.memref_slice %arg6[%scan3A_233, %get3A_846, %get3A_847] : memref<2x800x64xf32, #tpu.memory_space<vmem>> -> memref<1x800x64xf32, #tpu.memory_space<vmem>>
        %get3A_849 = tpu.memref_squeeze %get3A_848 : memref<1x800x64xf32, #tpu.memory_space<vmem>> -> memref<800x64xf32, #tpu.memory_space<vmem>>
        %get3A_850 = arith.index_cast %add3A_845 : i32 to index
        %get3A_851 = arith.constant 0 : index
        %get3A_852 = tpu.vector_load %get3A_849[%get3A_850, %get3A_851] {strides = array<i32>} : memref<800x64xf32, #tpu.memory_space<vmem>>, vector<1x16xf32>,
        %get3A_853 = vector.shape_cast %get3A_852 : vector<1x16xf32> to vector<16xf32>
        %add3A_854 = arith.addf %get3A_783, %get3A_793 : vector<16xf32>
        %add3A_855 = arith.addf %get3A_803, %get3A_813 : vector<16xf32>
        %add3A_856 = arith.addf %get3A_823, %get3A_833 : vector<16xf32>
        %add3A_857 = arith.addf %get3A_843, %get3A_853 : vector<16xf32>
        %add3A_858 = arith.addf %add3A_854, %add3A_855 : vector<16xf32>
        %add3A_859 = arith.addf %add3A_856, %add3A_857 : vector<16xf32>
        %add3A_860 = arith.addf %add3A_858, %add3A_859 : vector<16xf32>
        %add3A_861 = arith.addf %scan3A_767, %add3A_860 : vector<16xf32>
        %add3A_862 = arith.constant 0 : i32
        %add3A_863 = arith.addi %add3A_774, %add3A_862 : i32
        %get3A_864 = arith.constant 0 : i32
        %get3A_865 = arith.constant 0 : i32
        %get3A_866 = tpu.memref_slice %arg6[%scan3A_233, %get3A_864, %get3A_865] : memref<2x800x64xf32, #tpu.memory_space<vmem>> -> memref<1x800x64xf32, #tpu.memory_space<vmem>>
        %get3A_867 = tpu.memref_squeeze %get3A_866 : memref<1x800x64xf32, #tpu.memory_space<vmem>> -> memref<800x64xf32, #tpu.memory_space<vmem>>
        %get3A_868 = arith.index_cast %add3A_863 : i32 to index
        %get3A_869 = arith.constant 16 : index
        %get3A_870 = tpu.vector_load %get3A_867[%get3A_868, %get3A_869] {strides = array<i32>} : memref<800x64xf32, #tpu.memory_space<vmem>>, vector<1x16xf32>,
        %get3A_871 = vector.shape_cast %get3A_870 : vector<1x16xf32> to vector<16xf32>
        %add3A_872 = arith.constant 1 : i32
        %add3A_873 = arith.addi %add3A_774, %add3A_872 : i32
        %get3A_874 = arith.constant 0 : i32
        %get3A_875 = arith.constant 0 : i32
        %get3A_876 = tpu.memref_slice %arg6[%scan3A_233, %get3A_874, %get3A_875] : memref<2x800x64xf32, #tpu.memory_space<vmem>> -> memref<1x800x64xf32, #tpu.memory_space<vmem>>
        %get3A_877 = tpu.memref_squeeze %get3A_876 : memref<1x800x64xf32, #tpu.memory_space<vmem>> -> memref<800x64xf32, #tpu.memory_space<vmem>>
        %get3A_878 = arith.index_cast %add3A_873 : i32 to index
        %get3A_879 = arith.constant 16 : index
        %get3A_880 = tpu.vector_load %get3A_877[%get3A_878, %get3A_879] {strides = array<i32>} : memref<800x64xf32, #tpu.memory_space<vmem>>, vector<1x16xf32>,
        %get3A_881 = vector.shape_cast %get3A_880 : vector<1x16xf32> to vector<16xf32>
        %add3A_882 = arith.constant 2 : i32
        %add3A_883 = arith.addi %add3A_774, %add3A_882 : i32
        %get3A_884 = arith.constant 0 : i32
        %get3A_885 = arith.constant 0 : i32
        %get3A_886 = tpu.memref_slice %arg6[%scan3A_233, %get3A_884, %get3A_885] : memref<2x800x64xf32, #tpu.memory_space<vmem>> -> memref<1x800x64xf32, #tpu.memory_space<vmem>>
        %get3A_887 = tpu.memref_squeeze %get3A_886 : memref<1x800x64xf32, #tpu.memory_space<vmem>> -> memref<800x64xf32, #tpu.memory_space<vmem>>
        %get3A_888 = arith.index_cast %add3A_883 : i32 to index
        %get3A_889 = arith.constant 16 : index
        %get3A_890 = tpu.vector_load %get3A_887[%get3A_888, %get3A_889] {strides = array<i32>} : memref<800x64xf32, #tpu.memory_space<vmem>>, vector<1x16xf32>,
        %get3A_891 = vector.shape_cast %get3A_890 : vector<1x16xf32> to vector<16xf32>
        %add3A_892 = arith.constant 3 : i32
        %add3A_893 = arith.addi %add3A_774, %add3A_892 : i32
        %get3A_894 = arith.constant 0 : i32
        %get3A_895 = arith.constant 0 : i32
        %get3A_896 = tpu.memref_slice %arg6[%scan3A_233, %get3A_894, %get3A_895] : memref<2x800x64xf32, #tpu.memory_space<vmem>> -> memref<1x800x64xf32, #tpu.memory_space<vmem>>
        %get3A_897 = tpu.memref_squeeze %get3A_896 : memref<1x800x64xf32, #tpu.memory_space<vmem>> -> memref<800x64xf32, #tpu.memory_space<vmem>>
        %get3A_898 = arith.index_cast %add3A_893 : i32 to index
        %get3A_899 = arith.constant 16 : index
        %get3A_900 = tpu.vector_load %get3A_897[%get3A_898, %get3A_899] {strides = array<i32>} : memref<800x64xf32, #tpu.memory_space<vmem>>, vector<1x16xf32>,
        %get3A_901 = vector.shape_cast %get3A_900 : vector<1x16xf32> to vector<16xf32>
        %add3A_902 = arith.constant 4 : i32
        %add3A_903 = arith.addi %add3A_774, %add3A_902 : i32
        %get3A_904 = arith.constant 0 : i32
        %get3A_905 = arith.constant 0 : i32
        %get3A_906 = tpu.memref_slice %arg6[%scan3A_233, %get3A_904, %get3A_905] : memref<2x800x64xf32, #tpu.memory_space<vmem>> -> memref<1x800x64xf32, #tpu.memory_space<vmem>>
        %get3A_907 = tpu.memref_squeeze %get3A_906 : memref<1x800x64xf32, #tpu.memory_space<vmem>> -> memref<800x64xf32, #tpu.memory_space<vmem>>
        %get3A_908 = arith.index_cast %add3A_903 : i32 to index
        %get3A_909 = arith.constant 16 : index
        %get3A_910 = tpu.vector_load %get3A_907[%get3A_908, %get3A_909] {strides = array<i32>} : memref<800x64xf32, #tpu.memory_space<vmem>>, vector<1x16xf32>,
        %get3A_911 = vector.shape_cast %get3A_910 : vector<1x16xf32> to vector<16xf32>
        %add3A_912 = arith.constant 5 : i32
        %add3A_913 = arith.addi %add3A_774, %add3A_912 : i32
        %get3A_914 = arith.constant 0 : i32
        %get3A_915 = arith.constant 0 : i32
        %get3A_916 = tpu.memref_slice %arg6[%scan3A_233, %get3A_914, %get3A_915] : memref<2x800x64xf32, #tpu.memory_space<vmem>> -> memref<1x800x64xf32, #tpu.memory_space<vmem>>
        %get3A_917 = tpu.memref_squeeze %get3A_916 : memref<1x800x64xf32, #tpu.memory_space<vmem>> -> memref<800x64xf32, #tpu.memory_space<vmem>>
        %get3A_918 = arith.index_cast %add3A_913 : i32 to index
        %get3A_919 = arith.constant 16 : index
        %get3A_920 = tpu.vector_load %get3A_917[%get3A_918, %get3A_919] {strides = array<i32>} : memref<800x64xf32, #tpu.memory_space<vmem>>, vector<1x16xf32>,
        %get3A_921 = vector.shape_cast %get3A_920 : vector<1x16xf32> to vector<16xf32>
        %add3A_922 = arith.constant 6 : i32
        %add3A_923 = arith.addi %add3A_774, %add3A_922 : i32
        %get3A_924 = arith.constant 0 : i32
        %get3A_925 = arith.constant 0 : i32
        %get3A_926 = tpu.memref_slice %arg6[%scan3A_233, %get3A_924, %get3A_925] : memref<2x800x64xf32, #tpu.memory_space<vmem>> -> memref<1x800x64xf32, #tpu.memory_space<vmem>>
        %get3A_927 = tpu.memref_squeeze %get3A_926 : memref<1x800x64xf32, #tpu.memory_space<vmem>> -> memref<800x64xf32, #tpu.memory_space<vmem>>
        %get3A_928 = arith.index_cast %add3A_923 : i32 to index
        %get3A_929 = arith.constant 16 : index
        %get3A_930 = tpu.vector_load %get3A_927[%get3A_928, %get3A_929] {strides = array<i32>} : memref<800x64xf32, #tpu.memory_space<vmem>>, vector<1x16xf32>,
        %get3A_931 = vector.shape_cast %get3A_930 : vector<1x16xf32> to vector<16xf32>
        %add3A_932 = arith.constant 7 : i32
        %add3A_933 = arith.addi %add3A_774, %add3A_932 : i32
        %get3A_934 = arith.constant 0 : i32
        %get3A_935 = arith.constant 0 : i32
        %get3A_936 = tpu.memref_slice %arg6[%scan3A_233, %get3A_934, %get3A_935] : memref<2x800x64xf32, #tpu.memory_space<vmem>> -> memref<1x800x64xf32, #tpu.memory_space<vmem>>
        %get3A_937 = tpu.memref_squeeze %get3A_936 : memref<1x800x64xf32, #tpu.memory_space<vmem>> -> memref<800x64xf32, #tpu.memory_space<vmem>>
        %get3A_938 = arith.index_cast %add3A_933 : i32 to index
        %get3A_939 = arith.constant 16 : index
        %get3A_940 = tpu.vector_load %get3A_937[%get3A_938, %get3A_939] {strides = array<i32>} : memref<800x64xf32, #tpu.memory_space<vmem>>, vector<1x16xf32>,
        %get3A_941 = vector.shape_cast %get3A_940 : vector<1x16xf32> to vector<16xf32>
        %add3A_942 = arith.addf %get3A_871, %get3A_881 : vector<16xf32>
        %add3A_943 = arith.addf %get3A_891, %get3A_901 : vector<16xf32>
        %add3A_944 = arith.addf %get3A_911, %get3A_921 : vector<16xf32>
        %add3A_945 = arith.addf %get3A_931, %get3A_941 : vector<16xf32>
        %add3A_946 = arith.addf %add3A_942, %add3A_943 : vector<16xf32>
        %add3A_947 = arith.addf %add3A_944, %add3A_945 : vector<16xf32>
        %add3A_948 = arith.addf %add3A_946, %add3A_947 : vector<16xf32>
        %add3A_949 = arith.addf %scan3A_768, %add3A_948 : vector<16xf32>
        %add3A_950 = arith.constant 0 : i32
        %add3A_951 = arith.addi %add3A_774, %add3A_950 : i32
        %get3A_952 = arith.constant 0 : i32
        %get3A_953 = arith.constant 0 : i32
        %get3A_954 = tpu.memref_slice %arg6[%scan3A_233, %get3A_952, %get3A_953] : memref<2x800x64xf32, #tpu.memory_space<vmem>> -> memref<1x800x64xf32, #tpu.memory_space<vmem>>
        %get3A_955 = tpu.memref_squeeze %get3A_954 : memref<1x800x64xf32, #tpu.memory_space<vmem>> -> memref<800x64xf32, #tpu.memory_space<vmem>>
        %get3A_956 = arith.index_cast %add3A_951 : i32 to index
        %get3A_957 = arith.constant 32 : index
        %get3A_958 = tpu.vector_load %get3A_955[%get3A_956, %get3A_957] {strides = array<i32>} : memref<800x64xf32, #tpu.memory_space<vmem>>, vector<1x16xf32>,
        %get3A_959 = vector.shape_cast %get3A_958 : vector<1x16xf32> to vector<16xf32>
        %add3A_960 = arith.constant 1 : i32
        %add3A_961 = arith.addi %add3A_774, %add3A_960 : i32
        %get3A_962 = arith.constant 0 : i32
        %get3A_963 = arith.constant 0 : i32
        %get3A_964 = tpu.memref_slice %arg6[%scan3A_233, %get3A_962, %get3A_963] : memref<2x800x64xf32, #tpu.memory_space<vmem>> -> memref<1x800x64xf32, #tpu.memory_space<vmem>>
        %get3A_965 = tpu.memref_squeeze %get3A_964 : memref<1x800x64xf32, #tpu.memory_space<vmem>> -> memref<800x64xf32, #tpu.memory_space<vmem>>
        %get3A_966 = arith.index_cast %add3A_961 : i32 to index
        %get3A_967 = arith.constant 32 : index
        %get3A_968 = tpu.vector_load %get3A_965[%get3A_966, %get3A_967] {strides = array<i32>} : memref<800x64xf32, #tpu.memory_space<vmem>>, vector<1x16xf32>,
        %get3A_969 = vector.shape_cast %get3A_968 : vector<1x16xf32> to vector<16xf32>
        %add3A_970 = arith.constant 2 : i32
        %add3A_971 = arith.addi %add3A_774, %add3A_970 : i32
        %get3A_972 = arith.constant 0 : i32
        %get3A_973 = arith.constant 0 : i32
        %get3A_974 = tpu.memref_slice %arg6[%scan3A_233, %get3A_972, %get3A_973] : memref<2x800x64xf32, #tpu.memory_space<vmem>> -> memref<1x800x64xf32, #tpu.memory_space<vmem>>
        %get3A_975 = tpu.memref_squeeze %get3A_974 : memref<1x800x64xf32, #tpu.memory_space<vmem>> -> memref<800x64xf32, #tpu.memory_space<vmem>>
        %get3A_976 = arith.index_cast %add3A_971 : i32 to index
        %get3A_977 = arith.constant 32 : index
        %get3A_978 = tpu.vector_load %get3A_975[%get3A_976, %get3A_977] {strides = array<i32>} : memref<800x64xf32, #tpu.memory_space<vmem>>, vector<1x16xf32>,
        %get3A_979 = vector.shape_cast %get3A_978 : vector<1x16xf32> to vector<16xf32>
        %add3A_980 = arith.constant 3 : i32
        %add3A_981 = arith.addi %add3A_774, %add3A_980 : i32
        %get3A_982 = arith.constant 0 : i32
        %get3A_983 = arith.constant 0 : i32
        %get3A_984 = tpu.memref_slice %arg6[%scan3A_233, %get3A_982, %get3A_983] : memref<2x800x64xf32, #tpu.memory_space<vmem>> -> memref<1x800x64xf32, #tpu.memory_space<vmem>>
        %get3A_985 = tpu.memref_squeeze %get3A_984 : memref<1x800x64xf32, #tpu.memory_space<vmem>> -> memref<800x64xf32, #tpu.memory_space<vmem>>
        %get3A_986 = arith.index_cast %add3A_981 : i32 to index
        %get3A_987 = arith.constant 32 : index
        %get3A_988 = tpu.vector_load %get3A_985[%get3A_986, %get3A_987] {strides = array<i32>} : memref<800x64xf32, #tpu.memory_space<vmem>>, vector<1x16xf32>,
        %get3A_989 = vector.shape_cast %get3A_988 : vector<1x16xf32> to vector<16xf32>
        %add3A_990 = arith.constant 4 : i32
        %add3A_991 = arith.addi %add3A_774, %add3A_990 : i32
        %get3A_992 = arith.constant 0 : i32
        %get3A_993 = arith.constant 0 : i32
        %get3A_994 = tpu.memref_slice %arg6[%scan3A_233, %get3A_992, %get3A_993] : memref<2x800x64xf32, #tpu.memory_space<vmem>> -> memref<1x800x64xf32, #tpu.memory_space<vmem>>
        %get3A_995 = tpu.memref_squeeze %get3A_994 : memref<1x800x64xf32, #tpu.memory_space<vmem>> -> memref<800x64xf32, #tpu.memory_space<vmem>>
        %get3A_996 = arith.index_cast %add3A_991 : i32 to index
        %get3A_997 = arith.constant 32 : index
        %get3A_998 = tpu.vector_load %get3A_995[%get3A_996, %get3A_997] {strides = array<i32>} : memref<800x64xf32, #tpu.memory_space<vmem>>, vector<1x16xf32>,
        %get3A_999 = vector.shape_cast %get3A_998 : vector<1x16xf32> to vector<16xf32>
        %add3A_1000 = arith.constant 5 : i32
        %add3A_1001 = arith.addi %add3A_774, %add3A_1000 : i32
        %get3A_1002 = arith.constant 0 : i32
        %get3A_1003 = arith.constant 0 : i32
        %get3A_1004 = tpu.memref_slice %arg6[%scan3A_233, %get3A_1002, %get3A_1003] : memref<2x800x64xf32, #tpu.memory_space<vmem>> -> memref<1x800x64xf32, #tpu.memory_space<vmem>>
        %get3A_1005 = tpu.memref_squeeze %get3A_1004 : memref<1x800x64xf32, #tpu.memory_space<vmem>> -> memref<800x64xf32, #tpu.memory_space<vmem>>
        %get3A_1006 = arith.index_cast %add3A_1001 : i32 to index
        %get3A_1007 = arith.constant 32 : index
        %get3A_1008 = tpu.vector_load %get3A_1005[%get3A_1006, %get3A_1007] {strides = array<i32>} : memref<800x64xf32, #tpu.memory_space<vmem>>, vector<1x16xf32>,
        %get3A_1009 = vector.shape_cast %get3A_1008 : vector<1x16xf32> to vector<16xf32>
        %add3A_1010 = arith.constant 6 : i32
        %add3A_1011 = arith.addi %add3A_774, %add3A_1010 : i32
        %get3A_1012 = arith.constant 0 : i32
        %get3A_1013 = arith.constant 0 : i32
        %get3A_1014 = tpu.memref_slice %arg6[%scan3A_233, %get3A_1012, %get3A_1013] : memref<2x800x64xf32, #tpu.memory_space<vmem>> -> memref<1x800x64xf32, #tpu.memory_space<vmem>>
        %get3A_1015 = tpu.memref_squeeze %get3A_1014 : memref<1x800x64xf32, #tpu.memory_space<vmem>> -> memref<800x64xf32, #tpu.memory_space<vmem>>
        %get3A_1016 = arith.index_cast %add3A_1011 : i32 to index
        %get3A_1017 = arith.constant 32 : index
        %get3A_1018 = tpu.vector_load %get3A_1015[%get3A_1016, %get3A_1017] {strides = array<i32>} : memref<800x64xf32, #tpu.memory_space<vmem>>, vector<1x16xf32>,
        %get3A_1019 = vector.shape_cast %get3A_1018 : vector<1x16xf32> to vector<16xf32>
        %add3A_1020 = arith.constant 7 : i32
        %add3A_1021 = arith.addi %add3A_774, %add3A_1020 : i32
        %get3A_1022 = arith.constant 0 : i32
        %get3A_1023 = arith.constant 0 : i32
        %get3A_1024 = tpu.memref_slice %arg6[%scan3A_233, %get3A_1022, %get3A_1023] : memref<2x800x64xf32, #tpu.memory_space<vmem>> -> memref<1x800x64xf32, #tpu.memory_space<vmem>>
        %get3A_1025 = tpu.memref_squeeze %get3A_1024 : memref<1x800x64xf32, #tpu.memory_space<vmem>> -> memref<800x64xf32, #tpu.memory_space<vmem>>
        %get3A_1026 = arith.index_cast %add3A_1021 : i32 to index
        %get3A_1027 = arith.constant 32 : index
        %get3A_1028 = tpu.vector_load %get3A_1025[%get3A_1026, %get3A_1027] {strides = array<i32>} : memref<800x64xf32, #tpu.memory_space<vmem>>, vector<1x16xf32>,
        %get3A_1029 = vector.shape_cast %get3A_1028 : vector<1x16xf32> to vector<16xf32>
        %add3A_1030 = arith.addf %get3A_959, %get3A_969 : vector<16xf32>
        %add3A_1031 = arith.addf %get3A_979, %get3A_989 : vector<16xf32>
        %add3A_1032 = arith.addf %get3A_999, %get3A_1009 : vector<16xf32>
        %add3A_1033 = arith.addf %get3A_1019, %get3A_1029 : vector<16xf32>
        %add3A_1034 = arith.addf %add3A_1030, %add3A_1031 : vector<16xf32>
        %add3A_1035 = arith.addf %add3A_1032, %add3A_1033 : vector<16xf32>
        %add3A_1036 = arith.addf %add3A_1034, %add3A_1035 : vector<16xf32>
        %add3A_1037 = arith.addf %scan3A_769, %add3A_1036 : vector<16xf32>
        %add3A_1038 = arith.constant 0 : i32
        %add3A_1039 = arith.addi %add3A_774, %add3A_1038 : i32
        %get3A_1040 = arith.constant 0 : i32
        %get3A_1041 = arith.constant 0 : i32
        %get3A_1042 = tpu.memref_slice %arg6[%scan3A_233, %get3A_1040, %get3A_1041] : memref<2x800x64xf32, #tpu.memory_space<vmem>> -> memref<1x800x64xf32, #tpu.memory_space<vmem>>
        %get3A_1043 = tpu.memref_squeeze %get3A_1042 : memref<1x800x64xf32, #tpu.memory_space<vmem>> -> memref<800x64xf32, #tpu.memory_space<vmem>>
        %get3A_1044 = arith.index_cast %add3A_1039 : i32 to index
        %get3A_1045 = arith.constant 48 : index
        %get3A_1046 = tpu.vector_load %get3A_1043[%get3A_1044, %get3A_1045] {strides = array<i32>} : memref<800x64xf32, #tpu.memory_space<vmem>>, vector<1x16xf32>,
        %get3A_1047 = vector.shape_cast %get3A_1046 : vector<1x16xf32> to vector<16xf32>
        %add3A_1048 = arith.constant 1 : i32
        %add3A_1049 = arith.addi %add3A_774, %add3A_1048 : i32
        %get3A_1050 = arith.constant 0 : i32
        %get3A_1051 = arith.constant 0 : i32
        %get3A_1052 = tpu.memref_slice %arg6[%scan3A_233, %get3A_1050, %get3A_1051] : memref<2x800x64xf32, #tpu.memory_space<vmem>> -> memref<1x800x64xf32, #tpu.memory_space<vmem>>
        %get3A_1053 = tpu.memref_squeeze %get3A_1052 : memref<1x800x64xf32, #tpu.memory_space<vmem>> -> memref<800x64xf32, #tpu.memory_space<vmem>>
        %get3A_1054 = arith.index_cast %add3A_1049 : i32 to index
        %get3A_1055 = arith.constant 48 : index
        %get3A_1056 = tpu.vector_load %get3A_1053[%get3A_1054, %get3A_1055] {strides = array<i32>} : memref<800x64xf32, #tpu.memory_space<vmem>>, vector<1x16xf32>,
        %get3A_1057 = vector.shape_cast %get3A_1056 : vector<1x16xf32> to vector<16xf32>
        %add3A_1058 = arith.constant 2 : i32
        %add3A_1059 = arith.addi %add3A_774, %add3A_1058 : i32
        %get3A_1060 = arith.constant 0 : i32
        %get3A_1061 = arith.constant 0 : i32
        %get3A_1062 = tpu.memref_slice %arg6[%scan3A_233, %get3A_1060, %get3A_1061] : memref<2x800x64xf32, #tpu.memory_space<vmem>> -> memref<1x800x64xf32, #tpu.memory_space<vmem>>
        %get3A_1063 = tpu.memref_squeeze %get3A_1062 : memref<1x800x64xf32, #tpu.memory_space<vmem>> -> memref<800x64xf32, #tpu.memory_space<vmem>>
        %get3A_1064 = arith.index_cast %add3A_1059 : i32 to index
        %get3A_1065 = arith.constant 48 : index
        %get3A_1066 = tpu.vector_load %get3A_1063[%get3A_1064, %get3A_1065] {strides = array<i32>} : memref<800x64xf32, #tpu.memory_space<vmem>>, vector<1x16xf32>,
        %get3A_1067 = vector.shape_cast %get3A_1066 : vector<1x16xf32> to vector<16xf32>
        %add3A_1068 = arith.constant 3 : i32
        %add3A_1069 = arith.addi %add3A_774, %add3A_1068 : i32
        %get3A_1070 = arith.constant 0 : i32
        %get3A_1071 = arith.constant 0 : i32
        %get3A_1072 = tpu.memref_slice %arg6[%scan3A_233, %get3A_1070, %get3A_1071] : memref<2x800x64xf32, #tpu.memory_space<vmem>> -> memref<1x800x64xf32, #tpu.memory_space<vmem>>
        %get3A_1073 = tpu.memref_squeeze %get3A_1072 : memref<1x800x64xf32, #tpu.memory_space<vmem>> -> memref<800x64xf32, #tpu.memory_space<vmem>>
        %get3A_1074 = arith.index_cast %add3A_1069 : i32 to index
        %get3A_1075 = arith.constant 48 : index
        %get3A_1076 = tpu.vector_load %get3A_1073[%get3A_1074, %get3A_1075] {strides = array<i32>} : memref<800x64xf32, #tpu.memory_space<vmem>>, vector<1x16xf32>,
        %get3A_1077 = vector.shape_cast %get3A_1076 : vector<1x16xf32> to vector<16xf32>
        %add3A_1078 = arith.constant 4 : i32
        %add3A_1079 = arith.addi %add3A_774, %add3A_1078 : i32
        %get3A_1080 = arith.constant 0 : i32
        %get3A_1081 = arith.constant 0 : i32
        %get3A_1082 = tpu.memref_slice %arg6[%scan3A_233, %get3A_1080, %get3A_1081] : memref<2x800x64xf32, #tpu.memory_space<vmem>> -> memref<1x800x64xf32, #tpu.memory_space<vmem>>
        %get3A_1083 = tpu.memref_squeeze %get3A_1082 : memref<1x800x64xf32, #tpu.memory_space<vmem>> -> memref<800x64xf32, #tpu.memory_space<vmem>>
        %get3A_1084 = arith.index_cast %add3A_1079 : i32 to index
        %get3A_1085 = arith.constant 48 : index
        %get3A_1086 = tpu.vector_load %get3A_1083[%get3A_1084, %get3A_1085] {strides = array<i32>} : memref<800x64xf32, #tpu.memory_space<vmem>>, vector<1x16xf32>,
        %get3A_1087 = vector.shape_cast %get3A_1086 : vector<1x16xf32> to vector<16xf32>
        %add3A_1088 = arith.constant 5 : i32
        %add3A_1089 = arith.addi %add3A_774, %add3A_1088 : i32
        %get3A_1090 = arith.constant 0 : i32
        %get3A_1091 = arith.constant 0 : i32
        %get3A_1092 = tpu.memref_slice %arg6[%scan3A_233, %get3A_1090, %get3A_1091] : memref<2x800x64xf32, #tpu.memory_space<vmem>> -> memref<1x800x64xf32, #tpu.memory_space<vmem>>
        %get3A_1093 = tpu.memref_squeeze %get3A_1092 : memref<1x800x64xf32, #tpu.memory_space<vmem>> -> memref<800x64xf32, #tpu.memory_space<vmem>>
        %get3A_1094 = arith.index_cast %add3A_1089 : i32 to index
        %get3A_1095 = arith.constant 48 : index
        %get3A_1096 = tpu.vector_load %get3A_1093[%get3A_1094, %get3A_1095] {strides = array<i32>} : memref<800x64xf32, #tpu.memory_space<vmem>>, vector<1x16xf32>,
        %get3A_1097 = vector.shape_cast %get3A_1096 : vector<1x16xf32> to vector<16xf32>
        %add3A_1098 = arith.constant 6 : i32
        %add3A_1099 = arith.addi %add3A_774, %add3A_1098 : i32
        %get3A_1100 = arith.constant 0 : i32
        %get3A_1101 = arith.constant 0 : i32
        %get3A_1102 = tpu.memref_slice %arg6[%scan3A_233, %get3A_1100, %get3A_1101] : memref<2x800x64xf32, #tpu.memory_space<vmem>> -> memref<1x800x64xf32, #tpu.memory_space<vmem>>
        %get3A_1103 = tpu.memref_squeeze %get3A_1102 : memref<1x800x64xf32, #tpu.memory_space<vmem>> -> memref<800x64xf32, #tpu.memory_space<vmem>>
        %get3A_1104 = arith.index_cast %add3A_1099 : i32 to index
        %get3A_1105 = arith.constant 48 : index
        %get3A_1106 = tpu.vector_load %get3A_1103[%get3A_1104, %get3A_1105] {strides = array<i32>} : memref<800x64xf32, #tpu.memory_space<vmem>>, vector<1x16xf32>,
        %get3A_1107 = vector.shape_cast %get3A_1106 : vector<1x16xf32> to vector<16xf32>
        %add3A_1108 = arith.constant 7 : i32
        %add3A_1109 = arith.addi %add3A_774, %add3A_1108 : i32
        %get3A_1110 = arith.constant 0 : i32
        %get3A_1111 = arith.constant 0 : i32
        %get3A_1112 = tpu.memref_slice %arg6[%scan3A_233, %get3A_1110, %get3A_1111] : memref<2x800x64xf32, #tpu.memory_space<vmem>> -> memref<1x800x64xf32, #tpu.memory_space<vmem>>
        %get3A_1113 = tpu.memref_squeeze %get3A_1112 : memref<1x800x64xf32, #tpu.memory_space<vmem>> -> memref<800x64xf32, #tpu.memory_space<vmem>>
        %get3A_1114 = arith.index_cast %add3A_1109 : i32 to index
        %get3A_1115 = arith.constant 48 : index
        %get3A_1116 = tpu.vector_load %get3A_1113[%get3A_1114, %get3A_1115] {strides = array<i32>} : memref<800x64xf32, #tpu.memory_space<vmem>>, vector<1x16xf32>,
        %get3A_1117 = vector.shape_cast %get3A_1116 : vector<1x16xf32> to vector<16xf32>
        %add3A_1118 = arith.addf %get3A_1047, %get3A_1057 : vector<16xf32>
        %add3A_1119 = arith.addf %get3A_1067, %get3A_1077 : vector<16xf32>
        %add3A_1120 = arith.addf %get3A_1087, %get3A_1097 : vector<16xf32>
        %add3A_1121 = arith.addf %get3A_1107, %get3A_1117 : vector<16xf32>
        %add3A_1122 = arith.addf %add3A_1118, %add3A_1119 : vector<16xf32>
        %add3A_1123 = arith.addf %add3A_1120, %add3A_1121 : vector<16xf32>
        %add3A_1124 = arith.addf %add3A_1122, %add3A_1123 : vector<16xf32>
        %add3A_1125 = arith.addf %scan3A_770, %add3A_1124 : vector<16xf32>
        scf.yield %add3A_861, %add3A_949, %add3A_1037, %add3A_1125 : vector<16xf32>, vector<16xf32>, vector<16xf32>, vector<16xf32>
      }
      %scan3A_239 = arith.constant 25 : i32
      %swap3A = arith.constant 0 : i32
      %swap3A_240 = arith.constant 0 : i32
      %swap3A_241 = arith.constant 0 : i32
      %swap3A_242 = arith.constant 0 : i32
      %swap3A_243 = tpu.memref_slice %arg7[%swap3A, %swap3A_241, %swap3A_242] : memref<2x4x64xf32, #tpu.memory_space<vmem>> -> memref<1x4x64xf32, #tpu.memory_space<vmem>>
      %swap3A_244 = tpu.memref_squeeze %swap3A_243 : memref<1x4x64xf32, #tpu.memory_space<vmem>> -> memref<4x64xf32, #tpu.memory_space<vmem>>
      %swap3A_245 = arith.index_cast %swap3A_240 : i32 to index
      %swap3A_246 = arith.constant 0 : index
      %swap3A_247 = tpu.vector_load %swap3A_244[%swap3A_245, %swap3A_246] {strides = array<i32>} : memref<4x64xf32, #tpu.memory_space<vmem>>, vector<1x16xf32>,
      %swap3A_248 = vector.shape_cast %swap3A_247 : vector<1x16xf32> to vector<16xf32>
      %swap3A_249 = vector.shape_cast %scan3A_238#0 : vector<16xf32> to vector<1x16xf32>
      tpu.vector_store %swap3A_244[%swap3A_245, %swap3A_246], %swap3A_249 {strides = array<i32>} : memref<4x64xf32, #tpu.memory_space<vmem>>, vector<1x16xf32>,
      %swap3A_250 = arith.constant 0 : i32
      %swap3A_251 = arith.constant 0 : i32
      %swap3A_252 = arith.constant 0 : i32
      %swap3A_253 = arith.constant 0 : i32
      %swap3A_254 = tpu.memref_slice %arg7[%swap3A_250, %swap3A_252, %swap3A_253] : memref<2x4x64xf32, #tpu.memory_space<vmem>> -> memref<1x4x64xf32, #tpu.memory_space<vmem>>
      %swap3A_255 = tpu.memref_squeeze %swap3A_254 : memref<1x4x64xf32, #tpu.memory_space<vmem>> -> memref<4x64xf32, #tpu.memory_space<vmem>>
      %swap3A_256 = arith.index_cast %swap3A_251 : i32 to index
      %swap3A_257 = arith.constant 16 : index
      %swap3A_258 = tpu.vector_load %swap3A_255[%swap3A_256, %swap3A_257] {strides = array<i32>} : memref<4x64xf32, #tpu.memory_space<vmem>>, vector<1x16xf32>,
      %swap3A_259 = vector.shape_cast %swap3A_258 : vector<1x16xf32> to vector<16xf32>
      %swap3A_260 = vector.shape_cast %scan3A_238#1 : vector<16xf32> to vector<1x16xf32>
      tpu.vector_store %swap3A_255[%swap3A_256, %swap3A_257], %swap3A_260 {strides = array<i32>} : memref<4x64xf32, #tpu.memory_space<vmem>>, vector<1x16xf32>,
      %swap3A_261 = arith.constant 0 : i32
      %swap3A_262 = arith.constant 0 : i32
      %swap3A_263 = arith.constant 0 : i32
      %swap3A_264 = arith.constant 0 : i32
      %swap3A_265 = tpu.memref_slice %arg7[%swap3A_261, %swap3A_263, %swap3A_264] : memref<2x4x64xf32, #tpu.memory_space<vmem>> -> memref<1x4x64xf32, #tpu.memory_space<vmem>>
      %swap3A_266 = tpu.memref_squeeze %swap3A_265 : memref<1x4x64xf32, #tpu.memory_space<vmem>> -> memref<4x64xf32, #tpu.memory_space<vmem>>
      %swap3A_267 = arith.index_cast %swap3A_262 : i32 to index
      %swap3A_268 = arith.constant 32 : index
      %swap3A_269 = tpu.vector_load %swap3A_266[%swap3A_267, %swap3A_268] {strides = array<i32>} : memref<4x64xf32, #tpu.memory_space<vmem>>, vector<1x16xf32>,
      %swap3A_270 = vector.shape_cast %swap3A_269 : vector<1x16xf32> to vector<16xf32>
      %swap3A_271 = vector.shape_cast %scan3A_238#2 : vector<16xf32> to vector<1x16xf32>
      tpu.vector_store %swap3A_266[%swap3A_267, %swap3A_268], %swap3A_271 {strides = array<i32>} : memref<4x64xf32, #tpu.memory_space<vmem>>, vector<1x16xf32>,
      %swap3A_272 = arith.constant 0 : i32
      %swap3A_273 = arith.constant 0 : i32
      %swap3A_274 = arith.constant 0 : i32
      %swap3A_275 = arith.constant 0 : i32
      %swap3A_276 = tpu.memref_slice %arg7[%swap3A_272, %swap3A_274, %swap3A_275] : memref<2x4x64xf32, #tpu.memory_space<vmem>> -> memref<1x4x64xf32, #tpu.memory_space<vmem>>
      %swap3A_277 = tpu.memref_squeeze %swap3A_276 : memref<1x4x64xf32, #tpu.memory_space<vmem>> -> memref<4x64xf32, #tpu.memory_space<vmem>>
      %swap3A_278 = arith.index_cast %swap3A_273 : i32 to index
      %swap3A_279 = arith.constant 48 : index
      %swap3A_280 = tpu.vector_load %swap3A_277[%swap3A_278, %swap3A_279] {strides = array<i32>} : memref<4x64xf32, #tpu.memory_space<vmem>>, vector<1x16xf32>,
      %swap3A_281 = vector.shape_cast %swap3A_280 : vector<1x16xf32> to vector<16xf32>
      %swap3A_282 = vector.shape_cast %scan3A_238#3 : vector<16xf32> to vector<1x16xf32>
      tpu.vector_store %swap3A_277[%swap3A_278, %swap3A_279], %swap3A_282 {strides = array<i32>} : memref<4x64xf32, #tpu.memory_space<vmem>>, vector<1x16xf32>,
      %broadcast_in_dim3A_283 = arith.constant 0.000000e+00 : f32
      %broadcast_in_dim3A_284 = vector.broadcast %broadcast_in_dim3A_283 : f32 to vector<16xf32>
      %broadcast_in_dim3A_285 = arith.constant 0.000000e+00 : f32
      %broadcast_in_dim3A_286 = vector.broadcast %broadcast_in_dim3A_285 : f32 to vector<16xf32>
      %broadcast_in_dim3A_287 = arith.constant 0.000000e+00 : f32
      %broadcast_in_dim3A_288 = vector.broadcast %broadcast_in_dim3A_287 : f32 to vector<16xf32>
      %broadcast_in_dim3A_289 = arith.constant 0.000000e+00 : f32
      %broadcast_in_dim3A_290 = vector.broadcast %broadcast_in_dim3A_289 : f32 to vector<16xf32>
      %scan3A_291 = arith.constant 0 : i32
      %scan3A_292 = arith.constant 0 : i32
      %scan3A_293 = arith.constant 25 : i32
      %scan3A_294 = arith.addi %scan3A_292, %scan3A_293 : i32
      %scan3A_295 = arith.constant 1 : i32
      %scan3A_296:4 = scf.for %scan3A_766 = %scan3A_292 to %scan3A_294 step %scan3A_295 iter_args(%scan3A_767 = %broadcast_in_dim3A_284, %scan3A_768 = %broadcast_in_dim3A_286, %scan3A_769 = %broadcast_in_dim3A_288, %scan3A_770 = %broadcast_in_dim3A_290) -> (vector<16xf32>, vector<16xf32>, vector<16xf32>, vector<16xf32>)  : i32 {
        %mul3A_771 = arith.constant 8 : i32
        %mul3A_772 = arith.muli %scan3A_766, %mul3A_771 : i32
        %add3A_773 = arith.constant 200 : i32
        %add3A_774 = arith.addi %add3A_773, %mul3A_772 : i32
        %add3A_775 = arith.constant 0 : i32
        %add3A_776 = arith.addi %add3A_774, %add3A_775 : i32
        %get3A = arith.constant 0 : i32
        %get3A_777 = arith.constant 0 : i32
        %get3A_778 = tpu.memref_slice %arg6[%scan3A_291, %get3A, %get3A_777] : memref<2x800x64xf32, #tpu.memory_space<vmem>> -> memref<1x800x64xf32, #tpu.memory_space<vmem>>
        %get3A_779 = tpu.memref_squeeze %get3A_778 : memref<1x800x64xf32, #tpu.memory_space<vmem>> -> memref<800x64xf32, #tpu.memory_space<vmem>>
        %get3A_780 = arith.index_cast %add3A_776 : i32 to index
        %get3A_781 = arith.constant 0 : index
        %get3A_782 = tpu.vector_load %get3A_779[%get3A_780, %get3A_781] {strides = array<i32>} : memref<800x64xf32, #tpu.memory_space<vmem>>, vector<1x16xf32>,
        %get3A_783 = vector.shape_cast %get3A_782 : vector<1x16xf32> to vector<16xf32>
        %add3A_784 = arith.constant 1 : i32
        %add3A_785 = arith.addi %add3A_774, %add3A_784 : i32
        %get3A_786 = arith.constant 0 : i32
        %get3A_787 = arith.constant 0 : i32
        %get3A_788 = tpu.memref_slice %arg6[%scan3A_291, %get3A_786, %get3A_787] : memref<2x800x64xf32, #tpu.memory_space<vmem>> -> memref<1x800x64xf32, #tpu.memory_space<vmem>>
        %get3A_789 = tpu.memref_squeeze %get3A_788 : memref<1x800x64xf32, #tpu.memory_space<vmem>> -> memref<800x64xf32, #tpu.memory_space<vmem>>
        %get3A_790 = arith.index_cast %add3A_785 : i32 to index
        %get3A_791 = arith.constant 0 : index
        %get3A_792 = tpu.vector_load %get3A_789[%get3A_790, %get3A_791] {strides = array<i32>} : memref<800x64xf32, #tpu.memory_space<vmem>>, vector<1x16xf32>,
        %get3A_793 = vector.shape_cast %get3A_792 : vector<1x16xf32> to vector<16xf32>
        %add3A_794 = arith.constant 2 : i32
        %add3A_795 = arith.addi %add3A_774, %add3A_794 : i32
        %get3A_796 = arith.constant 0 : i32
        %get3A_797 = arith.constant 0 : i32
        %get3A_798 = tpu.memref_slice %arg6[%scan3A_291, %get3A_796, %get3A_797] : memref<2x800x64xf32, #tpu.memory_space<vmem>> -> memref<1x800x64xf32, #tpu.memory_space<vmem>>
        %get3A_799 = tpu.memref_squeeze %get3A_798 : memref<1x800x64xf32, #tpu.memory_space<vmem>> -> memref<800x64xf32, #tpu.memory_space<vmem>>
        %get3A_800 = arith.index_cast %add3A_795 : i32 to index
        %get3A_801 = arith.constant 0 : index
        %get3A_802 = tpu.vector_load %get3A_799[%get3A_800, %get3A_801] {strides = array<i32>} : memref<800x64xf32, #tpu.memory_space<vmem>>, vector<1x16xf32>,
        %get3A_803 = vector.shape_cast %get3A_802 : vector<1x16xf32> to vector<16xf32>
        %add3A_804 = arith.constant 3 : i32
        %add3A_805 = arith.addi %add3A_774, %add3A_804 : i32
        %get3A_806 = arith.constant 0 : i32
        %get3A_807 = arith.constant 0 : i32
        %get3A_808 = tpu.memref_slice %arg6[%scan3A_291, %get3A_806, %get3A_807] : memref<2x800x64xf32, #tpu.memory_space<vmem>> -> memref<1x800x64xf32, #tpu.memory_space<vmem>>
        %get3A_809 = tpu.memref_squeeze %get3A_808 : memref<1x800x64xf32, #tpu.memory_space<vmem>> -> memref<800x64xf32, #tpu.memory_space<vmem>>
        %get3A_810 = arith.index_cast %add3A_805 : i32 to index
        %get3A_811 = arith.constant 0 : index
        %get3A_812 = tpu.vector_load %get3A_809[%get3A_810, %get3A_811] {strides = array<i32>} : memref<800x64xf32, #tpu.memory_space<vmem>>, vector<1x16xf32>,
        %get3A_813 = vector.shape_cast %get3A_812 : vector<1x16xf32> to vector<16xf32>
        %add3A_814 = arith.constant 4 : i32
        %add3A_815 = arith.addi %add3A_774, %add3A_814 : i32
        %get3A_816 = arith.constant 0 : i32
        %get3A_817 = arith.constant 0 : i32
        %get3A_818 = tpu.memref_slice %arg6[%scan3A_291, %get3A_816, %get3A_817] : memref<2x800x64xf32, #tpu.memory_space<vmem>> -> memref<1x800x64xf32, #tpu.memory_space<vmem>>
        %get3A_819 = tpu.memref_squeeze %get3A_818 : memref<1x800x64xf32, #tpu.memory_space<vmem>> -> memref<800x64xf32, #tpu.memory_space<vmem>>
        %get3A_820 = arith.index_cast %add3A_815 : i32 to index
        %get3A_821 = arith.constant 0 : index
        %get3A_822 = tpu.vector_load %get3A_819[%get3A_820, %get3A_821] {strides = array<i32>} : memref<800x64xf32, #tpu.memory_space<vmem>>, vector<1x16xf32>,
        %get3A_823 = vector.shape_cast %get3A_822 : vector<1x16xf32> to vector<16xf32>
        %add3A_824 = arith.constant 5 : i32
        %add3A_825 = arith.addi %add3A_774, %add3A_824 : i32
        %get3A_826 = arith.constant 0 : i32
        %get3A_827 = arith.constant 0 : i32
        %get3A_828 = tpu.memref_slice %arg6[%scan3A_291, %get3A_826, %get3A_827] : memref<2x800x64xf32, #tpu.memory_space<vmem>> -> memref<1x800x64xf32, #tpu.memory_space<vmem>>
        %get3A_829 = tpu.memref_squeeze %get3A_828 : memref<1x800x64xf32, #tpu.memory_space<vmem>> -> memref<800x64xf32, #tpu.memory_space<vmem>>
        %get3A_830 = arith.index_cast %add3A_825 : i32 to index
        %get3A_831 = arith.constant 0 : index
        %get3A_832 = tpu.vector_load %get3A_829[%get3A_830, %get3A_831] {strides = array<i32>} : memref<800x64xf32, #tpu.memory_space<vmem>>, vector<1x16xf32>,
        %get3A_833 = vector.shape_cast %get3A_832 : vector<1x16xf32> to vector<16xf32>
        %add3A_834 = arith.constant 6 : i32
        %add3A_835 = arith.addi %add3A_774, %add3A_834 : i32
        %get3A_836 = arith.constant 0 : i32
        %get3A_837 = arith.constant 0 : i32
        %get3A_838 = tpu.memref_slice %arg6[%scan3A_291, %get3A_836, %get3A_837] : memref<2x800x64xf32, #tpu.memory_space<vmem>> -> memref<1x800x64xf32, #tpu.memory_space<vmem>>
        %get3A_839 = tpu.memref_squeeze %get3A_838 : memref<1x800x64xf32, #tpu.memory_space<vmem>> -> memref<800x64xf32, #tpu.memory_space<vmem>>
        %get3A_840 = arith.index_cast %add3A_835 : i32 to index
        %get3A_841 = arith.constant 0 : index
        %get3A_842 = tpu.vector_load %get3A_839[%get3A_840, %get3A_841] {strides = array<i32>} : memref<800x64xf32, #tpu.memory_space<vmem>>, vector<1x16xf32>,
        %get3A_843 = vector.shape_cast %get3A_842 : vector<1x16xf32> to vector<16xf32>
        %add3A_844 = arith.constant 7 : i32
        %add3A_845 = arith.addi %add3A_774, %add3A_844 : i32
        %get3A_846 = arith.constant 0 : i32
        %get3A_847 = arith.constant 0 : i32
        %get3A_848 = tpu.memref_slice %arg6[%scan3A_291, %get3A_846, %get3A_847] : memref<2x800x64xf32, #tpu.memory_space<vmem>> -> memref<1x800x64xf32, #tpu.memory_space<vmem>>
        %get3A_849 = tpu.memref_squeeze %get3A_848 : memref<1x800x64xf32, #tpu.memory_space<vmem>> -> memref<800x64xf32, #tpu.memory_space<vmem>>
        %get3A_850 = arith.index_cast %add3A_845 : i32 to index
        %get3A_851 = arith.constant 0 : index
        %get3A_852 = tpu.vector_load %get3A_849[%get3A_850, %get3A_851] {strides = array<i32>} : memref<800x64xf32, #tpu.memory_space<vmem>>, vector<1x16xf32>,
        %get3A_853 = vector.shape_cast %get3A_852 : vector<1x16xf32> to vector<16xf32>
        %add3A_854 = arith.addf %get3A_783, %get3A_793 : vector<16xf32>
        %add3A_855 = arith.addf %get3A_803, %get3A_813 : vector<16xf32>
        %add3A_856 = arith.addf %get3A_823, %get3A_833 : vector<16xf32>
        %add3A_857 = arith.addf %get3A_843, %get3A_853 : vector<16xf32>
        %add3A_858 = arith.addf %add3A_854, %add3A_855 : vector<16xf32>
        %add3A_859 = arith.addf %add3A_856, %add3A_857 : vector<16xf32>
        %add3A_860 = arith.addf %add3A_858, %add3A_859 : vector<16xf32>
        %add3A_861 = arith.addf %scan3A_767, %add3A_860 : vector<16xf32>
        %add3A_862 = arith.constant 0 : i32
        %add3A_863 = arith.addi %add3A_774, %add3A_862 : i32
        %get3A_864 = arith.constant 0 : i32
        %get3A_865 = arith.constant 0 : i32
        %get3A_866 = tpu.memref_slice %arg6[%scan3A_291, %get3A_864, %get3A_865] : memref<2x800x64xf32, #tpu.memory_space<vmem>> -> memref<1x800x64xf32, #tpu.memory_space<vmem>>
        %get3A_867 = tpu.memref_squeeze %get3A_866 : memref<1x800x64xf32, #tpu.memory_space<vmem>> -> memref<800x64xf32, #tpu.memory_space<vmem>>
        %get3A_868 = arith.index_cast %add3A_863 : i32 to index
        %get3A_869 = arith.constant 16 : index
        %get3A_870 = tpu.vector_load %get3A_867[%get3A_868, %get3A_869] {strides = array<i32>} : memref<800x64xf32, #tpu.memory_space<vmem>>, vector<1x16xf32>,
        %get3A_871 = vector.shape_cast %get3A_870 : vector<1x16xf32> to vector<16xf32>
        %add3A_872 = arith.constant 1 : i32
        %add3A_873 = arith.addi %add3A_774, %add3A_872 : i32
        %get3A_874 = arith.constant 0 : i32
        %get3A_875 = arith.constant 0 : i32
        %get3A_876 = tpu.memref_slice %arg6[%scan3A_291, %get3A_874, %get3A_875] : memref<2x800x64xf32, #tpu.memory_space<vmem>> -> memref<1x800x64xf32, #tpu.memory_space<vmem>>
        %get3A_877 = tpu.memref_squeeze %get3A_876 : memref<1x800x64xf32, #tpu.memory_space<vmem>> -> memref<800x64xf32, #tpu.memory_space<vmem>>
        %get3A_878 = arith.index_cast %add3A_873 : i32 to index
        %get3A_879 = arith.constant 16 : index
        %get3A_880 = tpu.vector_load %get3A_877[%get3A_878, %get3A_879] {strides = array<i32>} : memref<800x64xf32, #tpu.memory_space<vmem>>, vector<1x16xf32>,
        %get3A_881 = vector.shape_cast %get3A_880 : vector<1x16xf32> to vector<16xf32>
        %add3A_882 = arith.constant 2 : i32
        %add3A_883 = arith.addi %add3A_774, %add3A_882 : i32
        %get3A_884 = arith.constant 0 : i32
        %get3A_885 = arith.constant 0 : i32
        %get3A_886 = tpu.memref_slice %arg6[%scan3A_291, %get3A_884, %get3A_885] : memref<2x800x64xf32, #tpu.memory_space<vmem>> -> memref<1x800x64xf32, #tpu.memory_space<vmem>>
        %get3A_887 = tpu.memref_squeeze %get3A_886 : memref<1x800x64xf32, #tpu.memory_space<vmem>> -> memref<800x64xf32, #tpu.memory_space<vmem>>
        %get3A_888 = arith.index_cast %add3A_883 : i32 to index
        %get3A_889 = arith.constant 16 : index
        %get3A_890 = tpu.vector_load %get3A_887[%get3A_888, %get3A_889] {strides = array<i32>} : memref<800x64xf32, #tpu.memory_space<vmem>>, vector<1x16xf32>,
        %get3A_891 = vector.shape_cast %get3A_890 : vector<1x16xf32> to vector<16xf32>
        %add3A_892 = arith.constant 3 : i32
        %add3A_893 = arith.addi %add3A_774, %add3A_892 : i32
        %get3A_894 = arith.constant 0 : i32
        %get3A_895 = arith.constant 0 : i32
        %get3A_896 = tpu.memref_slice %arg6[%scan3A_291, %get3A_894, %get3A_895] : memref<2x800x64xf32, #tpu.memory_space<vmem>> -> memref<1x800x64xf32, #tpu.memory_space<vmem>>
        %get3A_897 = tpu.memref_squeeze %get3A_896 : memref<1x800x64xf32, #tpu.memory_space<vmem>> -> memref<800x64xf32, #tpu.memory_space<vmem>>
        %get3A_898 = arith.index_cast %add3A_893 : i32 to index
        %get3A_899 = arith.constant 16 : index
        %get3A_900 = tpu.vector_load %get3A_897[%get3A_898, %get3A_899] {strides = array<i32>} : memref<800x64xf32, #tpu.memory_space<vmem>>, vector<1x16xf32>,
        %get3A_901 = vector.shape_cast %get3A_900 : vector<1x16xf32> to vector<16xf32>
        %add3A_902 = arith.constant 4 : i32
        %add3A_903 = arith.addi %add3A_774, %add3A_902 : i32
        %get3A_904 = arith.constant 0 : i32
        %get3A_905 = arith.constant 0 : i32
        %get3A_906 = tpu.memref_slice %arg6[%scan3A_291, %get3A_904, %get3A_905] : memref<2x800x64xf32, #tpu.memory_space<vmem>> -> memref<1x800x64xf32, #tpu.memory_space<vmem>>
        %get3A_907 = tpu.memref_squeeze %get3A_906 : memref<1x800x64xf32, #tpu.memory_space<vmem>> -> memref<800x64xf32, #tpu.memory_space<vmem>>
        %get3A_908 = arith.index_cast %add3A_903 : i32 to index
        %get3A_909 = arith.constant 16 : index
        %get3A_910 = tpu.vector_load %get3A_907[%get3A_908, %get3A_909] {strides = array<i32>} : memref<800x64xf32, #tpu.memory_space<vmem>>, vector<1x16xf32>,
        %get3A_911 = vector.shape_cast %get3A_910 : vector<1x16xf32> to vector<16xf32>
        %add3A_912 = arith.constant 5 : i32
        %add3A_913 = arith.addi %add3A_774, %add3A_912 : i32
        %get3A_914 = arith.constant 0 : i32
        %get3A_915 = arith.constant 0 : i32
        %get3A_916 = tpu.memref_slice %arg6[%scan3A_291, %get3A_914, %get3A_915] : memref<2x800x64xf32, #tpu.memory_space<vmem>> -> memref<1x800x64xf32, #tpu.memory_space<vmem>>
        %get3A_917 = tpu.memref_squeeze %get3A_916 : memref<1x800x64xf32, #tpu.memory_space<vmem>> -> memref<800x64xf32, #tpu.memory_space<vmem>>
        %get3A_918 = arith.index_cast %add3A_913 : i32 to index
        %get3A_919 = arith.constant 16 : index
        %get3A_920 = tpu.vector_load %get3A_917[%get3A_918, %get3A_919] {strides = array<i32>} : memref<800x64xf32, #tpu.memory_space<vmem>>, vector<1x16xf32>,
        %get3A_921 = vector.shape_cast %get3A_920 : vector<1x16xf32> to vector<16xf32>
        %add3A_922 = arith.constant 6 : i32
        %add3A_923 = arith.addi %add3A_774, %add3A_922 : i32
        %get3A_924 = arith.constant 0 : i32
        %get3A_925 = arith.constant 0 : i32
        %get3A_926 = tpu.memref_slice %arg6[%scan3A_291, %get3A_924, %get3A_925] : memref<2x800x64xf32, #tpu.memory_space<vmem>> -> memref<1x800x64xf32, #tpu.memory_space<vmem>>
        %get3A_927 = tpu.memref_squeeze %get3A_926 : memref<1x800x64xf32, #tpu.memory_space<vmem>> -> memref<800x64xf32, #tpu.memory_space<vmem>>
        %get3A_928 = arith.index_cast %add3A_923 : i32 to index
        %get3A_929 = arith.constant 16 : index
        %get3A_930 = tpu.vector_load %get3A_927[%get3A_928, %get3A_929] {strides = array<i32>} : memref<800x64xf32, #tpu.memory_space<vmem>>, vector<1x16xf32>,
        %get3A_931 = vector.shape_cast %get3A_930 : vector<1x16xf32> to vector<16xf32>
        %add3A_932 = arith.constant 7 : i32
        %add3A_933 = arith.addi %add3A_774, %add3A_932 : i32
        %get3A_934 = arith.constant 0 : i32
        %get3A_935 = arith.constant 0 : i32
        %get3A_936 = tpu.memref_slice %arg6[%scan3A_291, %get3A_934, %get3A_935] : memref<2x800x64xf32, #tpu.memory_space<vmem>> -> memref<1x800x64xf32, #tpu.memory_space<vmem>>
        %get3A_937 = tpu.memref_squeeze %get3A_936 : memref<1x800x64xf32, #tpu.memory_space<vmem>> -> memref<800x64xf32, #tpu.memory_space<vmem>>
        %get3A_938 = arith.index_cast %add3A_933 : i32 to index
        %get3A_939 = arith.constant 16 : index
        %get3A_940 = tpu.vector_load %get3A_937[%get3A_938, %get3A_939] {strides = array<i32>} : memref<800x64xf32, #tpu.memory_space<vmem>>, vector<1x16xf32>,
        %get3A_941 = vector.shape_cast %get3A_940 : vector<1x16xf32> to vector<16xf32>
        %add3A_942 = arith.addf %get3A_871, %get3A_881 : vector<16xf32>
        %add3A_943 = arith.addf %get3A_891, %get3A_901 : vector<16xf32>
        %add3A_944 = arith.addf %get3A_911, %get3A_921 : vector<16xf32>
        %add3A_945 = arith.addf %get3A_931, %get3A_941 : vector<16xf32>
        %add3A_946 = arith.addf %add3A_942, %add3A_943 : vector<16xf32>
        %add3A_947 = arith.addf %add3A_944, %add3A_945 : vector<16xf32>
        %add3A_948 = arith.addf %add3A_946, %add3A_947 : vector<16xf32>
        %add3A_949 = arith.addf %scan3A_768, %add3A_948 : vector<16xf32>
        %add3A_950 = arith.constant 0 : i32
        %add3A_951 = arith.addi %add3A_774, %add3A_950 : i32
        %get3A_952 = arith.constant 0 : i32
        %get3A_953 = arith.constant 0 : i32
        %get3A_954 = tpu.memref_slice %arg6[%scan3A_291, %get3A_952, %get3A_953] : memref<2x800x64xf32, #tpu.memory_space<vmem>> -> memref<1x800x64xf32, #tpu.memory_space<vmem>>
        %get3A_955 = tpu.memref_squeeze %get3A_954 : memref<1x800x64xf32, #tpu.memory_space<vmem>> -> memref<800x64xf32, #tpu.memory_space<vmem>>
        %get3A_956 = arith.index_cast %add3A_951 : i32 to index
        %get3A_957 = arith.constant 32 : index
        %get3A_958 = tpu.vector_load %get3A_955[%get3A_956, %get3A_957] {strides = array<i32>} : memref<800x64xf32, #tpu.memory_space<vmem>>, vector<1x16xf32>,
        %get3A_959 = vector.shape_cast %get3A_958 : vector<1x16xf32> to vector<16xf32>
        %add3A_960 = arith.constant 1 : i32
        %add3A_961 = arith.addi %add3A_774, %add3A_960 : i32
        %get3A_962 = arith.constant 0 : i32
        %get3A_963 = arith.constant 0 : i32
        %get3A_964 = tpu.memref_slice %arg6[%scan3A_291, %get3A_962, %get3A_963] : memref<2x800x64xf32, #tpu.memory_space<vmem>> -> memref<1x800x64xf32, #tpu.memory_space<vmem>>
        %get3A_965 = tpu.memref_squeeze %get3A_964 : memref<1x800x64xf32, #tpu.memory_space<vmem>> -> memref<800x64xf32, #tpu.memory_space<vmem>>
        %get3A_966 = arith.index_cast %add3A_961 : i32 to index
        %get3A_967 = arith.constant 32 : index
        %get3A_968 = tpu.vector_load %get3A_965[%get3A_966, %get3A_967] {strides = array<i32>} : memref<800x64xf32, #tpu.memory_space<vmem>>, vector<1x16xf32>,
        %get3A_969 = vector.shape_cast %get3A_968 : vector<1x16xf32> to vector<16xf32>
        %add3A_970 = arith.constant 2 : i32
        %add3A_971 = arith.addi %add3A_774, %add3A_970 : i32
        %get3A_972 = arith.constant 0 : i32
        %get3A_973 = arith.constant 0 : i32
        %get3A_974 = tpu.memref_slice %arg6[%scan3A_291, %get3A_972, %get3A_973] : memref<2x800x64xf32, #tpu.memory_space<vmem>> -> memref<1x800x64xf32, #tpu.memory_space<vmem>>
        %get3A_975 = tpu.memref_squeeze %get3A_974 : memref<1x800x64xf32, #tpu.memory_space<vmem>> -> memref<800x64xf32, #tpu.memory_space<vmem>>
        %get3A_976 = arith.index_cast %add3A_971 : i32 to index
        %get3A_977 = arith.constant 32 : index
        %get3A_978 = tpu.vector_load %get3A_975[%get3A_976, %get3A_977] {strides = array<i32>} : memref<800x64xf32, #tpu.memory_space<vmem>>, vector<1x16xf32>,
        %get3A_979 = vector.shape_cast %get3A_978 : vector<1x16xf32> to vector<16xf32>
        %add3A_980 = arith.constant 3 : i32
        %add3A_981 = arith.addi %add3A_774, %add3A_980 : i32
        %get3A_982 = arith.constant 0 : i32
        %get3A_983 = arith.constant 0 : i32
        %get3A_984 = tpu.memref_slice %arg6[%scan3A_291, %get3A_982, %get3A_983] : memref<2x800x64xf32, #tpu.memory_space<vmem>> -> memref<1x800x64xf32, #tpu.memory_space<vmem>>
        %get3A_985 = tpu.memref_squeeze %get3A_984 : memref<1x800x64xf32, #tpu.memory_space<vmem>> -> memref<800x64xf32, #tpu.memory_space<vmem>>
        %get3A_986 = arith.index_cast %add3A_981 : i32 to index
        %get3A_987 = arith.constant 32 : index
        %get3A_988 = tpu.vector_load %get3A_985[%get3A_986, %get3A_987] {strides = array<i32>} : memref<800x64xf32, #tpu.memory_space<vmem>>, vector<1x16xf32>,
        %get3A_989 = vector.shape_cast %get3A_988 : vector<1x16xf32> to vector<16xf32>
        %add3A_990 = arith.constant 4 : i32
        %add3A_991 = arith.addi %add3A_774, %add3A_990 : i32
        %get3A_992 = arith.constant 0 : i32
        %get3A_993 = arith.constant 0 : i32
        %get3A_994 = tpu.memref_slice %arg6[%scan3A_291, %get3A_992, %get3A_993] : memref<2x800x64xf32, #tpu.memory_space<vmem>> -> memref<1x800x64xf32, #tpu.memory_space<vmem>>
        %get3A_995 = tpu.memref_squeeze %get3A_994 : memref<1x800x64xf32, #tpu.memory_space<vmem>> -> memref<800x64xf32, #tpu.memory_space<vmem>>
        %get3A_996 = arith.index_cast %add3A_991 : i32 to index
        %get3A_997 = arith.constant 32 : index
        %get3A_998 = tpu.vector_load %get3A_995[%get3A_996, %get3A_997] {strides = array<i32>} : memref<800x64xf32, #tpu.memory_space<vmem>>, vector<1x16xf32>,
        %get3A_999 = vector.shape_cast %get3A_998 : vector<1x16xf32> to vector<16xf32>
        %add3A_1000 = arith.constant 5 : i32
        %add3A_1001 = arith.addi %add3A_774, %add3A_1000 : i32
        %get3A_1002 = arith.constant 0 : i32
        %get3A_1003 = arith.constant 0 : i32
        %get3A_1004 = tpu.memref_slice %arg6[%scan3A_291, %get3A_1002, %get3A_1003] : memref<2x800x64xf32, #tpu.memory_space<vmem>> -> memref<1x800x64xf32, #tpu.memory_space<vmem>>
        %get3A_1005 = tpu.memref_squeeze %get3A_1004 : memref<1x800x64xf32, #tpu.memory_space<vmem>> -> memref<800x64xf32, #tpu.memory_space<vmem>>
        %get3A_1006 = arith.index_cast %add3A_1001 : i32 to index
        %get3A_1007 = arith.constant 32 : index
        %get3A_1008 = tpu.vector_load %get3A_1005[%get3A_1006, %get3A_1007] {strides = array<i32>} : memref<800x64xf32, #tpu.memory_space<vmem>>, vector<1x16xf32>,
        %get3A_1009 = vector.shape_cast %get3A_1008 : vector<1x16xf32> to vector<16xf32>
        %add3A_1010 = arith.constant 6 : i32
        %add3A_1011 = arith.addi %add3A_774, %add3A_1010 : i32
        %get3A_1012 = arith.constant 0 : i32
        %get3A_1013 = arith.constant 0 : i32
        %get3A_1014 = tpu.memref_slice %arg6[%scan3A_291, %get3A_1012, %get3A_1013] : memref<2x800x64xf32, #tpu.memory_space<vmem>> -> memref<1x800x64xf32, #tpu.memory_space<vmem>>
        %get3A_1015 = tpu.memref_squeeze %get3A_1014 : memref<1x800x64xf32, #tpu.memory_space<vmem>> -> memref<800x64xf32, #tpu.memory_space<vmem>>
        %get3A_1016 = arith.index_cast %add3A_1011 : i32 to index
        %get3A_1017 = arith.constant 32 : index
        %get3A_1018 = tpu.vector_load %get3A_1015[%get3A_1016, %get3A_1017] {strides = array<i32>} : memref<800x64xf32, #tpu.memory_space<vmem>>, vector<1x16xf32>,
        %get3A_1019 = vector.shape_cast %get3A_1018 : vector<1x16xf32> to vector<16xf32>
        %add3A_1020 = arith.constant 7 : i32
        %add3A_1021 = arith.addi %add3A_774, %add3A_1020 : i32
        %get3A_1022 = arith.constant 0 : i32
        %get3A_1023 = arith.constant 0 : i32
        %get3A_1024 = tpu.memref_slice %arg6[%scan3A_291, %get3A_1022, %get3A_1023] : memref<2x800x64xf32, #tpu.memory_space<vmem>> -> memref<1x800x64xf32, #tpu.memory_space<vmem>>
        %get3A_1025 = tpu.memref_squeeze %get3A_1024 : memref<1x800x64xf32, #tpu.memory_space<vmem>> -> memref<800x64xf32, #tpu.memory_space<vmem>>
        %get3A_1026 = arith.index_cast %add3A_1021 : i32 to index
        %get3A_1027 = arith.constant 32 : index
        %get3A_1028 = tpu.vector_load %get3A_1025[%get3A_1026, %get3A_1027] {strides = array<i32>} : memref<800x64xf32, #tpu.memory_space<vmem>>, vector<1x16xf32>,
        %get3A_1029 = vector.shape_cast %get3A_1028 : vector<1x16xf32> to vector<16xf32>
        %add3A_1030 = arith.addf %get3A_959, %get3A_969 : vector<16xf32>
        %add3A_1031 = arith.addf %get3A_979, %get3A_989 : vector<16xf32>
        %add3A_1032 = arith.addf %get3A_999, %get3A_1009 : vector<16xf32>
        %add3A_1033 = arith.addf %get3A_1019, %get3A_1029 : vector<16xf32>
        %add3A_1034 = arith.addf %add3A_1030, %add3A_1031 : vector<16xf32>
        %add3A_1035 = arith.addf %add3A_1032, %add3A_1033 : vector<16xf32>
        %add3A_1036 = arith.addf %add3A_1034, %add3A_1035 : vector<16xf32>
        %add3A_1037 = arith.addf %scan3A_769, %add3A_1036 : vector<16xf32>
        %add3A_1038 = arith.constant 0 : i32
        %add3A_1039 = arith.addi %add3A_774, %add3A_1038 : i32
        %get3A_1040 = arith.constant 0 : i32
        %get3A_1041 = arith.constant 0 : i32
        %get3A_1042 = tpu.memref_slice %arg6[%scan3A_291, %get3A_1040, %get3A_1041] : memref<2x800x64xf32, #tpu.memory_space<vmem>> -> memref<1x800x64xf32, #tpu.memory_space<vmem>>
        %get3A_1043 = tpu.memref_squeeze %get3A_1042 : memref<1x800x64xf32, #tpu.memory_space<vmem>> -> memref<800x64xf32, #tpu.memory_space<vmem>>
        %get3A_1044 = arith.index_cast %add3A_1039 : i32 to index
        %get3A_1045 = arith.constant 48 : index
        %get3A_1046 = tpu.vector_load %get3A_1043[%get3A_1044, %get3A_1045] {strides = array<i32>} : memref<800x64xf32, #tpu.memory_space<vmem>>, vector<1x16xf32>,
        %get3A_1047 = vector.shape_cast %get3A_1046 : vector<1x16xf32> to vector<16xf32>
        %add3A_1048 = arith.constant 1 : i32
        %add3A_1049 = arith.addi %add3A_774, %add3A_1048 : i32
        %get3A_1050 = arith.constant 0 : i32
        %get3A_1051 = arith.constant 0 : i32
        %get3A_1052 = tpu.memref_slice %arg6[%scan3A_291, %get3A_1050, %get3A_1051] : memref<2x800x64xf32, #tpu.memory_space<vmem>> -> memref<1x800x64xf32, #tpu.memory_space<vmem>>
        %get3A_1053 = tpu.memref_squeeze %get3A_1052 : memref<1x800x64xf32, #tpu.memory_space<vmem>> -> memref<800x64xf32, #tpu.memory_space<vmem>>
        %get3A_1054 = arith.index_cast %add3A_1049 : i32 to index
        %get3A_1055 = arith.constant 48 : index
        %get3A_1056 = tpu.vector_load %get3A_1053[%get3A_1054, %get3A_1055] {strides = array<i32>} : memref<800x64xf32, #tpu.memory_space<vmem>>, vector<1x16xf32>,
        %get3A_1057 = vector.shape_cast %get3A_1056 : vector<1x16xf32> to vector<16xf32>
        %add3A_1058 = arith.constant 2 : i32
        %add3A_1059 = arith.addi %add3A_774, %add3A_1058 : i32
        %get3A_1060 = arith.constant 0 : i32
        %get3A_1061 = arith.constant 0 : i32
        %get3A_1062 = tpu.memref_slice %arg6[%scan3A_291, %get3A_1060, %get3A_1061] : memref<2x800x64xf32, #tpu.memory_space<vmem>> -> memref<1x800x64xf32, #tpu.memory_space<vmem>>
        %get3A_1063 = tpu.memref_squeeze %get3A_1062 : memref<1x800x64xf32, #tpu.memory_space<vmem>> -> memref<800x64xf32, #tpu.memory_space<vmem>>
        %get3A_1064 = arith.index_cast %add3A_1059 : i32 to index
        %get3A_1065 = arith.constant 48 : index
        %get3A_1066 = tpu.vector_load %get3A_1063[%get3A_1064, %get3A_1065] {strides = array<i32>} : memref<800x64xf32, #tpu.memory_space<vmem>>, vector<1x16xf32>,
        %get3A_1067 = vector.shape_cast %get3A_1066 : vector<1x16xf32> to vector<16xf32>
        %add3A_1068 = arith.constant 3 : i32
        %add3A_1069 = arith.addi %add3A_774, %add3A_1068 : i32
        %get3A_1070 = arith.constant 0 : i32
        %get3A_1071 = arith.constant 0 : i32
        %get3A_1072 = tpu.memref_slice %arg6[%scan3A_291, %get3A_1070, %get3A_1071] : memref<2x800x64xf32, #tpu.memory_space<vmem>> -> memref<1x800x64xf32, #tpu.memory_space<vmem>>
        %get3A_1073 = tpu.memref_squeeze %get3A_1072 : memref<1x800x64xf32, #tpu.memory_space<vmem>> -> memref<800x64xf32, #tpu.memory_space<vmem>>
        %get3A_1074 = arith.index_cast %add3A_1069 : i32 to index
        %get3A_1075 = arith.constant 48 : index
        %get3A_1076 = tpu.vector_load %get3A_1073[%get3A_1074, %get3A_1075] {strides = array<i32>} : memref<800x64xf32, #tpu.memory_space<vmem>>, vector<1x16xf32>,
        %get3A_1077 = vector.shape_cast %get3A_1076 : vector<1x16xf32> to vector<16xf32>
        %add3A_1078 = arith.constant 4 : i32
        %add3A_1079 = arith.addi %add3A_774, %add3A_1078 : i32
        %get3A_1080 = arith.constant 0 : i32
        %get3A_1081 = arith.constant 0 : i32
        %get3A_1082 = tpu.memref_slice %arg6[%scan3A_291, %get3A_1080, %get3A_1081] : memref<2x800x64xf32, #tpu.memory_space<vmem>> -> memref<1x800x64xf32, #tpu.memory_space<vmem>>
        %get3A_1083 = tpu.memref_squeeze %get3A_1082 : memref<1x800x64xf32, #tpu.memory_space<vmem>> -> memref<800x64xf32, #tpu.memory_space<vmem>>
        %get3A_1084 = arith.index_cast %add3A_1079 : i32 to index
        %get3A_1085 = arith.constant 48 : index
        %get3A_1086 = tpu.vector_load %get3A_1083[%get3A_1084, %get3A_1085] {strides = array<i32>} : memref<800x64xf32, #tpu.memory_space<vmem>>, vector<1x16xf32>,
        %get3A_1087 = vector.shape_cast %get3A_1086 : vector<1x16xf32> to vector<16xf32>
        %add3A_1088 = arith.constant 5 : i32
        %add3A_1089 = arith.addi %add3A_774, %add3A_1088 : i32
        %get3A_1090 = arith.constant 0 : i32
        %get3A_1091 = arith.constant 0 : i32
        %get3A_1092 = tpu.memref_slice %arg6[%scan3A_291, %get3A_1090, %get3A_1091] : memref<2x800x64xf32, #tpu.memory_space<vmem>> -> memref<1x800x64xf32, #tpu.memory_space<vmem>>
        %get3A_1093 = tpu.memref_squeeze %get3A_1092 : memref<1x800x64xf32, #tpu.memory_space<vmem>> -> memref<800x64xf32, #tpu.memory_space<vmem>>
        %get3A_1094 = arith.index_cast %add3A_1089 : i32 to index
        %get3A_1095 = arith.constant 48 : index
        %get3A_1096 = tpu.vector_load %get3A_1093[%get3A_1094, %get3A_1095] {strides = array<i32>} : memref<800x64xf32, #tpu.memory_space<vmem>>, vector<1x16xf32>,
        %get3A_1097 = vector.shape_cast %get3A_1096 : vector<1x16xf32> to vector<16xf32>
        %add3A_1098 = arith.constant 6 : i32
        %add3A_1099 = arith.addi %add3A_774, %add3A_1098 : i32
        %get3A_1100 = arith.constant 0 : i32
        %get3A_1101 = arith.constant 0 : i32
        %get3A_1102 = tpu.memref_slice %arg6[%scan3A_291, %get3A_1100, %get3A_1101] : memref<2x800x64xf32, #tpu.memory_space<vmem>> -> memref<1x800x64xf32, #tpu.memory_space<vmem>>
        %get3A_1103 = tpu.memref_squeeze %get3A_1102 : memref<1x800x64xf32, #tpu.memory_space<vmem>> -> memref<800x64xf32, #tpu.memory_space<vmem>>
        %get3A_1104 = arith.index_cast %add3A_1099 : i32 to index
        %get3A_1105 = arith.constant 48 : index
        %get3A_1106 = tpu.vector_load %get3A_1103[%get3A_1104, %get3A_1105] {strides = array<i32>} : memref<800x64xf32, #tpu.memory_space<vmem>>, vector<1x16xf32>,
        %get3A_1107 = vector.shape_cast %get3A_1106 : vector<1x16xf32> to vector<16xf32>
        %add3A_1108 = arith.constant 7 : i32
        %add3A_1109 = arith.addi %add3A_774, %add3A_1108 : i32
        %get3A_1110 = arith.constant 0 : i32
        %get3A_1111 = arith.constant 0 : i32
        %get3A_1112 = tpu.memref_slice %arg6[%scan3A_291, %get3A_1110, %get3A_1111] : memref<2x800x64xf32, #tpu.memory_space<vmem>> -> memref<1x800x64xf32, #tpu.memory_space<vmem>>
        %get3A_1113 = tpu.memref_squeeze %get3A_1112 : memref<1x800x64xf32, #tpu.memory_space<vmem>> -> memref<800x64xf32, #tpu.memory_space<vmem>>
        %get3A_1114 = arith.index_cast %add3A_1109 : i32 to index
        %get3A_1115 = arith.constant 48 : index
        %get3A_1116 = tpu.vector_load %get3A_1113[%get3A_1114, %get3A_1115] {strides = array<i32>} : memref<800x64xf32, #tpu.memory_space<vmem>>, vector<1x16xf32>,
        %get3A_1117 = vector.shape_cast %get3A_1116 : vector<1x16xf32> to vector<16xf32>
        %add3A_1118 = arith.addf %get3A_1047, %get3A_1057 : vector<16xf32>
        %add3A_1119 = arith.addf %get3A_1067, %get3A_1077 : vector<16xf32>
        %add3A_1120 = arith.addf %get3A_1087, %get3A_1097 : vector<16xf32>
        %add3A_1121 = arith.addf %get3A_1107, %get3A_1117 : vector<16xf32>
        %add3A_1122 = arith.addf %add3A_1118, %add3A_1119 : vector<16xf32>
        %add3A_1123 = arith.addf %add3A_1120, %add3A_1121 : vector<16xf32>
        %add3A_1124 = arith.addf %add3A_1122, %add3A_1123 : vector<16xf32>
        %add3A_1125 = arith.addf %scan3A_770, %add3A_1124 : vector<16xf32>
        scf.yield %add3A_861, %add3A_949, %add3A_1037, %add3A_1125 : vector<16xf32>, vector<16xf32>, vector<16xf32>, vector<16xf32>
      }
      %scan3A_297 = arith.constant 25 : i32
      %swap3A_298 = arith.constant 0 : i32
      %swap3A_299 = arith.constant 1 : i32
      %swap3A_300 = arith.constant 0 : i32
      %swap3A_301 = arith.constant 0 : i32
      %swap3A_302 = tpu.memref_slice %arg7[%swap3A_298, %swap3A_300, %swap3A_301] : memref<2x4x64xf32, #tpu.memory_space<vmem>> -> memref<1x4x64xf32, #tpu.memory_space<vmem>>
      %swap3A_303 = tpu.memref_squeeze %swap3A_302 : memref<1x4x64xf32, #tpu.memory_space<vmem>> -> memref<4x64xf32, #tpu.memory_space<vmem>>
      %swap3A_304 = arith.index_cast %swap3A_299 : i32 to index
      %swap3A_305 = arith.constant 0 : index
      %swap3A_306 = tpu.vector_load %swap3A_303[%swap3A_304, %swap3A_305] {strides = array<i32>} : memref<4x64xf32, #tpu.memory_space<vmem>>, vector<1x16xf32>,
      %swap3A_307 = vector.shape_cast %swap3A_306 : vector<1x16xf32> to vector<16xf32>
      %swap3A_308 = vector.shape_cast %scan3A_296#0 : vector<16xf32> to vector<1x16xf32>
      tpu.vector_store %swap3A_303[%swap3A_304, %swap3A_305], %swap3A_308 {strides = array<i32>} : memref<4x64xf32, #tpu.memory_space<vmem>>, vector<1x16xf32>,
      %swap3A_309 = arith.constant 0 : i32
      %swap3A_310 = arith.constant 1 : i32
      %swap3A_311 = arith.constant 0 : i32
      %swap3A_312 = arith.constant 0 : i32
      %swap3A_313 = tpu.memref_slice %arg7[%swap3A_309, %swap3A_311, %swap3A_312] : memref<2x4x64xf32, #tpu.memory_space<vmem>> -> memref<1x4x64xf32, #tpu.memory_space<vmem>>
      %swap3A_314 = tpu.memref_squeeze %swap3A_313 : memref<1x4x64xf32, #tpu.memory_space<vmem>> -> memref<4x64xf32, #tpu.memory_space<vmem>>
      %swap3A_315 = arith.index_cast %swap3A_310 : i32 to index
      %swap3A_316 = arith.constant 16 : index
      %swap3A_317 = tpu.vector_load %swap3A_314[%swap3A_315, %swap3A_316] {strides = array<i32>} : memref<4x64xf32, #tpu.memory_space<vmem>>, vector<1x16xf32>,
      %swap3A_318 = vector.shape_cast %swap3A_317 : vector<1x16xf32> to vector<16xf32>
      %swap3A_319 = vector.shape_cast %scan3A_296#1 : vector<16xf32> to vector<1x16xf32>
      tpu.vector_store %swap3A_314[%swap3A_315, %swap3A_316], %swap3A_319 {strides = array<i32>} : memref<4x64xf32, #tpu.memory_space<vmem>>, vector<1x16xf32>,
      %swap3A_320 = arith.constant 0 : i32
      %swap3A_321 = arith.constant 1 : i32
      %swap3A_322 = arith.constant 0 : i32
      %swap3A_323 = arith.constant 0 : i32
      %swap3A_324 = tpu.memref_slice %arg7[%swap3A_320, %swap3A_322, %swap3A_323] : memref<2x4x64xf32, #tpu.memory_space<vmem>> -> memref<1x4x64xf32, #tpu.memory_space<vmem>>
      %swap3A_325 = tpu.memref_squeeze %swap3A_324 : memref<1x4x64xf32, #tpu.memory_space<vmem>> -> memref<4x64xf32, #tpu.memory_space<vmem>>
      %swap3A_326 = arith.index_cast %swap3A_321 : i32 to index
      %swap3A_327 = arith.constant 32 : index
      %swap3A_328 = tpu.vector_load %swap3A_325[%swap3A_326, %swap3A_327] {strides = array<i32>} : memref<4x64xf32, #tpu.memory_space<vmem>>, vector<1x16xf32>,
      %swap3A_329 = vector.shape_cast %swap3A_328 : vector<1x16xf32> to vector<16xf32>
      %swap3A_330 = vector.shape_cast %scan3A_296#2 : vector<16xf32> to vector<1x16xf32>
      tpu.vector_store %swap3A_325[%swap3A_326, %swap3A_327], %swap3A_330 {strides = array<i32>} : memref<4x64xf32, #tpu.memory_space<vmem>>, vector<1x16xf32>,
      %swap3A_331 = arith.constant 0 : i32
      %swap3A_332 = arith.constant 1 : i32
      %swap3A_333 = arith.constant 0 : i32
      %swap3A_334 = arith.constant 0 : i32
      %swap3A_335 = tpu.memref_slice %arg7[%swap3A_331, %swap3A_333, %swap3A_334] : memref<2x4x64xf32, #tpu.memory_space<vmem>> -> memref<1x4x64xf32, #tpu.memory_space<vmem>>
      %swap3A_336 = tpu.memref_squeeze %swap3A_335 : memref<1x4x64xf32, #tpu.memory_space<vmem>> -> memref<4x64xf32, #tpu.memory_space<vmem>>
      %swap3A_337 = arith.index_cast %swap3A_332 : i32 to index
      %swap3A_338 = arith.constant 48 : index
      %swap3A_339 = tpu.vector_load %swap3A_336[%swap3A_337, %swap3A_338] {strides = array<i32>} : memref<4x64xf32, #tpu.memory_space<vmem>>, vector<1x16xf32>,
      %swap3A_340 = vector.shape_cast %swap3A_339 : vector<1x16xf32> to vector<16xf32>
      %swap3A_341 = vector.shape_cast %scan3A_296#3 : vector<16xf32> to vector<1x16xf32>
      tpu.vector_store %swap3A_336[%swap3A_337, %swap3A_338], %swap3A_341 {strides = array<i32>} : memref<4x64xf32, #tpu.memory_space<vmem>>, vector<1x16xf32>,
      %broadcast_in_dim3A_342 = arith.constant 0.000000e+00 : f32
      %broadcast_in_dim3A_343 = vector.broadcast %broadcast_in_dim3A_342 : f32 to vector<16xf32>
      %broadcast_in_dim3A_344 = arith.constant 0.000000e+00 : f32
      %broadcast_in_dim3A_345 = vector.broadcast %broadcast_in_dim3A_344 : f32 to vector<16xf32>
      %broadcast_in_dim3A_346 = arith.constant 0.000000e+00 : f32
      %broadcast_in_dim3A_347 = vector.broadcast %broadcast_in_dim3A_346 : f32 to vector<16xf32>
      %broadcast_in_dim3A_348 = arith.constant 0.000000e+00 : f32
      %broadcast_in_dim3A_349 = vector.broadcast %broadcast_in_dim3A_348 : f32 to vector<16xf32>
      %scan3A_350 = arith.constant 0 : i32
      %scan3A_351 = arith.constant 0 : i32
      %scan3A_352 = arith.constant 25 : i32
      %scan3A_353 = arith.addi %scan3A_351, %scan3A_352 : i32
      %scan3A_354 = arith.constant 1 : i32
      %scan3A_355:4 = scf.for %scan3A_766 = %scan3A_351 to %scan3A_353 step %scan3A_354 iter_args(%scan3A_767 = %broadcast_in_dim3A_343, %scan3A_768 = %broadcast_in_dim3A_345, %scan3A_769 = %broadcast_in_dim3A_347, %scan3A_770 = %broadcast_in_dim3A_349) -> (vector<16xf32>, vector<16xf32>, vector<16xf32>, vector<16xf32>)  : i32 {
        %mul3A_771 = arith.constant 8 : i32
        %mul3A_772 = arith.muli %scan3A_766, %mul3A_771 : i32
        %add3A_773 = arith.constant 400 : i32
        %add3A_774 = arith.addi %add3A_773, %mul3A_772 : i32
        %add3A_775 = arith.constant 0 : i32
        %add3A_776 = arith.addi %add3A_774, %add3A_775 : i32
        %get3A = arith.constant 0 : i32
        %get3A_777 = arith.constant 0 : i32
        %get3A_778 = tpu.memref_slice %arg6[%scan3A_350, %get3A, %get3A_777] : memref<2x800x64xf32, #tpu.memory_space<vmem>> -> memref<1x800x64xf32, #tpu.memory_space<vmem>>
        %get3A_779 = tpu.memref_squeeze %get3A_778 : memref<1x800x64xf32, #tpu.memory_space<vmem>> -> memref<800x64xf32, #tpu.memory_space<vmem>>
        %get3A_780 = arith.index_cast %add3A_776 : i32 to index
        %get3A_781 = arith.constant 0 : index
        %get3A_782 = tpu.vector_load %get3A_779[%get3A_780, %get3A_781] {strides = array<i32>} : memref<800x64xf32, #tpu.memory_space<vmem>>, vector<1x16xf32>,
        %get3A_783 = vector.shape_cast %get3A_782 : vector<1x16xf32> to vector<16xf32>
        %add3A_784 = arith.constant 1 : i32
        %add3A_785 = arith.addi %add3A_774, %add3A_784 : i32
        %get3A_786 = arith.constant 0 : i32
        %get3A_787 = arith.constant 0 : i32
        %get3A_788 = tpu.memref_slice %arg6[%scan3A_350, %get3A_786, %get3A_787] : memref<2x800x64xf32, #tpu.memory_space<vmem>> -> memref<1x800x64xf32, #tpu.memory_space<vmem>>
        %get3A_789 = tpu.memref_squeeze %get3A_788 : memref<1x800x64xf32, #tpu.memory_space<vmem>> -> memref<800x64xf32, #tpu.memory_space<vmem>>
        %get3A_790 = arith.index_cast %add3A_785 : i32 to index
        %get3A_791 = arith.constant 0 : index
        %get3A_792 = tpu.vector_load %get3A_789[%get3A_790, %get3A_791] {strides = array<i32>} : memref<800x64xf32, #tpu.memory_space<vmem>>, vector<1x16xf32>,
        %get3A_793 = vector.shape_cast %get3A_792 : vector<1x16xf32> to vector<16xf32>
        %add3A_794 = arith.constant 2 : i32
        %add3A_795 = arith.addi %add3A_774, %add3A_794 : i32
        %get3A_796 = arith.constant 0 : i32
        %get3A_797 = arith.constant 0 : i32
        %get3A_798 = tpu.memref_slice %arg6[%scan3A_350, %get3A_796, %get3A_797] : memref<2x800x64xf32, #tpu.memory_space<vmem>> -> memref<1x800x64xf32, #tpu.memory_space<vmem>>
        %get3A_799 = tpu.memref_squeeze %get3A_798 : memref<1x800x64xf32, #tpu.memory_space<vmem>> -> memref<800x64xf32, #tpu.memory_space<vmem>>
        %get3A_800 = arith.index_cast %add3A_795 : i32 to index
        %get3A_801 = arith.constant 0 : index
        %get3A_802 = tpu.vector_load %get3A_799[%get3A_800, %get3A_801] {strides = array<i32>} : memref<800x64xf32, #tpu.memory_space<vmem>>, vector<1x16xf32>,
        %get3A_803 = vector.shape_cast %get3A_802 : vector<1x16xf32> to vector<16xf32>
        %add3A_804 = arith.constant 3 : i32
        %add3A_805 = arith.addi %add3A_774, %add3A_804 : i32
        %get3A_806 = arith.constant 0 : i32
        %get3A_807 = arith.constant 0 : i32
        %get3A_808 = tpu.memref_slice %arg6[%scan3A_350, %get3A_806, %get3A_807] : memref<2x800x64xf32, #tpu.memory_space<vmem>> -> memref<1x800x64xf32, #tpu.memory_space<vmem>>
        %get3A_809 = tpu.memref_squeeze %get3A_808 : memref<1x800x64xf32, #tpu.memory_space<vmem>> -> memref<800x64xf32, #tpu.memory_space<vmem>>
        %get3A_810 = arith.index_cast %add3A_805 : i32 to index
        %get3A_811 = arith.constant 0 : index
        %get3A_812 = tpu.vector_load %get3A_809[%get3A_810, %get3A_811] {strides = array<i32>} : memref<800x64xf32, #tpu.memory_space<vmem>>, vector<1x16xf32>,
        %get3A_813 = vector.shape_cast %get3A_812 : vector<1x16xf32> to vector<16xf32>
        %add3A_814 = arith.constant 4 : i32
        %add3A_815 = arith.addi %add3A_774, %add3A_814 : i32
        %get3A_816 = arith.constant 0 : i32
        %get3A_817 = arith.constant 0 : i32
        %get3A_818 = tpu.memref_slice %arg6[%scan3A_350, %get3A_816, %get3A_817] : memref<2x800x64xf32, #tpu.memory_space<vmem>> -> memref<1x800x64xf32, #tpu.memory_space<vmem>>
        %get3A_819 = tpu.memref_squeeze %get3A_818 : memref<1x800x64xf32, #tpu.memory_space<vmem>> -> memref<800x64xf32, #tpu.memory_space<vmem>>
        %get3A_820 = arith.index_cast %add3A_815 : i32 to index
        %get3A_821 = arith.constant 0 : index
        %get3A_822 = tpu.vector_load %get3A_819[%get3A_820, %get3A_821] {strides = array<i32>} : memref<800x64xf32, #tpu.memory_space<vmem>>, vector<1x16xf32>,
        %get3A_823 = vector.shape_cast %get3A_822 : vector<1x16xf32> to vector<16xf32>
        %add3A_824 = arith.constant 5 : i32
        %add3A_825 = arith.addi %add3A_774, %add3A_824 : i32
        %get3A_826 = arith.constant 0 : i32
        %get3A_827 = arith.constant 0 : i32
        %get3A_828 = tpu.memref_slice %arg6[%scan3A_350, %get3A_826, %get3A_827] : memref<2x800x64xf32, #tpu.memory_space<vmem>> -> memref<1x800x64xf32, #tpu.memory_space<vmem>>
        %get3A_829 = tpu.memref_squeeze %get3A_828 : memref<1x800x64xf32, #tpu.memory_space<vmem>> -> memref<800x64xf32, #tpu.memory_space<vmem>>
        %get3A_830 = arith.index_cast %add3A_825 : i32 to index
        %get3A_831 = arith.constant 0 : index
        %get3A_832 = tpu.vector_load %get3A_829[%get3A_830, %get3A_831] {strides = array<i32>} : memref<800x64xf32, #tpu.memory_space<vmem>>, vector<1x16xf32>,
        %get3A_833 = vector.shape_cast %get3A_832 : vector<1x16xf32> to vector<16xf32>
        %add3A_834 = arith.constant 6 : i32
        %add3A_835 = arith.addi %add3A_774, %add3A_834 : i32
        %get3A_836 = arith.constant 0 : i32
        %get3A_837 = arith.constant 0 : i32
        %get3A_838 = tpu.memref_slice %arg6[%scan3A_350, %get3A_836, %get3A_837] : memref<2x800x64xf32, #tpu.memory_space<vmem>> -> memref<1x800x64xf32, #tpu.memory_space<vmem>>
        %get3A_839 = tpu.memref_squeeze %get3A_838 : memref<1x800x64xf32, #tpu.memory_space<vmem>> -> memref<800x64xf32, #tpu.memory_space<vmem>>
        %get3A_840 = arith.index_cast %add3A_835 : i32 to index
        %get3A_841 = arith.constant 0 : index
        %get3A_842 = tpu.vector_load %get3A_839[%get3A_840, %get3A_841] {strides = array<i32>} : memref<800x64xf32, #tpu.memory_space<vmem>>, vector<1x16xf32>,
        %get3A_843 = vector.shape_cast %get3A_842 : vector<1x16xf32> to vector<16xf32>
        %add3A_844 = arith.constant 7 : i32
        %add3A_845 = arith.addi %add3A_774, %add3A_844 : i32
        %get3A_846 = arith.constant 0 : i32
        %get3A_847 = arith.constant 0 : i32
        %get3A_848 = tpu.memref_slice %arg6[%scan3A_350, %get3A_846, %get3A_847] : memref<2x800x64xf32, #tpu.memory_space<vmem>> -> memref<1x800x64xf32, #tpu.memory_space<vmem>>
        %get3A_849 = tpu.memref_squeeze %get3A_848 : memref<1x800x64xf32, #tpu.memory_space<vmem>> -> memref<800x64xf32, #tpu.memory_space<vmem>>
        %get3A_850 = arith.index_cast %add3A_845 : i32 to index
        %get3A_851 = arith.constant 0 : index
        %get3A_852 = tpu.vector_load %get3A_849[%get3A_850, %get3A_851] {strides = array<i32>} : memref<800x64xf32, #tpu.memory_space<vmem>>, vector<1x16xf32>,
        %get3A_853 = vector.shape_cast %get3A_852 : vector<1x16xf32> to vector<16xf32>
        %add3A_854 = arith.addf %get3A_783, %get3A_793 : vector<16xf32>
        %add3A_855 = arith.addf %get3A_803, %get3A_813 : vector<16xf32>
        %add3A_856 = arith.addf %get3A_823, %get3A_833 : vector<16xf32>
        %add3A_857 = arith.addf %get3A_843, %get3A_853 : vector<16xf32>
        %add3A_858 = arith.addf %add3A_854, %add3A_855 : vector<16xf32>
        %add3A_859 = arith.addf %add3A_856, %add3A_857 : vector<16xf32>
        %add3A_860 = arith.addf %add3A_858, %add3A_859 : vector<16xf32>
        %add3A_861 = arith.addf %scan3A_767, %add3A_860 : vector<16xf32>
        %add3A_862 = arith.constant 0 : i32
        %add3A_863 = arith.addi %add3A_774, %add3A_862 : i32
        %get3A_864 = arith.constant 0 : i32
        %get3A_865 = arith.constant 0 : i32
        %get3A_866 = tpu.memref_slice %arg6[%scan3A_350, %get3A_864, %get3A_865] : memref<2x800x64xf32, #tpu.memory_space<vmem>> -> memref<1x800x64xf32, #tpu.memory_space<vmem>>
        %get3A_867 = tpu.memref_squeeze %get3A_866 : memref<1x800x64xf32, #tpu.memory_space<vmem>> -> memref<800x64xf32, #tpu.memory_space<vmem>>
        %get3A_868 = arith.index_cast %add3A_863 : i32 to index
        %get3A_869 = arith.constant 16 : index
        %get3A_870 = tpu.vector_load %get3A_867[%get3A_868, %get3A_869] {strides = array<i32>} : memref<800x64xf32, #tpu.memory_space<vmem>>, vector<1x16xf32>,
        %get3A_871 = vector.shape_cast %get3A_870 : vector<1x16xf32> to vector<16xf32>
        %add3A_872 = arith.constant 1 : i32
        %add3A_873 = arith.addi %add3A_774, %add3A_872 : i32
        %get3A_874 = arith.constant 0 : i32
        %get3A_875 = arith.constant 0 : i32
        %get3A_876 = tpu.memref_slice %arg6[%scan3A_350, %get3A_874, %get3A_875] : memref<2x800x64xf32, #tpu.memory_space<vmem>> -> memref<1x800x64xf32, #tpu.memory_space<vmem>>
        %get3A_877 = tpu.memref_squeeze %get3A_876 : memref<1x800x64xf32, #tpu.memory_space<vmem>> -> memref<800x64xf32, #tpu.memory_space<vmem>>
        %get3A_878 = arith.index_cast %add3A_873 : i32 to index
        %get3A_879 = arith.constant 16 : index
        %get3A_880 = tpu.vector_load %get3A_877[%get3A_878, %get3A_879] {strides = array<i32>} : memref<800x64xf32, #tpu.memory_space<vmem>>, vector<1x16xf32>,
        %get3A_881 = vector.shape_cast %get3A_880 : vector<1x16xf32> to vector<16xf32>
        %add3A_882 = arith.constant 2 : i32
        %add3A_883 = arith.addi %add3A_774, %add3A_882 : i32
        %get3A_884 = arith.constant 0 : i32
        %get3A_885 = arith.constant 0 : i32
        %get3A_886 = tpu.memref_slice %arg6[%scan3A_350, %get3A_884, %get3A_885] : memref<2x800x64xf32, #tpu.memory_space<vmem>> -> memref<1x800x64xf32, #tpu.memory_space<vmem>>
        %get3A_887 = tpu.memref_squeeze %get3A_886 : memref<1x800x64xf32, #tpu.memory_space<vmem>> -> memref<800x64xf32, #tpu.memory_space<vmem>>
        %get3A_888 = arith.index_cast %add3A_883 : i32 to index
        %get3A_889 = arith.constant 16 : index
        %get3A_890 = tpu.vector_load %get3A_887[%get3A_888, %get3A_889] {strides = array<i32>} : memref<800x64xf32, #tpu.memory_space<vmem>>, vector<1x16xf32>,
        %get3A_891 = vector.shape_cast %get3A_890 : vector<1x16xf32> to vector<16xf32>
        %add3A_892 = arith.constant 3 : i32
        %add3A_893 = arith.addi %add3A_774, %add3A_892 : i32
        %get3A_894 = arith.constant 0 : i32
        %get3A_895 = arith.constant 0 : i32
        %get3A_896 = tpu.memref_slice %arg6[%scan3A_350, %get3A_894, %get3A_895] : memref<2x800x64xf32, #tpu.memory_space<vmem>> -> memref<1x800x64xf32, #tpu.memory_space<vmem>>
        %get3A_897 = tpu.memref_squeeze %get3A_896 : memref<1x800x64xf32, #tpu.memory_space<vmem>> -> memref<800x64xf32, #tpu.memory_space<vmem>>
        %get3A_898 = arith.index_cast %add3A_893 : i32 to index
        %get3A_899 = arith.constant 16 : index
        %get3A_900 = tpu.vector_load %get3A_897[%get3A_898, %get3A_899] {strides = array<i32>} : memref<800x64xf32, #tpu.memory_space<vmem>>, vector<1x16xf32>,
        %get3A_901 = vector.shape_cast %get3A_900 : vector<1x16xf32> to vector<16xf32>
        %add3A_902 = arith.constant 4 : i32
        %add3A_903 = arith.addi %add3A_774, %add3A_902 : i32
        %get3A_904 = arith.constant 0 : i32
        %get3A_905 = arith.constant 0 : i32
        %get3A_906 = tpu.memref_slice %arg6[%scan3A_350, %get3A_904, %get3A_905] : memref<2x800x64xf32, #tpu.memory_space<vmem>> -> memref<1x800x64xf32, #tpu.memory_space<vmem>>
        %get3A_907 = tpu.memref_squeeze %get3A_906 : memref<1x800x64xf32, #tpu.memory_space<vmem>> -> memref<800x64xf32, #tpu.memory_space<vmem>>
        %get3A_908 = arith.index_cast %add3A_903 : i32 to index
        %get3A_909 = arith.constant 16 : index
        %get3A_910 = tpu.vector_load %get3A_907[%get3A_908, %get3A_909] {strides = array<i32>} : memref<800x64xf32, #tpu.memory_space<vmem>>, vector<1x16xf32>,
        %get3A_911 = vector.shape_cast %get3A_910 : vector<1x16xf32> to vector<16xf32>
        %add3A_912 = arith.constant 5 : i32
        %add3A_913 = arith.addi %add3A_774, %add3A_912 : i32
        %get3A_914 = arith.constant 0 : i32
        %get3A_915 = arith.constant 0 : i32
        %get3A_916 = tpu.memref_slice %arg6[%scan3A_350, %get3A_914, %get3A_915] : memref<2x800x64xf32, #tpu.memory_space<vmem>> -> memref<1x800x64xf32, #tpu.memory_space<vmem>>
        %get3A_917 = tpu.memref_squeeze %get3A_916 : memref<1x800x64xf32, #tpu.memory_space<vmem>> -> memref<800x64xf32, #tpu.memory_space<vmem>>
        %get3A_918 = arith.index_cast %add3A_913 : i32 to index
        %get3A_919 = arith.constant 16 : index
        %get3A_920 = tpu.vector_load %get3A_917[%get3A_918, %get3A_919] {strides = array<i32>} : memref<800x64xf32, #tpu.memory_space<vmem>>, vector<1x16xf32>,
        %get3A_921 = vector.shape_cast %get3A_920 : vector<1x16xf32> to vector<16xf32>
        %add3A_922 = arith.constant 6 : i32
        %add3A_923 = arith.addi %add3A_774, %add3A_922 : i32
        %get3A_924 = arith.constant 0 : i32
        %get3A_925 = arith.constant 0 : i32
        %get3A_926 = tpu.memref_slice %arg6[%scan3A_350, %get3A_924, %get3A_925] : memref<2x800x64xf32, #tpu.memory_space<vmem>> -> memref<1x800x64xf32, #tpu.memory_space<vmem>>
        %get3A_927 = tpu.memref_squeeze %get3A_926 : memref<1x800x64xf32, #tpu.memory_space<vmem>> -> memref<800x64xf32, #tpu.memory_space<vmem>>
        %get3A_928 = arith.index_cast %add3A_923 : i32 to index
        %get3A_929 = arith.constant 16 : index
        %get3A_930 = tpu.vector_load %get3A_927[%get3A_928, %get3A_929] {strides = array<i32>} : memref<800x64xf32, #tpu.memory_space<vmem>>, vector<1x16xf32>,
        %get3A_931 = vector.shape_cast %get3A_930 : vector<1x16xf32> to vector<16xf32>
        %add3A_932 = arith.constant 7 : i32
        %add3A_933 = arith.addi %add3A_774, %add3A_932 : i32
        %get3A_934 = arith.constant 0 : i32
        %get3A_935 = arith.constant 0 : i32
        %get3A_936 = tpu.memref_slice %arg6[%scan3A_350, %get3A_934, %get3A_935] : memref<2x800x64xf32, #tpu.memory_space<vmem>> -> memref<1x800x64xf32, #tpu.memory_space<vmem>>
        %get3A_937 = tpu.memref_squeeze %get3A_936 : memref<1x800x64xf32, #tpu.memory_space<vmem>> -> memref<800x64xf32, #tpu.memory_space<vmem>>
        %get3A_938 = arith.index_cast %add3A_933 : i32 to index
        %get3A_939 = arith.constant 16 : index
        %get3A_940 = tpu.vector_load %get3A_937[%get3A_938, %get3A_939] {strides = array<i32>} : memref<800x64xf32, #tpu.memory_space<vmem>>, vector<1x16xf32>,
        %get3A_941 = vector.shape_cast %get3A_940 : vector<1x16xf32> to vector<16xf32>
        %add3A_942 = arith.addf %get3A_871, %get3A_881 : vector<16xf32>
        %add3A_943 = arith.addf %get3A_891, %get3A_901 : vector<16xf32>
        %add3A_944 = arith.addf %get3A_911, %get3A_921 : vector<16xf32>
        %add3A_945 = arith.addf %get3A_931, %get3A_941 : vector<16xf32>
        %add3A_946 = arith.addf %add3A_942, %add3A_943 : vector<16xf32>
        %add3A_947 = arith.addf %add3A_944, %add3A_945 : vector<16xf32>
        %add3A_948 = arith.addf %add3A_946, %add3A_947 : vector<16xf32>
        %add3A_949 = arith.addf %scan3A_768, %add3A_948 : vector<16xf32>
        %add3A_950 = arith.constant 0 : i32
        %add3A_951 = arith.addi %add3A_774, %add3A_950 : i32
        %get3A_952 = arith.constant 0 : i32
        %get3A_953 = arith.constant 0 : i32
        %get3A_954 = tpu.memref_slice %arg6[%scan3A_350, %get3A_952, %get3A_953] : memref<2x800x64xf32, #tpu.memory_space<vmem>> -> memref<1x800x64xf32, #tpu.memory_space<vmem>>
        %get3A_955 = tpu.memref_squeeze %get3A_954 : memref<1x800x64xf32, #tpu.memory_space<vmem>> -> memref<800x64xf32, #tpu.memory_space<vmem>>
        %get3A_956 = arith.index_cast %add3A_951 : i32 to index
        %get3A_957 = arith.constant 32 : index
        %get3A_958 = tpu.vector_load %get3A_955[%get3A_956, %get3A_957] {strides = array<i32>} : memref<800x64xf32, #tpu.memory_space<vmem>>, vector<1x16xf32>,
        %get3A_959 = vector.shape_cast %get3A_958 : vector<1x16xf32> to vector<16xf32>
        %add3A_960 = arith.constant 1 : i32
        %add3A_961 = arith.addi %add3A_774, %add3A_960 : i32
        %get3A_962 = arith.constant 0 : i32
        %get3A_963 = arith.constant 0 : i32
        %get3A_964 = tpu.memref_slice %arg6[%scan3A_350, %get3A_962, %get3A_963] : memref<2x800x64xf32, #tpu.memory_space<vmem>> -> memref<1x800x64xf32, #tpu.memory_space<vmem>>
        %get3A_965 = tpu.memref_squeeze %get3A_964 : memref<1x800x64xf32, #tpu.memory_space<vmem>> -> memref<800x64xf32, #tpu.memory_space<vmem>>
        %get3A_966 = arith.index_cast %add3A_961 : i32 to index
        %get3A_967 = arith.constant 32 : index
        %get3A_968 = tpu.vector_load %get3A_965[%get3A_966, %get3A_967] {strides = array<i32>} : memref<800x64xf32, #tpu.memory_space<vmem>>, vector<1x16xf32>,
        %get3A_969 = vector.shape_cast %get3A_968 : vector<1x16xf32> to vector<16xf32>
        %add3A_970 = arith.constant 2 : i32
        %add3A_971 = arith.addi %add3A_774, %add3A_970 : i32
        %get3A_972 = arith.constant 0 : i32
        %get3A_973 = arith.constant 0 : i32
        %get3A_974 = tpu.memref_slice %arg6[%scan3A_350, %get3A_972, %get3A_973] : memref<2x800x64xf32, #tpu.memory_space<vmem>> -> memref<1x800x64xf32, #tpu.memory_space<vmem>>
        %get3A_975 = tpu.memref_squeeze %get3A_974 : memref<1x800x64xf32, #tpu.memory_space<vmem>> -> memref<800x64xf32, #tpu.memory_space<vmem>>
        %get3A_976 = arith.index_cast %add3A_971 : i32 to index
        %get3A_977 = arith.constant 32 : index
        %get3A_978 = tpu.vector_load %get3A_975[%get3A_976, %get3A_977] {strides = array<i32>} : memref<800x64xf32, #tpu.memory_space<vmem>>, vector<1x16xf32>,
        %get3A_979 = vector.shape_cast %get3A_978 : vector<1x16xf32> to vector<16xf32>
        %add3A_980 = arith.constant 3 : i32
        %add3A_981 = arith.addi %add3A_774, %add3A_980 : i32
        %get3A_982 = arith.constant 0 : i32
        %get3A_983 = arith.constant 0 : i32
        %get3A_984 = tpu.memref_slice %arg6[%scan3A_350, %get3A_982, %get3A_983] : memref<2x800x64xf32, #tpu.memory_space<vmem>> -> memref<1x800x64xf32, #tpu.memory_space<vmem>>
        %get3A_985 = tpu.memref_squeeze %get3A_984 : memref<1x800x64xf32, #tpu.memory_space<vmem>> -> memref<800x64xf32, #tpu.memory_space<vmem>>
        %get3A_986 = arith.index_cast %add3A_981 : i32 to index
        %get3A_987 = arith.constant 32 : index
        %get3A_988 = tpu.vector_load %get3A_985[%get3A_986, %get3A_987] {strides = array<i32>} : memref<800x64xf32, #tpu.memory_space<vmem>>, vector<1x16xf32>,
        %get3A_989 = vector.shape_cast %get3A_988 : vector<1x16xf32> to vector<16xf32>
        %add3A_990 = arith.constant 4 : i32
        %add3A_991 = arith.addi %add3A_774, %add3A_990 : i32
        %get3A_992 = arith.constant 0 : i32
        %get3A_993 = arith.constant 0 : i32
        %get3A_994 = tpu.memref_slice %arg6[%scan3A_350, %get3A_992, %get3A_993] : memref<2x800x64xf32, #tpu.memory_space<vmem>> -> memref<1x800x64xf32, #tpu.memory_space<vmem>>
        %get3A_995 = tpu.memref_squeeze %get3A_994 : memref<1x800x64xf32, #tpu.memory_space<vmem>> -> memref<800x64xf32, #tpu.memory_space<vmem>>
        %get3A_996 = arith.index_cast %add3A_991 : i32 to index
        %get3A_997 = arith.constant 32 : index
        %get3A_998 = tpu.vector_load %get3A_995[%get3A_996, %get3A_997] {strides = array<i32>} : memref<800x64xf32, #tpu.memory_space<vmem>>, vector<1x16xf32>,
        %get3A_999 = vector.shape_cast %get3A_998 : vector<1x16xf32> to vector<16xf32>
        %add3A_1000 = arith.constant 5 : i32
        %add3A_1001 = arith.addi %add3A_774, %add3A_1000 : i32
        %get3A_1002 = arith.constant 0 : i32
        %get3A_1003 = arith.constant 0 : i32
        %get3A_1004 = tpu.memref_slice %arg6[%scan3A_350, %get3A_1002, %get3A_1003] : memref<2x800x64xf32, #tpu.memory_space<vmem>> -> memref<1x800x64xf32, #tpu.memory_space<vmem>>
        %get3A_1005 = tpu.memref_squeeze %get3A_1004 : memref<1x800x64xf32, #tpu.memory_space<vmem>> -> memref<800x64xf32, #tpu.memory_space<vmem>>
        %get3A_1006 = arith.index_cast %add3A_1001 : i32 to index
        %get3A_1007 = arith.constant 32 : index
        %get3A_1008 = tpu.vector_load %get3A_1005[%get3A_1006, %get3A_1007] {strides = array<i32>} : memref<800x64xf32, #tpu.memory_space<vmem>>, vector<1x16xf32>,
        %get3A_1009 = vector.shape_cast %get3A_1008 : vector<1x16xf32> to vector<16xf32>
        %add3A_1010 = arith.constant 6 : i32
        %add3A_1011 = arith.addi %add3A_774, %add3A_1010 : i32
        %get3A_1012 = arith.constant 0 : i32
        %get3A_1013 = arith.constant 0 : i32
        %get3A_1014 = tpu.memref_slice %arg6[%scan3A_350, %get3A_1012, %get3A_1013] : memref<2x800x64xf32, #tpu.memory_space<vmem>> -> memref<1x800x64xf32, #tpu.memory_space<vmem>>
        %get3A_1015 = tpu.memref_squeeze %get3A_1014 : memref<1x800x64xf32, #tpu.memory_space<vmem>> -> memref<800x64xf32, #tpu.memory_space<vmem>>
        %get3A_1016 = arith.index_cast %add3A_1011 : i32 to index
        %get3A_1017 = arith.constant 32 : index
        %get3A_1018 = tpu.vector_load %get3A_1015[%get3A_1016, %get3A_1017] {strides = array<i32>} : memref<800x64xf32, #tpu.memory_space<vmem>>, vector<1x16xf32>,
        %get3A_1019 = vector.shape_cast %get3A_1018 : vector<1x16xf32> to vector<16xf32>
        %add3A_1020 = arith.constant 7 : i32
        %add3A_1021 = arith.addi %add3A_774, %add3A_1020 : i32
        %get3A_1022 = arith.constant 0 : i32
        %get3A_1023 = arith.constant 0 : i32
        %get3A_1024 = tpu.memref_slice %arg6[%scan3A_350, %get3A_1022, %get3A_1023] : memref<2x800x64xf32, #tpu.memory_space<vmem>> -> memref<1x800x64xf32, #tpu.memory_space<vmem>>
        %get3A_1025 = tpu.memref_squeeze %get3A_1024 : memref<1x800x64xf32, #tpu.memory_space<vmem>> -> memref<800x64xf32, #tpu.memory_space<vmem>>
        %get3A_1026 = arith.index_cast %add3A_1021 : i32 to index
        %get3A_1027 = arith.constant 32 : index
        %get3A_1028 = tpu.vector_load %get3A_1025[%get3A_1026, %get3A_1027] {strides = array<i32>} : memref<800x64xf32, #tpu.memory_space<vmem>>, vector<1x16xf32>,
        %get3A_1029 = vector.shape_cast %get3A_1028 : vector<1x16xf32> to vector<16xf32>
        %add3A_1030 = arith.addf %get3A_959, %get3A_969 : vector<16xf32>
        %add3A_1031 = arith.addf %get3A_979, %get3A_989 : vector<16xf32>
        %add3A_1032 = arith.addf %get3A_999, %get3A_1009 : vector<16xf32>
        %add3A_1033 = arith.addf %get3A_1019, %get3A_1029 : vector<16xf32>
        %add3A_1034 = arith.addf %add3A_1030, %add3A_1031 : vector<16xf32>
        %add3A_1035 = arith.addf %add3A_1032, %add3A_1033 : vector<16xf32>
        %add3A_1036 = arith.addf %add3A_1034, %add3A_1035 : vector<16xf32>
        %add3A_1037 = arith.addf %scan3A_769, %add3A_1036 : vector<16xf32>
        %add3A_1038 = arith.constant 0 : i32
        %add3A_1039 = arith.addi %add3A_774, %add3A_1038 : i32
        %get3A_1040 = arith.constant 0 : i32
        %get3A_1041 = arith.constant 0 : i32
        %get3A_1042 = tpu.memref_slice %arg6[%scan3A_350, %get3A_1040, %get3A_1041] : memref<2x800x64xf32, #tpu.memory_space<vmem>> -> memref<1x800x64xf32, #tpu.memory_space<vmem>>
        %get3A_1043 = tpu.memref_squeeze %get3A_1042 : memref<1x800x64xf32, #tpu.memory_space<vmem>> -> memref<800x64xf32, #tpu.memory_space<vmem>>
        %get3A_1044 = arith.index_cast %add3A_1039 : i32 to index
        %get3A_1045 = arith.constant 48 : index
        %get3A_1046 = tpu.vector_load %get3A_1043[%get3A_1044, %get3A_1045] {strides = array<i32>} : memref<800x64xf32, #tpu.memory_space<vmem>>, vector<1x16xf32>,
        %get3A_1047 = vector.shape_cast %get3A_1046 : vector<1x16xf32> to vector<16xf32>
        %add3A_1048 = arith.constant 1 : i32
        %add3A_1049 = arith.addi %add3A_774, %add3A_1048 : i32
        %get3A_1050 = arith.constant 0 : i32
        %get3A_1051 = arith.constant 0 : i32
        %get3A_1052 = tpu.memref_slice %arg6[%scan3A_350, %get3A_1050, %get3A_1051] : memref<2x800x64xf32, #tpu.memory_space<vmem>> -> memref<1x800x64xf32, #tpu.memory_space<vmem>>
        %get3A_1053 = tpu.memref_squeeze %get3A_1052 : memref<1x800x64xf32, #tpu.memory_space<vmem>> -> memref<800x64xf32, #tpu.memory_space<vmem>>
        %get3A_1054 = arith.index_cast %add3A_1049 : i32 to index
        %get3A_1055 = arith.constant 48 : index
        %get3A_1056 = tpu.vector_load %get3A_1053[%get3A_1054, %get3A_1055] {strides = array<i32>} : memref<800x64xf32, #tpu.memory_space<vmem>>, vector<1x16xf32>,
        %get3A_1057 = vector.shape_cast %get3A_1056 : vector<1x16xf32> to vector<16xf32>
        %add3A_1058 = arith.constant 2 : i32
        %add3A_1059 = arith.addi %add3A_774, %add3A_1058 : i32
        %get3A_1060 = arith.constant 0 : i32
        %get3A_1061 = arith.constant 0 : i32
        %get3A_1062 = tpu.memref_slice %arg6[%scan3A_350, %get3A_1060, %get3A_1061] : memref<2x800x64xf32, #tpu.memory_space<vmem>> -> memref<1x800x64xf32, #tpu.memory_space<vmem>>
        %get3A_1063 = tpu.memref_squeeze %get3A_1062 : memref<1x800x64xf32, #tpu.memory_space<vmem>> -> memref<800x64xf32, #tpu.memory_space<vmem>>
        %get3A_1064 = arith.index_cast %add3A_1059 : i32 to index
        %get3A_1065 = arith.constant 48 : index
        %get3A_1066 = tpu.vector_load %get3A_1063[%get3A_1064, %get3A_1065] {strides = array<i32>} : memref<800x64xf32, #tpu.memory_space<vmem>>, vector<1x16xf32>,
        %get3A_1067 = vector.shape_cast %get3A_1066 : vector<1x16xf32> to vector<16xf32>
        %add3A_1068 = arith.constant 3 : i32
        %add3A_1069 = arith.addi %add3A_774, %add3A_1068 : i32
        %get3A_1070 = arith.constant 0 : i32
        %get3A_1071 = arith.constant 0 : i32
        %get3A_1072 = tpu.memref_slice %arg6[%scan3A_350, %get3A_1070, %get3A_1071] : memref<2x800x64xf32, #tpu.memory_space<vmem>> -> memref<1x800x64xf32, #tpu.memory_space<vmem>>
        %get3A_1073 = tpu.memref_squeeze %get3A_1072 : memref<1x800x64xf32, #tpu.memory_space<vmem>> -> memref<800x64xf32, #tpu.memory_space<vmem>>
        %get3A_1074 = arith.index_cast %add3A_1069 : i32 to index
        %get3A_1075 = arith.constant 48 : index
        %get3A_1076 = tpu.vector_load %get3A_1073[%get3A_1074, %get3A_1075] {strides = array<i32>} : memref<800x64xf32, #tpu.memory_space<vmem>>, vector<1x16xf32>,
        %get3A_1077 = vector.shape_cast %get3A_1076 : vector<1x16xf32> to vector<16xf32>
        %add3A_1078 = arith.constant 4 : i32
        %add3A_1079 = arith.addi %add3A_774, %add3A_1078 : i32
        %get3A_1080 = arith.constant 0 : i32
        %get3A_1081 = arith.constant 0 : i32
        %get3A_1082 = tpu.memref_slice %arg6[%scan3A_350, %get3A_1080, %get3A_1081] : memref<2x800x64xf32, #tpu.memory_space<vmem>> -> memref<1x800x64xf32, #tpu.memory_space<vmem>>
        %get3A_1083 = tpu.memref_squeeze %get3A_1082 : memref<1x800x64xf32, #tpu.memory_space<vmem>> -> memref<800x64xf32, #tpu.memory_space<vmem>>
        %get3A_1084 = arith.index_cast %add3A_1079 : i32 to index
        %get3A_1085 = arith.constant 48 : index
        %get3A_1086 = tpu.vector_load %get3A_1083[%get3A_1084, %get3A_1085] {strides = array<i32>} : memref<800x64xf32, #tpu.memory_space<vmem>>, vector<1x16xf32>,
        %get3A_1087 = vector.shape_cast %get3A_1086 : vector<1x16xf32> to vector<16xf32>
        %add3A_1088 = arith.constant 5 : i32
        %add3A_1089 = arith.addi %add3A_774, %add3A_1088 : i32
        %get3A_1090 = arith.constant 0 : i32
        %get3A_1091 = arith.constant 0 : i32
        %get3A_1092 = tpu.memref_slice %arg6[%scan3A_350, %get3A_1090, %get3A_1091] : memref<2x800x64xf32, #tpu.memory_space<vmem>> -> memref<1x800x64xf32, #tpu.memory_space<vmem>>
        %get3A_1093 = tpu.memref_squeeze %get3A_1092 : memref<1x800x64xf32, #tpu.memory_space<vmem>> -> memref<800x64xf32, #tpu.memory_space<vmem>>
        %get3A_1094 = arith.index_cast %add3A_1089 : i32 to index
        %get3A_1095 = arith.constant 48 : index
        %get3A_1096 = tpu.vector_load %get3A_1093[%get3A_1094, %get3A_1095] {strides = array<i32>} : memref<800x64xf32, #tpu.memory_space<vmem>>, vector<1x16xf32>,
        %get3A_1097 = vector.shape_cast %get3A_1096 : vector<1x16xf32> to vector<16xf32>
        %add3A_1098 = arith.constant 6 : i32
        %add3A_1099 = arith.addi %add3A_774, %add3A_1098 : i32
        %get3A_1100 = arith.constant 0 : i32
        %get3A_1101 = arith.constant 0 : i32
        %get3A_1102 = tpu.memref_slice %arg6[%scan3A_350, %get3A_1100, %get3A_1101] : memref<2x800x64xf32, #tpu.memory_space<vmem>> -> memref<1x800x64xf32, #tpu.memory_space<vmem>>
        %get3A_1103 = tpu.memref_squeeze %get3A_1102 : memref<1x800x64xf32, #tpu.memory_space<vmem>> -> memref<800x64xf32, #tpu.memory_space<vmem>>
        %get3A_1104 = arith.index_cast %add3A_1099 : i32 to index
        %get3A_1105 = arith.constant 48 : index
        %get3A_1106 = tpu.vector_load %get3A_1103[%get3A_1104, %get3A_1105] {strides = array<i32>} : memref<800x64xf32, #tpu.memory_space<vmem>>, vector<1x16xf32>,
        %get3A_1107 = vector.shape_cast %get3A_1106 : vector<1x16xf32> to vector<16xf32>
        %add3A_1108 = arith.constant 7 : i32
        %add3A_1109 = arith.addi %add3A_774, %add3A_1108 : i32
        %get3A_1110 = arith.constant 0 : i32
        %get3A_1111 = arith.constant 0 : i32
        %get3A_1112 = tpu.memref_slice %arg6[%scan3A_350, %get3A_1110, %get3A_1111] : memref<2x800x64xf32, #tpu.memory_space<vmem>> -> memref<1x800x64xf32, #tpu.memory_space<vmem>>
        %get3A_1113 = tpu.memref_squeeze %get3A_1112 : memref<1x800x64xf32, #tpu.memory_space<vmem>> -> memref<800x64xf32, #tpu.memory_space<vmem>>
        %get3A_1114 = arith.index_cast %add3A_1109 : i32 to index
        %get3A_1115 = arith.constant 48 : index
        %get3A_1116 = tpu.vector_load %get3A_1113[%get3A_1114, %get3A_1115] {strides = array<i32>} : memref<800x64xf32, #tpu.memory_space<vmem>>, vector<1x16xf32>,
        %get3A_1117 = vector.shape_cast %get3A_1116 : vector<1x16xf32> to vector<16xf32>
        %add3A_1118 = arith.addf %get3A_1047, %get3A_1057 : vector<16xf32>
        %add3A_1119 = arith.addf %get3A_1067, %get3A_1077 : vector<16xf32>
        %add3A_1120 = arith.addf %get3A_1087, %get3A_1097 : vector<16xf32>
        %add3A_1121 = arith.addf %get3A_1107, %get3A_1117 : vector<16xf32>
        %add3A_1122 = arith.addf %add3A_1118, %add3A_1119 : vector<16xf32>
        %add3A_1123 = arith.addf %add3A_1120, %add3A_1121 : vector<16xf32>
        %add3A_1124 = arith.addf %add3A_1122, %add3A_1123 : vector<16xf32>
        %add3A_1125 = arith.addf %scan3A_770, %add3A_1124 : vector<16xf32>
        scf.yield %add3A_861, %add3A_949, %add3A_1037, %add3A_1125 : vector<16xf32>, vector<16xf32>, vector<16xf32>, vector<16xf32>
      }
      %scan3A_356 = arith.constant 25 : i32
      %swap3A_357 = arith.constant 0 : i32
      %swap3A_358 = arith.constant 2 : i32
      %swap3A_359 = arith.constant 0 : i32
      %swap3A_360 = arith.constant 0 : i32
      %swap3A_361 = tpu.memref_slice %arg7[%swap3A_357, %swap3A_359, %swap3A_360] : memref<2x4x64xf32, #tpu.memory_space<vmem>> -> memref<1x4x64xf32, #tpu.memory_space<vmem>>
      %swap3A_362 = tpu.memref_squeeze %swap3A_361 : memref<1x4x64xf32, #tpu.memory_space<vmem>> -> memref<4x64xf32, #tpu.memory_space<vmem>>
      %swap3A_363 = arith.index_cast %swap3A_358 : i32 to index
      %swap3A_364 = arith.constant 0 : index
      %swap3A_365 = tpu.vector_load %swap3A_362[%swap3A_363, %swap3A_364] {strides = array<i32>} : memref<4x64xf32, #tpu.memory_space<vmem>>, vector<1x16xf32>,
      %swap3A_366 = vector.shape_cast %swap3A_365 : vector<1x16xf32> to vector<16xf32>
      %swap3A_367 = vector.shape_cast %scan3A_355#0 : vector<16xf32> to vector<1x16xf32>
      tpu.vector_store %swap3A_362[%swap3A_363, %swap3A_364], %swap3A_367 {strides = array<i32>} : memref<4x64xf32, #tpu.memory_space<vmem>>, vector<1x16xf32>,
      %swap3A_368 = arith.constant 0 : i32
      %swap3A_369 = arith.constant 2 : i32
      %swap3A_370 = arith.constant 0 : i32
      %swap3A_371 = arith.constant 0 : i32
      %swap3A_372 = tpu.memref_slice %arg7[%swap3A_368, %swap3A_370, %swap3A_371] : memref<2x4x64xf32, #tpu.memory_space<vmem>> -> memref<1x4x64xf32, #tpu.memory_space<vmem>>
      %swap3A_373 = tpu.memref_squeeze %swap3A_372 : memref<1x4x64xf32, #tpu.memory_space<vmem>> -> memref<4x64xf32, #tpu.memory_space<vmem>>
      %swap3A_374 = arith.index_cast %swap3A_369 : i32 to index
      %swap3A_375 = arith.constant 16 : index
      %swap3A_376 = tpu.vector_load %swap3A_373[%swap3A_374, %swap3A_375] {strides = array<i32>} : memref<4x64xf32, #tpu.memory_space<vmem>>, vector<1x16xf32>,
      %swap3A_377 = vector.shape_cast %swap3A_376 : vector<1x16xf32> to vector<16xf32>
      %swap3A_378 = vector.shape_cast %scan3A_355#1 : vector<16xf32> to vector<1x16xf32>
      tpu.vector_store %swap3A_373[%swap3A_374, %swap3A_375], %swap3A_378 {strides = array<i32>} : memref<4x64xf32, #tpu.memory_space<vmem>>, vector<1x16xf32>,
      %swap3A_379 = arith.constant 0 : i32
      %swap3A_380 = arith.constant 2 : i32
      %swap3A_381 = arith.constant 0 : i32
      %swap3A_382 = arith.constant 0 : i32
      %swap3A_383 = tpu.memref_slice %arg7[%swap3A_379, %swap3A_381, %swap3A_382] : memref<2x4x64xf32, #tpu.memory_space<vmem>> -> memref<1x4x64xf32, #tpu.memory_space<vmem>>
      %swap3A_384 = tpu.memref_squeeze %swap3A_383 : memref<1x4x64xf32, #tpu.memory_space<vmem>> -> memref<4x64xf32, #tpu.memory_space<vmem>>
      %swap3A_385 = arith.index_cast %swap3A_380 : i32 to index
      %swap3A_386 = arith.constant 32 : index
      %swap3A_387 = tpu.vector_load %swap3A_384[%swap3A_385, %swap3A_386] {strides = array<i32>} : memref<4x64xf32, #tpu.memory_space<vmem>>, vector<1x16xf32>,
      %swap3A_388 = vector.shape_cast %swap3A_387 : vector<1x16xf32> to vector<16xf32>
      %swap3A_389 = vector.shape_cast %scan3A_355#2 : vector<16xf32> to vector<1x16xf32>
      tpu.vector_store %swap3A_384[%swap3A_385, %swap3A_386], %swap3A_389 {strides = array<i32>} : memref<4x64xf32, #tpu.memory_space<vmem>>, vector<1x16xf32>,
      %swap3A_390 = arith.constant 0 : i32
      %swap3A_391 = arith.constant 2 : i32
      %swap3A_392 = arith.constant 0 : i32
      %swap3A_393 = arith.constant 0 : i32
      %swap3A_394 = tpu.memref_slice %arg7[%swap3A_390, %swap3A_392, %swap3A_393] : memref<2x4x64xf32, #tpu.memory_space<vmem>> -> memref<1x4x64xf32, #tpu.memory_space<vmem>>
      %swap3A_395 = tpu.memref_squeeze %swap3A_394 : memref<1x4x64xf32, #tpu.memory_space<vmem>> -> memref<4x64xf32, #tpu.memory_space<vmem>>
      %swap3A_396 = arith.index_cast %swap3A_391 : i32 to index
      %swap3A_397 = arith.constant 48 : index
      %swap3A_398 = tpu.vector_load %swap3A_395[%swap3A_396, %swap3A_397] {strides = array<i32>} : memref<4x64xf32, #tpu.memory_space<vmem>>, vector<1x16xf32>,
      %swap3A_399 = vector.shape_cast %swap3A_398 : vector<1x16xf32> to vector<16xf32>
      %swap3A_400 = vector.shape_cast %scan3A_355#3 : vector<16xf32> to vector<1x16xf32>
      tpu.vector_store %swap3A_395[%swap3A_396, %swap3A_397], %swap3A_400 {strides = array<i32>} : memref<4x64xf32, #tpu.memory_space<vmem>>, vector<1x16xf32>,
      %broadcast_in_dim3A_401 = arith.constant 0.000000e+00 : f32
      %broadcast_in_dim3A_402 = vector.broadcast %broadcast_in_dim3A_401 : f32 to vector<16xf32>
      %broadcast_in_dim3A_403 = arith.constant 0.000000e+00 : f32
      %broadcast_in_dim3A_404 = vector.broadcast %broadcast_in_dim3A_403 : f32 to vector<16xf32>
      %broadcast_in_dim3A_405 = arith.constant 0.000000e+00 : f32
      %broadcast_in_dim3A_406 = vector.broadcast %broadcast_in_dim3A_405 : f32 to vector<16xf32>
      %broadcast_in_dim3A_407 = arith.constant 0.000000e+00 : f32
      %broadcast_in_dim3A_408 = vector.broadcast %broadcast_in_dim3A_407 : f32 to vector<16xf32>
      %scan3A_409 = arith.constant 0 : i32
      %scan3A_410 = arith.constant 0 : i32
      %scan3A_411 = arith.constant 25 : i32
      %scan3A_412 = arith.addi %scan3A_410, %scan3A_411 : i32
      %scan3A_413 = arith.constant 1 : i32
      %scan3A_414:4 = scf.for %scan3A_766 = %scan3A_410 to %scan3A_412 step %scan3A_413 iter_args(%scan3A_767 = %broadcast_in_dim3A_402, %scan3A_768 = %broadcast_in_dim3A_404, %scan3A_769 = %broadcast_in_dim3A_406, %scan3A_770 = %broadcast_in_dim3A_408) -> (vector<16xf32>, vector<16xf32>, vector<16xf32>, vector<16xf32>)  : i32 {
        %mul3A_771 = arith.constant 8 : i32
        %mul3A_772 = arith.muli %scan3A_766, %mul3A_771 : i32
        %add3A_773 = arith.constant 600 : i32
        %add3A_774 = arith.addi %add3A_773, %mul3A_772 : i32
        %add3A_775 = arith.constant 0 : i32
        %add3A_776 = arith.addi %add3A_774, %add3A_775 : i32
        %get3A = arith.constant 0 : i32
        %get3A_777 = arith.constant 0 : i32
        %get3A_778 = tpu.memref_slice %arg6[%scan3A_409, %get3A, %get3A_777] : memref<2x800x64xf32, #tpu.memory_space<vmem>> -> memref<1x800x64xf32, #tpu.memory_space<vmem>>
        %get3A_779 = tpu.memref_squeeze %get3A_778 : memref<1x800x64xf32, #tpu.memory_space<vmem>> -> memref<800x64xf32, #tpu.memory_space<vmem>>
        %get3A_780 = arith.index_cast %add3A_776 : i32 to index
        %get3A_781 = arith.constant 0 : index
        %get3A_782 = tpu.vector_load %get3A_779[%get3A_780, %get3A_781] {strides = array<i32>} : memref<800x64xf32, #tpu.memory_space<vmem>>, vector<1x16xf32>,
        %get3A_783 = vector.shape_cast %get3A_782 : vector<1x16xf32> to vector<16xf32>
        %add3A_784 = arith.constant 1 : i32
        %add3A_785 = arith.addi %add3A_774, %add3A_784 : i32
        %get3A_786 = arith.constant 0 : i32
        %get3A_787 = arith.constant 0 : i32
        %get3A_788 = tpu.memref_slice %arg6[%scan3A_409, %get3A_786, %get3A_787] : memref<2x800x64xf32, #tpu.memory_space<vmem>> -> memref<1x800x64xf32, #tpu.memory_space<vmem>>
        %get3A_789 = tpu.memref_squeeze %get3A_788 : memref<1x800x64xf32, #tpu.memory_space<vmem>> -> memref<800x64xf32, #tpu.memory_space<vmem>>
        %get3A_790 = arith.index_cast %add3A_785 : i32 to index
        %get3A_791 = arith.constant 0 : index
        %get3A_792 = tpu.vector_load %get3A_789[%get3A_790, %get3A_791] {strides = array<i32>} : memref<800x64xf32, #tpu.memory_space<vmem>>, vector<1x16xf32>,
        %get3A_793 = vector.shape_cast %get3A_792 : vector<1x16xf32> to vector<16xf32>
        %add3A_794 = arith.constant 2 : i32
        %add3A_795 = arith.addi %add3A_774, %add3A_794 : i32
        %get3A_796 = arith.constant 0 : i32
        %get3A_797 = arith.constant 0 : i32
        %get3A_798 = tpu.memref_slice %arg6[%scan3A_409, %get3A_796, %get3A_797] : memref<2x800x64xf32, #tpu.memory_space<vmem>> -> memref<1x800x64xf32, #tpu.memory_space<vmem>>
        %get3A_799 = tpu.memref_squeeze %get3A_798 : memref<1x800x64xf32, #tpu.memory_space<vmem>> -> memref<800x64xf32, #tpu.memory_space<vmem>>
        %get3A_800 = arith.index_cast %add3A_795 : i32 to index
        %get3A_801 = arith.constant 0 : index
        %get3A_802 = tpu.vector_load %get3A_799[%get3A_800, %get3A_801] {strides = array<i32>} : memref<800x64xf32, #tpu.memory_space<vmem>>, vector<1x16xf32>,
        %get3A_803 = vector.shape_cast %get3A_802 : vector<1x16xf32> to vector<16xf32>
        %add3A_804 = arith.constant 3 : i32
        %add3A_805 = arith.addi %add3A_774, %add3A_804 : i32
        %get3A_806 = arith.constant 0 : i32
        %get3A_807 = arith.constant 0 : i32
        %get3A_808 = tpu.memref_slice %arg6[%scan3A_409, %get3A_806, %get3A_807] : memref<2x800x64xf32, #tpu.memory_space<vmem>> -> memref<1x800x64xf32, #tpu.memory_space<vmem>>
        %get3A_809 = tpu.memref_squeeze %get3A_808 : memref<1x800x64xf32, #tpu.memory_space<vmem>> -> memref<800x64xf32, #tpu.memory_space<vmem>>
        %get3A_810 = arith.index_cast %add3A_805 : i32 to index
        %get3A_811 = arith.constant 0 : index
        %get3A_812 = tpu.vector_load %get3A_809[%get3A_810, %get3A_811] {strides = array<i32>} : memref<800x64xf32, #tpu.memory_space<vmem>>, vector<1x16xf32>,
        %get3A_813 = vector.shape_cast %get3A_812 : vector<1x16xf32> to vector<16xf32>
        %add3A_814 = arith.constant 4 : i32
        %add3A_815 = arith.addi %add3A_774, %add3A_814 : i32
        %get3A_816 = arith.constant 0 : i32
        %get3A_817 = arith.constant 0 : i32
        %get3A_818 = tpu.memref_slice %arg6[%scan3A_409, %get3A_816, %get3A_817] : memref<2x800x64xf32, #tpu.memory_space<vmem>> -> memref<1x800x64xf32, #tpu.memory_space<vmem>>
        %get3A_819 = tpu.memref_squeeze %get3A_818 : memref<1x800x64xf32, #tpu.memory_space<vmem>> -> memref<800x64xf32, #tpu.memory_space<vmem>>
        %get3A_820 = arith.index_cast %add3A_815 : i32 to index
        %get3A_821 = arith.constant 0 : index
        %get3A_822 = tpu.vector_load %get3A_819[%get3A_820, %get3A_821] {strides = array<i32>} : memref<800x64xf32, #tpu.memory_space<vmem>>, vector<1x16xf32>,
        %get3A_823 = vector.shape_cast %get3A_822 : vector<1x16xf32> to vector<16xf32>
        %add3A_824 = arith.constant 5 : i32
        %add3A_825 = arith.addi %add3A_774, %add3A_824 : i32
        %get3A_826 = arith.constant 0 : i32
        %get3A_827 = arith.constant 0 : i32
        %get3A_828 = tpu.memref_slice %arg6[%scan3A_409, %get3A_826, %get3A_827] : memref<2x800x64xf32, #tpu.memory_space<vmem>> -> memref<1x800x64xf32, #tpu.memory_space<vmem>>
        %get3A_829 = tpu.memref_squeeze %get3A_828 : memref<1x800x64xf32, #tpu.memory_space<vmem>> -> memref<800x64xf32, #tpu.memory_space<vmem>>
        %get3A_830 = arith.index_cast %add3A_825 : i32 to index
        %get3A_831 = arith.constant 0 : index
        %get3A_832 = tpu.vector_load %get3A_829[%get3A_830, %get3A_831] {strides = array<i32>} : memref<800x64xf32, #tpu.memory_space<vmem>>, vector<1x16xf32>,
        %get3A_833 = vector.shape_cast %get3A_832 : vector<1x16xf32> to vector<16xf32>
        %add3A_834 = arith.constant 6 : i32
        %add3A_835 = arith.addi %add3A_774, %add3A_834 : i32
        %get3A_836 = arith.constant 0 : i32
        %get3A_837 = arith.constant 0 : i32
        %get3A_838 = tpu.memref_slice %arg6[%scan3A_409, %get3A_836, %get3A_837] : memref<2x800x64xf32, #tpu.memory_space<vmem>> -> memref<1x800x64xf32, #tpu.memory_space<vmem>>
        %get3A_839 = tpu.memref_squeeze %get3A_838 : memref<1x800x64xf32, #tpu.memory_space<vmem>> -> memref<800x64xf32, #tpu.memory_space<vmem>>
        %get3A_840 = arith.index_cast %add3A_835 : i32 to index
        %get3A_841 = arith.constant 0 : index
        %get3A_842 = tpu.vector_load %get3A_839[%get3A_840, %get3A_841] {strides = array<i32>} : memref<800x64xf32, #tpu.memory_space<vmem>>, vector<1x16xf32>,
        %get3A_843 = vector.shape_cast %get3A_842 : vector<1x16xf32> to vector<16xf32>
        %add3A_844 = arith.constant 7 : i32
        %add3A_845 = arith.addi %add3A_774, %add3A_844 : i32
        %get3A_846 = arith.constant 0 : i32
        %get3A_847 = arith.constant 0 : i32
        %get3A_848 = tpu.memref_slice %arg6[%scan3A_409, %get3A_846, %get3A_847] : memref<2x800x64xf32, #tpu.memory_space<vmem>> -> memref<1x800x64xf32, #tpu.memory_space<vmem>>
        %get3A_849 = tpu.memref_squeeze %get3A_848 : memref<1x800x64xf32, #tpu.memory_space<vmem>> -> memref<800x64xf32, #tpu.memory_space<vmem>>
        %get3A_850 = arith.index_cast %add3A_845 : i32 to index
        %get3A_851 = arith.constant 0 : index
        %get3A_852 = tpu.vector_load %get3A_849[%get3A_850, %get3A_851] {strides = array<i32>} : memref<800x64xf32, #tpu.memory_space<vmem>>, vector<1x16xf32>,
        %get3A_853 = vector.shape_cast %get3A_852 : vector<1x16xf32> to vector<16xf32>
        %add3A_854 = arith.addf %get3A_783, %get3A_793 : vector<16xf32>
        %add3A_855 = arith.addf %get3A_803, %get3A_813 : vector<16xf32>
        %add3A_856 = arith.addf %get3A_823, %get3A_833 : vector<16xf32>
        %add3A_857 = arith.addf %get3A_843, %get3A_853 : vector<16xf32>
        %add3A_858 = arith.addf %add3A_854, %add3A_855 : vector<16xf32>
        %add3A_859 = arith.addf %add3A_856, %add3A_857 : vector<16xf32>
        %add3A_860 = arith.addf %add3A_858, %add3A_859 : vector<16xf32>
        %add3A_861 = arith.addf %scan3A_767, %add3A_860 : vector<16xf32>
        %add3A_862 = arith.constant 0 : i32
        %add3A_863 = arith.addi %add3A_774, %add3A_862 : i32
        %get3A_864 = arith.constant 0 : i32
        %get3A_865 = arith.constant 0 : i32
        %get3A_866 = tpu.memref_slice %arg6[%scan3A_409, %get3A_864, %get3A_865] : memref<2x800x64xf32, #tpu.memory_space<vmem>> -> memref<1x800x64xf32, #tpu.memory_space<vmem>>
        %get3A_867 = tpu.memref_squeeze %get3A_866 : memref<1x800x64xf32, #tpu.memory_space<vmem>> -> memref<800x64xf32, #tpu.memory_space<vmem>>
        %get3A_868 = arith.index_cast %add3A_863 : i32 to index
        %get3A_869 = arith.constant 16 : index
        %get3A_870 = tpu.vector_load %get3A_867[%get3A_868, %get3A_869] {strides = array<i32>} : memref<800x64xf32, #tpu.memory_space<vmem>>, vector<1x16xf32>,
        %get3A_871 = vector.shape_cast %get3A_870 : vector<1x16xf32> to vector<16xf32>
        %add3A_872 = arith.constant 1 : i32
        %add3A_873 = arith.addi %add3A_774, %add3A_872 : i32
        %get3A_874 = arith.constant 0 : i32
        %get3A_875 = arith.constant 0 : i32
        %get3A_876 = tpu.memref_slice %arg6[%scan3A_409, %get3A_874, %get3A_875] : memref<2x800x64xf32, #tpu.memory_space<vmem>> -> memref<1x800x64xf32, #tpu.memory_space<vmem>>
        %get3A_877 = tpu.memref_squeeze %get3A_876 : memref<1x800x64xf32, #tpu.memory_space<vmem>> -> memref<800x64xf32, #tpu.memory_space<vmem>>
        %get3A_878 = arith.index_cast %add3A_873 : i32 to index
        %get3A_879 = arith.constant 16 : index
        %get3A_880 = tpu.vector_load %get3A_877[%get3A_878, %get3A_879] {strides = array<i32>} : memref<800x64xf32, #tpu.memory_space<vmem>>, vector<1x16xf32>,
        %get3A_881 = vector.shape_cast %get3A_880 : vector<1x16xf32> to vector<16xf32>
        %add3A_882 = arith.constant 2 : i32
        %add3A_883 = arith.addi %add3A_774, %add3A_882 : i32
        %get3A_884 = arith.constant 0 : i32
        %get3A_885 = arith.constant 0 : i32
        %get3A_886 = tpu.memref_slice %arg6[%scan3A_409, %get3A_884, %get3A_885] : memref<2x800x64xf32, #tpu.memory_space<vmem>> -> memref<1x800x64xf32, #tpu.memory_space<vmem>>
        %get3A_887 = tpu.memref_squeeze %get3A_886 : memref<1x800x64xf32, #tpu.memory_space<vmem>> -> memref<800x64xf32, #tpu.memory_space<vmem>>
        %get3A_888 = arith.index_cast %add3A_883 : i32 to index
        %get3A_889 = arith.constant 16 : index
        %get3A_890 = tpu.vector_load %get3A_887[%get3A_888, %get3A_889] {strides = array<i32>} : memref<800x64xf32, #tpu.memory_space<vmem>>, vector<1x16xf32>,
        %get3A_891 = vector.shape_cast %get3A_890 : vector<1x16xf32> to vector<16xf32>
        %add3A_892 = arith.constant 3 : i32
        %add3A_893 = arith.addi %add3A_774, %add3A_892 : i32
        %get3A_894 = arith.constant 0 : i32
        %get3A_895 = arith.constant 0 : i32
        %get3A_896 = tpu.memref_slice %arg6[%scan3A_409, %get3A_894, %get3A_895] : memref<2x800x64xf32, #tpu.memory_space<vmem>> -> memref<1x800x64xf32, #tpu.memory_space<vmem>>
        %get3A_897 = tpu.memref_squeeze %get3A_896 : memref<1x800x64xf32, #tpu.memory_space<vmem>> -> memref<800x64xf32, #tpu.memory_space<vmem>>
        %get3A_898 = arith.index_cast %add3A_893 : i32 to index
        %get3A_899 = arith.constant 16 : index
        %get3A_900 = tpu.vector_load %get3A_897[%get3A_898, %get3A_899] {strides = array<i32>} : memref<800x64xf32, #tpu.memory_space<vmem>>, vector<1x16xf32>,
        %get3A_901 = vector.shape_cast %get3A_900 : vector<1x16xf32> to vector<16xf32>
        %add3A_902 = arith.constant 4 : i32
        %add3A_903 = arith.addi %add3A_774, %add3A_902 : i32
        %get3A_904 = arith.constant 0 : i32
        %get3A_905 = arith.constant 0 : i32
        %get3A_906 = tpu.memref_slice %arg6[%scan3A_409, %get3A_904, %get3A_905] : memref<2x800x64xf32, #tpu.memory_space<vmem>> -> memref<1x800x64xf32, #tpu.memory_space<vmem>>
        %get3A_907 = tpu.memref_squeeze %get3A_906 : memref<1x800x64xf32, #tpu.memory_space<vmem>> -> memref<800x64xf32, #tpu.memory_space<vmem>>
        %get3A_908 = arith.index_cast %add3A_903 : i32 to index
        %get3A_909 = arith.constant 16 : index
        %get3A_910 = tpu.vector_load %get3A_907[%get3A_908, %get3A_909] {strides = array<i32>} : memref<800x64xf32, #tpu.memory_space<vmem>>, vector<1x16xf32>,
        %get3A_911 = vector.shape_cast %get3A_910 : vector<1x16xf32> to vector<16xf32>
        %add3A_912 = arith.constant 5 : i32
        %add3A_913 = arith.addi %add3A_774, %add3A_912 : i32
        %get3A_914 = arith.constant 0 : i32
        %get3A_915 = arith.constant 0 : i32
        %get3A_916 = tpu.memref_slice %arg6[%scan3A_409, %get3A_914, %get3A_915] : memref<2x800x64xf32, #tpu.memory_space<vmem>> -> memref<1x800x64xf32, #tpu.memory_space<vmem>>
        %get3A_917 = tpu.memref_squeeze %get3A_916 : memref<1x800x64xf32, #tpu.memory_space<vmem>> -> memref<800x64xf32, #tpu.memory_space<vmem>>
        %get3A_918 = arith.index_cast %add3A_913 : i32 to index
        %get3A_919 = arith.constant 16 : index
        %get3A_920 = tpu.vector_load %get3A_917[%get3A_918, %get3A_919] {strides = array<i32>} : memref<800x64xf32, #tpu.memory_space<vmem>>, vector<1x16xf32>,
        %get3A_921 = vector.shape_cast %get3A_920 : vector<1x16xf32> to vector<16xf32>
        %add3A_922 = arith.constant 6 : i32
        %add3A_923 = arith.addi %add3A_774, %add3A_922 : i32
        %get3A_924 = arith.constant 0 : i32
        %get3A_925 = arith.constant 0 : i32
        %get3A_926 = tpu.memref_slice %arg6[%scan3A_409, %get3A_924, %get3A_925] : memref<2x800x64xf32, #tpu.memory_space<vmem>> -> memref<1x800x64xf32, #tpu.memory_space<vmem>>
        %get3A_927 = tpu.memref_squeeze %get3A_926 : memref<1x800x64xf32, #tpu.memory_space<vmem>> -> memref<800x64xf32, #tpu.memory_space<vmem>>
        %get3A_928 = arith.index_cast %add3A_923 : i32 to index
        %get3A_929 = arith.constant 16 : index
        %get3A_930 = tpu.vector_load %get3A_927[%get3A_928, %get3A_929] {strides = array<i32>} : memref<800x64xf32, #tpu.memory_space<vmem>>, vector<1x16xf32>,
        %get3A_931 = vector.shape_cast %get3A_930 : vector<1x16xf32> to vector<16xf32>
        %add3A_932 = arith.constant 7 : i32
        %add3A_933 = arith.addi %add3A_774, %add3A_932 : i32
        %get3A_934 = arith.constant 0 : i32
        %get3A_935 = arith.constant 0 : i32
        %get3A_936 = tpu.memref_slice %arg6[%scan3A_409, %get3A_934, %get3A_935] : memref<2x800x64xf32, #tpu.memory_space<vmem>> -> memref<1x800x64xf32, #tpu.memory_space<vmem>>
        %get3A_937 = tpu.memref_squeeze %get3A_936 : memref<1x800x64xf32, #tpu.memory_space<vmem>> -> memref<800x64xf32, #tpu.memory_space<vmem>>
        %get3A_938 = arith.index_cast %add3A_933 : i32 to index
        %get3A_939 = arith.constant 16 : index
        %get3A_940 = tpu.vector_load %get3A_937[%get3A_938, %get3A_939] {strides = array<i32>} : memref<800x64xf32, #tpu.memory_space<vmem>>, vector<1x16xf32>,
        %get3A_941 = vector.shape_cast %get3A_940 : vector<1x16xf32> to vector<16xf32>
        %add3A_942 = arith.addf %get3A_871, %get3A_881 : vector<16xf32>
        %add3A_943 = arith.addf %get3A_891, %get3A_901 : vector<16xf32>
        %add3A_944 = arith.addf %get3A_911, %get3A_921 : vector<16xf32>
        %add3A_945 = arith.addf %get3A_931, %get3A_941 : vector<16xf32>
        %add3A_946 = arith.addf %add3A_942, %add3A_943 : vector<16xf32>
        %add3A_947 = arith.addf %add3A_944, %add3A_945 : vector<16xf32>
        %add3A_948 = arith.addf %add3A_946, %add3A_947 : vector<16xf32>
        %add3A_949 = arith.addf %scan3A_768, %add3A_948 : vector<16xf32>
        %add3A_950 = arith.constant 0 : i32
        %add3A_951 = arith.addi %add3A_774, %add3A_950 : i32
        %get3A_952 = arith.constant 0 : i32
        %get3A_953 = arith.constant 0 : i32
        %get3A_954 = tpu.memref_slice %arg6[%scan3A_409, %get3A_952, %get3A_953] : memref<2x800x64xf32, #tpu.memory_space<vmem>> -> memref<1x800x64xf32, #tpu.memory_space<vmem>>
        %get3A_955 = tpu.memref_squeeze %get3A_954 : memref<1x800x64xf32, #tpu.memory_space<vmem>> -> memref<800x64xf32, #tpu.memory_space<vmem>>
        %get3A_956 = arith.index_cast %add3A_951 : i32 to index
        %get3A_957 = arith.constant 32 : index
        %get3A_958 = tpu.vector_load %get3A_955[%get3A_956, %get3A_957] {strides = array<i32>} : memref<800x64xf32, #tpu.memory_space<vmem>>, vector<1x16xf32>,
        %get3A_959 = vector.shape_cast %get3A_958 : vector<1x16xf32> to vector<16xf32>
        %add3A_960 = arith.constant 1 : i32
        %add3A_961 = arith.addi %add3A_774, %add3A_960 : i32
        %get3A_962 = arith.constant 0 : i32
        %get3A_963 = arith.constant 0 : i32
        %get3A_964 = tpu.memref_slice %arg6[%scan3A_409, %get3A_962, %get3A_963] : memref<2x800x64xf32, #tpu.memory_space<vmem>> -> memref<1x800x64xf32, #tpu.memory_space<vmem>>
        %get3A_965 = tpu.memref_squeeze %get3A_964 : memref<1x800x64xf32, #tpu.memory_space<vmem>> -> memref<800x64xf32, #tpu.memory_space<vmem>>
        %get3A_966 = arith.index_cast %add3A_961 : i32 to index
        %get3A_967 = arith.constant 32 : index
        %get3A_968 = tpu.vector_load %get3A_965[%get3A_966, %get3A_967] {strides = array<i32>} : memref<800x64xf32, #tpu.memory_space<vmem>>, vector<1x16xf32>,
        %get3A_969 = vector.shape_cast %get3A_968 : vector<1x16xf32> to vector<16xf32>
        %add3A_970 = arith.constant 2 : i32
        %add3A_971 = arith.addi %add3A_774, %add3A_970 : i32
        %get3A_972 = arith.constant 0 : i32
        %get3A_973 = arith.constant 0 : i32
        %get3A_974 = tpu.memref_slice %arg6[%scan3A_409, %get3A_972, %get3A_973] : memref<2x800x64xf32, #tpu.memory_space<vmem>> -> memref<1x800x64xf32, #tpu.memory_space<vmem>>
        %get3A_975 = tpu.memref_squeeze %get3A_974 : memref<1x800x64xf32, #tpu.memory_space<vmem>> -> memref<800x64xf32, #tpu.memory_space<vmem>>
        %get3A_976 = arith.index_cast %add3A_971 : i32 to index
        %get3A_977 = arith.constant 32 : index
        %get3A_978 = tpu.vector_load %get3A_975[%get3A_976, %get3A_977] {strides = array<i32>} : memref<800x64xf32, #tpu.memory_space<vmem>>, vector<1x16xf32>,
        %get3A_979 = vector.shape_cast %get3A_978 : vector<1x16xf32> to vector<16xf32>
        %add3A_980 = arith.constant 3 : i32
        %add3A_981 = arith.addi %add3A_774, %add3A_980 : i32
        %get3A_982 = arith.constant 0 : i32
        %get3A_983 = arith.constant 0 : i32
        %get3A_984 = tpu.memref_slice %arg6[%scan3A_409, %get3A_982, %get3A_983] : memref<2x800x64xf32, #tpu.memory_space<vmem>> -> memref<1x800x64xf32, #tpu.memory_space<vmem>>
        %get3A_985 = tpu.memref_squeeze %get3A_984 : memref<1x800x64xf32, #tpu.memory_space<vmem>> -> memref<800x64xf32, #tpu.memory_space<vmem>>
        %get3A_986 = arith.index_cast %add3A_981 : i32 to index
        %get3A_987 = arith.constant 32 : index
        %get3A_988 = tpu.vector_load %get3A_985[%get3A_986, %get3A_987] {strides = array<i32>} : memref<800x64xf32, #tpu.memory_space<vmem>>, vector<1x16xf32>,
        %get3A_989 = vector.shape_cast %get3A_988 : vector<1x16xf32> to vector<16xf32>
        %add3A_990 = arith.constant 4 : i32
        %add3A_991 = arith.addi %add3A_774, %add3A_990 : i32
        %get3A_992 = arith.constant 0 : i32
        %get3A_993 = arith.constant 0 : i32
        %get3A_994 = tpu.memref_slice %arg6[%scan3A_409, %get3A_992, %get3A_993] : memref<2x800x64xf32, #tpu.memory_space<vmem>> -> memref<1x800x64xf32, #tpu.memory_space<vmem>>
        %get3A_995 = tpu.memref_squeeze %get3A_994 : memref<1x800x64xf32, #tpu.memory_space<vmem>> -> memref<800x64xf32, #tpu.memory_space<vmem>>
        %get3A_996 = arith.index_cast %add3A_991 : i32 to index
        %get3A_997 = arith.constant 32 : index
        %get3A_998 = tpu.vector_load %get3A_995[%get3A_996, %get3A_997] {strides = array<i32>} : memref<800x64xf32, #tpu.memory_space<vmem>>, vector<1x16xf32>,
        %get3A_999 = vector.shape_cast %get3A_998 : vector<1x16xf32> to vector<16xf32>
        %add3A_1000 = arith.constant 5 : i32
        %add3A_1001 = arith.addi %add3A_774, %add3A_1000 : i32
        %get3A_1002 = arith.constant 0 : i32
        %get3A_1003 = arith.constant 0 : i32
        %get3A_1004 = tpu.memref_slice %arg6[%scan3A_409, %get3A_1002, %get3A_1003] : memref<2x800x64xf32, #tpu.memory_space<vmem>> -> memref<1x800x64xf32, #tpu.memory_space<vmem>>
        %get3A_1005 = tpu.memref_squeeze %get3A_1004 : memref<1x800x64xf32, #tpu.memory_space<vmem>> -> memref<800x64xf32, #tpu.memory_space<vmem>>
        %get3A_1006 = arith.index_cast %add3A_1001 : i32 to index
        %get3A_1007 = arith.constant 32 : index
        %get3A_1008 = tpu.vector_load %get3A_1005[%get3A_1006, %get3A_1007] {strides = array<i32>} : memref<800x64xf32, #tpu.memory_space<vmem>>, vector<1x16xf32>,
        %get3A_1009 = vector.shape_cast %get3A_1008 : vector<1x16xf32> to vector<16xf32>
        %add3A_1010 = arith.constant 6 : i32
        %add3A_1011 = arith.addi %add3A_774, %add3A_1010 : i32
        %get3A_1012 = arith.constant 0 : i32
        %get3A_1013 = arith.constant 0 : i32
        %get3A_1014 = tpu.memref_slice %arg6[%scan3A_409, %get3A_1012, %get3A_1013] : memref<2x800x64xf32, #tpu.memory_space<vmem>> -> memref<1x800x64xf32, #tpu.memory_space<vmem>>
        %get3A_1015 = tpu.memref_squeeze %get3A_1014 : memref<1x800x64xf32, #tpu.memory_space<vmem>> -> memref<800x64xf32, #tpu.memory_space<vmem>>
        %get3A_1016 = arith.index_cast %add3A_1011 : i32 to index
        %get3A_1017 = arith.constant 32 : index
        %get3A_1018 = tpu.vector_load %get3A_1015[%get3A_1016, %get3A_1017] {strides = array<i32>} : memref<800x64xf32, #tpu.memory_space<vmem>>, vector<1x16xf32>,
        %get3A_1019 = vector.shape_cast %get3A_1018 : vector<1x16xf32> to vector<16xf32>
        %add3A_1020 = arith.constant 7 : i32
        %add3A_1021 = arith.addi %add3A_774, %add3A_1020 : i32
        %get3A_1022 = arith.constant 0 : i32
        %get3A_1023 = arith.constant 0 : i32
        %get3A_1024 = tpu.memref_slice %arg6[%scan3A_409, %get3A_1022, %get3A_1023] : memref<2x800x64xf32, #tpu.memory_space<vmem>> -> memref<1x800x64xf32, #tpu.memory_space<vmem>>
        %get3A_1025 = tpu.memref_squeeze %get3A_1024 : memref<1x800x64xf32, #tpu.memory_space<vmem>> -> memref<800x64xf32, #tpu.memory_space<vmem>>
        %get3A_1026 = arith.index_cast %add3A_1021 : i32 to index
        %get3A_1027 = arith.constant 32 : index
        %get3A_1028 = tpu.vector_load %get3A_1025[%get3A_1026, %get3A_1027] {strides = array<i32>} : memref<800x64xf32, #tpu.memory_space<vmem>>, vector<1x16xf32>,
        %get3A_1029 = vector.shape_cast %get3A_1028 : vector<1x16xf32> to vector<16xf32>
        %add3A_1030 = arith.addf %get3A_959, %get3A_969 : vector<16xf32>
        %add3A_1031 = arith.addf %get3A_979, %get3A_989 : vector<16xf32>
        %add3A_1032 = arith.addf %get3A_999, %get3A_1009 : vector<16xf32>
        %add3A_1033 = arith.addf %get3A_1019, %get3A_1029 : vector<16xf32>
        %add3A_1034 = arith.addf %add3A_1030, %add3A_1031 : vector<16xf32>
        %add3A_1035 = arith.addf %add3A_1032, %add3A_1033 : vector<16xf32>
        %add3A_1036 = arith.addf %add3A_1034, %add3A_1035 : vector<16xf32>
        %add3A_1037 = arith.addf %scan3A_769, %add3A_1036 : vector<16xf32>
        %add3A_1038 = arith.constant 0 : i32
        %add3A_1039 = arith.addi %add3A_774, %add3A_1038 : i32
        %get3A_1040 = arith.constant 0 : i32
        %get3A_1041 = arith.constant 0 : i32
        %get3A_1042 = tpu.memref_slice %arg6[%scan3A_409, %get3A_1040, %get3A_1041] : memref<2x800x64xf32, #tpu.memory_space<vmem>> -> memref<1x800x64xf32, #tpu.memory_space<vmem>>
        %get3A_1043 = tpu.memref_squeeze %get3A_1042 : memref<1x800x64xf32, #tpu.memory_space<vmem>> -> memref<800x64xf32, #tpu.memory_space<vmem>>
        %get3A_1044 = arith.index_cast %add3A_1039 : i32 to index
        %get3A_1045 = arith.constant 48 : index
        %get3A_1046 = tpu.vector_load %get3A_1043[%get3A_1044, %get3A_1045] {strides = array<i32>} : memref<800x64xf32, #tpu.memory_space<vmem>>, vector<1x16xf32>,
        %get3A_1047 = vector.shape_cast %get3A_1046 : vector<1x16xf32> to vector<16xf32>
        %add3A_1048 = arith.constant 1 : i32
        %add3A_1049 = arith.addi %add3A_774, %add3A_1048 : i32
        %get3A_1050 = arith.constant 0 : i32
        %get3A_1051 = arith.constant 0 : i32
        %get3A_1052 = tpu.memref_slice %arg6[%scan3A_409, %get3A_1050, %get3A_1051] : memref<2x800x64xf32, #tpu.memory_space<vmem>> -> memref<1x800x64xf32, #tpu.memory_space<vmem>>
        %get3A_1053 = tpu.memref_squeeze %get3A_1052 : memref<1x800x64xf32, #tpu.memory_space<vmem>> -> memref<800x64xf32, #tpu.memory_space<vmem>>
        %get3A_1054 = arith.index_cast %add3A_1049 : i32 to index
        %get3A_1055 = arith.constant 48 : index
        %get3A_1056 = tpu.vector_load %get3A_1053[%get3A_1054, %get3A_1055] {strides = array<i32>} : memref<800x64xf32, #tpu.memory_space<vmem>>, vector<1x16xf32>,
        %get3A_1057 = vector.shape_cast %get3A_1056 : vector<1x16xf32> to vector<16xf32>
        %add3A_1058 = arith.constant 2 : i32
        %add3A_1059 = arith.addi %add3A_774, %add3A_1058 : i32
        %get3A_1060 = arith.constant 0 : i32
        %get3A_1061 = arith.constant 0 : i32
        %get3A_1062 = tpu.memref_slice %arg6[%scan3A_409, %get3A_1060, %get3A_1061] : memref<2x800x64xf32, #tpu.memory_space<vmem>> -> memref<1x800x64xf32, #tpu.memory_space<vmem>>
        %get3A_1063 = tpu.memref_squeeze %get3A_1062 : memref<1x800x64xf32, #tpu.memory_space<vmem>> -> memref<800x64xf32, #tpu.memory_space<vmem>>
        %get3A_1064 = arith.index_cast %add3A_1059 : i32 to index
        %get3A_1065 = arith.constant 48 : index
        %get3A_1066 = tpu.vector_load %get3A_1063[%get3A_1064, %get3A_1065] {strides = array<i32>} : memref<800x64xf32, #tpu.memory_space<vmem>>, vector<1x16xf32>,
        %get3A_1067 = vector.shape_cast %get3A_1066 : vector<1x16xf32> to vector<16xf32>
        %add3A_1068 = arith.constant 3 : i32
        %add3A_1069 = arith.addi %add3A_774, %add3A_1068 : i32
        %get3A_1070 = arith.constant 0 : i32
        %get3A_1071 = arith.constant 0 : i32
        %get3A_1072 = tpu.memref_slice %arg6[%scan3A_409, %get3A_1070, %get3A_1071] : memref<2x800x64xf32, #tpu.memory_space<vmem>> -> memref<1x800x64xf32, #tpu.memory_space<vmem>>
        %get3A_1073 = tpu.memref_squeeze %get3A_1072 : memref<1x800x64xf32, #tpu.memory_space<vmem>> -> memref<800x64xf32, #tpu.memory_space<vmem>>
        %get3A_1074 = arith.index_cast %add3A_1069 : i32 to index
        %get3A_1075 = arith.constant 48 : index
        %get3A_1076 = tpu.vector_load %get3A_1073[%get3A_1074, %get3A_1075] {strides = array<i32>} : memref<800x64xf32, #tpu.memory_space<vmem>>, vector<1x16xf32>,
        %get3A_1077 = vector.shape_cast %get3A_1076 : vector<1x16xf32> to vector<16xf32>
        %add3A_1078 = arith.constant 4 : i32
        %add3A_1079 = arith.addi %add3A_774, %add3A_1078 : i32
        %get3A_1080 = arith.constant 0 : i32
        %get3A_1081 = arith.constant 0 : i32
        %get3A_1082 = tpu.memref_slice %arg6[%scan3A_409, %get3A_1080, %get3A_1081] : memref<2x800x64xf32, #tpu.memory_space<vmem>> -> memref<1x800x64xf32, #tpu.memory_space<vmem>>
        %get3A_1083 = tpu.memref_squeeze %get3A_1082 : memref<1x800x64xf32, #tpu.memory_space<vmem>> -> memref<800x64xf32, #tpu.memory_space<vmem>>
        %get3A_1084 = arith.index_cast %add3A_1079 : i32 to index
        %get3A_1085 = arith.constant 48 : index
        %get3A_1086 = tpu.vector_load %get3A_1083[%get3A_1084, %get3A_1085] {strides = array<i32>} : memref<800x64xf32, #tpu.memory_space<vmem>>, vector<1x16xf32>,
        %get3A_1087 = vector.shape_cast %get3A_1086 : vector<1x16xf32> to vector<16xf32>
        %add3A_1088 = arith.constant 5 : i32
        %add3A_1089 = arith.addi %add3A_774, %add3A_1088 : i32
        %get3A_1090 = arith.constant 0 : i32
        %get3A_1091 = arith.constant 0 : i32
        %get3A_1092 = tpu.memref_slice %arg6[%scan3A_409, %get3A_1090, %get3A_1091] : memref<2x800x64xf32, #tpu.memory_space<vmem>> -> memref<1x800x64xf32, #tpu.memory_space<vmem>>
        %get3A_1093 = tpu.memref_squeeze %get3A_1092 : memref<1x800x64xf32, #tpu.memory_space<vmem>> -> memref<800x64xf32, #tpu.memory_space<vmem>>
        %get3A_1094 = arith.index_cast %add3A_1089 : i32 to index
        %get3A_1095 = arith.constant 48 : index
        %get3A_1096 = tpu.vector_load %get3A_1093[%get3A_1094, %get3A_1095] {strides = array<i32>} : memref<800x64xf32, #tpu.memory_space<vmem>>, vector<1x16xf32>,
        %get3A_1097 = vector.shape_cast %get3A_1096 : vector<1x16xf32> to vector<16xf32>
        %add3A_1098 = arith.constant 6 : i32
        %add3A_1099 = arith.addi %add3A_774, %add3A_1098 : i32
        %get3A_1100 = arith.constant 0 : i32
        %get3A_1101 = arith.constant 0 : i32
        %get3A_1102 = tpu.memref_slice %arg6[%scan3A_409, %get3A_1100, %get3A_1101] : memref<2x800x64xf32, #tpu.memory_space<vmem>> -> memref<1x800x64xf32, #tpu.memory_space<vmem>>
        %get3A_1103 = tpu.memref_squeeze %get3A_1102 : memref<1x800x64xf32, #tpu.memory_space<vmem>> -> memref<800x64xf32, #tpu.memory_space<vmem>>
        %get3A_1104 = arith.index_cast %add3A_1099 : i32 to index
        %get3A_1105 = arith.constant 48 : index
        %get3A_1106 = tpu.vector_load %get3A_1103[%get3A_1104, %get3A_1105] {strides = array<i32>} : memref<800x64xf32, #tpu.memory_space<vmem>>, vector<1x16xf32>,
        %get3A_1107 = vector.shape_cast %get3A_1106 : vector<1x16xf32> to vector<16xf32>
        %add3A_1108 = arith.constant 7 : i32
        %add3A_1109 = arith.addi %add3A_774, %add3A_1108 : i32
        %get3A_1110 = arith.constant 0 : i32
        %get3A_1111 = arith.constant 0 : i32
        %get3A_1112 = tpu.memref_slice %arg6[%scan3A_409, %get3A_1110, %get3A_1111] : memref<2x800x64xf32, #tpu.memory_space<vmem>> -> memref<1x800x64xf32, #tpu.memory_space<vmem>>
        %get3A_1113 = tpu.memref_squeeze %get3A_1112 : memref<1x800x64xf32, #tpu.memory_space<vmem>> -> memref<800x64xf32, #tpu.memory_space<vmem>>
        %get3A_1114 = arith.index_cast %add3A_1109 : i32 to index
        %get3A_1115 = arith.constant 48 : index
        %get3A_1116 = tpu.vector_load %get3A_1113[%get3A_1114, %get3A_1115] {strides = array<i32>} : memref<800x64xf32, #tpu.memory_space<vmem>>, vector<1x16xf32>,
        %get3A_1117 = vector.shape_cast %get3A_1116 : vector<1x16xf32> to vector<16xf32>
        %add3A_1118 = arith.addf %get3A_1047, %get3A_1057 : vector<16xf32>
        %add3A_1119 = arith.addf %get3A_1067, %get3A_1077 : vector<16xf32>
        %add3A_1120 = arith.addf %get3A_1087, %get3A_1097 : vector<16xf32>
        %add3A_1121 = arith.addf %get3A_1107, %get3A_1117 : vector<16xf32>
        %add3A_1122 = arith.addf %add3A_1118, %add3A_1119 : vector<16xf32>
        %add3A_1123 = arith.addf %add3A_1120, %add3A_1121 : vector<16xf32>
        %add3A_1124 = arith.addf %add3A_1122, %add3A_1123 : vector<16xf32>
        %add3A_1125 = arith.addf %scan3A_770, %add3A_1124 : vector<16xf32>
        scf.yield %add3A_861, %add3A_949, %add3A_1037, %add3A_1125 : vector<16xf32>, vector<16xf32>, vector<16xf32>, vector<16xf32>
      }
      %scan3A_415 = arith.constant 25 : i32
      %swap3A_416 = arith.constant 0 : i32
      %swap3A_417 = arith.constant 3 : i32
      %swap3A_418 = arith.constant 0 : i32
      %swap3A_419 = arith.constant 0 : i32
      %swap3A_420 = tpu.memref_slice %arg7[%swap3A_416, %swap3A_418, %swap3A_419] : memref<2x4x64xf32, #tpu.memory_space<vmem>> -> memref<1x4x64xf32, #tpu.memory_space<vmem>>
      %swap3A_421 = tpu.memref_squeeze %swap3A_420 : memref<1x4x64xf32, #tpu.memory_space<vmem>> -> memref<4x64xf32, #tpu.memory_space<vmem>>
      %swap3A_422 = arith.index_cast %swap3A_417 : i32 to index
      %swap3A_423 = arith.constant 0 : index
      %swap3A_424 = tpu.vector_load %swap3A_421[%swap3A_422, %swap3A_423] {strides = array<i32>} : memref<4x64xf32, #tpu.memory_space<vmem>>, vector<1x16xf32>,
      %swap3A_425 = vector.shape_cast %swap3A_424 : vector<1x16xf32> to vector<16xf32>
      %swap3A_426 = vector.shape_cast %scan3A_414#0 : vector<16xf32> to vector<1x16xf32>
      tpu.vector_store %swap3A_421[%swap3A_422, %swap3A_423], %swap3A_426 {strides = array<i32>} : memref<4x64xf32, #tpu.memory_space<vmem>>, vector<1x16xf32>,
      %swap3A_427 = arith.constant 0 : i32
      %swap3A_428 = arith.constant 3 : i32
      %swap3A_429 = arith.constant 0 : i32
      %swap3A_430 = arith.constant 0 : i32
      %swap3A_431 = tpu.memref_slice %arg7[%swap3A_427, %swap3A_429, %swap3A_430] : memref<2x4x64xf32, #tpu.memory_space<vmem>> -> memref<1x4x64xf32, #tpu.memory_space<vmem>>
      %swap3A_432 = tpu.memref_squeeze %swap3A_431 : memref<1x4x64xf32, #tpu.memory_space<vmem>> -> memref<4x64xf32, #tpu.memory_space<vmem>>
      %swap3A_433 = arith.index_cast %swap3A_428 : i32 to index
      %swap3A_434 = arith.constant 16 : index
      %swap3A_435 = tpu.vector_load %swap3A_432[%swap3A_433, %swap3A_434] {strides = array<i32>} : memref<4x64xf32, #tpu.memory_space<vmem>>, vector<1x16xf32>,
      %swap3A_436 = vector.shape_cast %swap3A_435 : vector<1x16xf32> to vector<16xf32>
      %swap3A_437 = vector.shape_cast %scan3A_414#1 : vector<16xf32> to vector<1x16xf32>
      tpu.vector_store %swap3A_432[%swap3A_433, %swap3A_434], %swap3A_437 {strides = array<i32>} : memref<4x64xf32, #tpu.memory_space<vmem>>, vector<1x16xf32>,
      %swap3A_438 = arith.constant 0 : i32
      %swap3A_439 = arith.constant 3 : i32
      %swap3A_440 = arith.constant 0 : i32
      %swap3A_441 = arith.constant 0 : i32
      %swap3A_442 = tpu.memref_slice %arg7[%swap3A_438, %swap3A_440, %swap3A_441] : memref<2x4x64xf32, #tpu.memory_space<vmem>> -> memref<1x4x64xf32, #tpu.memory_space<vmem>>
      %swap3A_443 = tpu.memref_squeeze %swap3A_442 : memref<1x4x64xf32, #tpu.memory_space<vmem>> -> memref<4x64xf32, #tpu.memory_space<vmem>>
      %swap3A_444 = arith.index_cast %swap3A_439 : i32 to index
      %swap3A_445 = arith.constant 32 : index
      %swap3A_446 = tpu.vector_load %swap3A_443[%swap3A_444, %swap3A_445] {strides = array<i32>} : memref<4x64xf32, #tpu.memory_space<vmem>>, vector<1x16xf32>,
      %swap3A_447 = vector.shape_cast %swap3A_446 : vector<1x16xf32> to vector<16xf32>
      %swap3A_448 = vector.shape_cast %scan3A_414#2 : vector<16xf32> to vector<1x16xf32>
      tpu.vector_store %swap3A_443[%swap3A_444, %swap3A_445], %swap3A_448 {strides = array<i32>} : memref<4x64xf32, #tpu.memory_space<vmem>>, vector<1x16xf32>,
      %swap3A_449 = arith.constant 0 : i32
      %swap3A_450 = arith.constant 3 : i32
      %swap3A_451 = arith.constant 0 : i32
      %swap3A_452 = arith.constant 0 : i32
      %swap3A_453 = tpu.memref_slice %arg7[%swap3A_449, %swap3A_451, %swap3A_452] : memref<2x4x64xf32, #tpu.memory_space<vmem>> -> memref<1x4x64xf32, #tpu.memory_space<vmem>>
      %swap3A_454 = tpu.memref_squeeze %swap3A_453 : memref<1x4x64xf32, #tpu.memory_space<vmem>> -> memref<4x64xf32, #tpu.memory_space<vmem>>
      %swap3A_455 = arith.index_cast %swap3A_450 : i32 to index
      %swap3A_456 = arith.constant 48 : index
      %swap3A_457 = tpu.vector_load %swap3A_454[%swap3A_455, %swap3A_456] {strides = array<i32>} : memref<4x64xf32, #tpu.memory_space<vmem>>, vector<1x16xf32>,
      %swap3A_458 = vector.shape_cast %swap3A_457 : vector<1x16xf32> to vector<16xf32>
      %swap3A_459 = vector.shape_cast %scan3A_414#3 : vector<16xf32> to vector<1x16xf32>
      tpu.vector_store %swap3A_454[%swap3A_455, %swap3A_456], %swap3A_459 {strides = array<i32>} : memref<4x64xf32, #tpu.memory_space<vmem>>, vector<1x16xf32>,
      %mul3A_460 = arith.constant 4 : i32
      %mul3A_461 = arith.muli %add3A_195, %mul3A_460 : i32
      %add3A_462 = arith.addi %mul3A_4, %mul3A_461 : i32
      %dma_start3A_463 = arith.constant 0 : i32
      %dma_start3A_464 = arith.constant 0 : i32
      %dma_start3A_465 = arith.constant 0 : i32
      %dma_start3A_466 = tpu.memref_slice %arg7[%dma_start3A_463, %dma_start3A_464, %dma_start3A_465] : memref<2x4x64xf32, #tpu.memory_space<vmem>> -> memref<1x4x64xf32, #tpu.memory_space<vmem>>
      %dma_start3A_467 = tpu.memref_squeeze %dma_start3A_466 : memref<1x4x64xf32, #tpu.memory_space<vmem>> -> memref<4x64xf32, #tpu.memory_space<vmem>>
      %dma_start3A_468 = arith.constant 0 : i32
      %dma_start3A_469 = tpu.memref_slice %arg4[%add3A_462, %dma_start3A_468] : memref<16384x64xf32, #tpu.memory_space<hbm>> -> memref<4x64xf32, #tpu.memory_space<hbm>>
      %dma_start3A_470 = arith.constant 0 : i32
      %dma_start3A_471 = tpu.memref_slice %arg4[%add3A_462, %dma_start3A_470] : memref<16384x64xf32, #tpu.memory_space<hbm>> -> memref<4x64xf32, #tpu.memory_space<hbm>>
      %dma_start3A_472 = arith.constant 0 : i32
      %dma_start3A_473 = arith.constant 0 : i32
      %dma_start3A_474 = tpu.memref_slice %arg7[%dma_start3A_463, %dma_start3A_472, %dma_start3A_473] : memref<2x4x64xf32, #tpu.memory_space<vmem>> -> memref<1x4x64xf32, #tpu.memory_space<vmem>>
      %dma_start3A_475 = tpu.memref_squeeze %dma_start3A_474 : memref<1x4x64xf32, #tpu.memory_space<vmem>> -> memref<4x64xf32, #tpu.memory_space<vmem>>
      tpu.enqueue_dma source(%dma_start3A_475 : memref<4x64xf32, #tpu.memory_space<vmem>>) target(%dma_start3A_471 : memref<4x64xf32, #tpu.memory_space<hbm>>) target_semaphore(%arg11 : memref<!tpu.dma_semaphore, #tpu.memory_space<semaphore_mem>>)
      %mul3A_476 = arith.constant 2 : i32
      %mul3A_477 = arith.muli %mul3A_476, %scan3A_191 : i32
      %add3A_478 = arith.constant 1 : i32
      %add3A_479 = arith.addi %mul3A_477, %add3A_478 : i32
      %dma_wait3A_480 = arith.constant 1 : i32
      %dma_wait3A_481 = arith.constant 0 : i32
      %dma_wait3A_482 = arith.constant 0 : i32
      %dma_wait3A_483 = tpu.memref_slice %arg6[%dma_wait3A_480, %dma_wait3A_481, %dma_wait3A_482] : memref<2x800x64xf32, #tpu.memory_space<vmem>> -> memref<1x800x64xf32, #tpu.memory_space<vmem>>
      %dma_wait3A_484 = tpu.memref_squeeze %dma_wait3A_483 : memref<1x800x64xf32, #tpu.memory_space<vmem>> -> memref<800x64xf32, #tpu.memory_space<vmem>>
      %dma_wait3A_485 = arith.constant 0 : i32
      %dma_wait3A_486 = arith.constant 0 : i32
      %dma_wait3A_487 = tpu.memref_slice %arg3[%dma_wait3A_485, %dma_wait3A_486] : memref<1000000x64xf32, #tpu.memory_space<hbm>> -> memref<800x64xf32, #tpu.memory_space<hbm>>
      %dma_wait3A_488 = arith.constant 0 : i32
      %dma_wait3A_489 = arith.constant 0 : i32
      %dma_wait3A_490 = tpu.memref_slice %arg6[%dma_wait3A_480, %dma_wait3A_488, %dma_wait3A_489] : memref<2x800x64xf32, #tpu.memory_space<vmem>> -> memref<1x800x64xf32, #tpu.memory_space<vmem>>
      %dma_wait3A_491 = tpu.memref_squeeze %dma_wait3A_490 : memref<1x800x64xf32, #tpu.memory_space<vmem>> -> memref<800x64xf32, #tpu.memory_space<vmem>>
      %dma_wait3A_492 = arith.constant 0 : i32
      %dma_wait3A_493 = arith.constant 0 : i32
      %dma_wait3A_494 = tpu.memref_slice %arg3[%dma_wait3A_492, %dma_wait3A_493] : memref<1000000x64xf32, #tpu.memory_space<hbm>> -> memref<800x64xf32, #tpu.memory_space<hbm>>
      tpu.wait_dma2 semaphore(%arg9 : memref<!tpu.dma_semaphore, #tpu.memory_space<semaphore_mem>>) src(%dma_wait3A_494 : memref<800x64xf32, #tpu.memory_space<hbm>>) dst(%dma_wait3A_491 : memref<800x64xf32, #tpu.memory_space<vmem>>)
      %add3A_495 = arith.constant 1 : i32
      %add3A_496 = arith.addi %add3A_479, %add3A_495 : i32
      %lt3A_497 = arith.constant 128 : i32
      %lt3A_498 = arith.cmpi slt, %add3A_496, %lt3A_497 : i32
      %convert_element_type3A_499 = arith.extui %lt3A_498 : i1 to i32
      %cond3A_500 = arith.constant 0 : i32
      %cond3A_501 = arith.cmpi ne, %convert_element_type3A_499, %cond3A_500 : i32
      scf.if %cond3A_501 {
        %dma_wait3A_766 = arith.constant 0 : i32
        %dma_wait3A_767 = arith.constant 0 : i32
        %dma_wait3A_768 = tpu.memref_slice %arg5[%dma_wait3A_766, %dma_wait3A_767] : memref<2x800xi32, #tpu.memory_space<vmem>> -> memref<1x800xi32, #tpu.memory_space<vmem>>
        %dma_wait3A_769 = tpu.memref_squeeze %dma_wait3A_768 : memref<1x800xi32, #tpu.memory_space<vmem>> -> memref<800xi32, #tpu.memory_space<vmem>>
        %dma_wait3A_770 = arith.constant 0 : i32
        %dma_wait3A_771 = tpu.memref_slice %arg2[%dma_wait3A_770] : memref<3276800xi32, #tpu.memory_space<hbm>> -> memref<800xi32, #tpu.memory_space<hbm>>
        %dma_wait3A_772 = arith.constant 0 : i32
        %dma_wait3A_773 = tpu.memref_slice %arg5[%dma_wait3A_766, %dma_wait3A_772] : memref<2x800xi32, #tpu.memory_space<vmem>> -> memref<1x800xi32, #tpu.memory_space<vmem>>
        %dma_wait3A_774 = tpu.memref_squeeze %dma_wait3A_773 : memref<1x800xi32, #tpu.memory_space<vmem>> -> memref<800xi32, #tpu.memory_space<vmem>>
        %dma_wait3A_775 = arith.constant 0 : i32
        %dma_wait3A_776 = tpu.memref_slice %arg2[%dma_wait3A_775] : memref<3276800xi32, #tpu.memory_space<hbm>> -> memref<800xi32, #tpu.memory_space<hbm>>
        tpu.wait_dma2 semaphore(%arg10 : memref<!tpu.dma_semaphore, #tpu.memory_space<semaphore_mem>>) src(%dma_wait3A_776 : memref<800xi32, #tpu.memory_space<hbm>>) dst(%dma_wait3A_774 : memref<800xi32, #tpu.memory_space<vmem>>)
        %dma_start3A_777 = arith.constant 0 : i32
        %dma_start3A_778 = arith.constant 0 : i32
        %dma_start3A_779 = arith.constant 0 : i32
        %dma_start3A_780 = arith.constant 0 : i32
        %dma_start3A_781 = tpu.memref_slice %arg6[%dma_start3A_778, %dma_start3A_779, %dma_start3A_780] : memref<2x800x64xf32, #tpu.memory_space<vmem>> -> memref<1x80x64xf32, #tpu.memory_space<vmem>>
        %dma_start3A_782 = tpu.memref_squeeze %dma_start3A_781 : memref<1x80x64xf32, #tpu.memory_space<vmem>> -> memref<80x64xf32, #tpu.memory_space<vmem>>
        %dma_start3A_783 = arith.constant 0 : i32
        %dma_start3A_784 = tpu.memref_slice %arg5[%dma_start3A_777, %dma_start3A_783] : memref<2x800xi32, #tpu.memory_space<vmem>> -> memref<1x80xi32, #tpu.memory_space<vmem>>
        %dma_start3A_785 = tpu.memref_squeeze %dma_start3A_784 : memref<1x80xi32, #tpu.memory_space<vmem>> -> memref<80xi32, #tpu.memory_space<vmem>>
        %dma_start3A_786 = arith.constant 0 : i32
        %dma_start3A_787 = arith.constant 0 : i32
        %dma_start3A_788 = tpu.memref_slice %arg3[%dma_start3A_786, %dma_start3A_787] : memref<1000000x64xf32, #tpu.memory_space<hbm>> -> memref<1000000x64xf32, #tpu.memory_space<hbm>>
        tpu.enqueue_indirect_dma source(%dma_start3A_788 : memref<1000000x64xf32, #tpu.memory_space<hbm>>) target(%dma_start3A_782 : memref<80x64xf32, #tpu.memory_space<vmem>>) offsets(%dma_start3A_785 : memref<80xi32, #tpu.memory_space<vmem>>) semaphore(%arg8 : memref<!tpu.dma_semaphore, #tpu.memory_space<semaphore_mem>>)
        %dma_start3A_789 = arith.constant 0 : i32
        %dma_start3A_790 = arith.constant 0 : i32
        %dma_start3A_791 = arith.constant 80 : i32
        %dma_start3A_792 = arith.constant 0 : i32
        %dma_start3A_793 = tpu.memref_slice %arg6[%dma_start3A_790, %dma_start3A_791, %dma_start3A_792] : memref<2x800x64xf32, #tpu.memory_space<vmem>> -> memref<1x80x64xf32, #tpu.memory_space<vmem>>
        %dma_start3A_794 = tpu.memref_squeeze %dma_start3A_793 : memref<1x80x64xf32, #tpu.memory_space<vmem>> -> memref<80x64xf32, #tpu.memory_space<vmem>>
        %dma_start3A_795 = arith.constant 80 : i32
        %dma_start3A_796 = tpu.memref_slice %arg5[%dma_start3A_789, %dma_start3A_795] : memref<2x800xi32, #tpu.memory_space<vmem>> -> memref<1x80xi32, #tpu.memory_space<vmem>>
        %dma_start3A_797 = tpu.memref_squeeze %dma_start3A_796 : memref<1x80xi32, #tpu.memory_space<vmem>> -> memref<80xi32, #tpu.memory_space<vmem>>
        %dma_start3A_798 = arith.constant 0 : i32
        %dma_start3A_799 = arith.constant 0 : i32
        %dma_start3A_800 = tpu.memref_slice %arg3[%dma_start3A_798, %dma_start3A_799] : memref<1000000x64xf32, #tpu.memory_space<hbm>> -> memref<1000000x64xf32, #tpu.memory_space<hbm>>
        tpu.enqueue_indirect_dma source(%dma_start3A_800 : memref<1000000x64xf32, #tpu.memory_space<hbm>>) target(%dma_start3A_794 : memref<80x64xf32, #tpu.memory_space<vmem>>) offsets(%dma_start3A_797 : memref<80xi32, #tpu.memory_space<vmem>>) semaphore(%arg8 : memref<!tpu.dma_semaphore, #tpu.memory_space<semaphore_mem>>)
        %dma_start3A_801 = arith.constant 0 : i32
        %dma_start3A_802 = arith.constant 0 : i32
        %dma_start3A_803 = arith.constant 160 : i32
        %dma_start3A_804 = arith.constant 0 : i32
        %dma_start3A_805 = tpu.memref_slice %arg6[%dma_start3A_802, %dma_start3A_803, %dma_start3A_804] : memref<2x800x64xf32, #tpu.memory_space<vmem>> -> memref<1x80x64xf32, #tpu.memory_space<vmem>>
        %dma_start3A_806 = tpu.memref_squeeze %dma_start3A_805 : memref<1x80x64xf32, #tpu.memory_space<vmem>> -> memref<80x64xf32, #tpu.memory_space<vmem>>
        %dma_start3A_807 = arith.constant 160 : i32
        %dma_start3A_808 = tpu.memref_slice %arg5[%dma_start3A_801, %dma_start3A_807] : memref<2x800xi32, #tpu.memory_space<vmem>> -> memref<1x80xi32, #tpu.memory_space<vmem>>
        %dma_start3A_809 = tpu.memref_squeeze %dma_start3A_808 : memref<1x80xi32, #tpu.memory_space<vmem>> -> memref<80xi32, #tpu.memory_space<vmem>>
        %dma_start3A_810 = arith.constant 0 : i32
        %dma_start3A_811 = arith.constant 0 : i32
        %dma_start3A_812 = tpu.memref_slice %arg3[%dma_start3A_810, %dma_start3A_811] : memref<1000000x64xf32, #tpu.memory_space<hbm>> -> memref<1000000x64xf32, #tpu.memory_space<hbm>>
        tpu.enqueue_indirect_dma source(%dma_start3A_812 : memref<1000000x64xf32, #tpu.memory_space<hbm>>) target(%dma_start3A_806 : memref<80x64xf32, #tpu.memory_space<vmem>>) offsets(%dma_start3A_809 : memref<80xi32, #tpu.memory_space<vmem>>) semaphore(%arg8 : memref<!tpu.dma_semaphore, #tpu.memory_space<semaphore_mem>>)
        %dma_start3A_813 = arith.constant 0 : i32
        %dma_start3A_814 = arith.constant 0 : i32
        %dma_start3A_815 = arith.constant 240 : i32
        %dma_start3A_816 = arith.constant 0 : i32
        %dma_start3A_817 = tpu.memref_slice %arg6[%dma_start3A_814, %dma_start3A_815, %dma_start3A_816] : memref<2x800x64xf32, #tpu.memory_space<vmem>> -> memref<1x80x64xf32, #tpu.memory_space<vmem>>
        %dma_start3A_818 = tpu.memref_squeeze %dma_start3A_817 : memref<1x80x64xf32, #tpu.memory_space<vmem>> -> memref<80x64xf32, #tpu.memory_space<vmem>>
        %dma_start3A_819 = arith.constant 240 : i32
        %dma_start3A_820 = tpu.memref_slice %arg5[%dma_start3A_813, %dma_start3A_819] : memref<2x800xi32, #tpu.memory_space<vmem>> -> memref<1x80xi32, #tpu.memory_space<vmem>>
        %dma_start3A_821 = tpu.memref_squeeze %dma_start3A_820 : memref<1x80xi32, #tpu.memory_space<vmem>> -> memref<80xi32, #tpu.memory_space<vmem>>
        %dma_start3A_822 = arith.constant 0 : i32
        %dma_start3A_823 = arith.constant 0 : i32
        %dma_start3A_824 = tpu.memref_slice %arg3[%dma_start3A_822, %dma_start3A_823] : memref<1000000x64xf32, #tpu.memory_space<hbm>> -> memref<1000000x64xf32, #tpu.memory_space<hbm>>
        tpu.enqueue_indirect_dma source(%dma_start3A_824 : memref<1000000x64xf32, #tpu.memory_space<hbm>>) target(%dma_start3A_818 : memref<80x64xf32, #tpu.memory_space<vmem>>) offsets(%dma_start3A_821 : memref<80xi32, #tpu.memory_space<vmem>>) semaphore(%arg8 : memref<!tpu.dma_semaphore, #tpu.memory_space<semaphore_mem>>)
        %dma_start3A_825 = arith.constant 0 : i32
        %dma_start3A_826 = arith.constant 0 : i32
        %dma_start3A_827 = arith.constant 320 : i32
        %dma_start3A_828 = arith.constant 0 : i32
        %dma_start3A_829 = tpu.memref_slice %arg6[%dma_start3A_826, %dma_start3A_827, %dma_start3A_828] : memref<2x800x64xf32, #tpu.memory_space<vmem>> -> memref<1x80x64xf32, #tpu.memory_space<vmem>>
        %dma_start3A_830 = tpu.memref_squeeze %dma_start3A_829 : memref<1x80x64xf32, #tpu.memory_space<vmem>> -> memref<80x64xf32, #tpu.memory_space<vmem>>
        %dma_start3A_831 = arith.constant 320 : i32
        %dma_start3A_832 = tpu.memref_slice %arg5[%dma_start3A_825, %dma_start3A_831] : memref<2x800xi32, #tpu.memory_space<vmem>> -> memref<1x80xi32, #tpu.memory_space<vmem>>
        %dma_start3A_833 = tpu.memref_squeeze %dma_start3A_832 : memref<1x80xi32, #tpu.memory_space<vmem>> -> memref<80xi32, #tpu.memory_space<vmem>>
        %dma_start3A_834 = arith.constant 0 : i32
        %dma_start3A_835 = arith.constant 0 : i32
        %dma_start3A_836 = tpu.memref_slice %arg3[%dma_start3A_834, %dma_start3A_835] : memref<1000000x64xf32, #tpu.memory_space<hbm>> -> memref<1000000x64xf32, #tpu.memory_space<hbm>>
        tpu.enqueue_indirect_dma source(%dma_start3A_836 : memref<1000000x64xf32, #tpu.memory_space<hbm>>) target(%dma_start3A_830 : memref<80x64xf32, #tpu.memory_space<vmem>>) offsets(%dma_start3A_833 : memref<80xi32, #tpu.memory_space<vmem>>) semaphore(%arg8 : memref<!tpu.dma_semaphore, #tpu.memory_space<semaphore_mem>>)
        %dma_start3A_837 = arith.constant 0 : i32
        %dma_start3A_838 = arith.constant 0 : i32
        %dma_start3A_839 = arith.constant 400 : i32
        %dma_start3A_840 = arith.constant 0 : i32
        %dma_start3A_841 = tpu.memref_slice %arg6[%dma_start3A_838, %dma_start3A_839, %dma_start3A_840] : memref<2x800x64xf32, #tpu.memory_space<vmem>> -> memref<1x80x64xf32, #tpu.memory_space<vmem>>
        %dma_start3A_842 = tpu.memref_squeeze %dma_start3A_841 : memref<1x80x64xf32, #tpu.memory_space<vmem>> -> memref<80x64xf32, #tpu.memory_space<vmem>>
        %dma_start3A_843 = arith.constant 400 : i32
        %dma_start3A_844 = tpu.memref_slice %arg5[%dma_start3A_837, %dma_start3A_843] : memref<2x800xi32, #tpu.memory_space<vmem>> -> memref<1x80xi32, #tpu.memory_space<vmem>>
        %dma_start3A_845 = tpu.memref_squeeze %dma_start3A_844 : memref<1x80xi32, #tpu.memory_space<vmem>> -> memref<80xi32, #tpu.memory_space<vmem>>
        %dma_start3A_846 = arith.constant 0 : i32
        %dma_start3A_847 = arith.constant 0 : i32
        %dma_start3A_848 = tpu.memref_slice %arg3[%dma_start3A_846, %dma_start3A_847] : memref<1000000x64xf32, #tpu.memory_space<hbm>> -> memref<1000000x64xf32, #tpu.memory_space<hbm>>
        tpu.enqueue_indirect_dma source(%dma_start3A_848 : memref<1000000x64xf32, #tpu.memory_space<hbm>>) target(%dma_start3A_842 : memref<80x64xf32, #tpu.memory_space<vmem>>) offsets(%dma_start3A_845 : memref<80xi32, #tpu.memory_space<vmem>>) semaphore(%arg8 : memref<!tpu.dma_semaphore, #tpu.memory_space<semaphore_mem>>)
        %dma_start3A_849 = arith.constant 0 : i32
        %dma_start3A_850 = arith.constant 0 : i32
        %dma_start3A_851 = arith.constant 480 : i32
        %dma_start3A_852 = arith.constant 0 : i32
        %dma_start3A_853 = tpu.memref_slice %arg6[%dma_start3A_850, %dma_start3A_851, %dma_start3A_852] : memref<2x800x64xf32, #tpu.memory_space<vmem>> -> memref<1x80x64xf32, #tpu.memory_space<vmem>>
        %dma_start3A_854 = tpu.memref_squeeze %dma_start3A_853 : memref<1x80x64xf32, #tpu.memory_space<vmem>> -> memref<80x64xf32, #tpu.memory_space<vmem>>
        %dma_start3A_855 = arith.constant 480 : i32
        %dma_start3A_856 = tpu.memref_slice %arg5[%dma_start3A_849, %dma_start3A_855] : memref<2x800xi32, #tpu.memory_space<vmem>> -> memref<1x80xi32, #tpu.memory_space<vmem>>
        %dma_start3A_857 = tpu.memref_squeeze %dma_start3A_856 : memref<1x80xi32, #tpu.memory_space<vmem>> -> memref<80xi32, #tpu.memory_space<vmem>>
        %dma_start3A_858 = arith.constant 0 : i32
        %dma_start3A_859 = arith.constant 0 : i32
        %dma_start3A_860 = tpu.memref_slice %arg3[%dma_start3A_858, %dma_start3A_859] : memref<1000000x64xf32, #tpu.memory_space<hbm>> -> memref<1000000x64xf32, #tpu.memory_space<hbm>>
        tpu.enqueue_indirect_dma source(%dma_start3A_860 : memref<1000000x64xf32, #tpu.memory_space<hbm>>) target(%dma_start3A_854 : memref<80x64xf32, #tpu.memory_space<vmem>>) offsets(%dma_start3A_857 : memref<80xi32, #tpu.memory_space<vmem>>) semaphore(%arg8 : memref<!tpu.dma_semaphore, #tpu.memory_space<semaphore_mem>>)
        %dma_start3A_861 = arith.constant 0 : i32
        %dma_start3A_862 = arith.constant 0 : i32
        %dma_start3A_863 = arith.constant 560 : i32
        %dma_start3A_864 = arith.constant 0 : i32
        %dma_start3A_865 = tpu.memref_slice %arg6[%dma_start3A_862, %dma_start3A_863, %dma_start3A_864] : memref<2x800x64xf32, #tpu.memory_space<vmem>> -> memref<1x80x64xf32, #tpu.memory_space<vmem>>
        %dma_start3A_866 = tpu.memref_squeeze %dma_start3A_865 : memref<1x80x64xf32, #tpu.memory_space<vmem>> -> memref<80x64xf32, #tpu.memory_space<vmem>>
        %dma_start3A_867 = arith.constant 560 : i32
        %dma_start3A_868 = tpu.memref_slice %arg5[%dma_start3A_861, %dma_start3A_867] : memref<2x800xi32, #tpu.memory_space<vmem>> -> memref<1x80xi32, #tpu.memory_space<vmem>>
        %dma_start3A_869 = tpu.memref_squeeze %dma_start3A_868 : memref<1x80xi32, #tpu.memory_space<vmem>> -> memref<80xi32, #tpu.memory_space<vmem>>
        %dma_start3A_870 = arith.constant 0 : i32
        %dma_start3A_871 = arith.constant 0 : i32
        %dma_start3A_872 = tpu.memref_slice %arg3[%dma_start3A_870, %dma_start3A_871] : memref<1000000x64xf32, #tpu.memory_space<hbm>> -> memref<1000000x64xf32, #tpu.memory_space<hbm>>
        tpu.enqueue_indirect_dma source(%dma_start3A_872 : memref<1000000x64xf32, #tpu.memory_space<hbm>>) target(%dma_start3A_866 : memref<80x64xf32, #tpu.memory_space<vmem>>) offsets(%dma_start3A_869 : memref<80xi32, #tpu.memory_space<vmem>>) semaphore(%arg8 : memref<!tpu.dma_semaphore, #tpu.memory_space<semaphore_mem>>)
        %dma_start3A_873 = arith.constant 0 : i32
        %dma_start3A_874 = arith.constant 0 : i32
        %dma_start3A_875 = arith.constant 640 : i32
        %dma_start3A_876 = arith.constant 0 : i32
        %dma_start3A_877 = tpu.memref_slice %arg6[%dma_start3A_874, %dma_start3A_875, %dma_start3A_876] : memref<2x800x64xf32, #tpu.memory_space<vmem>> -> memref<1x80x64xf32, #tpu.memory_space<vmem>>
        %dma_start3A_878 = tpu.memref_squeeze %dma_start3A_877 : memref<1x80x64xf32, #tpu.memory_space<vmem>> -> memref<80x64xf32, #tpu.memory_space<vmem>>
        %dma_start3A_879 = arith.constant 640 : i32
        %dma_start3A_880 = tpu.memref_slice %arg5[%dma_start3A_873, %dma_start3A_879] : memref<2x800xi32, #tpu.memory_space<vmem>> -> memref<1x80xi32, #tpu.memory_space<vmem>>
        %dma_start3A_881 = tpu.memref_squeeze %dma_start3A_880 : memref<1x80xi32, #tpu.memory_space<vmem>> -> memref<80xi32, #tpu.memory_space<vmem>>
        %dma_start3A_882 = arith.constant 0 : i32
        %dma_start3A_883 = arith.constant 0 : i32
        %dma_start3A_884 = tpu.memref_slice %arg3[%dma_start3A_882, %dma_start3A_883] : memref<1000000x64xf32, #tpu.memory_space<hbm>> -> memref<1000000x64xf32, #tpu.memory_space<hbm>>
        tpu.enqueue_indirect_dma source(%dma_start3A_884 : memref<1000000x64xf32, #tpu.memory_space<hbm>>) target(%dma_start3A_878 : memref<80x64xf32, #tpu.memory_space<vmem>>) offsets(%dma_start3A_881 : memref<80xi32, #tpu.memory_space<vmem>>) semaphore(%arg8 : memref<!tpu.dma_semaphore, #tpu.memory_space<semaphore_mem>>)
        %dma_start3A_885 = arith.constant 0 : i32
        %dma_start3A_886 = arith.constant 0 : i32
        %dma_start3A_887 = arith.constant 720 : i32
        %dma_start3A_888 = arith.constant 0 : i32
        %dma_start3A_889 = tpu.memref_slice %arg6[%dma_start3A_886, %dma_start3A_887, %dma_start3A_888] : memref<2x800x64xf32, #tpu.memory_space<vmem>> -> memref<1x80x64xf32, #tpu.memory_space<vmem>>
        %dma_start3A_890 = tpu.memref_squeeze %dma_start3A_889 : memref<1x80x64xf32, #tpu.memory_space<vmem>> -> memref<80x64xf32, #tpu.memory_space<vmem>>
        %dma_start3A_891 = arith.constant 720 : i32
        %dma_start3A_892 = tpu.memref_slice %arg5[%dma_start3A_885, %dma_start3A_891] : memref<2x800xi32, #tpu.memory_space<vmem>> -> memref<1x80xi32, #tpu.memory_space<vmem>>
        %dma_start3A_893 = tpu.memref_squeeze %dma_start3A_892 : memref<1x80xi32, #tpu.memory_space<vmem>> -> memref<80xi32, #tpu.memory_space<vmem>>
        %dma_start3A_894 = arith.constant 0 : i32
        %dma_start3A_895 = arith.constant 0 : i32
        %dma_start3A_896 = tpu.memref_slice %arg3[%dma_start3A_894, %dma_start3A_895] : memref<1000000x64xf32, #tpu.memory_space<hbm>> -> memref<1000000x64xf32, #tpu.memory_space<hbm>>
        tpu.enqueue_indirect_dma source(%dma_start3A_896 : memref<1000000x64xf32, #tpu.memory_space<hbm>>) target(%dma_start3A_890 : memref<80x64xf32, #tpu.memory_space<vmem>>) offsets(%dma_start3A_893 : memref<80xi32, #tpu.memory_space<vmem>>) semaphore(%arg8 : memref<!tpu.dma_semaphore, #tpu.memory_space<semaphore_mem>>)
      } else {
      }
      %add3A_502 = arith.constant 2 : i32
      %add3A_503 = arith.addi %add3A_479, %add3A_502 : i32
      %lt3A_504 = arith.constant 128 : i32
      %lt3A_505 = arith.cmpi slt, %add3A_503, %lt3A_504 : i32
      %convert_element_type3A_506 = arith.extui %lt3A_505 : i1 to i32
      %cond3A_507 = arith.constant 0 : i32
      %cond3A_508 = arith.cmpi ne, %convert_element_type3A_506, %cond3A_507 : i32
      scf.if %cond3A_508 {
        %add3A_766 = arith.constant 2 : i32
        %add3A_767 = arith.addi %add3A_479, %add3A_766 : i32
        %mul3A_768 = arith.constant 800 : i32
        %mul3A_769 = arith.muli %add3A_767, %mul3A_768 : i32
        %add3A_770 = arith.addi %mul3A_2, %mul3A_769 : i32
        %dma_start3A_771 = arith.constant 1 : i32
        %dma_start3A_772 = arith.constant 0 : i32
        %dma_start3A_773 = tpu.memref_slice %arg5[%dma_start3A_771, %dma_start3A_772] : memref<2x800xi32, #tpu.memory_space<vmem>> -> memref<1x800xi32, #tpu.memory_space<vmem>>
        %dma_start3A_774 = tpu.memref_squeeze %dma_start3A_773 : memref<1x800xi32, #tpu.memory_space<vmem>> -> memref<800xi32, #tpu.memory_space<vmem>>
        %dma_start3A_775 = tpu.memref_slice %arg2[%add3A_770] : memref<3276800xi32, #tpu.memory_space<hbm>> -> memref<800xi32, #tpu.memory_space<hbm>>
        %dma_start3A_776 = arith.constant 0 : i32
        %dma_start3A_777 = tpu.memref_slice %arg5[%dma_start3A_771, %dma_start3A_776] : memref<2x800xi32, #tpu.memory_space<vmem>> -> memref<1x800xi32, #tpu.memory_space<vmem>>
        %dma_start3A_778 = tpu.memref_squeeze %dma_start3A_777 : memref<1x800xi32, #tpu.memory_space<vmem>> -> memref<800xi32, #tpu.memory_space<vmem>>
        %dma_start3A_779 = tpu.memref_slice %arg2[%add3A_770] : memref<3276800xi32, #tpu.memory_space<hbm>> -> memref<800xi32, #tpu.memory_space<hbm>>
        tpu.enqueue_dma source(%dma_start3A_779 : memref<800xi32, #tpu.memory_space<hbm>>) target(%dma_start3A_778 : memref<800xi32, #tpu.memory_space<vmem>>) target_semaphore(%arg10 : memref<!tpu.dma_semaphore, #tpu.memory_space<semaphore_mem>>)
      } else {
      }
      %ge3A_509 = arith.constant 2 : i32
      %ge3A_510 = arith.cmpi sge, %add3A_479, %ge3A_509 : i32
      %convert_element_type3A_511 = arith.extui %ge3A_510 : i1 to i32
      %cond3A_512 = arith.constant 0 : i32
      %cond3A_513 = arith.cmpi ne, %convert_element_type3A_511, %cond3A_512 : i32
      scf.if %cond3A_513 {
        %dma_wait3A_766 = arith.constant 1 : i32
        %dma_wait3A_767 = arith.constant 0 : i32
        %dma_wait3A_768 = arith.constant 0 : i32
        %dma_wait3A_769 = tpu.memref_slice %arg7[%dma_wait3A_766, %dma_wait3A_767, %dma_wait3A_768] : memref<2x4x64xf32, #tpu.memory_space<vmem>> -> memref<1x4x64xf32, #tpu.memory_space<vmem>>
        %dma_wait3A_770 = tpu.memref_squeeze %dma_wait3A_769 : memref<1x4x64xf32, #tpu.memory_space<vmem>> -> memref<4x64xf32, #tpu.memory_space<vmem>>
        %dma_wait3A_771 = arith.constant 0 : i32
        %dma_wait3A_772 = arith.constant 0 : i32
        %dma_wait3A_773 = tpu.memref_slice %arg4[%dma_wait3A_771, %dma_wait3A_772] : memref<16384x64xf32, #tpu.memory_space<hbm>> -> memref<4x64xf32, #tpu.memory_space<hbm>>
        %dma_wait3A_774 = arith.constant 0 : i32
        %dma_wait3A_775 = arith.constant 0 : i32
        %dma_wait3A_776 = tpu.memref_slice %arg4[%dma_wait3A_774, %dma_wait3A_775] : memref<16384x64xf32, #tpu.memory_space<hbm>> -> memref<4x64xf32, #tpu.memory_space<hbm>>
        %dma_wait3A_777 = arith.constant 0 : i32
        %dma_wait3A_778 = arith.constant 0 : i32
        %dma_wait3A_779 = tpu.memref_slice %arg7[%dma_wait3A_766, %dma_wait3A_777, %dma_wait3A_778] : memref<2x4x64xf32, #tpu.memory_space<vmem>> -> memref<1x4x64xf32, #tpu.memory_space<vmem>>
        %dma_wait3A_780 = tpu.memref_squeeze %dma_wait3A_779 : memref<1x4x64xf32, #tpu.memory_space<vmem>> -> memref<4x64xf32, #tpu.memory_space<vmem>>
        tpu.wait_dma2 semaphore(%arg11 : memref<!tpu.dma_semaphore, #tpu.memory_space<semaphore_mem>>) src(%dma_wait3A_780 : memref<4x64xf32, #tpu.memory_space<vmem>>) dst(%dma_wait3A_776 : memref<4x64xf32, #tpu.memory_space<hbm>>)
      } else {
      }
      %broadcast_in_dim3A_514 = arith.constant 0.000000e+00 : f32
      %broadcast_in_dim3A_515 = vector.broadcast %broadcast_in_dim3A_514 : f32 to vector<16xf32>
      %broadcast_in_dim3A_516 = arith.constant 0.000000e+00 : f32
      %broadcast_in_dim3A_517 = vector.broadcast %broadcast_in_dim3A_516 : f32 to vector<16xf32>
      %broadcast_in_dim3A_518 = arith.constant 0.000000e+00 : f32
      %broadcast_in_dim3A_519 = vector.broadcast %broadcast_in_dim3A_518 : f32 to vector<16xf32>
      %broadcast_in_dim3A_520 = arith.constant 0.000000e+00 : f32
      %broadcast_in_dim3A_521 = vector.broadcast %broadcast_in_dim3A_520 : f32 to vector<16xf32>
      %scan3A_522 = arith.constant 1 : i32
      %scan3A_523 = arith.constant 0 : i32
      %scan3A_524 = arith.constant 25 : i32
      %scan3A_525 = arith.addi %scan3A_523, %scan3A_524 : i32
      %scan3A_526 = arith.constant 1 : i32
      %scan3A_527:4 = scf.for %scan3A_766 = %scan3A_523 to %scan3A_525 step %scan3A_526 iter_args(%scan3A_767 = %broadcast_in_dim3A_515, %scan3A_768 = %broadcast_in_dim3A_517, %scan3A_769 = %broadcast_in_dim3A_519, %scan3A_770 = %broadcast_in_dim3A_521) -> (vector<16xf32>, vector<16xf32>, vector<16xf32>, vector<16xf32>)  : i32 {
        %mul3A_771 = arith.constant 8 : i32
        %mul3A_772 = arith.muli %scan3A_766, %mul3A_771 : i32
        %add3A_773 = arith.constant 0 : i32
        %add3A_774 = arith.addi %add3A_773, %mul3A_772 : i32
        %add3A_775 = arith.constant 0 : i32
        %add3A_776 = arith.addi %add3A_774, %add3A_775 : i32
        %get3A = arith.constant 0 : i32
        %get3A_777 = arith.constant 0 : i32
        %get3A_778 = tpu.memref_slice %arg6[%scan3A_522, %get3A, %get3A_777] : memref<2x800x64xf32, #tpu.memory_space<vmem>> -> memref<1x800x64xf32, #tpu.memory_space<vmem>>
        %get3A_779 = tpu.memref_squeeze %get3A_778 : memref<1x800x64xf32, #tpu.memory_space<vmem>> -> memref<800x64xf32, #tpu.memory_space<vmem>>
        %get3A_780 = arith.index_cast %add3A_776 : i32 to index
        %get3A_781 = arith.constant 0 : index
        %get3A_782 = tpu.vector_load %get3A_779[%get3A_780, %get3A_781] {strides = array<i32>} : memref<800x64xf32, #tpu.memory_space<vmem>>, vector<1x16xf32>,
        %get3A_783 = vector.shape_cast %get3A_782 : vector<1x16xf32> to vector<16xf32>
        %add3A_784 = arith.constant 1 : i32
        %add3A_785 = arith.addi %add3A_774, %add3A_784 : i32
        %get3A_786 = arith.constant 0 : i32
        %get3A_787 = arith.constant 0 : i32
        %get3A_788 = tpu.memref_slice %arg6[%scan3A_522, %get3A_786, %get3A_787] : memref<2x800x64xf32, #tpu.memory_space<vmem>> -> memref<1x800x64xf32, #tpu.memory_space<vmem>>
        %get3A_789 = tpu.memref_squeeze %get3A_788 : memref<1x800x64xf32, #tpu.memory_space<vmem>> -> memref<800x64xf32, #tpu.memory_space<vmem>>
        %get3A_790 = arith.index_cast %add3A_785 : i32 to index
        %get3A_791 = arith.constant 0 : index
        %get3A_792 = tpu.vector_load %get3A_789[%get3A_790, %get3A_791] {strides = array<i32>} : memref<800x64xf32, #tpu.memory_space<vmem>>, vector<1x16xf32>,
        %get3A_793 = vector.shape_cast %get3A_792 : vector<1x16xf32> to vector<16xf32>
        %add3A_794 = arith.constant 2 : i32
        %add3A_795 = arith.addi %add3A_774, %add3A_794 : i32
        %get3A_796 = arith.constant 0 : i32
        %get3A_797 = arith.constant 0 : i32
        %get3A_798 = tpu.memref_slice %arg6[%scan3A_522, %get3A_796, %get3A_797] : memref<2x800x64xf32, #tpu.memory_space<vmem>> -> memref<1x800x64xf32, #tpu.memory_space<vmem>>
        %get3A_799 = tpu.memref_squeeze %get3A_798 : memref<1x800x64xf32, #tpu.memory_space<vmem>> -> memref<800x64xf32, #tpu.memory_space<vmem>>
        %get3A_800 = arith.index_cast %add3A_795 : i32 to index
        %get3A_801 = arith.constant 0 : index
        %get3A_802 = tpu.vector_load %get3A_799[%get3A_800, %get3A_801] {strides = array<i32>} : memref<800x64xf32, #tpu.memory_space<vmem>>, vector<1x16xf32>,
        %get3A_803 = vector.shape_cast %get3A_802 : vector<1x16xf32> to vector<16xf32>
        %add3A_804 = arith.constant 3 : i32
        %add3A_805 = arith.addi %add3A_774, %add3A_804 : i32
        %get3A_806 = arith.constant 0 : i32
        %get3A_807 = arith.constant 0 : i32
        %get3A_808 = tpu.memref_slice %arg6[%scan3A_522, %get3A_806, %get3A_807] : memref<2x800x64xf32, #tpu.memory_space<vmem>> -> memref<1x800x64xf32, #tpu.memory_space<vmem>>
        %get3A_809 = tpu.memref_squeeze %get3A_808 : memref<1x800x64xf32, #tpu.memory_space<vmem>> -> memref<800x64xf32, #tpu.memory_space<vmem>>
        %get3A_810 = arith.index_cast %add3A_805 : i32 to index
        %get3A_811 = arith.constant 0 : index
        %get3A_812 = tpu.vector_load %get3A_809[%get3A_810, %get3A_811] {strides = array<i32>} : memref<800x64xf32, #tpu.memory_space<vmem>>, vector<1x16xf32>,
        %get3A_813 = vector.shape_cast %get3A_812 : vector<1x16xf32> to vector<16xf32>
        %add3A_814 = arith.constant 4 : i32
        %add3A_815 = arith.addi %add3A_774, %add3A_814 : i32
        %get3A_816 = arith.constant 0 : i32
        %get3A_817 = arith.constant 0 : i32
        %get3A_818 = tpu.memref_slice %arg6[%scan3A_522, %get3A_816, %get3A_817] : memref<2x800x64xf32, #tpu.memory_space<vmem>> -> memref<1x800x64xf32, #tpu.memory_space<vmem>>
        %get3A_819 = tpu.memref_squeeze %get3A_818 : memref<1x800x64xf32, #tpu.memory_space<vmem>> -> memref<800x64xf32, #tpu.memory_space<vmem>>
        %get3A_820 = arith.index_cast %add3A_815 : i32 to index
        %get3A_821 = arith.constant 0 : index
        %get3A_822 = tpu.vector_load %get3A_819[%get3A_820, %get3A_821] {strides = array<i32>} : memref<800x64xf32, #tpu.memory_space<vmem>>, vector<1x16xf32>,
        %get3A_823 = vector.shape_cast %get3A_822 : vector<1x16xf32> to vector<16xf32>
        %add3A_824 = arith.constant 5 : i32
        %add3A_825 = arith.addi %add3A_774, %add3A_824 : i32
        %get3A_826 = arith.constant 0 : i32
        %get3A_827 = arith.constant 0 : i32
        %get3A_828 = tpu.memref_slice %arg6[%scan3A_522, %get3A_826, %get3A_827] : memref<2x800x64xf32, #tpu.memory_space<vmem>> -> memref<1x800x64xf32, #tpu.memory_space<vmem>>
        %get3A_829 = tpu.memref_squeeze %get3A_828 : memref<1x800x64xf32, #tpu.memory_space<vmem>> -> memref<800x64xf32, #tpu.memory_space<vmem>>
        %get3A_830 = arith.index_cast %add3A_825 : i32 to index
        %get3A_831 = arith.constant 0 : index
        %get3A_832 = tpu.vector_load %get3A_829[%get3A_830, %get3A_831] {strides = array<i32>} : memref<800x64xf32, #tpu.memory_space<vmem>>, vector<1x16xf32>,
        %get3A_833 = vector.shape_cast %get3A_832 : vector<1x16xf32> to vector<16xf32>
        %add3A_834 = arith.constant 6 : i32
        %add3A_835 = arith.addi %add3A_774, %add3A_834 : i32
        %get3A_836 = arith.constant 0 : i32
        %get3A_837 = arith.constant 0 : i32
        %get3A_838 = tpu.memref_slice %arg6[%scan3A_522, %get3A_836, %get3A_837] : memref<2x800x64xf32, #tpu.memory_space<vmem>> -> memref<1x800x64xf32, #tpu.memory_space<vmem>>
        %get3A_839 = tpu.memref_squeeze %get3A_838 : memref<1x800x64xf32, #tpu.memory_space<vmem>> -> memref<800x64xf32, #tpu.memory_space<vmem>>
        %get3A_840 = arith.index_cast %add3A_835 : i32 to index
        %get3A_841 = arith.constant 0 : index
        %get3A_842 = tpu.vector_load %get3A_839[%get3A_840, %get3A_841] {strides = array<i32>} : memref<800x64xf32, #tpu.memory_space<vmem>>, vector<1x16xf32>,
        %get3A_843 = vector.shape_cast %get3A_842 : vector<1x16xf32> to vector<16xf32>
        %add3A_844 = arith.constant 7 : i32
        %add3A_845 = arith.addi %add3A_774, %add3A_844 : i32
        %get3A_846 = arith.constant 0 : i32
        %get3A_847 = arith.constant 0 : i32
        %get3A_848 = tpu.memref_slice %arg6[%scan3A_522, %get3A_846, %get3A_847] : memref<2x800x64xf32, #tpu.memory_space<vmem>> -> memref<1x800x64xf32, #tpu.memory_space<vmem>>
        %get3A_849 = tpu.memref_squeeze %get3A_848 : memref<1x800x64xf32, #tpu.memory_space<vmem>> -> memref<800x64xf32, #tpu.memory_space<vmem>>
        %get3A_850 = arith.index_cast %add3A_845 : i32 to index
        %get3A_851 = arith.constant 0 : index
        %get3A_852 = tpu.vector_load %get3A_849[%get3A_850, %get3A_851] {strides = array<i32>} : memref<800x64xf32, #tpu.memory_space<vmem>>, vector<1x16xf32>,
        %get3A_853 = vector.shape_cast %get3A_852 : vector<1x16xf32> to vector<16xf32>
        %add3A_854 = arith.addf %get3A_783, %get3A_793 : vector<16xf32>
        %add3A_855 = arith.addf %get3A_803, %get3A_813 : vector<16xf32>
        %add3A_856 = arith.addf %get3A_823, %get3A_833 : vector<16xf32>
        %add3A_857 = arith.addf %get3A_843, %get3A_853 : vector<16xf32>
        %add3A_858 = arith.addf %add3A_854, %add3A_855 : vector<16xf32>
        %add3A_859 = arith.addf %add3A_856, %add3A_857 : vector<16xf32>
        %add3A_860 = arith.addf %add3A_858, %add3A_859 : vector<16xf32>
        %add3A_861 = arith.addf %scan3A_767, %add3A_860 : vector<16xf32>
        %add3A_862 = arith.constant 0 : i32
        %add3A_863 = arith.addi %add3A_774, %add3A_862 : i32
        %get3A_864 = arith.constant 0 : i32
        %get3A_865 = arith.constant 0 : i32
        %get3A_866 = tpu.memref_slice %arg6[%scan3A_522, %get3A_864, %get3A_865] : memref<2x800x64xf32, #tpu.memory_space<vmem>> -> memref<1x800x64xf32, #tpu.memory_space<vmem>>
        %get3A_867 = tpu.memref_squeeze %get3A_866 : memref<1x800x64xf32, #tpu.memory_space<vmem>> -> memref<800x64xf32, #tpu.memory_space<vmem>>
        %get3A_868 = arith.index_cast %add3A_863 : i32 to index
        %get3A_869 = arith.constant 16 : index
        %get3A_870 = tpu.vector_load %get3A_867[%get3A_868, %get3A_869] {strides = array<i32>} : memref<800x64xf32, #tpu.memory_space<vmem>>, vector<1x16xf32>,
        %get3A_871 = vector.shape_cast %get3A_870 : vector<1x16xf32> to vector<16xf32>
        %add3A_872 = arith.constant 1 : i32
        %add3A_873 = arith.addi %add3A_774, %add3A_872 : i32
        %get3A_874 = arith.constant 0 : i32
        %get3A_875 = arith.constant 0 : i32
        %get3A_876 = tpu.memref_slice %arg6[%scan3A_522, %get3A_874, %get3A_875] : memref<2x800x64xf32, #tpu.memory_space<vmem>> -> memref<1x800x64xf32, #tpu.memory_space<vmem>>
        %get3A_877 = tpu.memref_squeeze %get3A_876 : memref<1x800x64xf32, #tpu.memory_space<vmem>> -> memref<800x64xf32, #tpu.memory_space<vmem>>
        %get3A_878 = arith.index_cast %add3A_873 : i32 to index
        %get3A_879 = arith.constant 16 : index
        %get3A_880 = tpu.vector_load %get3A_877[%get3A_878, %get3A_879] {strides = array<i32>} : memref<800x64xf32, #tpu.memory_space<vmem>>, vector<1x16xf32>,
        %get3A_881 = vector.shape_cast %get3A_880 : vector<1x16xf32> to vector<16xf32>
        %add3A_882 = arith.constant 2 : i32
        %add3A_883 = arith.addi %add3A_774, %add3A_882 : i32
        %get3A_884 = arith.constant 0 : i32
        %get3A_885 = arith.constant 0 : i32
        %get3A_886 = tpu.memref_slice %arg6[%scan3A_522, %get3A_884, %get3A_885] : memref<2x800x64xf32, #tpu.memory_space<vmem>> -> memref<1x800x64xf32, #tpu.memory_space<vmem>>
        %get3A_887 = tpu.memref_squeeze %get3A_886 : memref<1x800x64xf32, #tpu.memory_space<vmem>> -> memref<800x64xf32, #tpu.memory_space<vmem>>
        %get3A_888 = arith.index_cast %add3A_883 : i32 to index
        %get3A_889 = arith.constant 16 : index
        %get3A_890 = tpu.vector_load %get3A_887[%get3A_888, %get3A_889] {strides = array<i32>} : memref<800x64xf32, #tpu.memory_space<vmem>>, vector<1x16xf32>,
        %get3A_891 = vector.shape_cast %get3A_890 : vector<1x16xf32> to vector<16xf32>
        %add3A_892 = arith.constant 3 : i32
        %add3A_893 = arith.addi %add3A_774, %add3A_892 : i32
        %get3A_894 = arith.constant 0 : i32
        %get3A_895 = arith.constant 0 : i32
        %get3A_896 = tpu.memref_slice %arg6[%scan3A_522, %get3A_894, %get3A_895] : memref<2x800x64xf32, #tpu.memory_space<vmem>> -> memref<1x800x64xf32, #tpu.memory_space<vmem>>
        %get3A_897 = tpu.memref_squeeze %get3A_896 : memref<1x800x64xf32, #tpu.memory_space<vmem>> -> memref<800x64xf32, #tpu.memory_space<vmem>>
        %get3A_898 = arith.index_cast %add3A_893 : i32 to index
        %get3A_899 = arith.constant 16 : index
        %get3A_900 = tpu.vector_load %get3A_897[%get3A_898, %get3A_899] {strides = array<i32>} : memref<800x64xf32, #tpu.memory_space<vmem>>, vector<1x16xf32>,
        %get3A_901 = vector.shape_cast %get3A_900 : vector<1x16xf32> to vector<16xf32>
        %add3A_902 = arith.constant 4 : i32
        %add3A_903 = arith.addi %add3A_774, %add3A_902 : i32
        %get3A_904 = arith.constant 0 : i32
        %get3A_905 = arith.constant 0 : i32
        %get3A_906 = tpu.memref_slice %arg6[%scan3A_522, %get3A_904, %get3A_905] : memref<2x800x64xf32, #tpu.memory_space<vmem>> -> memref<1x800x64xf32, #tpu.memory_space<vmem>>
        %get3A_907 = tpu.memref_squeeze %get3A_906 : memref<1x800x64xf32, #tpu.memory_space<vmem>> -> memref<800x64xf32, #tpu.memory_space<vmem>>
        %get3A_908 = arith.index_cast %add3A_903 : i32 to index
        %get3A_909 = arith.constant 16 : index
        %get3A_910 = tpu.vector_load %get3A_907[%get3A_908, %get3A_909] {strides = array<i32>} : memref<800x64xf32, #tpu.memory_space<vmem>>, vector<1x16xf32>,
        %get3A_911 = vector.shape_cast %get3A_910 : vector<1x16xf32> to vector<16xf32>
        %add3A_912 = arith.constant 5 : i32
        %add3A_913 = arith.addi %add3A_774, %add3A_912 : i32
        %get3A_914 = arith.constant 0 : i32
        %get3A_915 = arith.constant 0 : i32
        %get3A_916 = tpu.memref_slice %arg6[%scan3A_522, %get3A_914, %get3A_915] : memref<2x800x64xf32, #tpu.memory_space<vmem>> -> memref<1x800x64xf32, #tpu.memory_space<vmem>>
        %get3A_917 = tpu.memref_squeeze %get3A_916 : memref<1x800x64xf32, #tpu.memory_space<vmem>> -> memref<800x64xf32, #tpu.memory_space<vmem>>
        %get3A_918 = arith.index_cast %add3A_913 : i32 to index
        %get3A_919 = arith.constant 16 : index
        %get3A_920 = tpu.vector_load %get3A_917[%get3A_918, %get3A_919] {strides = array<i32>} : memref<800x64xf32, #tpu.memory_space<vmem>>, vector<1x16xf32>,
        %get3A_921 = vector.shape_cast %get3A_920 : vector<1x16xf32> to vector<16xf32>
        %add3A_922 = arith.constant 6 : i32
        %add3A_923 = arith.addi %add3A_774, %add3A_922 : i32
        %get3A_924 = arith.constant 0 : i32
        %get3A_925 = arith.constant 0 : i32
        %get3A_926 = tpu.memref_slice %arg6[%scan3A_522, %get3A_924, %get3A_925] : memref<2x800x64xf32, #tpu.memory_space<vmem>> -> memref<1x800x64xf32, #tpu.memory_space<vmem>>
        %get3A_927 = tpu.memref_squeeze %get3A_926 : memref<1x800x64xf32, #tpu.memory_space<vmem>> -> memref<800x64xf32, #tpu.memory_space<vmem>>
        %get3A_928 = arith.index_cast %add3A_923 : i32 to index
        %get3A_929 = arith.constant 16 : index
        %get3A_930 = tpu.vector_load %get3A_927[%get3A_928, %get3A_929] {strides = array<i32>} : memref<800x64xf32, #tpu.memory_space<vmem>>, vector<1x16xf32>,
        %get3A_931 = vector.shape_cast %get3A_930 : vector<1x16xf32> to vector<16xf32>
        %add3A_932 = arith.constant 7 : i32
        %add3A_933 = arith.addi %add3A_774, %add3A_932 : i32
        %get3A_934 = arith.constant 0 : i32
        %get3A_935 = arith.constant 0 : i32
        %get3A_936 = tpu.memref_slice %arg6[%scan3A_522, %get3A_934, %get3A_935] : memref<2x800x64xf32, #tpu.memory_space<vmem>> -> memref<1x800x64xf32, #tpu.memory_space<vmem>>
        %get3A_937 = tpu.memref_squeeze %get3A_936 : memref<1x800x64xf32, #tpu.memory_space<vmem>> -> memref<800x64xf32, #tpu.memory_space<vmem>>
        %get3A_938 = arith.index_cast %add3A_933 : i32 to index
        %get3A_939 = arith.constant 16 : index
        %get3A_940 = tpu.vector_load %get3A_937[%get3A_938, %get3A_939] {strides = array<i32>} : memref<800x64xf32, #tpu.memory_space<vmem>>, vector<1x16xf32>,
        %get3A_941 = vector.shape_cast %get3A_940 : vector<1x16xf32> to vector<16xf32>
        %add3A_942 = arith.addf %get3A_871, %get3A_881 : vector<16xf32>
        %add3A_943 = arith.addf %get3A_891, %get3A_901 : vector<16xf32>
        %add3A_944 = arith.addf %get3A_911, %get3A_921 : vector<16xf32>
        %add3A_945 = arith.addf %get3A_931, %get3A_941 : vector<16xf32>
        %add3A_946 = arith.addf %add3A_942, %add3A_943 : vector<16xf32>
        %add3A_947 = arith.addf %add3A_944, %add3A_945 : vector<16xf32>
        %add3A_948 = arith.addf %add3A_946, %add3A_947 : vector<16xf32>
        %add3A_949 = arith.addf %scan3A_768, %add3A_948 : vector<16xf32>
        %add3A_950 = arith.constant 0 : i32
        %add3A_951 = arith.addi %add3A_774, %add3A_950 : i32
        %get3A_952 = arith.constant 0 : i32
        %get3A_953 = arith.constant 0 : i32
        %get3A_954 = tpu.memref_slice %arg6[%scan3A_522, %get3A_952, %get3A_953] : memref<2x800x64xf32, #tpu.memory_space<vmem>> -> memref<1x800x64xf32, #tpu.memory_space<vmem>>
        %get3A_955 = tpu.memref_squeeze %get3A_954 : memref<1x800x64xf32, #tpu.memory_space<vmem>> -> memref<800x64xf32, #tpu.memory_space<vmem>>
        %get3A_956 = arith.index_cast %add3A_951 : i32 to index
        %get3A_957 = arith.constant 32 : index
        %get3A_958 = tpu.vector_load %get3A_955[%get3A_956, %get3A_957] {strides = array<i32>} : memref<800x64xf32, #tpu.memory_space<vmem>>, vector<1x16xf32>,
        %get3A_959 = vector.shape_cast %get3A_958 : vector<1x16xf32> to vector<16xf32>
        %add3A_960 = arith.constant 1 : i32
        %add3A_961 = arith.addi %add3A_774, %add3A_960 : i32
        %get3A_962 = arith.constant 0 : i32
        %get3A_963 = arith.constant 0 : i32
        %get3A_964 = tpu.memref_slice %arg6[%scan3A_522, %get3A_962, %get3A_963] : memref<2x800x64xf32, #tpu.memory_space<vmem>> -> memref<1x800x64xf32, #tpu.memory_space<vmem>>
        %get3A_965 = tpu.memref_squeeze %get3A_964 : memref<1x800x64xf32, #tpu.memory_space<vmem>> -> memref<800x64xf32, #tpu.memory_space<vmem>>
        %get3A_966 = arith.index_cast %add3A_961 : i32 to index
        %get3A_967 = arith.constant 32 : index
        %get3A_968 = tpu.vector_load %get3A_965[%get3A_966, %get3A_967] {strides = array<i32>} : memref<800x64xf32, #tpu.memory_space<vmem>>, vector<1x16xf32>,
        %get3A_969 = vector.shape_cast %get3A_968 : vector<1x16xf32> to vector<16xf32>
        %add3A_970 = arith.constant 2 : i32
        %add3A_971 = arith.addi %add3A_774, %add3A_970 : i32
        %get3A_972 = arith.constant 0 : i32
        %get3A_973 = arith.constant 0 : i32
        %get3A_974 = tpu.memref_slice %arg6[%scan3A_522, %get3A_972, %get3A_973] : memref<2x800x64xf32, #tpu.memory_space<vmem>> -> memref<1x800x64xf32, #tpu.memory_space<vmem>>
        %get3A_975 = tpu.memref_squeeze %get3A_974 : memref<1x800x64xf32, #tpu.memory_space<vmem>> -> memref<800x64xf32, #tpu.memory_space<vmem>>
        %get3A_976 = arith.index_cast %add3A_971 : i32 to index
        %get3A_977 = arith.constant 32 : index
        %get3A_978 = tpu.vector_load %get3A_975[%get3A_976, %get3A_977] {strides = array<i32>} : memref<800x64xf32, #tpu.memory_space<vmem>>, vector<1x16xf32>,
        %get3A_979 = vector.shape_cast %get3A_978 : vector<1x16xf32> to vector<16xf32>
        %add3A_980 = arith.constant 3 : i32
        %add3A_981 = arith.addi %add3A_774, %add3A_980 : i32
        %get3A_982 = arith.constant 0 : i32
        %get3A_983 = arith.constant 0 : i32
        %get3A_984 = tpu.memref_slice %arg6[%scan3A_522, %get3A_982, %get3A_983] : memref<2x800x64xf32, #tpu.memory_space<vmem>> -> memref<1x800x64xf32, #tpu.memory_space<vmem>>
        %get3A_985 = tpu.memref_squeeze %get3A_984 : memref<1x800x64xf32, #tpu.memory_space<vmem>> -> memref<800x64xf32, #tpu.memory_space<vmem>>
        %get3A_986 = arith.index_cast %add3A_981 : i32 to index
        %get3A_987 = arith.constant 32 : index
        %get3A_988 = tpu.vector_load %get3A_985[%get3A_986, %get3A_987] {strides = array<i32>} : memref<800x64xf32, #tpu.memory_space<vmem>>, vector<1x16xf32>,
        %get3A_989 = vector.shape_cast %get3A_988 : vector<1x16xf32> to vector<16xf32>
        %add3A_990 = arith.constant 4 : i32
        %add3A_991 = arith.addi %add3A_774, %add3A_990 : i32
        %get3A_992 = arith.constant 0 : i32
        %get3A_993 = arith.constant 0 : i32
        %get3A_994 = tpu.memref_slice %arg6[%scan3A_522, %get3A_992, %get3A_993] : memref<2x800x64xf32, #tpu.memory_space<vmem>> -> memref<1x800x64xf32, #tpu.memory_space<vmem>>
        %get3A_995 = tpu.memref_squeeze %get3A_994 : memref<1x800x64xf32, #tpu.memory_space<vmem>> -> memref<800x64xf32, #tpu.memory_space<vmem>>
        %get3A_996 = arith.index_cast %add3A_991 : i32 to index
        %get3A_997 = arith.constant 32 : index
        %get3A_998 = tpu.vector_load %get3A_995[%get3A_996, %get3A_997] {strides = array<i32>} : memref<800x64xf32, #tpu.memory_space<vmem>>, vector<1x16xf32>,
        %get3A_999 = vector.shape_cast %get3A_998 : vector<1x16xf32> to vector<16xf32>
        %add3A_1000 = arith.constant 5 : i32
        %add3A_1001 = arith.addi %add3A_774, %add3A_1000 : i32
        %get3A_1002 = arith.constant 0 : i32
        %get3A_1003 = arith.constant 0 : i32
        %get3A_1004 = tpu.memref_slice %arg6[%scan3A_522, %get3A_1002, %get3A_1003] : memref<2x800x64xf32, #tpu.memory_space<vmem>> -> memref<1x800x64xf32, #tpu.memory_space<vmem>>
        %get3A_1005 = tpu.memref_squeeze %get3A_1004 : memref<1x800x64xf32, #tpu.memory_space<vmem>> -> memref<800x64xf32, #tpu.memory_space<vmem>>
        %get3A_1006 = arith.index_cast %add3A_1001 : i32 to index
        %get3A_1007 = arith.constant 32 : index
        %get3A_1008 = tpu.vector_load %get3A_1005[%get3A_1006, %get3A_1007] {strides = array<i32>} : memref<800x64xf32, #tpu.memory_space<vmem>>, vector<1x16xf32>,
        %get3A_1009 = vector.shape_cast %get3A_1008 : vector<1x16xf32> to vector<16xf32>
        %add3A_1010 = arith.constant 6 : i32
        %add3A_1011 = arith.addi %add3A_774, %add3A_1010 : i32
        %get3A_1012 = arith.constant 0 : i32
        %get3A_1013 = arith.constant 0 : i32
        %get3A_1014 = tpu.memref_slice %arg6[%scan3A_522, %get3A_1012, %get3A_1013] : memref<2x800x64xf32, #tpu.memory_space<vmem>> -> memref<1x800x64xf32, #tpu.memory_space<vmem>>
        %get3A_1015 = tpu.memref_squeeze %get3A_1014 : memref<1x800x64xf32, #tpu.memory_space<vmem>> -> memref<800x64xf32, #tpu.memory_space<vmem>>
        %get3A_1016 = arith.index_cast %add3A_1011 : i32 to index
        %get3A_1017 = arith.constant 32 : index
        %get3A_1018 = tpu.vector_load %get3A_1015[%get3A_1016, %get3A_1017] {strides = array<i32>} : memref<800x64xf32, #tpu.memory_space<vmem>>, vector<1x16xf32>,
        %get3A_1019 = vector.shape_cast %get3A_1018 : vector<1x16xf32> to vector<16xf32>
        %add3A_1020 = arith.constant 7 : i32
        %add3A_1021 = arith.addi %add3A_774, %add3A_1020 : i32
        %get3A_1022 = arith.constant 0 : i32
        %get3A_1023 = arith.constant 0 : i32
        %get3A_1024 = tpu.memref_slice %arg6[%scan3A_522, %get3A_1022, %get3A_1023] : memref<2x800x64xf32, #tpu.memory_space<vmem>> -> memref<1x800x64xf32, #tpu.memory_space<vmem>>
        %get3A_1025 = tpu.memref_squeeze %get3A_1024 : memref<1x800x64xf32, #tpu.memory_space<vmem>> -> memref<800x64xf32, #tpu.memory_space<vmem>>
        %get3A_1026 = arith.index_cast %add3A_1021 : i32 to index
        %get3A_1027 = arith.constant 32 : index
        %get3A_1028 = tpu.vector_load %get3A_1025[%get3A_1026, %get3A_1027] {strides = array<i32>} : memref<800x64xf32, #tpu.memory_space<vmem>>, vector<1x16xf32>,
        %get3A_1029 = vector.shape_cast %get3A_1028 : vector<1x16xf32> to vector<16xf32>
        %add3A_1030 = arith.addf %get3A_959, %get3A_969 : vector<16xf32>
        %add3A_1031 = arith.addf %get3A_979, %get3A_989 : vector<16xf32>
        %add3A_1032 = arith.addf %get3A_999, %get3A_1009 : vector<16xf32>
        %add3A_1033 = arith.addf %get3A_1019, %get3A_1029 : vector<16xf32>
        %add3A_1034 = arith.addf %add3A_1030, %add3A_1031 : vector<16xf32>
        %add3A_1035 = arith.addf %add3A_1032, %add3A_1033 : vector<16xf32>
        %add3A_1036 = arith.addf %add3A_1034, %add3A_1035 : vector<16xf32>
        %add3A_1037 = arith.addf %scan3A_769, %add3A_1036 : vector<16xf32>
        %add3A_1038 = arith.constant 0 : i32
        %add3A_1039 = arith.addi %add3A_774, %add3A_1038 : i32
        %get3A_1040 = arith.constant 0 : i32
        %get3A_1041 = arith.constant 0 : i32
        %get3A_1042 = tpu.memref_slice %arg6[%scan3A_522, %get3A_1040, %get3A_1041] : memref<2x800x64xf32, #tpu.memory_space<vmem>> -> memref<1x800x64xf32, #tpu.memory_space<vmem>>
        %get3A_1043 = tpu.memref_squeeze %get3A_1042 : memref<1x800x64xf32, #tpu.memory_space<vmem>> -> memref<800x64xf32, #tpu.memory_space<vmem>>
        %get3A_1044 = arith.index_cast %add3A_1039 : i32 to index
        %get3A_1045 = arith.constant 48 : index
        %get3A_1046 = tpu.vector_load %get3A_1043[%get3A_1044, %get3A_1045] {strides = array<i32>} : memref<800x64xf32, #tpu.memory_space<vmem>>, vector<1x16xf32>,
        %get3A_1047 = vector.shape_cast %get3A_1046 : vector<1x16xf32> to vector<16xf32>
        %add3A_1048 = arith.constant 1 : i32
        %add3A_1049 = arith.addi %add3A_774, %add3A_1048 : i32
        %get3A_1050 = arith.constant 0 : i32
        %get3A_1051 = arith.constant 0 : i32
        %get3A_1052 = tpu.memref_slice %arg6[%scan3A_522, %get3A_1050, %get3A_1051] : memref<2x800x64xf32, #tpu.memory_space<vmem>> -> memref<1x800x64xf32, #tpu.memory_space<vmem>>
        %get3A_1053 = tpu.memref_squeeze %get3A_1052 : memref<1x800x64xf32, #tpu.memory_space<vmem>> -> memref<800x64xf32, #tpu.memory_space<vmem>>
        %get3A_1054 = arith.index_cast %add3A_1049 : i32 to index
        %get3A_1055 = arith.constant 48 : index
        %get3A_1056 = tpu.vector_load %get3A_1053[%get3A_1054, %get3A_1055] {strides = array<i32>} : memref<800x64xf32, #tpu.memory_space<vmem>>, vector<1x16xf32>,
        %get3A_1057 = vector.shape_cast %get3A_1056 : vector<1x16xf32> to vector<16xf32>
        %add3A_1058 = arith.constant 2 : i32
        %add3A_1059 = arith.addi %add3A_774, %add3A_1058 : i32
        %get3A_1060 = arith.constant 0 : i32
        %get3A_1061 = arith.constant 0 : i32
        %get3A_1062 = tpu.memref_slice %arg6[%scan3A_522, %get3A_1060, %get3A_1061] : memref<2x800x64xf32, #tpu.memory_space<vmem>> -> memref<1x800x64xf32, #tpu.memory_space<vmem>>
        %get3A_1063 = tpu.memref_squeeze %get3A_1062 : memref<1x800x64xf32, #tpu.memory_space<vmem>> -> memref<800x64xf32, #tpu.memory_space<vmem>>
        %get3A_1064 = arith.index_cast %add3A_1059 : i32 to index
        %get3A_1065 = arith.constant 48 : index
        %get3A_1066 = tpu.vector_load %get3A_1063[%get3A_1064, %get3A_1065] {strides = array<i32>} : memref<800x64xf32, #tpu.memory_space<vmem>>, vector<1x16xf32>,
        %get3A_1067 = vector.shape_cast %get3A_1066 : vector<1x16xf32> to vector<16xf32>
        %add3A_1068 = arith.constant 3 : i32
        %add3A_1069 = arith.addi %add3A_774, %add3A_1068 : i32
        %get3A_1070 = arith.constant 0 : i32
        %get3A_1071 = arith.constant 0 : i32
        %get3A_1072 = tpu.memref_slice %arg6[%scan3A_522, %get3A_1070, %get3A_1071] : memref<2x800x64xf32, #tpu.memory_space<vmem>> -> memref<1x800x64xf32, #tpu.memory_space<vmem>>
        %get3A_1073 = tpu.memref_squeeze %get3A_1072 : memref<1x800x64xf32, #tpu.memory_space<vmem>> -> memref<800x64xf32, #tpu.memory_space<vmem>>
        %get3A_1074 = arith.index_cast %add3A_1069 : i32 to index
        %get3A_1075 = arith.constant 48 : index
        %get3A_1076 = tpu.vector_load %get3A_1073[%get3A_1074, %get3A_1075] {strides = array<i32>} : memref<800x64xf32, #tpu.memory_space<vmem>>, vector<1x16xf32>,
        %get3A_1077 = vector.shape_cast %get3A_1076 : vector<1x16xf32> to vector<16xf32>
        %add3A_1078 = arith.constant 4 : i32
        %add3A_1079 = arith.addi %add3A_774, %add3A_1078 : i32
        %get3A_1080 = arith.constant 0 : i32
        %get3A_1081 = arith.constant 0 : i32
        %get3A_1082 = tpu.memref_slice %arg6[%scan3A_522, %get3A_1080, %get3A_1081] : memref<2x800x64xf32, #tpu.memory_space<vmem>> -> memref<1x800x64xf32, #tpu.memory_space<vmem>>
        %get3A_1083 = tpu.memref_squeeze %get3A_1082 : memref<1x800x64xf32, #tpu.memory_space<vmem>> -> memref<800x64xf32, #tpu.memory_space<vmem>>
        %get3A_1084 = arith.index_cast %add3A_1079 : i32 to index
        %get3A_1085 = arith.constant 48 : index
        %get3A_1086 = tpu.vector_load %get3A_1083[%get3A_1084, %get3A_1085] {strides = array<i32>} : memref<800x64xf32, #tpu.memory_space<vmem>>, vector<1x16xf32>,
        %get3A_1087 = vector.shape_cast %get3A_1086 : vector<1x16xf32> to vector<16xf32>
        %add3A_1088 = arith.constant 5 : i32
        %add3A_1089 = arith.addi %add3A_774, %add3A_1088 : i32
        %get3A_1090 = arith.constant 0 : i32
        %get3A_1091 = arith.constant 0 : i32
        %get3A_1092 = tpu.memref_slice %arg6[%scan3A_522, %get3A_1090, %get3A_1091] : memref<2x800x64xf32, #tpu.memory_space<vmem>> -> memref<1x800x64xf32, #tpu.memory_space<vmem>>
        %get3A_1093 = tpu.memref_squeeze %get3A_1092 : memref<1x800x64xf32, #tpu.memory_space<vmem>> -> memref<800x64xf32, #tpu.memory_space<vmem>>
        %get3A_1094 = arith.index_cast %add3A_1089 : i32 to index
        %get3A_1095 = arith.constant 48 : index
        %get3A_1096 = tpu.vector_load %get3A_1093[%get3A_1094, %get3A_1095] {strides = array<i32>} : memref<800x64xf32, #tpu.memory_space<vmem>>, vector<1x16xf32>,
        %get3A_1097 = vector.shape_cast %get3A_1096 : vector<1x16xf32> to vector<16xf32>
        %add3A_1098 = arith.constant 6 : i32
        %add3A_1099 = arith.addi %add3A_774, %add3A_1098 : i32
        %get3A_1100 = arith.constant 0 : i32
        %get3A_1101 = arith.constant 0 : i32
        %get3A_1102 = tpu.memref_slice %arg6[%scan3A_522, %get3A_1100, %get3A_1101] : memref<2x800x64xf32, #tpu.memory_space<vmem>> -> memref<1x800x64xf32, #tpu.memory_space<vmem>>
        %get3A_1103 = tpu.memref_squeeze %get3A_1102 : memref<1x800x64xf32, #tpu.memory_space<vmem>> -> memref<800x64xf32, #tpu.memory_space<vmem>>
        %get3A_1104 = arith.index_cast %add3A_1099 : i32 to index
        %get3A_1105 = arith.constant 48 : index
        %get3A_1106 = tpu.vector_load %get3A_1103[%get3A_1104, %get3A_1105] {strides = array<i32>} : memref<800x64xf32, #tpu.memory_space<vmem>>, vector<1x16xf32>,
        %get3A_1107 = vector.shape_cast %get3A_1106 : vector<1x16xf32> to vector<16xf32>
        %add3A_1108 = arith.constant 7 : i32
        %add3A_1109 = arith.addi %add3A_774, %add3A_1108 : i32
        %get3A_1110 = arith.constant 0 : i32
        %get3A_1111 = arith.constant 0 : i32
        %get3A_1112 = tpu.memref_slice %arg6[%scan3A_522, %get3A_1110, %get3A_1111] : memref<2x800x64xf32, #tpu.memory_space<vmem>> -> memref<1x800x64xf32, #tpu.memory_space<vmem>>
        %get3A_1113 = tpu.memref_squeeze %get3A_1112 : memref<1x800x64xf32, #tpu.memory_space<vmem>> -> memref<800x64xf32, #tpu.memory_space<vmem>>
        %get3A_1114 = arith.index_cast %add3A_1109 : i32 to index
        %get3A_1115 = arith.constant 48 : index
        %get3A_1116 = tpu.vector_load %get3A_1113[%get3A_1114, %get3A_1115] {strides = array<i32>} : memref<800x64xf32, #tpu.memory_space<vmem>>, vector<1x16xf32>,
        %get3A_1117 = vector.shape_cast %get3A_1116 : vector<1x16xf32> to vector<16xf32>
        %add3A_1118 = arith.addf %get3A_1047, %get3A_1057 : vector<16xf32>
        %add3A_1119 = arith.addf %get3A_1067, %get3A_1077 : vector<16xf32>
        %add3A_1120 = arith.addf %get3A_1087, %get3A_1097 : vector<16xf32>
        %add3A_1121 = arith.addf %get3A_1107, %get3A_1117 : vector<16xf32>
        %add3A_1122 = arith.addf %add3A_1118, %add3A_1119 : vector<16xf32>
        %add3A_1123 = arith.addf %add3A_1120, %add3A_1121 : vector<16xf32>
        %add3A_1124 = arith.addf %add3A_1122, %add3A_1123 : vector<16xf32>
        %add3A_1125 = arith.addf %scan3A_770, %add3A_1124 : vector<16xf32>
        scf.yield %add3A_861, %add3A_949, %add3A_1037, %add3A_1125 : vector<16xf32>, vector<16xf32>, vector<16xf32>, vector<16xf32>
      }
      %scan3A_528 = arith.constant 25 : i32
      %swap3A_529 = arith.constant 1 : i32
      %swap3A_530 = arith.constant 0 : i32
      %swap3A_531 = arith.constant 0 : i32
      %swap3A_532 = arith.constant 0 : i32
      %swap3A_533 = tpu.memref_slice %arg7[%swap3A_529, %swap3A_531, %swap3A_532] : memref<2x4x64xf32, #tpu.memory_space<vmem>> -> memref<1x4x64xf32, #tpu.memory_space<vmem>>
      %swap3A_534 = tpu.memref_squeeze %swap3A_533 : memref<1x4x64xf32, #tpu.memory_space<vmem>> -> memref<4x64xf32, #tpu.memory_space<vmem>>
      %swap3A_535 = arith.index_cast %swap3A_530 : i32 to index
      %swap3A_536 = arith.constant 0 : index
      %swap3A_537 = tpu.vector_load %swap3A_534[%swap3A_535, %swap3A_536] {strides = array<i32>} : memref<4x64xf32, #tpu.memory_space<vmem>>, vector<1x16xf32>,
      %swap3A_538 = vector.shape_cast %swap3A_537 : vector<1x16xf32> to vector<16xf32>
      %swap3A_539 = vector.shape_cast %scan3A_527#0 : vector<16xf32> to vector<1x16xf32>
      tpu.vector_store %swap3A_534[%swap3A_535, %swap3A_536], %swap3A_539 {strides = array<i32>} : memref<4x64xf32, #tpu.memory_space<vmem>>, vector<1x16xf32>,
      %swap3A_540 = arith.constant 1 : i32
      %swap3A_541 = arith.constant 0 : i32
      %swap3A_542 = arith.constant 0 : i32
      %swap3A_543 = arith.constant 0 : i32
      %swap3A_544 = tpu.memref_slice %arg7[%swap3A_540, %swap3A_542, %swap3A_543] : memref<2x4x64xf32, #tpu.memory_space<vmem>> -> memref<1x4x64xf32, #tpu.memory_space<vmem>>
      %swap3A_545 = tpu.memref_squeeze %swap3A_544 : memref<1x4x64xf32, #tpu.memory_space<vmem>> -> memref<4x64xf32, #tpu.memory_space<vmem>>
      %swap3A_546 = arith.index_cast %swap3A_541 : i32 to index
      %swap3A_547 = arith.constant 16 : index
      %swap3A_548 = tpu.vector_load %swap3A_545[%swap3A_546, %swap3A_547] {strides = array<i32>} : memref<4x64xf32, #tpu.memory_space<vmem>>, vector<1x16xf32>,
      %swap3A_549 = vector.shape_cast %swap3A_548 : vector<1x16xf32> to vector<16xf32>
      %swap3A_550 = vector.shape_cast %scan3A_527#1 : vector<16xf32> to vector<1x16xf32>
      tpu.vector_store %swap3A_545[%swap3A_546, %swap3A_547], %swap3A_550 {strides = array<i32>} : memref<4x64xf32, #tpu.memory_space<vmem>>, vector<1x16xf32>,
      %swap3A_551 = arith.constant 1 : i32
      %swap3A_552 = arith.constant 0 : i32
      %swap3A_553 = arith.constant 0 : i32
      %swap3A_554 = arith.constant 0 : i32
      %swap3A_555 = tpu.memref_slice %arg7[%swap3A_551, %swap3A_553, %swap3A_554] : memref<2x4x64xf32, #tpu.memory_space<vmem>> -> memref<1x4x64xf32, #tpu.memory_space<vmem>>
      %swap3A_556 = tpu.memref_squeeze %swap3A_555 : memref<1x4x64xf32, #tpu.memory_space<vmem>> -> memref<4x64xf32, #tpu.memory_space<vmem>>
      %swap3A_557 = arith.index_cast %swap3A_552 : i32 to index
      %swap3A_558 = arith.constant 32 : index
      %swap3A_559 = tpu.vector_load %swap3A_556[%swap3A_557, %swap3A_558] {strides = array<i32>} : memref<4x64xf32, #tpu.memory_space<vmem>>, vector<1x16xf32>,
      %swap3A_560 = vector.shape_cast %swap3A_559 : vector<1x16xf32> to vector<16xf32>
      %swap3A_561 = vector.shape_cast %scan3A_527#2 : vector<16xf32> to vector<1x16xf32>
      tpu.vector_store %swap3A_556[%swap3A_557, %swap3A_558], %swap3A_561 {strides = array<i32>} : memref<4x64xf32, #tpu.memory_space<vmem>>, vector<1x16xf32>,
      %swap3A_562 = arith.constant 1 : i32
      %swap3A_563 = arith.constant 0 : i32
      %swap3A_564 = arith.constant 0 : i32
      %swap3A_565 = arith.constant 0 : i32
      %swap3A_566 = tpu.memref_slice %arg7[%swap3A_562, %swap3A_564, %swap3A_565] : memref<2x4x64xf32, #tpu.memory_space<vmem>> -> memref<1x4x64xf32, #tpu.memory_space<vmem>>
      %swap3A_567 = tpu.memref_squeeze %swap3A_566 : memref<1x4x64xf32, #tpu.memory_space<vmem>> -> memref<4x64xf32, #tpu.memory_space<vmem>>
      %swap3A_568 = arith.index_cast %swap3A_563 : i32 to index
      %swap3A_569 = arith.constant 48 : index
      %swap3A_570 = tpu.vector_load %swap3A_567[%swap3A_568, %swap3A_569] {strides = array<i32>} : memref<4x64xf32, #tpu.memory_space<vmem>>, vector<1x16xf32>,
      %swap3A_571 = vector.shape_cast %swap3A_570 : vector<1x16xf32> to vector<16xf32>
      %swap3A_572 = vector.shape_cast %scan3A_527#3 : vector<16xf32> to vector<1x16xf32>
      tpu.vector_store %swap3A_567[%swap3A_568, %swap3A_569], %swap3A_572 {strides = array<i32>} : memref<4x64xf32, #tpu.memory_space<vmem>>, vector<1x16xf32>,
      %broadcast_in_dim3A_573 = arith.constant 0.000000e+00 : f32
      %broadcast_in_dim3A_574 = vector.broadcast %broadcast_in_dim3A_573 : f32 to vector<16xf32>
      %broadcast_in_dim3A_575 = arith.constant 0.000000e+00 : f32
      %broadcast_in_dim3A_576 = vector.broadcast %broadcast_in_dim3A_575 : f32 to vector<16xf32>
      %broadcast_in_dim3A_577 = arith.constant 0.000000e+00 : f32
      %broadcast_in_dim3A_578 = vector.broadcast %broadcast_in_dim3A_577 : f32 to vector<16xf32>
      %broadcast_in_dim3A_579 = arith.constant 0.000000e+00 : f32
      %broadcast_in_dim3A_580 = vector.broadcast %broadcast_in_dim3A_579 : f32 to vector<16xf32>
      %scan3A_581 = arith.constant 1 : i32
      %scan3A_582 = arith.constant 0 : i32
      %scan3A_583 = arith.constant 25 : i32
      %scan3A_584 = arith.addi %scan3A_582, %scan3A_583 : i32
      %scan3A_585 = arith.constant 1 : i32
      %scan3A_586:4 = scf.for %scan3A_766 = %scan3A_582 to %scan3A_584 step %scan3A_585 iter_args(%scan3A_767 = %broadcast_in_dim3A_574, %scan3A_768 = %broadcast_in_dim3A_576, %scan3A_769 = %broadcast_in_dim3A_578, %scan3A_770 = %broadcast_in_dim3A_580) -> (vector<16xf32>, vector<16xf32>, vector<16xf32>, vector<16xf32>)  : i32 {
        %mul3A_771 = arith.constant 8 : i32
        %mul3A_772 = arith.muli %scan3A_766, %mul3A_771 : i32
        %add3A_773 = arith.constant 200 : i32
        %add3A_774 = arith.addi %add3A_773, %mul3A_772 : i32
        %add3A_775 = arith.constant 0 : i32
        %add3A_776 = arith.addi %add3A_774, %add3A_775 : i32
        %get3A = arith.constant 0 : i32
        %get3A_777 = arith.constant 0 : i32
        %get3A_778 = tpu.memref_slice %arg6[%scan3A_581, %get3A, %get3A_777] : memref<2x800x64xf32, #tpu.memory_space<vmem>> -> memref<1x800x64xf32, #tpu.memory_space<vmem>>
        %get3A_779 = tpu.memref_squeeze %get3A_778 : memref<1x800x64xf32, #tpu.memory_space<vmem>> -> memref<800x64xf32, #tpu.memory_space<vmem>>
        %get3A_780 = arith.index_cast %add3A_776 : i32 to index
        %get3A_781 = arith.constant 0 : index
        %get3A_782 = tpu.vector_load %get3A_779[%get3A_780, %get3A_781] {strides = array<i32>} : memref<800x64xf32, #tpu.memory_space<vmem>>, vector<1x16xf32>,
        %get3A_783 = vector.shape_cast %get3A_782 : vector<1x16xf32> to vector<16xf32>
        %add3A_784 = arith.constant 1 : i32
        %add3A_785 = arith.addi %add3A_774, %add3A_784 : i32
        %get3A_786 = arith.constant 0 : i32
        %get3A_787 = arith.constant 0 : i32
        %get3A_788 = tpu.memref_slice %arg6[%scan3A_581, %get3A_786, %get3A_787] : memref<2x800x64xf32, #tpu.memory_space<vmem>> -> memref<1x800x64xf32, #tpu.memory_space<vmem>>
        %get3A_789 = tpu.memref_squeeze %get3A_788 : memref<1x800x64xf32, #tpu.memory_space<vmem>> -> memref<800x64xf32, #tpu.memory_space<vmem>>
        %get3A_790 = arith.index_cast %add3A_785 : i32 to index
        %get3A_791 = arith.constant 0 : index
        %get3A_792 = tpu.vector_load %get3A_789[%get3A_790, %get3A_791] {strides = array<i32>} : memref<800x64xf32, #tpu.memory_space<vmem>>, vector<1x16xf32>,
        %get3A_793 = vector.shape_cast %get3A_792 : vector<1x16xf32> to vector<16xf32>
        %add3A_794 = arith.constant 2 : i32
        %add3A_795 = arith.addi %add3A_774, %add3A_794 : i32
        %get3A_796 = arith.constant 0 : i32
        %get3A_797 = arith.constant 0 : i32
        %get3A_798 = tpu.memref_slice %arg6[%scan3A_581, %get3A_796, %get3A_797] : memref<2x800x64xf32, #tpu.memory_space<vmem>> -> memref<1x800x64xf32, #tpu.memory_space<vmem>>
        %get3A_799 = tpu.memref_squeeze %get3A_798 : memref<1x800x64xf32, #tpu.memory_space<vmem>> -> memref<800x64xf32, #tpu.memory_space<vmem>>
        %get3A_800 = arith.index_cast %add3A_795 : i32 to index
        %get3A_801 = arith.constant 0 : index
        %get3A_802 = tpu.vector_load %get3A_799[%get3A_800, %get3A_801] {strides = array<i32>} : memref<800x64xf32, #tpu.memory_space<vmem>>, vector<1x16xf32>,
        %get3A_803 = vector.shape_cast %get3A_802 : vector<1x16xf32> to vector<16xf32>
        %add3A_804 = arith.constant 3 : i32
        %add3A_805 = arith.addi %add3A_774, %add3A_804 : i32
        %get3A_806 = arith.constant 0 : i32
        %get3A_807 = arith.constant 0 : i32
        %get3A_808 = tpu.memref_slice %arg6[%scan3A_581, %get3A_806, %get3A_807] : memref<2x800x64xf32, #tpu.memory_space<vmem>> -> memref<1x800x64xf32, #tpu.memory_space<vmem>>
        %get3A_809 = tpu.memref_squeeze %get3A_808 : memref<1x800x64xf32, #tpu.memory_space<vmem>> -> memref<800x64xf32, #tpu.memory_space<vmem>>
        %get3A_810 = arith.index_cast %add3A_805 : i32 to index
        %get3A_811 = arith.constant 0 : index
        %get3A_812 = tpu.vector_load %get3A_809[%get3A_810, %get3A_811] {strides = array<i32>} : memref<800x64xf32, #tpu.memory_space<vmem>>, vector<1x16xf32>,
        %get3A_813 = vector.shape_cast %get3A_812 : vector<1x16xf32> to vector<16xf32>
        %add3A_814 = arith.constant 4 : i32
        %add3A_815 = arith.addi %add3A_774, %add3A_814 : i32
        %get3A_816 = arith.constant 0 : i32
        %get3A_817 = arith.constant 0 : i32
        %get3A_818 = tpu.memref_slice %arg6[%scan3A_581, %get3A_816, %get3A_817] : memref<2x800x64xf32, #tpu.memory_space<vmem>> -> memref<1x800x64xf32, #tpu.memory_space<vmem>>
        %get3A_819 = tpu.memref_squeeze %get3A_818 : memref<1x800x64xf32, #tpu.memory_space<vmem>> -> memref<800x64xf32, #tpu.memory_space<vmem>>
        %get3A_820 = arith.index_cast %add3A_815 : i32 to index
        %get3A_821 = arith.constant 0 : index
        %get3A_822 = tpu.vector_load %get3A_819[%get3A_820, %get3A_821] {strides = array<i32>} : memref<800x64xf32, #tpu.memory_space<vmem>>, vector<1x16xf32>,
        %get3A_823 = vector.shape_cast %get3A_822 : vector<1x16xf32> to vector<16xf32>
        %add3A_824 = arith.constant 5 : i32
        %add3A_825 = arith.addi %add3A_774, %add3A_824 : i32
        %get3A_826 = arith.constant 0 : i32
        %get3A_827 = arith.constant 0 : i32
        %get3A_828 = tpu.memref_slice %arg6[%scan3A_581, %get3A_826, %get3A_827] : memref<2x800x64xf32, #tpu.memory_space<vmem>> -> memref<1x800x64xf32, #tpu.memory_space<vmem>>
        %get3A_829 = tpu.memref_squeeze %get3A_828 : memref<1x800x64xf32, #tpu.memory_space<vmem>> -> memref<800x64xf32, #tpu.memory_space<vmem>>
        %get3A_830 = arith.index_cast %add3A_825 : i32 to index
        %get3A_831 = arith.constant 0 : index
        %get3A_832 = tpu.vector_load %get3A_829[%get3A_830, %get3A_831] {strides = array<i32>} : memref<800x64xf32, #tpu.memory_space<vmem>>, vector<1x16xf32>,
        %get3A_833 = vector.shape_cast %get3A_832 : vector<1x16xf32> to vector<16xf32>
        %add3A_834 = arith.constant 6 : i32
        %add3A_835 = arith.addi %add3A_774, %add3A_834 : i32
        %get3A_836 = arith.constant 0 : i32
        %get3A_837 = arith.constant 0 : i32
        %get3A_838 = tpu.memref_slice %arg6[%scan3A_581, %get3A_836, %get3A_837] : memref<2x800x64xf32, #tpu.memory_space<vmem>> -> memref<1x800x64xf32, #tpu.memory_space<vmem>>
        %get3A_839 = tpu.memref_squeeze %get3A_838 : memref<1x800x64xf32, #tpu.memory_space<vmem>> -> memref<800x64xf32, #tpu.memory_space<vmem>>
        %get3A_840 = arith.index_cast %add3A_835 : i32 to index
        %get3A_841 = arith.constant 0 : index
        %get3A_842 = tpu.vector_load %get3A_839[%get3A_840, %get3A_841] {strides = array<i32>} : memref<800x64xf32, #tpu.memory_space<vmem>>, vector<1x16xf32>,
        %get3A_843 = vector.shape_cast %get3A_842 : vector<1x16xf32> to vector<16xf32>
        %add3A_844 = arith.constant 7 : i32
        %add3A_845 = arith.addi %add3A_774, %add3A_844 : i32
        %get3A_846 = arith.constant 0 : i32
        %get3A_847 = arith.constant 0 : i32
        %get3A_848 = tpu.memref_slice %arg6[%scan3A_581, %get3A_846, %get3A_847] : memref<2x800x64xf32, #tpu.memory_space<vmem>> -> memref<1x800x64xf32, #tpu.memory_space<vmem>>
        %get3A_849 = tpu.memref_squeeze %get3A_848 : memref<1x800x64xf32, #tpu.memory_space<vmem>> -> memref<800x64xf32, #tpu.memory_space<vmem>>
        %get3A_850 = arith.index_cast %add3A_845 : i32 to index
        %get3A_851 = arith.constant 0 : index
        %get3A_852 = tpu.vector_load %get3A_849[%get3A_850, %get3A_851] {strides = array<i32>} : memref<800x64xf32, #tpu.memory_space<vmem>>, vector<1x16xf32>,
        %get3A_853 = vector.shape_cast %get3A_852 : vector<1x16xf32> to vector<16xf32>
        %add3A_854 = arith.addf %get3A_783, %get3A_793 : vector<16xf32>
        %add3A_855 = arith.addf %get3A_803, %get3A_813 : vector<16xf32>
        %add3A_856 = arith.addf %get3A_823, %get3A_833 : vector<16xf32>
        %add3A_857 = arith.addf %get3A_843, %get3A_853 : vector<16xf32>
        %add3A_858 = arith.addf %add3A_854, %add3A_855 : vector<16xf32>
        %add3A_859 = arith.addf %add3A_856, %add3A_857 : vector<16xf32>
        %add3A_860 = arith.addf %add3A_858, %add3A_859 : vector<16xf32>
        %add3A_861 = arith.addf %scan3A_767, %add3A_860 : vector<16xf32>
        %add3A_862 = arith.constant 0 : i32
        %add3A_863 = arith.addi %add3A_774, %add3A_862 : i32
        %get3A_864 = arith.constant 0 : i32
        %get3A_865 = arith.constant 0 : i32
        %get3A_866 = tpu.memref_slice %arg6[%scan3A_581, %get3A_864, %get3A_865] : memref<2x800x64xf32, #tpu.memory_space<vmem>> -> memref<1x800x64xf32, #tpu.memory_space<vmem>>
        %get3A_867 = tpu.memref_squeeze %get3A_866 : memref<1x800x64xf32, #tpu.memory_space<vmem>> -> memref<800x64xf32, #tpu.memory_space<vmem>>
        %get3A_868 = arith.index_cast %add3A_863 : i32 to index
        %get3A_869 = arith.constant 16 : index
        %get3A_870 = tpu.vector_load %get3A_867[%get3A_868, %get3A_869] {strides = array<i32>} : memref<800x64xf32, #tpu.memory_space<vmem>>, vector<1x16xf32>,
        %get3A_871 = vector.shape_cast %get3A_870 : vector<1x16xf32> to vector<16xf32>
        %add3A_872 = arith.constant 1 : i32
        %add3A_873 = arith.addi %add3A_774, %add3A_872 : i32
        %get3A_874 = arith.constant 0 : i32
        %get3A_875 = arith.constant 0 : i32
        %get3A_876 = tpu.memref_slice %arg6[%scan3A_581, %get3A_874, %get3A_875] : memref<2x800x64xf32, #tpu.memory_space<vmem>> -> memref<1x800x64xf32, #tpu.memory_space<vmem>>
        %get3A_877 = tpu.memref_squeeze %get3A_876 : memref<1x800x64xf32, #tpu.memory_space<vmem>> -> memref<800x64xf32, #tpu.memory_space<vmem>>
        %get3A_878 = arith.index_cast %add3A_873 : i32 to index
        %get3A_879 = arith.constant 16 : index
        %get3A_880 = tpu.vector_load %get3A_877[%get3A_878, %get3A_879] {strides = array<i32>} : memref<800x64xf32, #tpu.memory_space<vmem>>, vector<1x16xf32>,
        %get3A_881 = vector.shape_cast %get3A_880 : vector<1x16xf32> to vector<16xf32>
        %add3A_882 = arith.constant 2 : i32
        %add3A_883 = arith.addi %add3A_774, %add3A_882 : i32
        %get3A_884 = arith.constant 0 : i32
        %get3A_885 = arith.constant 0 : i32
        %get3A_886 = tpu.memref_slice %arg6[%scan3A_581, %get3A_884, %get3A_885] : memref<2x800x64xf32, #tpu.memory_space<vmem>> -> memref<1x800x64xf32, #tpu.memory_space<vmem>>
        %get3A_887 = tpu.memref_squeeze %get3A_886 : memref<1x800x64xf32, #tpu.memory_space<vmem>> -> memref<800x64xf32, #tpu.memory_space<vmem>>
        %get3A_888 = arith.index_cast %add3A_883 : i32 to index
        %get3A_889 = arith.constant 16 : index
        %get3A_890 = tpu.vector_load %get3A_887[%get3A_888, %get3A_889] {strides = array<i32>} : memref<800x64xf32, #tpu.memory_space<vmem>>, vector<1x16xf32>,
        %get3A_891 = vector.shape_cast %get3A_890 : vector<1x16xf32> to vector<16xf32>
        %add3A_892 = arith.constant 3 : i32
        %add3A_893 = arith.addi %add3A_774, %add3A_892 : i32
        %get3A_894 = arith.constant 0 : i32
        %get3A_895 = arith.constant 0 : i32
        %get3A_896 = tpu.memref_slice %arg6[%scan3A_581, %get3A_894, %get3A_895] : memref<2x800x64xf32, #tpu.memory_space<vmem>> -> memref<1x800x64xf32, #tpu.memory_space<vmem>>
        %get3A_897 = tpu.memref_squeeze %get3A_896 : memref<1x800x64xf32, #tpu.memory_space<vmem>> -> memref<800x64xf32, #tpu.memory_space<vmem>>
        %get3A_898 = arith.index_cast %add3A_893 : i32 to index
        %get3A_899 = arith.constant 16 : index
        %get3A_900 = tpu.vector_load %get3A_897[%get3A_898, %get3A_899] {strides = array<i32>} : memref<800x64xf32, #tpu.memory_space<vmem>>, vector<1x16xf32>,
        %get3A_901 = vector.shape_cast %get3A_900 : vector<1x16xf32> to vector<16xf32>
        %add3A_902 = arith.constant 4 : i32
        %add3A_903 = arith.addi %add3A_774, %add3A_902 : i32
        %get3A_904 = arith.constant 0 : i32
        %get3A_905 = arith.constant 0 : i32
        %get3A_906 = tpu.memref_slice %arg6[%scan3A_581, %get3A_904, %get3A_905] : memref<2x800x64xf32, #tpu.memory_space<vmem>> -> memref<1x800x64xf32, #tpu.memory_space<vmem>>
        %get3A_907 = tpu.memref_squeeze %get3A_906 : memref<1x800x64xf32, #tpu.memory_space<vmem>> -> memref<800x64xf32, #tpu.memory_space<vmem>>
        %get3A_908 = arith.index_cast %add3A_903 : i32 to index
        %get3A_909 = arith.constant 16 : index
        %get3A_910 = tpu.vector_load %get3A_907[%get3A_908, %get3A_909] {strides = array<i32>} : memref<800x64xf32, #tpu.memory_space<vmem>>, vector<1x16xf32>,
        %get3A_911 = vector.shape_cast %get3A_910 : vector<1x16xf32> to vector<16xf32>
        %add3A_912 = arith.constant 5 : i32
        %add3A_913 = arith.addi %add3A_774, %add3A_912 : i32
        %get3A_914 = arith.constant 0 : i32
        %get3A_915 = arith.constant 0 : i32
        %get3A_916 = tpu.memref_slice %arg6[%scan3A_581, %get3A_914, %get3A_915] : memref<2x800x64xf32, #tpu.memory_space<vmem>> -> memref<1x800x64xf32, #tpu.memory_space<vmem>>
        %get3A_917 = tpu.memref_squeeze %get3A_916 : memref<1x800x64xf32, #tpu.memory_space<vmem>> -> memref<800x64xf32, #tpu.memory_space<vmem>>
        %get3A_918 = arith.index_cast %add3A_913 : i32 to index
        %get3A_919 = arith.constant 16 : index
        %get3A_920 = tpu.vector_load %get3A_917[%get3A_918, %get3A_919] {strides = array<i32>} : memref<800x64xf32, #tpu.memory_space<vmem>>, vector<1x16xf32>,
        %get3A_921 = vector.shape_cast %get3A_920 : vector<1x16xf32> to vector<16xf32>
        %add3A_922 = arith.constant 6 : i32
        %add3A_923 = arith.addi %add3A_774, %add3A_922 : i32
        %get3A_924 = arith.constant 0 : i32
        %get3A_925 = arith.constant 0 : i32
        %get3A_926 = tpu.memref_slice %arg6[%scan3A_581, %get3A_924, %get3A_925] : memref<2x800x64xf32, #tpu.memory_space<vmem>> -> memref<1x800x64xf32, #tpu.memory_space<vmem>>
        %get3A_927 = tpu.memref_squeeze %get3A_926 : memref<1x800x64xf32, #tpu.memory_space<vmem>> -> memref<800x64xf32, #tpu.memory_space<vmem>>
        %get3A_928 = arith.index_cast %add3A_923 : i32 to index
        %get3A_929 = arith.constant 16 : index
        %get3A_930 = tpu.vector_load %get3A_927[%get3A_928, %get3A_929] {strides = array<i32>} : memref<800x64xf32, #tpu.memory_space<vmem>>, vector<1x16xf32>,
        %get3A_931 = vector.shape_cast %get3A_930 : vector<1x16xf32> to vector<16xf32>
        %add3A_932 = arith.constant 7 : i32
        %add3A_933 = arith.addi %add3A_774, %add3A_932 : i32
        %get3A_934 = arith.constant 0 : i32
        %get3A_935 = arith.constant 0 : i32
        %get3A_936 = tpu.memref_slice %arg6[%scan3A_581, %get3A_934, %get3A_935] : memref<2x800x64xf32, #tpu.memory_space<vmem>> -> memref<1x800x64xf32, #tpu.memory_space<vmem>>
        %get3A_937 = tpu.memref_squeeze %get3A_936 : memref<1x800x64xf32, #tpu.memory_space<vmem>> -> memref<800x64xf32, #tpu.memory_space<vmem>>
        %get3A_938 = arith.index_cast %add3A_933 : i32 to index
        %get3A_939 = arith.constant 16 : index
        %get3A_940 = tpu.vector_load %get3A_937[%get3A_938, %get3A_939] {strides = array<i32>} : memref<800x64xf32, #tpu.memory_space<vmem>>, vector<1x16xf32>,
        %get3A_941 = vector.shape_cast %get3A_940 : vector<1x16xf32> to vector<16xf32>
        %add3A_942 = arith.addf %get3A_871, %get3A_881 : vector<16xf32>
        %add3A_943 = arith.addf %get3A_891, %get3A_901 : vector<16xf32>
        %add3A_944 = arith.addf %get3A_911, %get3A_921 : vector<16xf32>
        %add3A_945 = arith.addf %get3A_931, %get3A_941 : vector<16xf32>
        %add3A_946 = arith.addf %add3A_942, %add3A_943 : vector<16xf32>
        %add3A_947 = arith.addf %add3A_944, %add3A_945 : vector<16xf32>
        %add3A_948 = arith.addf %add3A_946, %add3A_947 : vector<16xf32>
        %add3A_949 = arith.addf %scan3A_768, %add3A_948 : vector<16xf32>
        %add3A_950 = arith.constant 0 : i32
        %add3A_951 = arith.addi %add3A_774, %add3A_950 : i32
        %get3A_952 = arith.constant 0 : i32
        %get3A_953 = arith.constant 0 : i32
        %get3A_954 = tpu.memref_slice %arg6[%scan3A_581, %get3A_952, %get3A_953] : memref<2x800x64xf32, #tpu.memory_space<vmem>> -> memref<1x800x64xf32, #tpu.memory_space<vmem>>
        %get3A_955 = tpu.memref_squeeze %get3A_954 : memref<1x800x64xf32, #tpu.memory_space<vmem>> -> memref<800x64xf32, #tpu.memory_space<vmem>>
        %get3A_956 = arith.index_cast %add3A_951 : i32 to index
        %get3A_957 = arith.constant 32 : index
        %get3A_958 = tpu.vector_load %get3A_955[%get3A_956, %get3A_957] {strides = array<i32>} : memref<800x64xf32, #tpu.memory_space<vmem>>, vector<1x16xf32>,
        %get3A_959 = vector.shape_cast %get3A_958 : vector<1x16xf32> to vector<16xf32>
        %add3A_960 = arith.constant 1 : i32
        %add3A_961 = arith.addi %add3A_774, %add3A_960 : i32
        %get3A_962 = arith.constant 0 : i32
        %get3A_963 = arith.constant 0 : i32
        %get3A_964 = tpu.memref_slice %arg6[%scan3A_581, %get3A_962, %get3A_963] : memref<2x800x64xf32, #tpu.memory_space<vmem>> -> memref<1x800x64xf32, #tpu.memory_space<vmem>>
        %get3A_965 = tpu.memref_squeeze %get3A_964 : memref<1x800x64xf32, #tpu.memory_space<vmem>> -> memref<800x64xf32, #tpu.memory_space<vmem>>
        %get3A_966 = arith.index_cast %add3A_961 : i32 to index
        %get3A_967 = arith.constant 32 : index
        %get3A_968 = tpu.vector_load %get3A_965[%get3A_966, %get3A_967] {strides = array<i32>} : memref<800x64xf32, #tpu.memory_space<vmem>>, vector<1x16xf32>,
        %get3A_969 = vector.shape_cast %get3A_968 : vector<1x16xf32> to vector<16xf32>
        %add3A_970 = arith.constant 2 : i32
        %add3A_971 = arith.addi %add3A_774, %add3A_970 : i32
        %get3A_972 = arith.constant 0 : i32
        %get3A_973 = arith.constant 0 : i32
        %get3A_974 = tpu.memref_slice %arg6[%scan3A_581, %get3A_972, %get3A_973] : memref<2x800x64xf32, #tpu.memory_space<vmem>> -> memref<1x800x64xf32, #tpu.memory_space<vmem>>
        %get3A_975 = tpu.memref_squeeze %get3A_974 : memref<1x800x64xf32, #tpu.memory_space<vmem>> -> memref<800x64xf32, #tpu.memory_space<vmem>>
        %get3A_976 = arith.index_cast %add3A_971 : i32 to index
        %get3A_977 = arith.constant 32 : index
        %get3A_978 = tpu.vector_load %get3A_975[%get3A_976, %get3A_977] {strides = array<i32>} : memref<800x64xf32, #tpu.memory_space<vmem>>, vector<1x16xf32>,
        %get3A_979 = vector.shape_cast %get3A_978 : vector<1x16xf32> to vector<16xf32>
        %add3A_980 = arith.constant 3 : i32
        %add3A_981 = arith.addi %add3A_774, %add3A_980 : i32
        %get3A_982 = arith.constant 0 : i32
        %get3A_983 = arith.constant 0 : i32
        %get3A_984 = tpu.memref_slice %arg6[%scan3A_581, %get3A_982, %get3A_983] : memref<2x800x64xf32, #tpu.memory_space<vmem>> -> memref<1x800x64xf32, #tpu.memory_space<vmem>>
        %get3A_985 = tpu.memref_squeeze %get3A_984 : memref<1x800x64xf32, #tpu.memory_space<vmem>> -> memref<800x64xf32, #tpu.memory_space<vmem>>
        %get3A_986 = arith.index_cast %add3A_981 : i32 to index
        %get3A_987 = arith.constant 32 : index
        %get3A_988 = tpu.vector_load %get3A_985[%get3A_986, %get3A_987] {strides = array<i32>} : memref<800x64xf32, #tpu.memory_space<vmem>>, vector<1x16xf32>,
        %get3A_989 = vector.shape_cast %get3A_988 : vector<1x16xf32> to vector<16xf32>
        %add3A_990 = arith.constant 4 : i32
        %add3A_991 = arith.addi %add3A_774, %add3A_990 : i32
        %get3A_992 = arith.constant 0 : i32
        %get3A_993 = arith.constant 0 : i32
        %get3A_994 = tpu.memref_slice %arg6[%scan3A_581, %get3A_992, %get3A_993] : memref<2x800x64xf32, #tpu.memory_space<vmem>> -> memref<1x800x64xf32, #tpu.memory_space<vmem>>
        %get3A_995 = tpu.memref_squeeze %get3A_994 : memref<1x800x64xf32, #tpu.memory_space<vmem>> -> memref<800x64xf32, #tpu.memory_space<vmem>>
        %get3A_996 = arith.index_cast %add3A_991 : i32 to index
        %get3A_997 = arith.constant 32 : index
        %get3A_998 = tpu.vector_load %get3A_995[%get3A_996, %get3A_997] {strides = array<i32>} : memref<800x64xf32, #tpu.memory_space<vmem>>, vector<1x16xf32>,
        %get3A_999 = vector.shape_cast %get3A_998 : vector<1x16xf32> to vector<16xf32>
        %add3A_1000 = arith.constant 5 : i32
        %add3A_1001 = arith.addi %add3A_774, %add3A_1000 : i32
        %get3A_1002 = arith.constant 0 : i32
        %get3A_1003 = arith.constant 0 : i32
        %get3A_1004 = tpu.memref_slice %arg6[%scan3A_581, %get3A_1002, %get3A_1003] : memref<2x800x64xf32, #tpu.memory_space<vmem>> -> memref<1x800x64xf32, #tpu.memory_space<vmem>>
        %get3A_1005 = tpu.memref_squeeze %get3A_1004 : memref<1x800x64xf32, #tpu.memory_space<vmem>> -> memref<800x64xf32, #tpu.memory_space<vmem>>
        %get3A_1006 = arith.index_cast %add3A_1001 : i32 to index
        %get3A_1007 = arith.constant 32 : index
        %get3A_1008 = tpu.vector_load %get3A_1005[%get3A_1006, %get3A_1007] {strides = array<i32>} : memref<800x64xf32, #tpu.memory_space<vmem>>, vector<1x16xf32>,
        %get3A_1009 = vector.shape_cast %get3A_1008 : vector<1x16xf32> to vector<16xf32>
        %add3A_1010 = arith.constant 6 : i32
        %add3A_1011 = arith.addi %add3A_774, %add3A_1010 : i32
        %get3A_1012 = arith.constant 0 : i32
        %get3A_1013 = arith.constant 0 : i32
        %get3A_1014 = tpu.memref_slice %arg6[%scan3A_581, %get3A_1012, %get3A_1013] : memref<2x800x64xf32, #tpu.memory_space<vmem>> -> memref<1x800x64xf32, #tpu.memory_space<vmem>>
        %get3A_1015 = tpu.memref_squeeze %get3A_1014 : memref<1x800x64xf32, #tpu.memory_space<vmem>> -> memref<800x64xf32, #tpu.memory_space<vmem>>
        %get3A_1016 = arith.index_cast %add3A_1011 : i32 to index
        %get3A_1017 = arith.constant 32 : index
        %get3A_1018 = tpu.vector_load %get3A_1015[%get3A_1016, %get3A_1017] {strides = array<i32>} : memref<800x64xf32, #tpu.memory_space<vmem>>, vector<1x16xf32>,
        %get3A_1019 = vector.shape_cast %get3A_1018 : vector<1x16xf32> to vector<16xf32>
        %add3A_1020 = arith.constant 7 : i32
        %add3A_1021 = arith.addi %add3A_774, %add3A_1020 : i32
        %get3A_1022 = arith.constant 0 : i32
        %get3A_1023 = arith.constant 0 : i32
        %get3A_1024 = tpu.memref_slice %arg6[%scan3A_581, %get3A_1022, %get3A_1023] : memref<2x800x64xf32, #tpu.memory_space<vmem>> -> memref<1x800x64xf32, #tpu.memory_space<vmem>>
        %get3A_1025 = tpu.memref_squeeze %get3A_1024 : memref<1x800x64xf32, #tpu.memory_space<vmem>> -> memref<800x64xf32, #tpu.memory_space<vmem>>
        %get3A_1026 = arith.index_cast %add3A_1021 : i32 to index
        %get3A_1027 = arith.constant 32 : index
        %get3A_1028 = tpu.vector_load %get3A_1025[%get3A_1026, %get3A_1027] {strides = array<i32>} : memref<800x64xf32, #tpu.memory_space<vmem>>, vector<1x16xf32>,
        %get3A_1029 = vector.shape_cast %get3A_1028 : vector<1x16xf32> to vector<16xf32>
        %add3A_1030 = arith.addf %get3A_959, %get3A_969 : vector<16xf32>
        %add3A_1031 = arith.addf %get3A_979, %get3A_989 : vector<16xf32>
        %add3A_1032 = arith.addf %get3A_999, %get3A_1009 : vector<16xf32>
        %add3A_1033 = arith.addf %get3A_1019, %get3A_1029 : vector<16xf32>
        %add3A_1034 = arith.addf %add3A_1030, %add3A_1031 : vector<16xf32>
        %add3A_1035 = arith.addf %add3A_1032, %add3A_1033 : vector<16xf32>
        %add3A_1036 = arith.addf %add3A_1034, %add3A_1035 : vector<16xf32>
        %add3A_1037 = arith.addf %scan3A_769, %add3A_1036 : vector<16xf32>
        %add3A_1038 = arith.constant 0 : i32
        %add3A_1039 = arith.addi %add3A_774, %add3A_1038 : i32
        %get3A_1040 = arith.constant 0 : i32
        %get3A_1041 = arith.constant 0 : i32
        %get3A_1042 = tpu.memref_slice %arg6[%scan3A_581, %get3A_1040, %get3A_1041] : memref<2x800x64xf32, #tpu.memory_space<vmem>> -> memref<1x800x64xf32, #tpu.memory_space<vmem>>
        %get3A_1043 = tpu.memref_squeeze %get3A_1042 : memref<1x800x64xf32, #tpu.memory_space<vmem>> -> memref<800x64xf32, #tpu.memory_space<vmem>>
        %get3A_1044 = arith.index_cast %add3A_1039 : i32 to index
        %get3A_1045 = arith.constant 48 : index
        %get3A_1046 = tpu.vector_load %get3A_1043[%get3A_1044, %get3A_1045] {strides = array<i32>} : memref<800x64xf32, #tpu.memory_space<vmem>>, vector<1x16xf32>,
        %get3A_1047 = vector.shape_cast %get3A_1046 : vector<1x16xf32> to vector<16xf32>
        %add3A_1048 = arith.constant 1 : i32
        %add3A_1049 = arith.addi %add3A_774, %add3A_1048 : i32
        %get3A_1050 = arith.constant 0 : i32
        %get3A_1051 = arith.constant 0 : i32
        %get3A_1052 = tpu.memref_slice %arg6[%scan3A_581, %get3A_1050, %get3A_1051] : memref<2x800x64xf32, #tpu.memory_space<vmem>> -> memref<1x800x64xf32, #tpu.memory_space<vmem>>
        %get3A_1053 = tpu.memref_squeeze %get3A_1052 : memref<1x800x64xf32, #tpu.memory_space<vmem>> -> memref<800x64xf32, #tpu.memory_space<vmem>>
        %get3A_1054 = arith.index_cast %add3A_1049 : i32 to index
        %get3A_1055 = arith.constant 48 : index
        %get3A_1056 = tpu.vector_load %get3A_1053[%get3A_1054, %get3A_1055] {strides = array<i32>} : memref<800x64xf32, #tpu.memory_space<vmem>>, vector<1x16xf32>,
        %get3A_1057 = vector.shape_cast %get3A_1056 : vector<1x16xf32> to vector<16xf32>
        %add3A_1058 = arith.constant 2 : i32
        %add3A_1059 = arith.addi %add3A_774, %add3A_1058 : i32
        %get3A_1060 = arith.constant 0 : i32
        %get3A_1061 = arith.constant 0 : i32
        %get3A_1062 = tpu.memref_slice %arg6[%scan3A_581, %get3A_1060, %get3A_1061] : memref<2x800x64xf32, #tpu.memory_space<vmem>> -> memref<1x800x64xf32, #tpu.memory_space<vmem>>
        %get3A_1063 = tpu.memref_squeeze %get3A_1062 : memref<1x800x64xf32, #tpu.memory_space<vmem>> -> memref<800x64xf32, #tpu.memory_space<vmem>>
        %get3A_1064 = arith.index_cast %add3A_1059 : i32 to index
        %get3A_1065 = arith.constant 48 : index
        %get3A_1066 = tpu.vector_load %get3A_1063[%get3A_1064, %get3A_1065] {strides = array<i32>} : memref<800x64xf32, #tpu.memory_space<vmem>>, vector<1x16xf32>,
        %get3A_1067 = vector.shape_cast %get3A_1066 : vector<1x16xf32> to vector<16xf32>
        %add3A_1068 = arith.constant 3 : i32
        %add3A_1069 = arith.addi %add3A_774, %add3A_1068 : i32
        %get3A_1070 = arith.constant 0 : i32
        %get3A_1071 = arith.constant 0 : i32
        %get3A_1072 = tpu.memref_slice %arg6[%scan3A_581, %get3A_1070, %get3A_1071] : memref<2x800x64xf32, #tpu.memory_space<vmem>> -> memref<1x800x64xf32, #tpu.memory_space<vmem>>
        %get3A_1073 = tpu.memref_squeeze %get3A_1072 : memref<1x800x64xf32, #tpu.memory_space<vmem>> -> memref<800x64xf32, #tpu.memory_space<vmem>>
        %get3A_1074 = arith.index_cast %add3A_1069 : i32 to index
        %get3A_1075 = arith.constant 48 : index
        %get3A_1076 = tpu.vector_load %get3A_1073[%get3A_1074, %get3A_1075] {strides = array<i32>} : memref<800x64xf32, #tpu.memory_space<vmem>>, vector<1x16xf32>,
        %get3A_1077 = vector.shape_cast %get3A_1076 : vector<1x16xf32> to vector<16xf32>
        %add3A_1078 = arith.constant 4 : i32
        %add3A_1079 = arith.addi %add3A_774, %add3A_1078 : i32
        %get3A_1080 = arith.constant 0 : i32
        %get3A_1081 = arith.constant 0 : i32
        %get3A_1082 = tpu.memref_slice %arg6[%scan3A_581, %get3A_1080, %get3A_1081] : memref<2x800x64xf32, #tpu.memory_space<vmem>> -> memref<1x800x64xf32, #tpu.memory_space<vmem>>
        %get3A_1083 = tpu.memref_squeeze %get3A_1082 : memref<1x800x64xf32, #tpu.memory_space<vmem>> -> memref<800x64xf32, #tpu.memory_space<vmem>>
        %get3A_1084 = arith.index_cast %add3A_1079 : i32 to index
        %get3A_1085 = arith.constant 48 : index
        %get3A_1086 = tpu.vector_load %get3A_1083[%get3A_1084, %get3A_1085] {strides = array<i32>} : memref<800x64xf32, #tpu.memory_space<vmem>>, vector<1x16xf32>,
        %get3A_1087 = vector.shape_cast %get3A_1086 : vector<1x16xf32> to vector<16xf32>
        %add3A_1088 = arith.constant 5 : i32
        %add3A_1089 = arith.addi %add3A_774, %add3A_1088 : i32
        %get3A_1090 = arith.constant 0 : i32
        %get3A_1091 = arith.constant 0 : i32
        %get3A_1092 = tpu.memref_slice %arg6[%scan3A_581, %get3A_1090, %get3A_1091] : memref<2x800x64xf32, #tpu.memory_space<vmem>> -> memref<1x800x64xf32, #tpu.memory_space<vmem>>
        %get3A_1093 = tpu.memref_squeeze %get3A_1092 : memref<1x800x64xf32, #tpu.memory_space<vmem>> -> memref<800x64xf32, #tpu.memory_space<vmem>>
        %get3A_1094 = arith.index_cast %add3A_1089 : i32 to index
        %get3A_1095 = arith.constant 48 : index
        %get3A_1096 = tpu.vector_load %get3A_1093[%get3A_1094, %get3A_1095] {strides = array<i32>} : memref<800x64xf32, #tpu.memory_space<vmem>>, vector<1x16xf32>,
        %get3A_1097 = vector.shape_cast %get3A_1096 : vector<1x16xf32> to vector<16xf32>
        %add3A_1098 = arith.constant 6 : i32
        %add3A_1099 = arith.addi %add3A_774, %add3A_1098 : i32
        %get3A_1100 = arith.constant 0 : i32
        %get3A_1101 = arith.constant 0 : i32
        %get3A_1102 = tpu.memref_slice %arg6[%scan3A_581, %get3A_1100, %get3A_1101] : memref<2x800x64xf32, #tpu.memory_space<vmem>> -> memref<1x800x64xf32, #tpu.memory_space<vmem>>
        %get3A_1103 = tpu.memref_squeeze %get3A_1102 : memref<1x800x64xf32, #tpu.memory_space<vmem>> -> memref<800x64xf32, #tpu.memory_space<vmem>>
        %get3A_1104 = arith.index_cast %add3A_1099 : i32 to index
        %get3A_1105 = arith.constant 48 : index
        %get3A_1106 = tpu.vector_load %get3A_1103[%get3A_1104, %get3A_1105] {strides = array<i32>} : memref<800x64xf32, #tpu.memory_space<vmem>>, vector<1x16xf32>,
        %get3A_1107 = vector.shape_cast %get3A_1106 : vector<1x16xf32> to vector<16xf32>
        %add3A_1108 = arith.constant 7 : i32
        %add3A_1109 = arith.addi %add3A_774, %add3A_1108 : i32
        %get3A_1110 = arith.constant 0 : i32
        %get3A_1111 = arith.constant 0 : i32
        %get3A_1112 = tpu.memref_slice %arg6[%scan3A_581, %get3A_1110, %get3A_1111] : memref<2x800x64xf32, #tpu.memory_space<vmem>> -> memref<1x800x64xf32, #tpu.memory_space<vmem>>
        %get3A_1113 = tpu.memref_squeeze %get3A_1112 : memref<1x800x64xf32, #tpu.memory_space<vmem>> -> memref<800x64xf32, #tpu.memory_space<vmem>>
        %get3A_1114 = arith.index_cast %add3A_1109 : i32 to index
        %get3A_1115 = arith.constant 48 : index
        %get3A_1116 = tpu.vector_load %get3A_1113[%get3A_1114, %get3A_1115] {strides = array<i32>} : memref<800x64xf32, #tpu.memory_space<vmem>>, vector<1x16xf32>,
        %get3A_1117 = vector.shape_cast %get3A_1116 : vector<1x16xf32> to vector<16xf32>
        %add3A_1118 = arith.addf %get3A_1047, %get3A_1057 : vector<16xf32>
        %add3A_1119 = arith.addf %get3A_1067, %get3A_1077 : vector<16xf32>
        %add3A_1120 = arith.addf %get3A_1087, %get3A_1097 : vector<16xf32>
        %add3A_1121 = arith.addf %get3A_1107, %get3A_1117 : vector<16xf32>
        %add3A_1122 = arith.addf %add3A_1118, %add3A_1119 : vector<16xf32>
        %add3A_1123 = arith.addf %add3A_1120, %add3A_1121 : vector<16xf32>
        %add3A_1124 = arith.addf %add3A_1122, %add3A_1123 : vector<16xf32>
        %add3A_1125 = arith.addf %scan3A_770, %add3A_1124 : vector<16xf32>
        scf.yield %add3A_861, %add3A_949, %add3A_1037, %add3A_1125 : vector<16xf32>, vector<16xf32>, vector<16xf32>, vector<16xf32>
      }
      %scan3A_587 = arith.constant 25 : i32
      %swap3A_588 = arith.constant 1 : i32
      %swap3A_589 = arith.constant 1 : i32
      %swap3A_590 = arith.constant 0 : i32
      %swap3A_591 = arith.constant 0 : i32
      %swap3A_592 = tpu.memref_slice %arg7[%swap3A_588, %swap3A_590, %swap3A_591] : memref<2x4x64xf32, #tpu.memory_space<vmem>> -> memref<1x4x64xf32, #tpu.memory_space<vmem>>
      %swap3A_593 = tpu.memref_squeeze %swap3A_592 : memref<1x4x64xf32, #tpu.memory_space<vmem>> -> memref<4x64xf32, #tpu.memory_space<vmem>>
      %swap3A_594 = arith.index_cast %swap3A_589 : i32 to index
      %swap3A_595 = arith.constant 0 : index
      %swap3A_596 = tpu.vector_load %swap3A_593[%swap3A_594, %swap3A_595] {strides = array<i32>} : memref<4x64xf32, #tpu.memory_space<vmem>>, vector<1x16xf32>,
      %swap3A_597 = vector.shape_cast %swap3A_596 : vector<1x16xf32> to vector<16xf32>
      %swap3A_598 = vector.shape_cast %scan3A_586#0 : vector<16xf32> to vector<1x16xf32>
      tpu.vector_store %swap3A_593[%swap3A_594, %swap3A_595], %swap3A_598 {strides = array<i32>} : memref<4x64xf32, #tpu.memory_space<vmem>>, vector<1x16xf32>,
      %swap3A_599 = arith.constant 1 : i32
      %swap3A_600 = arith.constant 1 : i32
      %swap3A_601 = arith.constant 0 : i32
      %swap3A_602 = arith.constant 0 : i32
      %swap3A_603 = tpu.memref_slice %arg7[%swap3A_599, %swap3A_601, %swap3A_602] : memref<2x4x64xf32, #tpu.memory_space<vmem>> -> memref<1x4x64xf32, #tpu.memory_space<vmem>>
      %swap3A_604 = tpu.memref_squeeze %swap3A_603 : memref<1x4x64xf32, #tpu.memory_space<vmem>> -> memref<4x64xf32, #tpu.memory_space<vmem>>
      %swap3A_605 = arith.index_cast %swap3A_600 : i32 to index
      %swap3A_606 = arith.constant 16 : index
      %swap3A_607 = tpu.vector_load %swap3A_604[%swap3A_605, %swap3A_606] {strides = array<i32>} : memref<4x64xf32, #tpu.memory_space<vmem>>, vector<1x16xf32>,
      %swap3A_608 = vector.shape_cast %swap3A_607 : vector<1x16xf32> to vector<16xf32>
      %swap3A_609 = vector.shape_cast %scan3A_586#1 : vector<16xf32> to vector<1x16xf32>
      tpu.vector_store %swap3A_604[%swap3A_605, %swap3A_606], %swap3A_609 {strides = array<i32>} : memref<4x64xf32, #tpu.memory_space<vmem>>, vector<1x16xf32>,
      %swap3A_610 = arith.constant 1 : i32
      %swap3A_611 = arith.constant 1 : i32
      %swap3A_612 = arith.constant 0 : i32
      %swap3A_613 = arith.constant 0 : i32
      %swap3A_614 = tpu.memref_slice %arg7[%swap3A_610, %swap3A_612, %swap3A_613] : memref<2x4x64xf32, #tpu.memory_space<vmem>> -> memref<1x4x64xf32, #tpu.memory_space<vmem>>
      %swap3A_615 = tpu.memref_squeeze %swap3A_614 : memref<1x4x64xf32, #tpu.memory_space<vmem>> -> memref<4x64xf32, #tpu.memory_space<vmem>>
      %swap3A_616 = arith.index_cast %swap3A_611 : i32 to index
      %swap3A_617 = arith.constant 32 : index
      %swap3A_618 = tpu.vector_load %swap3A_615[%swap3A_616, %swap3A_617] {strides = array<i32>} : memref<4x64xf32, #tpu.memory_space<vmem>>, vector<1x16xf32>,
      %swap3A_619 = vector.shape_cast %swap3A_618 : vector<1x16xf32> to vector<16xf32>
      %swap3A_620 = vector.shape_cast %scan3A_586#2 : vector<16xf32> to vector<1x16xf32>
      tpu.vector_store %swap3A_615[%swap3A_616, %swap3A_617], %swap3A_620 {strides = array<i32>} : memref<4x64xf32, #tpu.memory_space<vmem>>, vector<1x16xf32>,
      %swap3A_621 = arith.constant 1 : i32
      %swap3A_622 = arith.constant 1 : i32
      %swap3A_623 = arith.constant 0 : i32
      %swap3A_624 = arith.constant 0 : i32
      %swap3A_625 = tpu.memref_slice %arg7[%swap3A_621, %swap3A_623, %swap3A_624] : memref<2x4x64xf32, #tpu.memory_space<vmem>> -> memref<1x4x64xf32, #tpu.memory_space<vmem>>
      %swap3A_626 = tpu.memref_squeeze %swap3A_625 : memref<1x4x64xf32, #tpu.memory_space<vmem>> -> memref<4x64xf32, #tpu.memory_space<vmem>>
      %swap3A_627 = arith.index_cast %swap3A_622 : i32 to index
      %swap3A_628 = arith.constant 48 : index
      %swap3A_629 = tpu.vector_load %swap3A_626[%swap3A_627, %swap3A_628] {strides = array<i32>} : memref<4x64xf32, #tpu.memory_space<vmem>>, vector<1x16xf32>,
      %swap3A_630 = vector.shape_cast %swap3A_629 : vector<1x16xf32> to vector<16xf32>
      %swap3A_631 = vector.shape_cast %scan3A_586#3 : vector<16xf32> to vector<1x16xf32>
      tpu.vector_store %swap3A_626[%swap3A_627, %swap3A_628], %swap3A_631 {strides = array<i32>} : memref<4x64xf32, #tpu.memory_space<vmem>>, vector<1x16xf32>,
      %broadcast_in_dim3A_632 = arith.constant 0.000000e+00 : f32
      %broadcast_in_dim3A_633 = vector.broadcast %broadcast_in_dim3A_632 : f32 to vector<16xf32>
      %broadcast_in_dim3A_634 = arith.constant 0.000000e+00 : f32
      %broadcast_in_dim3A_635 = vector.broadcast %broadcast_in_dim3A_634 : f32 to vector<16xf32>
      %broadcast_in_dim3A_636 = arith.constant 0.000000e+00 : f32
      %broadcast_in_dim3A_637 = vector.broadcast %broadcast_in_dim3A_636 : f32 to vector<16xf32>
      %broadcast_in_dim3A_638 = arith.constant 0.000000e+00 : f32
      %broadcast_in_dim3A_639 = vector.broadcast %broadcast_in_dim3A_638 : f32 to vector<16xf32>
      %scan3A_640 = arith.constant 1 : i32
      %scan3A_641 = arith.constant 0 : i32
      %scan3A_642 = arith.constant 25 : i32
      %scan3A_643 = arith.addi %scan3A_641, %scan3A_642 : i32
      %scan3A_644 = arith.constant 1 : i32
      %scan3A_645:4 = scf.for %scan3A_766 = %scan3A_641 to %scan3A_643 step %scan3A_644 iter_args(%scan3A_767 = %broadcast_in_dim3A_633, %scan3A_768 = %broadcast_in_dim3A_635, %scan3A_769 = %broadcast_in_dim3A_637, %scan3A_770 = %broadcast_in_dim3A_639) -> (vector<16xf32>, vector<16xf32>, vector<16xf32>, vector<16xf32>)  : i32 {
        %mul3A_771 = arith.constant 8 : i32
        %mul3A_772 = arith.muli %scan3A_766, %mul3A_771 : i32
        %add3A_773 = arith.constant 400 : i32
        %add3A_774 = arith.addi %add3A_773, %mul3A_772 : i32
        %add3A_775 = arith.constant 0 : i32
        %add3A_776 = arith.addi %add3A_774, %add3A_775 : i32
        %get3A = arith.constant 0 : i32
        %get3A_777 = arith.constant 0 : i32
        %get3A_778 = tpu.memref_slice %arg6[%scan3A_640, %get3A, %get3A_777] : memref<2x800x64xf32, #tpu.memory_space<vmem>> -> memref<1x800x64xf32, #tpu.memory_space<vmem>>
        %get3A_779 = tpu.memref_squeeze %get3A_778 : memref<1x800x64xf32, #tpu.memory_space<vmem>> -> memref<800x64xf32, #tpu.memory_space<vmem>>
        %get3A_780 = arith.index_cast %add3A_776 : i32 to index
        %get3A_781 = arith.constant 0 : index
        %get3A_782 = tpu.vector_load %get3A_779[%get3A_780, %get3A_781] {strides = array<i32>} : memref<800x64xf32, #tpu.memory_space<vmem>>, vector<1x16xf32>,
        %get3A_783 = vector.shape_cast %get3A_782 : vector<1x16xf32> to vector<16xf32>
        %add3A_784 = arith.constant 1 : i32
        %add3A_785 = arith.addi %add3A_774, %add3A_784 : i32
        %get3A_786 = arith.constant 0 : i32
        %get3A_787 = arith.constant 0 : i32
        %get3A_788 = tpu.memref_slice %arg6[%scan3A_640, %get3A_786, %get3A_787] : memref<2x800x64xf32, #tpu.memory_space<vmem>> -> memref<1x800x64xf32, #tpu.memory_space<vmem>>
        %get3A_789 = tpu.memref_squeeze %get3A_788 : memref<1x800x64xf32, #tpu.memory_space<vmem>> -> memref<800x64xf32, #tpu.memory_space<vmem>>
        %get3A_790 = arith.index_cast %add3A_785 : i32 to index
        %get3A_791 = arith.constant 0 : index
        %get3A_792 = tpu.vector_load %get3A_789[%get3A_790, %get3A_791] {strides = array<i32>} : memref<800x64xf32, #tpu.memory_space<vmem>>, vector<1x16xf32>,
        %get3A_793 = vector.shape_cast %get3A_792 : vector<1x16xf32> to vector<16xf32>
        %add3A_794 = arith.constant 2 : i32
        %add3A_795 = arith.addi %add3A_774, %add3A_794 : i32
        %get3A_796 = arith.constant 0 : i32
        %get3A_797 = arith.constant 0 : i32
        %get3A_798 = tpu.memref_slice %arg6[%scan3A_640, %get3A_796, %get3A_797] : memref<2x800x64xf32, #tpu.memory_space<vmem>> -> memref<1x800x64xf32, #tpu.memory_space<vmem>>
        %get3A_799 = tpu.memref_squeeze %get3A_798 : memref<1x800x64xf32, #tpu.memory_space<vmem>> -> memref<800x64xf32, #tpu.memory_space<vmem>>
        %get3A_800 = arith.index_cast %add3A_795 : i32 to index
        %get3A_801 = arith.constant 0 : index
        %get3A_802 = tpu.vector_load %get3A_799[%get3A_800, %get3A_801] {strides = array<i32>} : memref<800x64xf32, #tpu.memory_space<vmem>>, vector<1x16xf32>,
        %get3A_803 = vector.shape_cast %get3A_802 : vector<1x16xf32> to vector<16xf32>
        %add3A_804 = arith.constant 3 : i32
        %add3A_805 = arith.addi %add3A_774, %add3A_804 : i32
        %get3A_806 = arith.constant 0 : i32
        %get3A_807 = arith.constant 0 : i32
        %get3A_808 = tpu.memref_slice %arg6[%scan3A_640, %get3A_806, %get3A_807] : memref<2x800x64xf32, #tpu.memory_space<vmem>> -> memref<1x800x64xf32, #tpu.memory_space<vmem>>
        %get3A_809 = tpu.memref_squeeze %get3A_808 : memref<1x800x64xf32, #tpu.memory_space<vmem>> -> memref<800x64xf32, #tpu.memory_space<vmem>>
        %get3A_810 = arith.index_cast %add3A_805 : i32 to index
        %get3A_811 = arith.constant 0 : index
        %get3A_812 = tpu.vector_load %get3A_809[%get3A_810, %get3A_811] {strides = array<i32>} : memref<800x64xf32, #tpu.memory_space<vmem>>, vector<1x16xf32>,
        %get3A_813 = vector.shape_cast %get3A_812 : vector<1x16xf32> to vector<16xf32>
        %add3A_814 = arith.constant 4 : i32
        %add3A_815 = arith.addi %add3A_774, %add3A_814 : i32
        %get3A_816 = arith.constant 0 : i32
        %get3A_817 = arith.constant 0 : i32
        %get3A_818 = tpu.memref_slice %arg6[%scan3A_640, %get3A_816, %get3A_817] : memref<2x800x64xf32, #tpu.memory_space<vmem>> -> memref<1x800x64xf32, #tpu.memory_space<vmem>>
        %get3A_819 = tpu.memref_squeeze %get3A_818 : memref<1x800x64xf32, #tpu.memory_space<vmem>> -> memref<800x64xf32, #tpu.memory_space<vmem>>
        %get3A_820 = arith.index_cast %add3A_815 : i32 to index
        %get3A_821 = arith.constant 0 : index
        %get3A_822 = tpu.vector_load %get3A_819[%get3A_820, %get3A_821] {strides = array<i32>} : memref<800x64xf32, #tpu.memory_space<vmem>>, vector<1x16xf32>,
        %get3A_823 = vector.shape_cast %get3A_822 : vector<1x16xf32> to vector<16xf32>
        %add3A_824 = arith.constant 5 : i32
        %add3A_825 = arith.addi %add3A_774, %add3A_824 : i32
        %get3A_826 = arith.constant 0 : i32
        %get3A_827 = arith.constant 0 : i32
        %get3A_828 = tpu.memref_slice %arg6[%scan3A_640, %get3A_826, %get3A_827] : memref<2x800x64xf32, #tpu.memory_space<vmem>> -> memref<1x800x64xf32, #tpu.memory_space<vmem>>
        %get3A_829 = tpu.memref_squeeze %get3A_828 : memref<1x800x64xf32, #tpu.memory_space<vmem>> -> memref<800x64xf32, #tpu.memory_space<vmem>>
        %get3A_830 = arith.index_cast %add3A_825 : i32 to index
        %get3A_831 = arith.constant 0 : index
        %get3A_832 = tpu.vector_load %get3A_829[%get3A_830, %get3A_831] {strides = array<i32>} : memref<800x64xf32, #tpu.memory_space<vmem>>, vector<1x16xf32>,
        %get3A_833 = vector.shape_cast %get3A_832 : vector<1x16xf32> to vector<16xf32>
        %add3A_834 = arith.constant 6 : i32
        %add3A_835 = arith.addi %add3A_774, %add3A_834 : i32
        %get3A_836 = arith.constant 0 : i32
        %get3A_837 = arith.constant 0 : i32
        %get3A_838 = tpu.memref_slice %arg6[%scan3A_640, %get3A_836, %get3A_837] : memref<2x800x64xf32, #tpu.memory_space<vmem>> -> memref<1x800x64xf32, #tpu.memory_space<vmem>>
        %get3A_839 = tpu.memref_squeeze %get3A_838 : memref<1x800x64xf32, #tpu.memory_space<vmem>> -> memref<800x64xf32, #tpu.memory_space<vmem>>
        %get3A_840 = arith.index_cast %add3A_835 : i32 to index
        %get3A_841 = arith.constant 0 : index
        %get3A_842 = tpu.vector_load %get3A_839[%get3A_840, %get3A_841] {strides = array<i32>} : memref<800x64xf32, #tpu.memory_space<vmem>>, vector<1x16xf32>,
        %get3A_843 = vector.shape_cast %get3A_842 : vector<1x16xf32> to vector<16xf32>
        %add3A_844 = arith.constant 7 : i32
        %add3A_845 = arith.addi %add3A_774, %add3A_844 : i32
        %get3A_846 = arith.constant 0 : i32
        %get3A_847 = arith.constant 0 : i32
        %get3A_848 = tpu.memref_slice %arg6[%scan3A_640, %get3A_846, %get3A_847] : memref<2x800x64xf32, #tpu.memory_space<vmem>> -> memref<1x800x64xf32, #tpu.memory_space<vmem>>
        %get3A_849 = tpu.memref_squeeze %get3A_848 : memref<1x800x64xf32, #tpu.memory_space<vmem>> -> memref<800x64xf32, #tpu.memory_space<vmem>>
        %get3A_850 = arith.index_cast %add3A_845 : i32 to index
        %get3A_851 = arith.constant 0 : index
        %get3A_852 = tpu.vector_load %get3A_849[%get3A_850, %get3A_851] {strides = array<i32>} : memref<800x64xf32, #tpu.memory_space<vmem>>, vector<1x16xf32>,
        %get3A_853 = vector.shape_cast %get3A_852 : vector<1x16xf32> to vector<16xf32>
        %add3A_854 = arith.addf %get3A_783, %get3A_793 : vector<16xf32>
        %add3A_855 = arith.addf %get3A_803, %get3A_813 : vector<16xf32>
        %add3A_856 = arith.addf %get3A_823, %get3A_833 : vector<16xf32>
        %add3A_857 = arith.addf %get3A_843, %get3A_853 : vector<16xf32>
        %add3A_858 = arith.addf %add3A_854, %add3A_855 : vector<16xf32>
        %add3A_859 = arith.addf %add3A_856, %add3A_857 : vector<16xf32>
        %add3A_860 = arith.addf %add3A_858, %add3A_859 : vector<16xf32>
        %add3A_861 = arith.addf %scan3A_767, %add3A_860 : vector<16xf32>
        %add3A_862 = arith.constant 0 : i32
        %add3A_863 = arith.addi %add3A_774, %add3A_862 : i32
        %get3A_864 = arith.constant 0 : i32
        %get3A_865 = arith.constant 0 : i32
        %get3A_866 = tpu.memref_slice %arg6[%scan3A_640, %get3A_864, %get3A_865] : memref<2x800x64xf32, #tpu.memory_space<vmem>> -> memref<1x800x64xf32, #tpu.memory_space<vmem>>
        %get3A_867 = tpu.memref_squeeze %get3A_866 : memref<1x800x64xf32, #tpu.memory_space<vmem>> -> memref<800x64xf32, #tpu.memory_space<vmem>>
        %get3A_868 = arith.index_cast %add3A_863 : i32 to index
        %get3A_869 = arith.constant 16 : index
        %get3A_870 = tpu.vector_load %get3A_867[%get3A_868, %get3A_869] {strides = array<i32>} : memref<800x64xf32, #tpu.memory_space<vmem>>, vector<1x16xf32>,
        %get3A_871 = vector.shape_cast %get3A_870 : vector<1x16xf32> to vector<16xf32>
        %add3A_872 = arith.constant 1 : i32
        %add3A_873 = arith.addi %add3A_774, %add3A_872 : i32
        %get3A_874 = arith.constant 0 : i32
        %get3A_875 = arith.constant 0 : i32
        %get3A_876 = tpu.memref_slice %arg6[%scan3A_640, %get3A_874, %get3A_875] : memref<2x800x64xf32, #tpu.memory_space<vmem>> -> memref<1x800x64xf32, #tpu.memory_space<vmem>>
        %get3A_877 = tpu.memref_squeeze %get3A_876 : memref<1x800x64xf32, #tpu.memory_space<vmem>> -> memref<800x64xf32, #tpu.memory_space<vmem>>
        %get3A_878 = arith.index_cast %add3A_873 : i32 to index
        %get3A_879 = arith.constant 16 : index
        %get3A_880 = tpu.vector_load %get3A_877[%get3A_878, %get3A_879] {strides = array<i32>} : memref<800x64xf32, #tpu.memory_space<vmem>>, vector<1x16xf32>,
        %get3A_881 = vector.shape_cast %get3A_880 : vector<1x16xf32> to vector<16xf32>
        %add3A_882 = arith.constant 2 : i32
        %add3A_883 = arith.addi %add3A_774, %add3A_882 : i32
        %get3A_884 = arith.constant 0 : i32
        %get3A_885 = arith.constant 0 : i32
        %get3A_886 = tpu.memref_slice %arg6[%scan3A_640, %get3A_884, %get3A_885] : memref<2x800x64xf32, #tpu.memory_space<vmem>> -> memref<1x800x64xf32, #tpu.memory_space<vmem>>
        %get3A_887 = tpu.memref_squeeze %get3A_886 : memref<1x800x64xf32, #tpu.memory_space<vmem>> -> memref<800x64xf32, #tpu.memory_space<vmem>>
        %get3A_888 = arith.index_cast %add3A_883 : i32 to index
        %get3A_889 = arith.constant 16 : index
        %get3A_890 = tpu.vector_load %get3A_887[%get3A_888, %get3A_889] {strides = array<i32>} : memref<800x64xf32, #tpu.memory_space<vmem>>, vector<1x16xf32>,
        %get3A_891 = vector.shape_cast %get3A_890 : vector<1x16xf32> to vector<16xf32>
        %add3A_892 = arith.constant 3 : i32
        %add3A_893 = arith.addi %add3A_774, %add3A_892 : i32
        %get3A_894 = arith.constant 0 : i32
        %get3A_895 = arith.constant 0 : i32
        %get3A_896 = tpu.memref_slice %arg6[%scan3A_640, %get3A_894, %get3A_895] : memref<2x800x64xf32, #tpu.memory_space<vmem>> -> memref<1x800x64xf32, #tpu.memory_space<vmem>>
        %get3A_897 = tpu.memref_squeeze %get3A_896 : memref<1x800x64xf32, #tpu.memory_space<vmem>> -> memref<800x64xf32, #tpu.memory_space<vmem>>
        %get3A_898 = arith.index_cast %add3A_893 : i32 to index
        %get3A_899 = arith.constant 16 : index
        %get3A_900 = tpu.vector_load %get3A_897[%get3A_898, %get3A_899] {strides = array<i32>} : memref<800x64xf32, #tpu.memory_space<vmem>>, vector<1x16xf32>,
        %get3A_901 = vector.shape_cast %get3A_900 : vector<1x16xf32> to vector<16xf32>
        %add3A_902 = arith.constant 4 : i32
        %add3A_903 = arith.addi %add3A_774, %add3A_902 : i32
        %get3A_904 = arith.constant 0 : i32
        %get3A_905 = arith.constant 0 : i32
        %get3A_906 = tpu.memref_slice %arg6[%scan3A_640, %get3A_904, %get3A_905] : memref<2x800x64xf32, #tpu.memory_space<vmem>> -> memref<1x800x64xf32, #tpu.memory_space<vmem>>
        %get3A_907 = tpu.memref_squeeze %get3A_906 : memref<1x800x64xf32, #tpu.memory_space<vmem>> -> memref<800x64xf32, #tpu.memory_space<vmem>>
        %get3A_908 = arith.index_cast %add3A_903 : i32 to index
        %get3A_909 = arith.constant 16 : index
        %get3A_910 = tpu.vector_load %get3A_907[%get3A_908, %get3A_909] {strides = array<i32>} : memref<800x64xf32, #tpu.memory_space<vmem>>, vector<1x16xf32>,
        %get3A_911 = vector.shape_cast %get3A_910 : vector<1x16xf32> to vector<16xf32>
        %add3A_912 = arith.constant 5 : i32
        %add3A_913 = arith.addi %add3A_774, %add3A_912 : i32
        %get3A_914 = arith.constant 0 : i32
        %get3A_915 = arith.constant 0 : i32
        %get3A_916 = tpu.memref_slice %arg6[%scan3A_640, %get3A_914, %get3A_915] : memref<2x800x64xf32, #tpu.memory_space<vmem>> -> memref<1x800x64xf32, #tpu.memory_space<vmem>>
        %get3A_917 = tpu.memref_squeeze %get3A_916 : memref<1x800x64xf32, #tpu.memory_space<vmem>> -> memref<800x64xf32, #tpu.memory_space<vmem>>
        %get3A_918 = arith.index_cast %add3A_913 : i32 to index
        %get3A_919 = arith.constant 16 : index
        %get3A_920 = tpu.vector_load %get3A_917[%get3A_918, %get3A_919] {strides = array<i32>} : memref<800x64xf32, #tpu.memory_space<vmem>>, vector<1x16xf32>,
        %get3A_921 = vector.shape_cast %get3A_920 : vector<1x16xf32> to vector<16xf32>
        %add3A_922 = arith.constant 6 : i32
        %add3A_923 = arith.addi %add3A_774, %add3A_922 : i32
        %get3A_924 = arith.constant 0 : i32
        %get3A_925 = arith.constant 0 : i32
        %get3A_926 = tpu.memref_slice %arg6[%scan3A_640, %get3A_924, %get3A_925] : memref<2x800x64xf32, #tpu.memory_space<vmem>> -> memref<1x800x64xf32, #tpu.memory_space<vmem>>
        %get3A_927 = tpu.memref_squeeze %get3A_926 : memref<1x800x64xf32, #tpu.memory_space<vmem>> -> memref<800x64xf32, #tpu.memory_space<vmem>>
        %get3A_928 = arith.index_cast %add3A_923 : i32 to index
        %get3A_929 = arith.constant 16 : index
        %get3A_930 = tpu.vector_load %get3A_927[%get3A_928, %get3A_929] {strides = array<i32>} : memref<800x64xf32, #tpu.memory_space<vmem>>, vector<1x16xf32>,
        %get3A_931 = vector.shape_cast %get3A_930 : vector<1x16xf32> to vector<16xf32>
        %add3A_932 = arith.constant 7 : i32
        %add3A_933 = arith.addi %add3A_774, %add3A_932 : i32
        %get3A_934 = arith.constant 0 : i32
        %get3A_935 = arith.constant 0 : i32
        %get3A_936 = tpu.memref_slice %arg6[%scan3A_640, %get3A_934, %get3A_935] : memref<2x800x64xf32, #tpu.memory_space<vmem>> -> memref<1x800x64xf32, #tpu.memory_space<vmem>>
        %get3A_937 = tpu.memref_squeeze %get3A_936 : memref<1x800x64xf32, #tpu.memory_space<vmem>> -> memref<800x64xf32, #tpu.memory_space<vmem>>
        %get3A_938 = arith.index_cast %add3A_933 : i32 to index
        %get3A_939 = arith.constant 16 : index
        %get3A_940 = tpu.vector_load %get3A_937[%get3A_938, %get3A_939] {strides = array<i32>} : memref<800x64xf32, #tpu.memory_space<vmem>>, vector<1x16xf32>,
        %get3A_941 = vector.shape_cast %get3A_940 : vector<1x16xf32> to vector<16xf32>
        %add3A_942 = arith.addf %get3A_871, %get3A_881 : vector<16xf32>
        %add3A_943 = arith.addf %get3A_891, %get3A_901 : vector<16xf32>
        %add3A_944 = arith.addf %get3A_911, %get3A_921 : vector<16xf32>
        %add3A_945 = arith.addf %get3A_931, %get3A_941 : vector<16xf32>
        %add3A_946 = arith.addf %add3A_942, %add3A_943 : vector<16xf32>
        %add3A_947 = arith.addf %add3A_944, %add3A_945 : vector<16xf32>
        %add3A_948 = arith.addf %add3A_946, %add3A_947 : vector<16xf32>
        %add3A_949 = arith.addf %scan3A_768, %add3A_948 : vector<16xf32>
        %add3A_950 = arith.constant 0 : i32
        %add3A_951 = arith.addi %add3A_774, %add3A_950 : i32
        %get3A_952 = arith.constant 0 : i32
        %get3A_953 = arith.constant 0 : i32
        %get3A_954 = tpu.memref_slice %arg6[%scan3A_640, %get3A_952, %get3A_953] : memref<2x800x64xf32, #tpu.memory_space<vmem>> -> memref<1x800x64xf32, #tpu.memory_space<vmem>>
        %get3A_955 = tpu.memref_squeeze %get3A_954 : memref<1x800x64xf32, #tpu.memory_space<vmem>> -> memref<800x64xf32, #tpu.memory_space<vmem>>
        %get3A_956 = arith.index_cast %add3A_951 : i32 to index
        %get3A_957 = arith.constant 32 : index
        %get3A_958 = tpu.vector_load %get3A_955[%get3A_956, %get3A_957] {strides = array<i32>} : memref<800x64xf32, #tpu.memory_space<vmem>>, vector<1x16xf32>,
        %get3A_959 = vector.shape_cast %get3A_958 : vector<1x16xf32> to vector<16xf32>
        %add3A_960 = arith.constant 1 : i32
        %add3A_961 = arith.addi %add3A_774, %add3A_960 : i32
        %get3A_962 = arith.constant 0 : i32
        %get3A_963 = arith.constant 0 : i32
        %get3A_964 = tpu.memref_slice %arg6[%scan3A_640, %get3A_962, %get3A_963] : memref<2x800x64xf32, #tpu.memory_space<vmem>> -> memref<1x800x64xf32, #tpu.memory_space<vmem>>
        %get3A_965 = tpu.memref_squeeze %get3A_964 : memref<1x800x64xf32, #tpu.memory_space<vmem>> -> memref<800x64xf32, #tpu.memory_space<vmem>>
        %get3A_966 = arith.index_cast %add3A_961 : i32 to index
        %get3A_967 = arith.constant 32 : index
        %get3A_968 = tpu.vector_load %get3A_965[%get3A_966, %get3A_967] {strides = array<i32>} : memref<800x64xf32, #tpu.memory_space<vmem>>, vector<1x16xf32>,
        %get3A_969 = vector.shape_cast %get3A_968 : vector<1x16xf32> to vector<16xf32>
        %add3A_970 = arith.constant 2 : i32
        %add3A_971 = arith.addi %add3A_774, %add3A_970 : i32
        %get3A_972 = arith.constant 0 : i32
        %get3A_973 = arith.constant 0 : i32
        %get3A_974 = tpu.memref_slice %arg6[%scan3A_640, %get3A_972, %get3A_973] : memref<2x800x64xf32, #tpu.memory_space<vmem>> -> memref<1x800x64xf32, #tpu.memory_space<vmem>>
        %get3A_975 = tpu.memref_squeeze %get3A_974 : memref<1x800x64xf32, #tpu.memory_space<vmem>> -> memref<800x64xf32, #tpu.memory_space<vmem>>
        %get3A_976 = arith.index_cast %add3A_971 : i32 to index
        %get3A_977 = arith.constant 32 : index
        %get3A_978 = tpu.vector_load %get3A_975[%get3A_976, %get3A_977] {strides = array<i32>} : memref<800x64xf32, #tpu.memory_space<vmem>>, vector<1x16xf32>,
        %get3A_979 = vector.shape_cast %get3A_978 : vector<1x16xf32> to vector<16xf32>
        %add3A_980 = arith.constant 3 : i32
        %add3A_981 = arith.addi %add3A_774, %add3A_980 : i32
        %get3A_982 = arith.constant 0 : i32
        %get3A_983 = arith.constant 0 : i32
        %get3A_984 = tpu.memref_slice %arg6[%scan3A_640, %get3A_982, %get3A_983] : memref<2x800x64xf32, #tpu.memory_space<vmem>> -> memref<1x800x64xf32, #tpu.memory_space<vmem>>
        %get3A_985 = tpu.memref_squeeze %get3A_984 : memref<1x800x64xf32, #tpu.memory_space<vmem>> -> memref<800x64xf32, #tpu.memory_space<vmem>>
        %get3A_986 = arith.index_cast %add3A_981 : i32 to index
        %get3A_987 = arith.constant 32 : index
        %get3A_988 = tpu.vector_load %get3A_985[%get3A_986, %get3A_987] {strides = array<i32>} : memref<800x64xf32, #tpu.memory_space<vmem>>, vector<1x16xf32>,
        %get3A_989 = vector.shape_cast %get3A_988 : vector<1x16xf32> to vector<16xf32>
        %add3A_990 = arith.constant 4 : i32
        %add3A_991 = arith.addi %add3A_774, %add3A_990 : i32
        %get3A_992 = arith.constant 0 : i32
        %get3A_993 = arith.constant 0 : i32
        %get3A_994 = tpu.memref_slice %arg6[%scan3A_640, %get3A_992, %get3A_993] : memref<2x800x64xf32, #tpu.memory_space<vmem>> -> memref<1x800x64xf32, #tpu.memory_space<vmem>>
        %get3A_995 = tpu.memref_squeeze %get3A_994 : memref<1x800x64xf32, #tpu.memory_space<vmem>> -> memref<800x64xf32, #tpu.memory_space<vmem>>
        %get3A_996 = arith.index_cast %add3A_991 : i32 to index
        %get3A_997 = arith.constant 32 : index
        %get3A_998 = tpu.vector_load %get3A_995[%get3A_996, %get3A_997] {strides = array<i32>} : memref<800x64xf32, #tpu.memory_space<vmem>>, vector<1x16xf32>,
        %get3A_999 = vector.shape_cast %get3A_998 : vector<1x16xf32> to vector<16xf32>
        %add3A_1000 = arith.constant 5 : i32
        %add3A_1001 = arith.addi %add3A_774, %add3A_1000 : i32
        %get3A_1002 = arith.constant 0 : i32
        %get3A_1003 = arith.constant 0 : i32
        %get3A_1004 = tpu.memref_slice %arg6[%scan3A_640, %get3A_1002, %get3A_1003] : memref<2x800x64xf32, #tpu.memory_space<vmem>> -> memref<1x800x64xf32, #tpu.memory_space<vmem>>
        %get3A_1005 = tpu.memref_squeeze %get3A_1004 : memref<1x800x64xf32, #tpu.memory_space<vmem>> -> memref<800x64xf32, #tpu.memory_space<vmem>>
        %get3A_1006 = arith.index_cast %add3A_1001 : i32 to index
        %get3A_1007 = arith.constant 32 : index
        %get3A_1008 = tpu.vector_load %get3A_1005[%get3A_1006, %get3A_1007] {strides = array<i32>} : memref<800x64xf32, #tpu.memory_space<vmem>>, vector<1x16xf32>,
        %get3A_1009 = vector.shape_cast %get3A_1008 : vector<1x16xf32> to vector<16xf32>
        %add3A_1010 = arith.constant 6 : i32
        %add3A_1011 = arith.addi %add3A_774, %add3A_1010 : i32
        %get3A_1012 = arith.constant 0 : i32
        %get3A_1013 = arith.constant 0 : i32
        %get3A_1014 = tpu.memref_slice %arg6[%scan3A_640, %get3A_1012, %get3A_1013] : memref<2x800x64xf32, #tpu.memory_space<vmem>> -> memref<1x800x64xf32, #tpu.memory_space<vmem>>
        %get3A_1015 = tpu.memref_squeeze %get3A_1014 : memref<1x800x64xf32, #tpu.memory_space<vmem>> -> memref<800x64xf32, #tpu.memory_space<vmem>>
        %get3A_1016 = arith.index_cast %add3A_1011 : i32 to index
        %get3A_1017 = arith.constant 32 : index
        %get3A_1018 = tpu.vector_load %get3A_1015[%get3A_1016, %get3A_1017] {strides = array<i32>} : memref<800x64xf32, #tpu.memory_space<vmem>>, vector<1x16xf32>,
        %get3A_1019 = vector.shape_cast %get3A_1018 : vector<1x16xf32> to vector<16xf32>
        %add3A_1020 = arith.constant 7 : i32
        %add3A_1021 = arith.addi %add3A_774, %add3A_1020 : i32
        %get3A_1022 = arith.constant 0 : i32
        %get3A_1023 = arith.constant 0 : i32
        %get3A_1024 = tpu.memref_slice %arg6[%scan3A_640, %get3A_1022, %get3A_1023] : memref<2x800x64xf32, #tpu.memory_space<vmem>> -> memref<1x800x64xf32, #tpu.memory_space<vmem>>
        %get3A_1025 = tpu.memref_squeeze %get3A_1024 : memref<1x800x64xf32, #tpu.memory_space<vmem>> -> memref<800x64xf32, #tpu.memory_space<vmem>>
        %get3A_1026 = arith.index_cast %add3A_1021 : i32 to index
        %get3A_1027 = arith.constant 32 : index
        %get3A_1028 = tpu.vector_load %get3A_1025[%get3A_1026, %get3A_1027] {strides = array<i32>} : memref<800x64xf32, #tpu.memory_space<vmem>>, vector<1x16xf32>,
        %get3A_1029 = vector.shape_cast %get3A_1028 : vector<1x16xf32> to vector<16xf32>
        %add3A_1030 = arith.addf %get3A_959, %get3A_969 : vector<16xf32>
        %add3A_1031 = arith.addf %get3A_979, %get3A_989 : vector<16xf32>
        %add3A_1032 = arith.addf %get3A_999, %get3A_1009 : vector<16xf32>
        %add3A_1033 = arith.addf %get3A_1019, %get3A_1029 : vector<16xf32>
        %add3A_1034 = arith.addf %add3A_1030, %add3A_1031 : vector<16xf32>
        %add3A_1035 = arith.addf %add3A_1032, %add3A_1033 : vector<16xf32>
        %add3A_1036 = arith.addf %add3A_1034, %add3A_1035 : vector<16xf32>
        %add3A_1037 = arith.addf %scan3A_769, %add3A_1036 : vector<16xf32>
        %add3A_1038 = arith.constant 0 : i32
        %add3A_1039 = arith.addi %add3A_774, %add3A_1038 : i32
        %get3A_1040 = arith.constant 0 : i32
        %get3A_1041 = arith.constant 0 : i32
        %get3A_1042 = tpu.memref_slice %arg6[%scan3A_640, %get3A_1040, %get3A_1041] : memref<2x800x64xf32, #tpu.memory_space<vmem>> -> memref<1x800x64xf32, #tpu.memory_space<vmem>>
        %get3A_1043 = tpu.memref_squeeze %get3A_1042 : memref<1x800x64xf32, #tpu.memory_space<vmem>> -> memref<800x64xf32, #tpu.memory_space<vmem>>
        %get3A_1044 = arith.index_cast %add3A_1039 : i32 to index
        %get3A_1045 = arith.constant 48 : index
        %get3A_1046 = tpu.vector_load %get3A_1043[%get3A_1044, %get3A_1045] {strides = array<i32>} : memref<800x64xf32, #tpu.memory_space<vmem>>, vector<1x16xf32>,
        %get3A_1047 = vector.shape_cast %get3A_1046 : vector<1x16xf32> to vector<16xf32>
        %add3A_1048 = arith.constant 1 : i32
        %add3A_1049 = arith.addi %add3A_774, %add3A_1048 : i32
        %get3A_1050 = arith.constant 0 : i32
        %get3A_1051 = arith.constant 0 : i32
        %get3A_1052 = tpu.memref_slice %arg6[%scan3A_640, %get3A_1050, %get3A_1051] : memref<2x800x64xf32, #tpu.memory_space<vmem>> -> memref<1x800x64xf32, #tpu.memory_space<vmem>>
        %get3A_1053 = tpu.memref_squeeze %get3A_1052 : memref<1x800x64xf32, #tpu.memory_space<vmem>> -> memref<800x64xf32, #tpu.memory_space<vmem>>
        %get3A_1054 = arith.index_cast %add3A_1049 : i32 to index
        %get3A_1055 = arith.constant 48 : index
        %get3A_1056 = tpu.vector_load %get3A_1053[%get3A_1054, %get3A_1055] {strides = array<i32>} : memref<800x64xf32, #tpu.memory_space<vmem>>, vector<1x16xf32>,
        %get3A_1057 = vector.shape_cast %get3A_1056 : vector<1x16xf32> to vector<16xf32>
        %add3A_1058 = arith.constant 2 : i32
        %add3A_1059 = arith.addi %add3A_774, %add3A_1058 : i32
        %get3A_1060 = arith.constant 0 : i32
        %get3A_1061 = arith.constant 0 : i32
        %get3A_1062 = tpu.memref_slice %arg6[%scan3A_640, %get3A_1060, %get3A_1061] : memref<2x800x64xf32, #tpu.memory_space<vmem>> -> memref<1x800x64xf32, #tpu.memory_space<vmem>>
        %get3A_1063 = tpu.memref_squeeze %get3A_1062 : memref<1x800x64xf32, #tpu.memory_space<vmem>> -> memref<800x64xf32, #tpu.memory_space<vmem>>
        %get3A_1064 = arith.index_cast %add3A_1059 : i32 to index
        %get3A_1065 = arith.constant 48 : index
        %get3A_1066 = tpu.vector_load %get3A_1063[%get3A_1064, %get3A_1065] {strides = array<i32>} : memref<800x64xf32, #tpu.memory_space<vmem>>, vector<1x16xf32>,
        %get3A_1067 = vector.shape_cast %get3A_1066 : vector<1x16xf32> to vector<16xf32>
        %add3A_1068 = arith.constant 3 : i32
        %add3A_1069 = arith.addi %add3A_774, %add3A_1068 : i32
        %get3A_1070 = arith.constant 0 : i32
        %get3A_1071 = arith.constant 0 : i32
        %get3A_1072 = tpu.memref_slice %arg6[%scan3A_640, %get3A_1070, %get3A_1071] : memref<2x800x64xf32, #tpu.memory_space<vmem>> -> memref<1x800x64xf32, #tpu.memory_space<vmem>>
        %get3A_1073 = tpu.memref_squeeze %get3A_1072 : memref<1x800x64xf32, #tpu.memory_space<vmem>> -> memref<800x64xf32, #tpu.memory_space<vmem>>
        %get3A_1074 = arith.index_cast %add3A_1069 : i32 to index
        %get3A_1075 = arith.constant 48 : index
        %get3A_1076 = tpu.vector_load %get3A_1073[%get3A_1074, %get3A_1075] {strides = array<i32>} : memref<800x64xf32, #tpu.memory_space<vmem>>, vector<1x16xf32>,
        %get3A_1077 = vector.shape_cast %get3A_1076 : vector<1x16xf32> to vector<16xf32>
        %add3A_1078 = arith.constant 4 : i32
        %add3A_1079 = arith.addi %add3A_774, %add3A_1078 : i32
        %get3A_1080 = arith.constant 0 : i32
        %get3A_1081 = arith.constant 0 : i32
        %get3A_1082 = tpu.memref_slice %arg6[%scan3A_640, %get3A_1080, %get3A_1081] : memref<2x800x64xf32, #tpu.memory_space<vmem>> -> memref<1x800x64xf32, #tpu.memory_space<vmem>>
        %get3A_1083 = tpu.memref_squeeze %get3A_1082 : memref<1x800x64xf32, #tpu.memory_space<vmem>> -> memref<800x64xf32, #tpu.memory_space<vmem>>
        %get3A_1084 = arith.index_cast %add3A_1079 : i32 to index
        %get3A_1085 = arith.constant 48 : index
        %get3A_1086 = tpu.vector_load %get3A_1083[%get3A_1084, %get3A_1085] {strides = array<i32>} : memref<800x64xf32, #tpu.memory_space<vmem>>, vector<1x16xf32>,
        %get3A_1087 = vector.shape_cast %get3A_1086 : vector<1x16xf32> to vector<16xf32>
        %add3A_1088 = arith.constant 5 : i32
        %add3A_1089 = arith.addi %add3A_774, %add3A_1088 : i32
        %get3A_1090 = arith.constant 0 : i32
        %get3A_1091 = arith.constant 0 : i32
        %get3A_1092 = tpu.memref_slice %arg6[%scan3A_640, %get3A_1090, %get3A_1091] : memref<2x800x64xf32, #tpu.memory_space<vmem>> -> memref<1x800x64xf32, #tpu.memory_space<vmem>>
        %get3A_1093 = tpu.memref_squeeze %get3A_1092 : memref<1x800x64xf32, #tpu.memory_space<vmem>> -> memref<800x64xf32, #tpu.memory_space<vmem>>
        %get3A_1094 = arith.index_cast %add3A_1089 : i32 to index
        %get3A_1095 = arith.constant 48 : index
        %get3A_1096 = tpu.vector_load %get3A_1093[%get3A_1094, %get3A_1095] {strides = array<i32>} : memref<800x64xf32, #tpu.memory_space<vmem>>, vector<1x16xf32>,
        %get3A_1097 = vector.shape_cast %get3A_1096 : vector<1x16xf32> to vector<16xf32>
        %add3A_1098 = arith.constant 6 : i32
        %add3A_1099 = arith.addi %add3A_774, %add3A_1098 : i32
        %get3A_1100 = arith.constant 0 : i32
        %get3A_1101 = arith.constant 0 : i32
        %get3A_1102 = tpu.memref_slice %arg6[%scan3A_640, %get3A_1100, %get3A_1101] : memref<2x800x64xf32, #tpu.memory_space<vmem>> -> memref<1x800x64xf32, #tpu.memory_space<vmem>>
        %get3A_1103 = tpu.memref_squeeze %get3A_1102 : memref<1x800x64xf32, #tpu.memory_space<vmem>> -> memref<800x64xf32, #tpu.memory_space<vmem>>
        %get3A_1104 = arith.index_cast %add3A_1099 : i32 to index
        %get3A_1105 = arith.constant 48 : index
        %get3A_1106 = tpu.vector_load %get3A_1103[%get3A_1104, %get3A_1105] {strides = array<i32>} : memref<800x64xf32, #tpu.memory_space<vmem>>, vector<1x16xf32>,
        %get3A_1107 = vector.shape_cast %get3A_1106 : vector<1x16xf32> to vector<16xf32>
        %add3A_1108 = arith.constant 7 : i32
        %add3A_1109 = arith.addi %add3A_774, %add3A_1108 : i32
        %get3A_1110 = arith.constant 0 : i32
        %get3A_1111 = arith.constant 0 : i32
        %get3A_1112 = tpu.memref_slice %arg6[%scan3A_640, %get3A_1110, %get3A_1111] : memref<2x800x64xf32, #tpu.memory_space<vmem>> -> memref<1x800x64xf32, #tpu.memory_space<vmem>>
        %get3A_1113 = tpu.memref_squeeze %get3A_1112 : memref<1x800x64xf32, #tpu.memory_space<vmem>> -> memref<800x64xf32, #tpu.memory_space<vmem>>
        %get3A_1114 = arith.index_cast %add3A_1109 : i32 to index
        %get3A_1115 = arith.constant 48 : index
        %get3A_1116 = tpu.vector_load %get3A_1113[%get3A_1114, %get3A_1115] {strides = array<i32>} : memref<800x64xf32, #tpu.memory_space<vmem>>, vector<1x16xf32>,
        %get3A_1117 = vector.shape_cast %get3A_1116 : vector<1x16xf32> to vector<16xf32>
        %add3A_1118 = arith.addf %get3A_1047, %get3A_1057 : vector<16xf32>
        %add3A_1119 = arith.addf %get3A_1067, %get3A_1077 : vector<16xf32>
        %add3A_1120 = arith.addf %get3A_1087, %get3A_1097 : vector<16xf32>
        %add3A_1121 = arith.addf %get3A_1107, %get3A_1117 : vector<16xf32>
        %add3A_1122 = arith.addf %add3A_1118, %add3A_1119 : vector<16xf32>
        %add3A_1123 = arith.addf %add3A_1120, %add3A_1121 : vector<16xf32>
        %add3A_1124 = arith.addf %add3A_1122, %add3A_1123 : vector<16xf32>
        %add3A_1125 = arith.addf %scan3A_770, %add3A_1124 : vector<16xf32>
        scf.yield %add3A_861, %add3A_949, %add3A_1037, %add3A_1125 : vector<16xf32>, vector<16xf32>, vector<16xf32>, vector<16xf32>
      }
      %scan3A_646 = arith.constant 25 : i32
      %swap3A_647 = arith.constant 1 : i32
      %swap3A_648 = arith.constant 2 : i32
      %swap3A_649 = arith.constant 0 : i32
      %swap3A_650 = arith.constant 0 : i32
      %swap3A_651 = tpu.memref_slice %arg7[%swap3A_647, %swap3A_649, %swap3A_650] : memref<2x4x64xf32, #tpu.memory_space<vmem>> -> memref<1x4x64xf32, #tpu.memory_space<vmem>>
      %swap3A_652 = tpu.memref_squeeze %swap3A_651 : memref<1x4x64xf32, #tpu.memory_space<vmem>> -> memref<4x64xf32, #tpu.memory_space<vmem>>
      %swap3A_653 = arith.index_cast %swap3A_648 : i32 to index
      %swap3A_654 = arith.constant 0 : index
      %swap3A_655 = tpu.vector_load %swap3A_652[%swap3A_653, %swap3A_654] {strides = array<i32>} : memref<4x64xf32, #tpu.memory_space<vmem>>, vector<1x16xf32>,
      %swap3A_656 = vector.shape_cast %swap3A_655 : vector<1x16xf32> to vector<16xf32>
      %swap3A_657 = vector.shape_cast %scan3A_645#0 : vector<16xf32> to vector<1x16xf32>
      tpu.vector_store %swap3A_652[%swap3A_653, %swap3A_654], %swap3A_657 {strides = array<i32>} : memref<4x64xf32, #tpu.memory_space<vmem>>, vector<1x16xf32>,
      %swap3A_658 = arith.constant 1 : i32
      %swap3A_659 = arith.constant 2 : i32
      %swap3A_660 = arith.constant 0 : i32
      %swap3A_661 = arith.constant 0 : i32
      %swap3A_662 = tpu.memref_slice %arg7[%swap3A_658, %swap3A_660, %swap3A_661] : memref<2x4x64xf32, #tpu.memory_space<vmem>> -> memref<1x4x64xf32, #tpu.memory_space<vmem>>
      %swap3A_663 = tpu.memref_squeeze %swap3A_662 : memref<1x4x64xf32, #tpu.memory_space<vmem>> -> memref<4x64xf32, #tpu.memory_space<vmem>>
      %swap3A_664 = arith.index_cast %swap3A_659 : i32 to index
      %swap3A_665 = arith.constant 16 : index
      %swap3A_666 = tpu.vector_load %swap3A_663[%swap3A_664, %swap3A_665] {strides = array<i32>} : memref<4x64xf32, #tpu.memory_space<vmem>>, vector<1x16xf32>,
      %swap3A_667 = vector.shape_cast %swap3A_666 : vector<1x16xf32> to vector<16xf32>
      %swap3A_668 = vector.shape_cast %scan3A_645#1 : vector<16xf32> to vector<1x16xf32>
      tpu.vector_store %swap3A_663[%swap3A_664, %swap3A_665], %swap3A_668 {strides = array<i32>} : memref<4x64xf32, #tpu.memory_space<vmem>>, vector<1x16xf32>,
      %swap3A_669 = arith.constant 1 : i32
      %swap3A_670 = arith.constant 2 : i32
      %swap3A_671 = arith.constant 0 : i32
      %swap3A_672 = arith.constant 0 : i32
      %swap3A_673 = tpu.memref_slice %arg7[%swap3A_669, %swap3A_671, %swap3A_672] : memref<2x4x64xf32, #tpu.memory_space<vmem>> -> memref<1x4x64xf32, #tpu.memory_space<vmem>>
      %swap3A_674 = tpu.memref_squeeze %swap3A_673 : memref<1x4x64xf32, #tpu.memory_space<vmem>> -> memref<4x64xf32, #tpu.memory_space<vmem>>
      %swap3A_675 = arith.index_cast %swap3A_670 : i32 to index
      %swap3A_676 = arith.constant 32 : index
      %swap3A_677 = tpu.vector_load %swap3A_674[%swap3A_675, %swap3A_676] {strides = array<i32>} : memref<4x64xf32, #tpu.memory_space<vmem>>, vector<1x16xf32>,
      %swap3A_678 = vector.shape_cast %swap3A_677 : vector<1x16xf32> to vector<16xf32>
      %swap3A_679 = vector.shape_cast %scan3A_645#2 : vector<16xf32> to vector<1x16xf32>
      tpu.vector_store %swap3A_674[%swap3A_675, %swap3A_676], %swap3A_679 {strides = array<i32>} : memref<4x64xf32, #tpu.memory_space<vmem>>, vector<1x16xf32>,
      %swap3A_680 = arith.constant 1 : i32
      %swap3A_681 = arith.constant 2 : i32
      %swap3A_682 = arith.constant 0 : i32
      %swap3A_683 = arith.constant 0 : i32
      %swap3A_684 = tpu.memref_slice %arg7[%swap3A_680, %swap3A_682, %swap3A_683] : memref<2x4x64xf32, #tpu.memory_space<vmem>> -> memref<1x4x64xf32, #tpu.memory_space<vmem>>
      %swap3A_685 = tpu.memref_squeeze %swap3A_684 : memref<1x4x64xf32, #tpu.memory_space<vmem>> -> memref<4x64xf32, #tpu.memory_space<vmem>>
      %swap3A_686 = arith.index_cast %swap3A_681 : i32 to index
      %swap3A_687 = arith.constant 48 : index
      %swap3A_688 = tpu.vector_load %swap3A_685[%swap3A_686, %swap3A_687] {strides = array<i32>} : memref<4x64xf32, #tpu.memory_space<vmem>>, vector<1x16xf32>,
      %swap3A_689 = vector.shape_cast %swap3A_688 : vector<1x16xf32> to vector<16xf32>
      %swap3A_690 = vector.shape_cast %scan3A_645#3 : vector<16xf32> to vector<1x16xf32>
      tpu.vector_store %swap3A_685[%swap3A_686, %swap3A_687], %swap3A_690 {strides = array<i32>} : memref<4x64xf32, #tpu.memory_space<vmem>>, vector<1x16xf32>,
      %broadcast_in_dim3A_691 = arith.constant 0.000000e+00 : f32
      %broadcast_in_dim3A_692 = vector.broadcast %broadcast_in_dim3A_691 : f32 to vector<16xf32>
      %broadcast_in_dim3A_693 = arith.constant 0.000000e+00 : f32
      %broadcast_in_dim3A_694 = vector.broadcast %broadcast_in_dim3A_693 : f32 to vector<16xf32>
      %broadcast_in_dim3A_695 = arith.constant 0.000000e+00 : f32
      %broadcast_in_dim3A_696 = vector.broadcast %broadcast_in_dim3A_695 : f32 to vector<16xf32>
      %broadcast_in_dim3A_697 = arith.constant 0.000000e+00 : f32
      %broadcast_in_dim3A_698 = vector.broadcast %broadcast_in_dim3A_697 : f32 to vector<16xf32>
      %scan3A_699 = arith.constant 1 : i32
      %scan3A_700 = arith.constant 0 : i32
      %scan3A_701 = arith.constant 25 : i32
      %scan3A_702 = arith.addi %scan3A_700, %scan3A_701 : i32
      %scan3A_703 = arith.constant 1 : i32
      %scan3A_704:4 = scf.for %scan3A_766 = %scan3A_700 to %scan3A_702 step %scan3A_703 iter_args(%scan3A_767 = %broadcast_in_dim3A_692, %scan3A_768 = %broadcast_in_dim3A_694, %scan3A_769 = %broadcast_in_dim3A_696, %scan3A_770 = %broadcast_in_dim3A_698) -> (vector<16xf32>, vector<16xf32>, vector<16xf32>, vector<16xf32>)  : i32 {
        %mul3A_771 = arith.constant 8 : i32
        %mul3A_772 = arith.muli %scan3A_766, %mul3A_771 : i32
        %add3A_773 = arith.constant 600 : i32
        %add3A_774 = arith.addi %add3A_773, %mul3A_772 : i32
        %add3A_775 = arith.constant 0 : i32
        %add3A_776 = arith.addi %add3A_774, %add3A_775 : i32
        %get3A = arith.constant 0 : i32
        %get3A_777 = arith.constant 0 : i32
        %get3A_778 = tpu.memref_slice %arg6[%scan3A_699, %get3A, %get3A_777] : memref<2x800x64xf32, #tpu.memory_space<vmem>> -> memref<1x800x64xf32, #tpu.memory_space<vmem>>
        %get3A_779 = tpu.memref_squeeze %get3A_778 : memref<1x800x64xf32, #tpu.memory_space<vmem>> -> memref<800x64xf32, #tpu.memory_space<vmem>>
        %get3A_780 = arith.index_cast %add3A_776 : i32 to index
        %get3A_781 = arith.constant 0 : index
        %get3A_782 = tpu.vector_load %get3A_779[%get3A_780, %get3A_781] {strides = array<i32>} : memref<800x64xf32, #tpu.memory_space<vmem>>, vector<1x16xf32>,
        %get3A_783 = vector.shape_cast %get3A_782 : vector<1x16xf32> to vector<16xf32>
        %add3A_784 = arith.constant 1 : i32
        %add3A_785 = arith.addi %add3A_774, %add3A_784 : i32
        %get3A_786 = arith.constant 0 : i32
        %get3A_787 = arith.constant 0 : i32
        %get3A_788 = tpu.memref_slice %arg6[%scan3A_699, %get3A_786, %get3A_787] : memref<2x800x64xf32, #tpu.memory_space<vmem>> -> memref<1x800x64xf32, #tpu.memory_space<vmem>>
        %get3A_789 = tpu.memref_squeeze %get3A_788 : memref<1x800x64xf32, #tpu.memory_space<vmem>> -> memref<800x64xf32, #tpu.memory_space<vmem>>
        %get3A_790 = arith.index_cast %add3A_785 : i32 to index
        %get3A_791 = arith.constant 0 : index
        %get3A_792 = tpu.vector_load %get3A_789[%get3A_790, %get3A_791] {strides = array<i32>} : memref<800x64xf32, #tpu.memory_space<vmem>>, vector<1x16xf32>,
        %get3A_793 = vector.shape_cast %get3A_792 : vector<1x16xf32> to vector<16xf32>
        %add3A_794 = arith.constant 2 : i32
        %add3A_795 = arith.addi %add3A_774, %add3A_794 : i32
        %get3A_796 = arith.constant 0 : i32
        %get3A_797 = arith.constant 0 : i32
        %get3A_798 = tpu.memref_slice %arg6[%scan3A_699, %get3A_796, %get3A_797] : memref<2x800x64xf32, #tpu.memory_space<vmem>> -> memref<1x800x64xf32, #tpu.memory_space<vmem>>
        %get3A_799 = tpu.memref_squeeze %get3A_798 : memref<1x800x64xf32, #tpu.memory_space<vmem>> -> memref<800x64xf32, #tpu.memory_space<vmem>>
        %get3A_800 = arith.index_cast %add3A_795 : i32 to index
        %get3A_801 = arith.constant 0 : index
        %get3A_802 = tpu.vector_load %get3A_799[%get3A_800, %get3A_801] {strides = array<i32>} : memref<800x64xf32, #tpu.memory_space<vmem>>, vector<1x16xf32>,
        %get3A_803 = vector.shape_cast %get3A_802 : vector<1x16xf32> to vector<16xf32>
        %add3A_804 = arith.constant 3 : i32
        %add3A_805 = arith.addi %add3A_774, %add3A_804 : i32
        %get3A_806 = arith.constant 0 : i32
        %get3A_807 = arith.constant 0 : i32
        %get3A_808 = tpu.memref_slice %arg6[%scan3A_699, %get3A_806, %get3A_807] : memref<2x800x64xf32, #tpu.memory_space<vmem>> -> memref<1x800x64xf32, #tpu.memory_space<vmem>>
        %get3A_809 = tpu.memref_squeeze %get3A_808 : memref<1x800x64xf32, #tpu.memory_space<vmem>> -> memref<800x64xf32, #tpu.memory_space<vmem>>
        %get3A_810 = arith.index_cast %add3A_805 : i32 to index
        %get3A_811 = arith.constant 0 : index
        %get3A_812 = tpu.vector_load %get3A_809[%get3A_810, %get3A_811] {strides = array<i32>} : memref<800x64xf32, #tpu.memory_space<vmem>>, vector<1x16xf32>,
        %get3A_813 = vector.shape_cast %get3A_812 : vector<1x16xf32> to vector<16xf32>
        %add3A_814 = arith.constant 4 : i32
        %add3A_815 = arith.addi %add3A_774, %add3A_814 : i32
        %get3A_816 = arith.constant 0 : i32
        %get3A_817 = arith.constant 0 : i32
        %get3A_818 = tpu.memref_slice %arg6[%scan3A_699, %get3A_816, %get3A_817] : memref<2x800x64xf32, #tpu.memory_space<vmem>> -> memref<1x800x64xf32, #tpu.memory_space<vmem>>
        %get3A_819 = tpu.memref_squeeze %get3A_818 : memref<1x800x64xf32, #tpu.memory_space<vmem>> -> memref<800x64xf32, #tpu.memory_space<vmem>>
        %get3A_820 = arith.index_cast %add3A_815 : i32 to index
        %get3A_821 = arith.constant 0 : index
        %get3A_822 = tpu.vector_load %get3A_819[%get3A_820, %get3A_821] {strides = array<i32>} : memref<800x64xf32, #tpu.memory_space<vmem>>, vector<1x16xf32>,
        %get3A_823 = vector.shape_cast %get3A_822 : vector<1x16xf32> to vector<16xf32>
        %add3A_824 = arith.constant 5 : i32
        %add3A_825 = arith.addi %add3A_774, %add3A_824 : i32
        %get3A_826 = arith.constant 0 : i32
        %get3A_827 = arith.constant 0 : i32
        %get3A_828 = tpu.memref_slice %arg6[%scan3A_699, %get3A_826, %get3A_827] : memref<2x800x64xf32, #tpu.memory_space<vmem>> -> memref<1x800x64xf32, #tpu.memory_space<vmem>>
        %get3A_829 = tpu.memref_squeeze %get3A_828 : memref<1x800x64xf32, #tpu.memory_space<vmem>> -> memref<800x64xf32, #tpu.memory_space<vmem>>
        %get3A_830 = arith.index_cast %add3A_825 : i32 to index
        %get3A_831 = arith.constant 0 : index
        %get3A_832 = tpu.vector_load %get3A_829[%get3A_830, %get3A_831] {strides = array<i32>} : memref<800x64xf32, #tpu.memory_space<vmem>>, vector<1x16xf32>,
        %get3A_833 = vector.shape_cast %get3A_832 : vector<1x16xf32> to vector<16xf32>
        %add3A_834 = arith.constant 6 : i32
        %add3A_835 = arith.addi %add3A_774, %add3A_834 : i32
        %get3A_836 = arith.constant 0 : i32
        %get3A_837 = arith.constant 0 : i32
        %get3A_838 = tpu.memref_slice %arg6[%scan3A_699, %get3A_836, %get3A_837] : memref<2x800x64xf32, #tpu.memory_space<vmem>> -> memref<1x800x64xf32, #tpu.memory_space<vmem>>
        %get3A_839 = tpu.memref_squeeze %get3A_838 : memref<1x800x64xf32, #tpu.memory_space<vmem>> -> memref<800x64xf32, #tpu.memory_space<vmem>>
        %get3A_840 = arith.index_cast %add3A_835 : i32 to index
        %get3A_841 = arith.constant 0 : index
        %get3A_842 = tpu.vector_load %get3A_839[%get3A_840, %get3A_841] {strides = array<i32>} : memref<800x64xf32, #tpu.memory_space<vmem>>, vector<1x16xf32>,
        %get3A_843 = vector.shape_cast %get3A_842 : vector<1x16xf32> to vector<16xf32>
        %add3A_844 = arith.constant 7 : i32
        %add3A_845 = arith.addi %add3A_774, %add3A_844 : i32
        %get3A_846 = arith.constant 0 : i32
        %get3A_847 = arith.constant 0 : i32
        %get3A_848 = tpu.memref_slice %arg6[%scan3A_699, %get3A_846, %get3A_847] : memref<2x800x64xf32, #tpu.memory_space<vmem>> -> memref<1x800x64xf32, #tpu.memory_space<vmem>>
        %get3A_849 = tpu.memref_squeeze %get3A_848 : memref<1x800x64xf32, #tpu.memory_space<vmem>> -> memref<800x64xf32, #tpu.memory_space<vmem>>
        %get3A_850 = arith.index_cast %add3A_845 : i32 to index
        %get3A_851 = arith.constant 0 : index
        %get3A_852 = tpu.vector_load %get3A_849[%get3A_850, %get3A_851] {strides = array<i32>} : memref<800x64xf32, #tpu.memory_space<vmem>>, vector<1x16xf32>,
        %get3A_853 = vector.shape_cast %get3A_852 : vector<1x16xf32> to vector<16xf32>
        %add3A_854 = arith.addf %get3A_783, %get3A_793 : vector<16xf32>
        %add3A_855 = arith.addf %get3A_803, %get3A_813 : vector<16xf32>
        %add3A_856 = arith.addf %get3A_823, %get3A_833 : vector<16xf32>
        %add3A_857 = arith.addf %get3A_843, %get3A_853 : vector<16xf32>
        %add3A_858 = arith.addf %add3A_854, %add3A_855 : vector<16xf32>
        %add3A_859 = arith.addf %add3A_856, %add3A_857 : vector<16xf32>
        %add3A_860 = arith.addf %add3A_858, %add3A_859 : vector<16xf32>
        %add3A_861 = arith.addf %scan3A_767, %add3A_860 : vector<16xf32>
        %add3A_862 = arith.constant 0 : i32
        %add3A_863 = arith.addi %add3A_774, %add3A_862 : i32
        %get3A_864 = arith.constant 0 : i32
        %get3A_865 = arith.constant 0 : i32
        %get3A_866 = tpu.memref_slice %arg6[%scan3A_699, %get3A_864, %get3A_865] : memref<2x800x64xf32, #tpu.memory_space<vmem>> -> memref<1x800x64xf32, #tpu.memory_space<vmem>>
        %get3A_867 = tpu.memref_squeeze %get3A_866 : memref<1x800x64xf32, #tpu.memory_space<vmem>> -> memref<800x64xf32, #tpu.memory_space<vmem>>
        %get3A_868 = arith.index_cast %add3A_863 : i32 to index
        %get3A_869 = arith.constant 16 : index
        %get3A_870 = tpu.vector_load %get3A_867[%get3A_868, %get3A_869] {strides = array<i32>} : memref<800x64xf32, #tpu.memory_space<vmem>>, vector<1x16xf32>,
        %get3A_871 = vector.shape_cast %get3A_870 : vector<1x16xf32> to vector<16xf32>
        %add3A_872 = arith.constant 1 : i32
        %add3A_873 = arith.addi %add3A_774, %add3A_872 : i32
        %get3A_874 = arith.constant 0 : i32
        %get3A_875 = arith.constant 0 : i32
        %get3A_876 = tpu.memref_slice %arg6[%scan3A_699, %get3A_874, %get3A_875] : memref<2x800x64xf32, #tpu.memory_space<vmem>> -> memref<1x800x64xf32, #tpu.memory_space<vmem>>
        %get3A_877 = tpu.memref_squeeze %get3A_876 : memref<1x800x64xf32, #tpu.memory_space<vmem>> -> memref<800x64xf32, #tpu.memory_space<vmem>>
        %get3A_878 = arith.index_cast %add3A_873 : i32 to index
        %get3A_879 = arith.constant 16 : index
        %get3A_880 = tpu.vector_load %get3A_877[%get3A_878, %get3A_879] {strides = array<i32>} : memref<800x64xf32, #tpu.memory_space<vmem>>, vector<1x16xf32>,
        %get3A_881 = vector.shape_cast %get3A_880 : vector<1x16xf32> to vector<16xf32>
        %add3A_882 = arith.constant 2 : i32
        %add3A_883 = arith.addi %add3A_774, %add3A_882 : i32
        %get3A_884 = arith.constant 0 : i32
        %get3A_885 = arith.constant 0 : i32
        %get3A_886 = tpu.memref_slice %arg6[%scan3A_699, %get3A_884, %get3A_885] : memref<2x800x64xf32, #tpu.memory_space<vmem>> -> memref<1x800x64xf32, #tpu.memory_space<vmem>>
        %get3A_887 = tpu.memref_squeeze %get3A_886 : memref<1x800x64xf32, #tpu.memory_space<vmem>> -> memref<800x64xf32, #tpu.memory_space<vmem>>
        %get3A_888 = arith.index_cast %add3A_883 : i32 to index
        %get3A_889 = arith.constant 16 : index
        %get3A_890 = tpu.vector_load %get3A_887[%get3A_888, %get3A_889] {strides = array<i32>} : memref<800x64xf32, #tpu.memory_space<vmem>>, vector<1x16xf32>,
        %get3A_891 = vector.shape_cast %get3A_890 : vector<1x16xf32> to vector<16xf32>
        %add3A_892 = arith.constant 3 : i32
        %add3A_893 = arith.addi %add3A_774, %add3A_892 : i32
        %get3A_894 = arith.constant 0 : i32
        %get3A_895 = arith.constant 0 : i32
        %get3A_896 = tpu.memref_slice %arg6[%scan3A_699, %get3A_894, %get3A_895] : memref<2x800x64xf32, #tpu.memory_space<vmem>> -> memref<1x800x64xf32, #tpu.memory_space<vmem>>
        %get3A_897 = tpu.memref_squeeze %get3A_896 : memref<1x800x64xf32, #tpu.memory_space<vmem>> -> memref<800x64xf32, #tpu.memory_space<vmem>>
        %get3A_898 = arith.index_cast %add3A_893 : i32 to index
        %get3A_899 = arith.constant 16 : index
        %get3A_900 = tpu.vector_load %get3A_897[%get3A_898, %get3A_899] {strides = array<i32>} : memref<800x64xf32, #tpu.memory_space<vmem>>, vector<1x16xf32>,
        %get3A_901 = vector.shape_cast %get3A_900 : vector<1x16xf32> to vector<16xf32>
        %add3A_902 = arith.constant 4 : i32
        %add3A_903 = arith.addi %add3A_774, %add3A_902 : i32
        %get3A_904 = arith.constant 0 : i32
        %get3A_905 = arith.constant 0 : i32
        %get3A_906 = tpu.memref_slice %arg6[%scan3A_699, %get3A_904, %get3A_905] : memref<2x800x64xf32, #tpu.memory_space<vmem>> -> memref<1x800x64xf32, #tpu.memory_space<vmem>>
        %get3A_907 = tpu.memref_squeeze %get3A_906 : memref<1x800x64xf32, #tpu.memory_space<vmem>> -> memref<800x64xf32, #tpu.memory_space<vmem>>
        %get3A_908 = arith.index_cast %add3A_903 : i32 to index
        %get3A_909 = arith.constant 16 : index
        %get3A_910 = tpu.vector_load %get3A_907[%get3A_908, %get3A_909] {strides = array<i32>} : memref<800x64xf32, #tpu.memory_space<vmem>>, vector<1x16xf32>,
        %get3A_911 = vector.shape_cast %get3A_910 : vector<1x16xf32> to vector<16xf32>
        %add3A_912 = arith.constant 5 : i32
        %add3A_913 = arith.addi %add3A_774, %add3A_912 : i32
        %get3A_914 = arith.constant 0 : i32
        %get3A_915 = arith.constant 0 : i32
        %get3A_916 = tpu.memref_slice %arg6[%scan3A_699, %get3A_914, %get3A_915] : memref<2x800x64xf32, #tpu.memory_space<vmem>> -> memref<1x800x64xf32, #tpu.memory_space<vmem>>
        %get3A_917 = tpu.memref_squeeze %get3A_916 : memref<1x800x64xf32, #tpu.memory_space<vmem>> -> memref<800x64xf32, #tpu.memory_space<vmem>>
        %get3A_918 = arith.index_cast %add3A_913 : i32 to index
        %get3A_919 = arith.constant 16 : index
        %get3A_920 = tpu.vector_load %get3A_917[%get3A_918, %get3A_919] {strides = array<i32>} : memref<800x64xf32, #tpu.memory_space<vmem>>, vector<1x16xf32>,
        %get3A_921 = vector.shape_cast %get3A_920 : vector<1x16xf32> to vector<16xf32>
        %add3A_922 = arith.constant 6 : i32
        %add3A_923 = arith.addi %add3A_774, %add3A_922 : i32
        %get3A_924 = arith.constant 0 : i32
        %get3A_925 = arith.constant 0 : i32
        %get3A_926 = tpu.memref_slice %arg6[%scan3A_699, %get3A_924, %get3A_925] : memref<2x800x64xf32, #tpu.memory_space<vmem>> -> memref<1x800x64xf32, #tpu.memory_space<vmem>>
        %get3A_927 = tpu.memref_squeeze %get3A_926 : memref<1x800x64xf32, #tpu.memory_space<vmem>> -> memref<800x64xf32, #tpu.memory_space<vmem>>
        %get3A_928 = arith.index_cast %add3A_923 : i32 to index
        %get3A_929 = arith.constant 16 : index
        %get3A_930 = tpu.vector_load %get3A_927[%get3A_928, %get3A_929] {strides = array<i32>} : memref<800x64xf32, #tpu.memory_space<vmem>>, vector<1x16xf32>,
        %get3A_931 = vector.shape_cast %get3A_930 : vector<1x16xf32> to vector<16xf32>
        %add3A_932 = arith.constant 7 : i32
        %add3A_933 = arith.addi %add3A_774, %add3A_932 : i32
        %get3A_934 = arith.constant 0 : i32
        %get3A_935 = arith.constant 0 : i32
        %get3A_936 = tpu.memref_slice %arg6[%scan3A_699, %get3A_934, %get3A_935] : memref<2x800x64xf32, #tpu.memory_space<vmem>> -> memref<1x800x64xf32, #tpu.memory_space<vmem>>
        %get3A_937 = tpu.memref_squeeze %get3A_936 : memref<1x800x64xf32, #tpu.memory_space<vmem>> -> memref<800x64xf32, #tpu.memory_space<vmem>>
        %get3A_938 = arith.index_cast %add3A_933 : i32 to index
        %get3A_939 = arith.constant 16 : index
        %get3A_940 = tpu.vector_load %get3A_937[%get3A_938, %get3A_939] {strides = array<i32>} : memref<800x64xf32, #tpu.memory_space<vmem>>, vector<1x16xf32>,
        %get3A_941 = vector.shape_cast %get3A_940 : vector<1x16xf32> to vector<16xf32>
        %add3A_942 = arith.addf %get3A_871, %get3A_881 : vector<16xf32>
        %add3A_943 = arith.addf %get3A_891, %get3A_901 : vector<16xf32>
        %add3A_944 = arith.addf %get3A_911, %get3A_921 : vector<16xf32>
        %add3A_945 = arith.addf %get3A_931, %get3A_941 : vector<16xf32>
        %add3A_946 = arith.addf %add3A_942, %add3A_943 : vector<16xf32>
        %add3A_947 = arith.addf %add3A_944, %add3A_945 : vector<16xf32>
        %add3A_948 = arith.addf %add3A_946, %add3A_947 : vector<16xf32>
        %add3A_949 = arith.addf %scan3A_768, %add3A_948 : vector<16xf32>
        %add3A_950 = arith.constant 0 : i32
        %add3A_951 = arith.addi %add3A_774, %add3A_950 : i32
        %get3A_952 = arith.constant 0 : i32
        %get3A_953 = arith.constant 0 : i32
        %get3A_954 = tpu.memref_slice %arg6[%scan3A_699, %get3A_952, %get3A_953] : memref<2x800x64xf32, #tpu.memory_space<vmem>> -> memref<1x800x64xf32, #tpu.memory_space<vmem>>
        %get3A_955 = tpu.memref_squeeze %get3A_954 : memref<1x800x64xf32, #tpu.memory_space<vmem>> -> memref<800x64xf32, #tpu.memory_space<vmem>>
        %get3A_956 = arith.index_cast %add3A_951 : i32 to index
        %get3A_957 = arith.constant 32 : index
        %get3A_958 = tpu.vector_load %get3A_955[%get3A_956, %get3A_957] {strides = array<i32>} : memref<800x64xf32, #tpu.memory_space<vmem>>, vector<1x16xf32>,
        %get3A_959 = vector.shape_cast %get3A_958 : vector<1x16xf32> to vector<16xf32>
        %add3A_960 = arith.constant 1 : i32
        %add3A_961 = arith.addi %add3A_774, %add3A_960 : i32
        %get3A_962 = arith.constant 0 : i32
        %get3A_963 = arith.constant 0 : i32
        %get3A_964 = tpu.memref_slice %arg6[%scan3A_699, %get3A_962, %get3A_963] : memref<2x800x64xf32, #tpu.memory_space<vmem>> -> memref<1x800x64xf32, #tpu.memory_space<vmem>>
        %get3A_965 = tpu.memref_squeeze %get3A_964 : memref<1x800x64xf32, #tpu.memory_space<vmem>> -> memref<800x64xf32, #tpu.memory_space<vmem>>
        %get3A_966 = arith.index_cast %add3A_961 : i32 to index
        %get3A_967 = arith.constant 32 : index
        %get3A_968 = tpu.vector_load %get3A_965[%get3A_966, %get3A_967] {strides = array<i32>} : memref<800x64xf32, #tpu.memory_space<vmem>>, vector<1x16xf32>,
        %get3A_969 = vector.shape_cast %get3A_968 : vector<1x16xf32> to vector<16xf32>
        %add3A_970 = arith.constant 2 : i32
        %add3A_971 = arith.addi %add3A_774, %add3A_970 : i32
        %get3A_972 = arith.constant 0 : i32
        %get3A_973 = arith.constant 0 : i32
        %get3A_974 = tpu.memref_slice %arg6[%scan3A_699, %get3A_972, %get3A_973] : memref<2x800x64xf32, #tpu.memory_space<vmem>> -> memref<1x800x64xf32, #tpu.memory_space<vmem>>
        %get3A_975 = tpu.memref_squeeze %get3A_974 : memref<1x800x64xf32, #tpu.memory_space<vmem>> -> memref<800x64xf32, #tpu.memory_space<vmem>>
        %get3A_976 = arith.index_cast %add3A_971 : i32 to index
        %get3A_977 = arith.constant 32 : index
        %get3A_978 = tpu.vector_load %get3A_975[%get3A_976, %get3A_977] {strides = array<i32>} : memref<800x64xf32, #tpu.memory_space<vmem>>, vector<1x16xf32>,
        %get3A_979 = vector.shape_cast %get3A_978 : vector<1x16xf32> to vector<16xf32>
        %add3A_980 = arith.constant 3 : i32
        %add3A_981 = arith.addi %add3A_774, %add3A_980 : i32
        %get3A_982 = arith.constant 0 : i32
        %get3A_983 = arith.constant 0 : i32
        %get3A_984 = tpu.memref_slice %arg6[%scan3A_699, %get3A_982, %get3A_983] : memref<2x800x64xf32, #tpu.memory_space<vmem>> -> memref<1x800x64xf32, #tpu.memory_space<vmem>>
        %get3A_985 = tpu.memref_squeeze %get3A_984 : memref<1x800x64xf32, #tpu.memory_space<vmem>> -> memref<800x64xf32, #tpu.memory_space<vmem>>
        %get3A_986 = arith.index_cast %add3A_981 : i32 to index
        %get3A_987 = arith.constant 32 : index
        %get3A_988 = tpu.vector_load %get3A_985[%get3A_986, %get3A_987] {strides = array<i32>} : memref<800x64xf32, #tpu.memory_space<vmem>>, vector<1x16xf32>,
        %get3A_989 = vector.shape_cast %get3A_988 : vector<1x16xf32> to vector<16xf32>
        %add3A_990 = arith.constant 4 : i32
        %add3A_991 = arith.addi %add3A_774, %add3A_990 : i32
        %get3A_992 = arith.constant 0 : i32
        %get3A_993 = arith.constant 0 : i32
        %get3A_994 = tpu.memref_slice %arg6[%scan3A_699, %get3A_992, %get3A_993] : memref<2x800x64xf32, #tpu.memory_space<vmem>> -> memref<1x800x64xf32, #tpu.memory_space<vmem>>
        %get3A_995 = tpu.memref_squeeze %get3A_994 : memref<1x800x64xf32, #tpu.memory_space<vmem>> -> memref<800x64xf32, #tpu.memory_space<vmem>>
        %get3A_996 = arith.index_cast %add3A_991 : i32 to index
        %get3A_997 = arith.constant 32 : index
        %get3A_998 = tpu.vector_load %get3A_995[%get3A_996, %get3A_997] {strides = array<i32>} : memref<800x64xf32, #tpu.memory_space<vmem>>, vector<1x16xf32>,
        %get3A_999 = vector.shape_cast %get3A_998 : vector<1x16xf32> to vector<16xf32>
        %add3A_1000 = arith.constant 5 : i32
        %add3A_1001 = arith.addi %add3A_774, %add3A_1000 : i32
        %get3A_1002 = arith.constant 0 : i32
        %get3A_1003 = arith.constant 0 : i32
        %get3A_1004 = tpu.memref_slice %arg6[%scan3A_699, %get3A_1002, %get3A_1003] : memref<2x800x64xf32, #tpu.memory_space<vmem>> -> memref<1x800x64xf32, #tpu.memory_space<vmem>>
        %get3A_1005 = tpu.memref_squeeze %get3A_1004 : memref<1x800x64xf32, #tpu.memory_space<vmem>> -> memref<800x64xf32, #tpu.memory_space<vmem>>
        %get3A_1006 = arith.index_cast %add3A_1001 : i32 to index
        %get3A_1007 = arith.constant 32 : index
        %get3A_1008 = tpu.vector_load %get3A_1005[%get3A_1006, %get3A_1007] {strides = array<i32>} : memref<800x64xf32, #tpu.memory_space<vmem>>, vector<1x16xf32>,
        %get3A_1009 = vector.shape_cast %get3A_1008 : vector<1x16xf32> to vector<16xf32>
        %add3A_1010 = arith.constant 6 : i32
        %add3A_1011 = arith.addi %add3A_774, %add3A_1010 : i32
        %get3A_1012 = arith.constant 0 : i32
        %get3A_1013 = arith.constant 0 : i32
        %get3A_1014 = tpu.memref_slice %arg6[%scan3A_699, %get3A_1012, %get3A_1013] : memref<2x800x64xf32, #tpu.memory_space<vmem>> -> memref<1x800x64xf32, #tpu.memory_space<vmem>>
        %get3A_1015 = tpu.memref_squeeze %get3A_1014 : memref<1x800x64xf32, #tpu.memory_space<vmem>> -> memref<800x64xf32, #tpu.memory_space<vmem>>
        %get3A_1016 = arith.index_cast %add3A_1011 : i32 to index
        %get3A_1017 = arith.constant 32 : index
        %get3A_1018 = tpu.vector_load %get3A_1015[%get3A_1016, %get3A_1017] {strides = array<i32>} : memref<800x64xf32, #tpu.memory_space<vmem>>, vector<1x16xf32>,
        %get3A_1019 = vector.shape_cast %get3A_1018 : vector<1x16xf32> to vector<16xf32>
        %add3A_1020 = arith.constant 7 : i32
        %add3A_1021 = arith.addi %add3A_774, %add3A_1020 : i32
        %get3A_1022 = arith.constant 0 : i32
        %get3A_1023 = arith.constant 0 : i32
        %get3A_1024 = tpu.memref_slice %arg6[%scan3A_699, %get3A_1022, %get3A_1023] : memref<2x800x64xf32, #tpu.memory_space<vmem>> -> memref<1x800x64xf32, #tpu.memory_space<vmem>>
        %get3A_1025 = tpu.memref_squeeze %get3A_1024 : memref<1x800x64xf32, #tpu.memory_space<vmem>> -> memref<800x64xf32, #tpu.memory_space<vmem>>
        %get3A_1026 = arith.index_cast %add3A_1021 : i32 to index
        %get3A_1027 = arith.constant 32 : index
        %get3A_1028 = tpu.vector_load %get3A_1025[%get3A_1026, %get3A_1027] {strides = array<i32>} : memref<800x64xf32, #tpu.memory_space<vmem>>, vector<1x16xf32>,
        %get3A_1029 = vector.shape_cast %get3A_1028 : vector<1x16xf32> to vector<16xf32>
        %add3A_1030 = arith.addf %get3A_959, %get3A_969 : vector<16xf32>
        %add3A_1031 = arith.addf %get3A_979, %get3A_989 : vector<16xf32>
        %add3A_1032 = arith.addf %get3A_999, %get3A_1009 : vector<16xf32>
        %add3A_1033 = arith.addf %get3A_1019, %get3A_1029 : vector<16xf32>
        %add3A_1034 = arith.addf %add3A_1030, %add3A_1031 : vector<16xf32>
        %add3A_1035 = arith.addf %add3A_1032, %add3A_1033 : vector<16xf32>
        %add3A_1036 = arith.addf %add3A_1034, %add3A_1035 : vector<16xf32>
        %add3A_1037 = arith.addf %scan3A_769, %add3A_1036 : vector<16xf32>
        %add3A_1038 = arith.constant 0 : i32
        %add3A_1039 = arith.addi %add3A_774, %add3A_1038 : i32
        %get3A_1040 = arith.constant 0 : i32
        %get3A_1041 = arith.constant 0 : i32
        %get3A_1042 = tpu.memref_slice %arg6[%scan3A_699, %get3A_1040, %get3A_1041] : memref<2x800x64xf32, #tpu.memory_space<vmem>> -> memref<1x800x64xf32, #tpu.memory_space<vmem>>
        %get3A_1043 = tpu.memref_squeeze %get3A_1042 : memref<1x800x64xf32, #tpu.memory_space<vmem>> -> memref<800x64xf32, #tpu.memory_space<vmem>>
        %get3A_1044 = arith.index_cast %add3A_1039 : i32 to index
        %get3A_1045 = arith.constant 48 : index
        %get3A_1046 = tpu.vector_load %get3A_1043[%get3A_1044, %get3A_1045] {strides = array<i32>} : memref<800x64xf32, #tpu.memory_space<vmem>>, vector<1x16xf32>,
        %get3A_1047 = vector.shape_cast %get3A_1046 : vector<1x16xf32> to vector<16xf32>
        %add3A_1048 = arith.constant 1 : i32
        %add3A_1049 = arith.addi %add3A_774, %add3A_1048 : i32
        %get3A_1050 = arith.constant 0 : i32
        %get3A_1051 = arith.constant 0 : i32
        %get3A_1052 = tpu.memref_slice %arg6[%scan3A_699, %get3A_1050, %get3A_1051] : memref<2x800x64xf32, #tpu.memory_space<vmem>> -> memref<1x800x64xf32, #tpu.memory_space<vmem>>
        %get3A_1053 = tpu.memref_squeeze %get3A_1052 : memref<1x800x64xf32, #tpu.memory_space<vmem>> -> memref<800x64xf32, #tpu.memory_space<vmem>>
        %get3A_1054 = arith.index_cast %add3A_1049 : i32 to index
        %get3A_1055 = arith.constant 48 : index
        %get3A_1056 = tpu.vector_load %get3A_1053[%get3A_1054, %get3A_1055] {strides = array<i32>} : memref<800x64xf32, #tpu.memory_space<vmem>>, vector<1x16xf32>,
        %get3A_1057 = vector.shape_cast %get3A_1056 : vector<1x16xf32> to vector<16xf32>
        %add3A_1058 = arith.constant 2 : i32
        %add3A_1059 = arith.addi %add3A_774, %add3A_1058 : i32
        %get3A_1060 = arith.constant 0 : i32
        %get3A_1061 = arith.constant 0 : i32
        %get3A_1062 = tpu.memref_slice %arg6[%scan3A_699, %get3A_1060, %get3A_1061] : memref<2x800x64xf32, #tpu.memory_space<vmem>> -> memref<1x800x64xf32, #tpu.memory_space<vmem>>
        %get3A_1063 = tpu.memref_squeeze %get3A_1062 : memref<1x800x64xf32, #tpu.memory_space<vmem>> -> memref<800x64xf32, #tpu.memory_space<vmem>>
        %get3A_1064 = arith.index_cast %add3A_1059 : i32 to index
        %get3A_1065 = arith.constant 48 : index
        %get3A_1066 = tpu.vector_load %get3A_1063[%get3A_1064, %get3A_1065] {strides = array<i32>} : memref<800x64xf32, #tpu.memory_space<vmem>>, vector<1x16xf32>,
        %get3A_1067 = vector.shape_cast %get3A_1066 : vector<1x16xf32> to vector<16xf32>
        %add3A_1068 = arith.constant 3 : i32
        %add3A_1069 = arith.addi %add3A_774, %add3A_1068 : i32
        %get3A_1070 = arith.constant 0 : i32
        %get3A_1071 = arith.constant 0 : i32
        %get3A_1072 = tpu.memref_slice %arg6[%scan3A_699, %get3A_1070, %get3A_1071] : memref<2x800x64xf32, #tpu.memory_space<vmem>> -> memref<1x800x64xf32, #tpu.memory_space<vmem>>
        %get3A_1073 = tpu.memref_squeeze %get3A_1072 : memref<1x800x64xf32, #tpu.memory_space<vmem>> -> memref<800x64xf32, #tpu.memory_space<vmem>>
        %get3A_1074 = arith.index_cast %add3A_1069 : i32 to index
        %get3A_1075 = arith.constant 48 : index
        %get3A_1076 = tpu.vector_load %get3A_1073[%get3A_1074, %get3A_1075] {strides = array<i32>} : memref<800x64xf32, #tpu.memory_space<vmem>>, vector<1x16xf32>,
        %get3A_1077 = vector.shape_cast %get3A_1076 : vector<1x16xf32> to vector<16xf32>
        %add3A_1078 = arith.constant 4 : i32
        %add3A_1079 = arith.addi %add3A_774, %add3A_1078 : i32
        %get3A_1080 = arith.constant 0 : i32
        %get3A_1081 = arith.constant 0 : i32
        %get3A_1082 = tpu.memref_slice %arg6[%scan3A_699, %get3A_1080, %get3A_1081] : memref<2x800x64xf32, #tpu.memory_space<vmem>> -> memref<1x800x64xf32, #tpu.memory_space<vmem>>
        %get3A_1083 = tpu.memref_squeeze %get3A_1082 : memref<1x800x64xf32, #tpu.memory_space<vmem>> -> memref<800x64xf32, #tpu.memory_space<vmem>>
        %get3A_1084 = arith.index_cast %add3A_1079 : i32 to index
        %get3A_1085 = arith.constant 48 : index
        %get3A_1086 = tpu.vector_load %get3A_1083[%get3A_1084, %get3A_1085] {strides = array<i32>} : memref<800x64xf32, #tpu.memory_space<vmem>>, vector<1x16xf32>,
        %get3A_1087 = vector.shape_cast %get3A_1086 : vector<1x16xf32> to vector<16xf32>
        %add3A_1088 = arith.constant 5 : i32
        %add3A_1089 = arith.addi %add3A_774, %add3A_1088 : i32
        %get3A_1090 = arith.constant 0 : i32
        %get3A_1091 = arith.constant 0 : i32
        %get3A_1092 = tpu.memref_slice %arg6[%scan3A_699, %get3A_1090, %get3A_1091] : memref<2x800x64xf32, #tpu.memory_space<vmem>> -> memref<1x800x64xf32, #tpu.memory_space<vmem>>
        %get3A_1093 = tpu.memref_squeeze %get3A_1092 : memref<1x800x64xf32, #tpu.memory_space<vmem>> -> memref<800x64xf32, #tpu.memory_space<vmem>>
        %get3A_1094 = arith.index_cast %add3A_1089 : i32 to index
        %get3A_1095 = arith.constant 48 : index
        %get3A_1096 = tpu.vector_load %get3A_1093[%get3A_1094, %get3A_1095] {strides = array<i32>} : memref<800x64xf32, #tpu.memory_space<vmem>>, vector<1x16xf32>,
        %get3A_1097 = vector.shape_cast %get3A_1096 : vector<1x16xf32> to vector<16xf32>
        %add3A_1098 = arith.constant 6 : i32
        %add3A_1099 = arith.addi %add3A_774, %add3A_1098 : i32
        %get3A_1100 = arith.constant 0 : i32
        %get3A_1101 = arith.constant 0 : i32
        %get3A_1102 = tpu.memref_slice %arg6[%scan3A_699, %get3A_1100, %get3A_1101] : memref<2x800x64xf32, #tpu.memory_space<vmem>> -> memref<1x800x64xf32, #tpu.memory_space<vmem>>
        %get3A_1103 = tpu.memref_squeeze %get3A_1102 : memref<1x800x64xf32, #tpu.memory_space<vmem>> -> memref<800x64xf32, #tpu.memory_space<vmem>>
        %get3A_1104 = arith.index_cast %add3A_1099 : i32 to index
        %get3A_1105 = arith.constant 48 : index
        %get3A_1106 = tpu.vector_load %get3A_1103[%get3A_1104, %get3A_1105] {strides = array<i32>} : memref<800x64xf32, #tpu.memory_space<vmem>>, vector<1x16xf32>,
        %get3A_1107 = vector.shape_cast %get3A_1106 : vector<1x16xf32> to vector<16xf32>
        %add3A_1108 = arith.constant 7 : i32
        %add3A_1109 = arith.addi %add3A_774, %add3A_1108 : i32
        %get3A_1110 = arith.constant 0 : i32
        %get3A_1111 = arith.constant 0 : i32
        %get3A_1112 = tpu.memref_slice %arg6[%scan3A_699, %get3A_1110, %get3A_1111] : memref<2x800x64xf32, #tpu.memory_space<vmem>> -> memref<1x800x64xf32, #tpu.memory_space<vmem>>
        %get3A_1113 = tpu.memref_squeeze %get3A_1112 : memref<1x800x64xf32, #tpu.memory_space<vmem>> -> memref<800x64xf32, #tpu.memory_space<vmem>>
        %get3A_1114 = arith.index_cast %add3A_1109 : i32 to index
        %get3A_1115 = arith.constant 48 : index
        %get3A_1116 = tpu.vector_load %get3A_1113[%get3A_1114, %get3A_1115] {strides = array<i32>} : memref<800x64xf32, #tpu.memory_space<vmem>>, vector<1x16xf32>,
        %get3A_1117 = vector.shape_cast %get3A_1116 : vector<1x16xf32> to vector<16xf32>
        %add3A_1118 = arith.addf %get3A_1047, %get3A_1057 : vector<16xf32>
        %add3A_1119 = arith.addf %get3A_1067, %get3A_1077 : vector<16xf32>
        %add3A_1120 = arith.addf %get3A_1087, %get3A_1097 : vector<16xf32>
        %add3A_1121 = arith.addf %get3A_1107, %get3A_1117 : vector<16xf32>
        %add3A_1122 = arith.addf %add3A_1118, %add3A_1119 : vector<16xf32>
        %add3A_1123 = arith.addf %add3A_1120, %add3A_1121 : vector<16xf32>
        %add3A_1124 = arith.addf %add3A_1122, %add3A_1123 : vector<16xf32>
        %add3A_1125 = arith.addf %scan3A_770, %add3A_1124 : vector<16xf32>
        scf.yield %add3A_861, %add3A_949, %add3A_1037, %add3A_1125 : vector<16xf32>, vector<16xf32>, vector<16xf32>, vector<16xf32>
      }
      %scan3A_705 = arith.constant 25 : i32
      %swap3A_706 = arith.constant 1 : i32
      %swap3A_707 = arith.constant 3 : i32
      %swap3A_708 = arith.constant 0 : i32
      %swap3A_709 = arith.constant 0 : i32
      %swap3A_710 = tpu.memref_slice %arg7[%swap3A_706, %swap3A_708, %swap3A_709] : memref<2x4x64xf32, #tpu.memory_space<vmem>> -> memref<1x4x64xf32, #tpu.memory_space<vmem>>
      %swap3A_711 = tpu.memref_squeeze %swap3A_710 : memref<1x4x64xf32, #tpu.memory_space<vmem>> -> memref<4x64xf32, #tpu.memory_space<vmem>>
      %swap3A_712 = arith.index_cast %swap3A_707 : i32 to index
      %swap3A_713 = arith.constant 0 : index
      %swap3A_714 = tpu.vector_load %swap3A_711[%swap3A_712, %swap3A_713] {strides = array<i32>} : memref<4x64xf32, #tpu.memory_space<vmem>>, vector<1x16xf32>,
      %swap3A_715 = vector.shape_cast %swap3A_714 : vector<1x16xf32> to vector<16xf32>
      %swap3A_716 = vector.shape_cast %scan3A_704#0 : vector<16xf32> to vector<1x16xf32>
      tpu.vector_store %swap3A_711[%swap3A_712, %swap3A_713], %swap3A_716 {strides = array<i32>} : memref<4x64xf32, #tpu.memory_space<vmem>>, vector<1x16xf32>,
      %swap3A_717 = arith.constant 1 : i32
      %swap3A_718 = arith.constant 3 : i32
      %swap3A_719 = arith.constant 0 : i32
      %swap3A_720 = arith.constant 0 : i32
      %swap3A_721 = tpu.memref_slice %arg7[%swap3A_717, %swap3A_719, %swap3A_720] : memref<2x4x64xf32, #tpu.memory_space<vmem>> -> memref<1x4x64xf32, #tpu.memory_space<vmem>>
      %swap3A_722 = tpu.memref_squeeze %swap3A_721 : memref<1x4x64xf32, #tpu.memory_space<vmem>> -> memref<4x64xf32, #tpu.memory_space<vmem>>
      %swap3A_723 = arith.index_cast %swap3A_718 : i32 to index
      %swap3A_724 = arith.constant 16 : index
      %swap3A_725 = tpu.vector_load %swap3A_722[%swap3A_723, %swap3A_724] {strides = array<i32>} : memref<4x64xf32, #tpu.memory_space<vmem>>, vector<1x16xf32>,
      %swap3A_726 = vector.shape_cast %swap3A_725 : vector<1x16xf32> to vector<16xf32>
      %swap3A_727 = vector.shape_cast %scan3A_704#1 : vector<16xf32> to vector<1x16xf32>
      tpu.vector_store %swap3A_722[%swap3A_723, %swap3A_724], %swap3A_727 {strides = array<i32>} : memref<4x64xf32, #tpu.memory_space<vmem>>, vector<1x16xf32>,
      %swap3A_728 = arith.constant 1 : i32
      %swap3A_729 = arith.constant 3 : i32
      %swap3A_730 = arith.constant 0 : i32
      %swap3A_731 = arith.constant 0 : i32
      %swap3A_732 = tpu.memref_slice %arg7[%swap3A_728, %swap3A_730, %swap3A_731] : memref<2x4x64xf32, #tpu.memory_space<vmem>> -> memref<1x4x64xf32, #tpu.memory_space<vmem>>
      %swap3A_733 = tpu.memref_squeeze %swap3A_732 : memref<1x4x64xf32, #tpu.memory_space<vmem>> -> memref<4x64xf32, #tpu.memory_space<vmem>>
      %swap3A_734 = arith.index_cast %swap3A_729 : i32 to index
      %swap3A_735 = arith.constant 32 : index
      %swap3A_736 = tpu.vector_load %swap3A_733[%swap3A_734, %swap3A_735] {strides = array<i32>} : memref<4x64xf32, #tpu.memory_space<vmem>>, vector<1x16xf32>,
      %swap3A_737 = vector.shape_cast %swap3A_736 : vector<1x16xf32> to vector<16xf32>
      %swap3A_738 = vector.shape_cast %scan3A_704#2 : vector<16xf32> to vector<1x16xf32>
      tpu.vector_store %swap3A_733[%swap3A_734, %swap3A_735], %swap3A_738 {strides = array<i32>} : memref<4x64xf32, #tpu.memory_space<vmem>>, vector<1x16xf32>,
      %swap3A_739 = arith.constant 1 : i32
      %swap3A_740 = arith.constant 3 : i32
      %swap3A_741 = arith.constant 0 : i32
      %swap3A_742 = arith.constant 0 : i32
      %swap3A_743 = tpu.memref_slice %arg7[%swap3A_739, %swap3A_741, %swap3A_742] : memref<2x4x64xf32, #tpu.memory_space<vmem>> -> memref<1x4x64xf32, #tpu.memory_space<vmem>>
      %swap3A_744 = tpu.memref_squeeze %swap3A_743 : memref<1x4x64xf32, #tpu.memory_space<vmem>> -> memref<4x64xf32, #tpu.memory_space<vmem>>
      %swap3A_745 = arith.index_cast %swap3A_740 : i32 to index
      %swap3A_746 = arith.constant 48 : index
      %swap3A_747 = tpu.vector_load %swap3A_744[%swap3A_745, %swap3A_746] {strides = array<i32>} : memref<4x64xf32, #tpu.memory_space<vmem>>, vector<1x16xf32>,
      %swap3A_748 = vector.shape_cast %swap3A_747 : vector<1x16xf32> to vector<16xf32>
      %swap3A_749 = vector.shape_cast %scan3A_704#3 : vector<16xf32> to vector<1x16xf32>
      tpu.vector_store %swap3A_744[%swap3A_745, %swap3A_746], %swap3A_749 {strides = array<i32>} : memref<4x64xf32, #tpu.memory_space<vmem>>, vector<1x16xf32>,
      %mul3A_750 = arith.constant 4 : i32
      %mul3A_751 = arith.muli %add3A_479, %mul3A_750 : i32
      %add3A_752 = arith.addi %mul3A_4, %mul3A_751 : i32
      %dma_start3A_753 = arith.constant 1 : i32
      %dma_start3A_754 = arith.constant 0 : i32
      %dma_start3A_755 = arith.constant 0 : i32
      %dma_start3A_756 = tpu.memref_slice %arg7[%dma_start3A_753, %dma_start3A_754, %dma_start3A_755] : memref<2x4x64xf32, #tpu.memory_space<vmem>> -> memref<1x4x64xf32, #tpu.memory_space<vmem>>
      %dma_start3A_757 = tpu.memref_squeeze %dma_start3A_756 : memref<1x4x64xf32, #tpu.memory_space<vmem>> -> memref<4x64xf32, #tpu.memory_space<vmem>>
      %dma_start3A_758 = arith.constant 0 : i32
      %dma_start3A_759 = tpu.memref_slice %arg4[%add3A_752, %dma_start3A_758] : memref<16384x64xf32, #tpu.memory_space<hbm>> -> memref<4x64xf32, #tpu.memory_space<hbm>>
      %dma_start3A_760 = arith.constant 0 : i32
      %dma_start3A_761 = tpu.memref_slice %arg4[%add3A_752, %dma_start3A_760] : memref<16384x64xf32, #tpu.memory_space<hbm>> -> memref<4x64xf32, #tpu.memory_space<hbm>>
      %dma_start3A_762 = arith.constant 0 : i32
      %dma_start3A_763 = arith.constant 0 : i32
      %dma_start3A_764 = tpu.memref_slice %arg7[%dma_start3A_753, %dma_start3A_762, %dma_start3A_763] : memref<2x4x64xf32, #tpu.memory_space<vmem>> -> memref<1x4x64xf32, #tpu.memory_space<vmem>>
      %dma_start3A_765 = tpu.memref_squeeze %dma_start3A_764 : memref<1x4x64xf32, #tpu.memory_space<vmem>> -> memref<4x64xf32, #tpu.memory_space<vmem>>
      tpu.enqueue_dma source(%dma_start3A_765 : memref<4x64xf32, #tpu.memory_space<vmem>>) target(%dma_start3A_761 : memref<4x64xf32, #tpu.memory_space<hbm>>) target_semaphore(%arg11 : memref<!tpu.dma_semaphore, #tpu.memory_space<semaphore_mem>>)
    }
    %scan3A_160 = arith.constant 64 : i32
    %dma_wait3A_161 = arith.constant 0 : i32
    %dma_wait3A_162 = arith.constant 0 : i32
    %dma_wait3A_163 = arith.constant 0 : i32
    %dma_wait3A_164 = tpu.memref_slice %arg7[%dma_wait3A_161, %dma_wait3A_162, %dma_wait3A_163] : memref<2x4x64xf32, #tpu.memory_space<vmem>> -> memref<1x4x64xf32, #tpu.memory_space<vmem>>
    %dma_wait3A_165 = tpu.memref_squeeze %dma_wait3A_164 : memref<1x4x64xf32, #tpu.memory_space<vmem>> -> memref<4x64xf32, #tpu.memory_space<vmem>>
    %dma_wait3A_166 = arith.constant 0 : i32
    %dma_wait3A_167 = arith.constant 0 : i32
    %dma_wait3A_168 = tpu.memref_slice %arg4[%dma_wait3A_166, %dma_wait3A_167] : memref<16384x64xf32, #tpu.memory_space<hbm>> -> memref<4x64xf32, #tpu.memory_space<hbm>>
    %dma_wait3A_169 = arith.constant 0 : i32
    %dma_wait3A_170 = arith.constant 0 : i32
    %dma_wait3A_171 = tpu.memref_slice %arg4[%dma_wait3A_169, %dma_wait3A_170] : memref<16384x64xf32, #tpu.memory_space<hbm>> -> memref<4x64xf32, #tpu.memory_space<hbm>>
    %dma_wait3A_172 = arith.constant 0 : i32
    %dma_wait3A_173 = arith.constant 0 : i32
    %dma_wait3A_174 = tpu.memref_slice %arg7[%dma_wait3A_161, %dma_wait3A_172, %dma_wait3A_173] : memref<2x4x64xf32, #tpu.memory_space<vmem>> -> memref<1x4x64xf32, #tpu.memory_space<vmem>>
    %dma_wait3A_175 = tpu.memref_squeeze %dma_wait3A_174 : memref<1x4x64xf32, #tpu.memory_space<vmem>> -> memref<4x64xf32, #tpu.memory_space<vmem>>
    tpu.wait_dma2 semaphore(%arg11 : memref<!tpu.dma_semaphore, #tpu.memory_space<semaphore_mem>>) src(%dma_wait3A_175 : memref<4x64xf32, #tpu.memory_space<vmem>>) dst(%dma_wait3A_171 : memref<4x64xf32, #tpu.memory_space<hbm>>)
    %dma_wait3A_176 = arith.constant 1 : i32
    %dma_wait3A_177 = arith.constant 0 : i32
    %dma_wait3A_178 = arith.constant 0 : i32
    %dma_wait3A_179 = tpu.memref_slice %arg7[%dma_wait3A_176, %dma_wait3A_177, %dma_wait3A_178] : memref<2x4x64xf32, #tpu.memory_space<vmem>> -> memref<1x4x64xf32, #tpu.memory_space<vmem>>
    %dma_wait3A_180 = tpu.memref_squeeze %dma_wait3A_179 : memref<1x4x64xf32, #tpu.memory_space<vmem>> -> memref<4x64xf32, #tpu.memory_space<vmem>>
    %dma_wait3A_181 = arith.constant 0 : i32
    %dma_wait3A_182 = arith.constant 0 : i32
    %dma_wait3A_183 = tpu.memref_slice %arg4[%dma_wait3A_181, %dma_wait3A_182] : memref<16384x64xf32, #tpu.memory_space<hbm>> -> memref<4x64xf32, #tpu.memory_space<hbm>>
    %dma_wait3A_184 = arith.constant 0 : i32
    %dma_wait3A_185 = arith.constant 0 : i32
    %dma_wait3A_186 = tpu.memref_slice %arg4[%dma_wait3A_184, %dma_wait3A_185] : memref<16384x64xf32, #tpu.memory_space<hbm>> -> memref<4x64xf32, #tpu.memory_space<hbm>>
    %dma_wait3A_187 = arith.constant 0 : i32
    %dma_wait3A_188 = arith.constant 0 : i32
    %dma_wait3A_189 = tpu.memref_slice %arg7[%dma_wait3A_176, %dma_wait3A_187, %dma_wait3A_188] : memref<2x4x64xf32, #tpu.memory_space<vmem>> -> memref<1x4x64xf32, #tpu.memory_space<vmem>>
    %dma_wait3A_190 = tpu.memref_squeeze %dma_wait3A_189 : memref<1x4x64xf32, #tpu.memory_space<vmem>> -> memref<4x64xf32, #tpu.memory_space<vmem>>
    tpu.wait_dma2 semaphore(%arg11 : memref<!tpu.dma_semaphore, #tpu.memory_space<semaphore_mem>>) src(%dma_wait3A_190 : memref<4x64xf32, #tpu.memory_space<vmem>>) dst(%dma_wait3A_186 : memref<4x64xf32, #tpu.memory_space<hbm>>)
    return
  }
}

module attributes {stable_mosaic.version = 14 : i64} {
  func.func @body(%arg0: i32, %arg1: memref<512x64xf32, #tpu.memory_space<vmem>>, %arg2: memref<64x64xf32, #tpu.memory_space<vmem>>, %arg3: memref<1x64xf32, #tpu.memory_space<vmem>>, %arg4: memref<512x64xf32, #tpu.memory_space<vmem>>) attributes {dimension_semantics = [#tpu.dimension_semantics<arbitrary>], iteration_bounds = array<i64: 32>, scalar_prefetch = 0 : i64, scratch_operands = 0 : i64, tpu.core_type = #tpu.core_type<tc>, window_params = [{transform_indices = @transform_0, window_bounds = array<i64: 512, 64>}, {pipeline_mode = #tpu.pipeline_mode<synchronous>, transform_indices = @transform_1, window_bounds = array<i64: 64, 64>}, {pipeline_mode = #tpu.pipeline_mode<synchronous>, transform_indices = @transform_2, window_bounds = array<i64: 1, 64>}, {transform_indices = @transform_3, window_bounds = array<i64: 512, 64>}]} {
    %get3A = arith.constant 0 : index
    %get3A_0 = arith.constant 0 : index
    %get3A_1 = vector.load %arg1[%get3A, %get3A_0] : memref<512x64xf32, #tpu.memory_space<vmem>>, vector<512x64xf32>
    %get3A_2 = arith.constant 0 : index
    %get3A_3 = arith.constant 0 : index
    %get3A_4 = vector.load %arg2[%get3A_2, %get3A_3] : memref<64x64xf32, #tpu.memory_space<vmem>>, vector<64x64xf32>
    %dot_general3A = arith.constant dense<0.000000e+00> : vector<512x64xf32>
    %dot_general3A_5 = tpu.matmul %get3A_1, %get3A_4, %dot_general3A {dimension_numbers = #tpu.dot_dimension_numbers<[1], [0], [0], [1], [0, 0, 1, 1], [], []>, transpose_lhs_hint = false} : vector<512x64xf32>, vector<64x64xf32>, vector<512x64xf32> -> vector<512x64xf32>
    %get3A_6 = arith.constant 0 : index
    %get3A_7 = arith.constant 0 : index
    %get3A_8 = vector.load %arg3[%get3A_6, %get3A_7] : memref<1x64xf32, #tpu.memory_space<vmem>>, vector<1x64xf32>
    %add3A = vector.broadcast %get3A_8 : vector<1x64xf32> to vector<512x64xf32>
    %add3A_9 = arith.addf %dot_general3A_5, %add3A : vector<512x64xf32>
    %swap3A = arith.constant 0 : index
    %swap3A_10 = arith.constant 0 : index
    %swap3A_11 = vector.load %arg4[%swap3A, %swap3A_10] : memref<512x64xf32, #tpu.memory_space<vmem>>, vector<512x64xf32>
    tpu.vector_store %arg4[%swap3A, %swap3A_10], %add3A_9 {strides = array<i32>} : memref<512x64xf32, #tpu.memory_space<vmem>>, vector<512x64xf32>,
    return
  }
  func.func @transform_0(%arg0: i32) -> (i32, i32) {
    %c0_i32 = arith.constant 0 : i32
    %c0_i32_0 = arith.constant 0 : i32
    return %arg0, %c0_i32 : i32, i32
  }
  func.func @transform_1(%arg0: i32) -> (i32, i32) {
    %c0_i32 = arith.constant 0 : i32
    %c0_i32_0 = arith.constant 0 : i32
    %c0_i32_1 = arith.constant 0 : i32
    return %c0_i32, %c0_i32_0 : i32, i32
  }
  func.func @transform_2(%arg0: i32) -> (i32, i32) {
    %c0_i32 = arith.constant 0 : i32
    %c0_i32_0 = arith.constant 0 : i32
    %c0_i32_1 = arith.constant 0 : i32
    return %c0_i32, %c0_i32_0 : i32, i32
  }
  func.func @transform_3(%arg0: i32) -> (i32, i32) {
    %c0_i32 = arith.constant 0 : i32
    %c0_i32_0 = arith.constant 0 : i32
    return %arg0, %c0_i32 : i32, i32
  }
}

</mosaic_0001>

<sc_bundles>
// kernel: kernel.4.cloned.1.call-start
scs
__scs_entry_jumppad:
0x0: {  	(pc) =	sbr.rel $0x88, $3  }
0x1: {  	(tag) =	ssettag $0x0;
	lr =	simm.s32 $0x1  }
0x2: {  	[smem:$0x3F9D] =	sst lr;
	_ =	strace $0xD0000000  }
0x3: {  	_ = 	snop  }
0x4: {  	_ = 	snop  }
0x5: {  	_ = 	snop  }
0x6: {  	_ = 	snop  }
0x7: {  	_ = 	snop  }
__scs_overlays_trampoline_lowered:
0x8: {  	[smem:$0x3FAC] =	sst s0  }
0x9: {  	[smem:$0x3FAD] =	sst s1  }
0xa: {  	[smem:$0x3FAE] =	sst s2  }
0xb: {  	[smem:$0x3FAF] =	sst s3  }
0xc: {  	[smem:$0x3FB0] =	sst s4  }
0xd: {  	[smem:$0x3FB1] =	sst s5  }
0xe: {  	[smem:$0x3FB2] =	sst s6  }
0xf: {  	[smem:$0x3FB3] =	sst s7  }
0x10: {  	[smem:$0x3FB4] =	sst s8  }
0x11: {  	[smem:$0x3FB5] =	sst s9;
	s0 =	simm.s32 @!p0 $0x0  }
0x12: {  	s1 =	sld [smem:$0x3F9B];
	s0 =	simm.s32 @p0 $0x1  }
0x13: {  	[smem:$0x3FB6] =	sst s0;
	s0 =	simm.s32 @!p1 $0x0  }
0x14: {  	s2 =	sld [smem:$0x3F9A];
	s0 =	simm.s32 @p1 $0x1  }
0x15: {  	[smem:$0x3FB7] =	sst s0;
	s0 =	simm.s32 @!p2 $0x0  }
0x16: {  	s3 =	sld [smem:$0x3FDB];
	s0 =	simm.s32 @p2 $0x1  }
0x17: {  	s4 =	simm.s32 $0x1BF5;
	[smem:$0x3FB9] =	sst s0  }
0x18: {  	s0 =	sld [smem:$0x3F9C];
	_ =	swait.ge [sflag:s4], $0x0  }
0x19: {  	s7 =	sld [smem:$0x3F9D]  }
0x1a: {  	s8 =	sadd.s32 $0xFFFFE003, lr  }
0x1b: {  	s9 =	sadd.s32 $0xFFFFFEF7, lr;
	s5 =	simm.s32 $0xFFFFFFFF;
	p2 =	slt.u32 s8, $0xFFFFF086  }
0x1c: {  	p1 =	slt.u32 s9, $0xF7A;
	s5 =	simm.s32 @!p2 $0x0  }
0x1d: {  	s5 =	simm.s32 @p1 $0x1;
	p0 =	seq.s32 s7, s2  }
0x1e: {  	s7 =	smul.u32 @!p0 $0xF7A, s2;
	p2 =	seq.s32 @!p0 s5, $0x0  }
0x1f: {  	s9 =	smul.u32 $0xF7A, s1;
	s8 =	simm.s32 @!p0 $0x1BF5;
	p2 =	por !p2, p0  }
0x20: {  	[sflag:s8] =	ssyncset.s32 @!p0 $0xFFFFF086;
	s6 =	sadd.s32 @!p0 s3, s7;
	s7 =	simm.s32 @!p0 $0x108  }
0x21: {  	s3 =	sadd.s32 s3, s9;
	s6 =	sadd.s32 @!p0 $0x88, s6;
	s7 =	simm.s32 @p2 $0x1082  }
0x22: {  	[simem:s7], [sflag:s8] =	dma.local @!p0 [hbm:s6], $0xF7A  }
0x23: {  	s9 =	sor.u32 $0xD0000000, s2;
	s6 =	simm.s32 $0x108;
	_ =	swait.ge @!p0 [sflag:s8], $0x0  }
0x24: {  	s3 =	sadd.s32 $0x88, s3;
	s6 =	simm.s32 @!p1 $0x1082;
	[sflag:s4] =	ssyncset.s32 $0xFFFFF086  }
0x25: {  	[simem:s6], [sflag:s4] =	dma.local [hbm:s3], $0xF7A  }
0x26: {  	[smem:$0x3F9D] =	sst s1;
	(tag) =	ssettag s2;
	_ =	strace s9  }
0x27: {  	s1 =	sld [smem:$0x3FAD]  }
0x28: {  	s2 =	sld [smem:$0x3FAE]  }
0x29: {  	s4 =	sld [smem:$0x3FB0]  }
0x2a: {  	p0 =	seq.s32 s5, $0x0;
	s5 =	sld [smem:$0x3FB1]  }
0x2b: {  	s6 =	sld [smem:$0x3FB2]  }
0x2c: {  	s7 =	sld [smem:$0x3FB3]  }
0x2d: {  	s3 =	simm.s32 $0x108;
	s8 =	sld [smem:$0x3FB4]  }
0x2e: {  	s3 =	simm.s32 @!p0 $0x1082;
	s9 =	sld [smem:$0x3FB5]  }
0x2f: {  	lr =	sadd.s32 s0, s3;
	s0 =	sld [smem:$0x3FAC]  }
0x30: {  	s3 =	sld [smem:$0x3FAF]  }
0x31: {  	[smem:$0x3FB8] =	sst s10  }
0x32: {  	s10 =	sld [smem:$0x3FB6];
	_ =	sdelay $0x3  }
0x33: {  	p0 =	seq.s32 s10, $0x1;
	s10 =	sld [smem:$0x3FB8];
	_ =	sdelay $0x3  }
0x34: {  	[smem:$0x3FB8] =	sst s10  }
0x35: {  	s10 =	sld [smem:$0x3FB7];
	_ =	sdelay $0x3  }
0x36: {  	p1 =	seq.s32 s10, $0x1;
	s10 =	sld [smem:$0x3FB8];
	_ =	sdelay $0x3  }
0x37: {  	[smem:$0x3FB8] =	sst s10  }
0x38: {  	s10 =	sld [smem:$0x3FB9]  }
0x39: {  	_ = 	snop;
	(pc) =	sbr.ind lr, $3  }
0x3a: {  	_ = 	snop  }
0x3b: {  	_ = 	snop  }
0x3c: {  	p2 =	seq.s32 s10, $0x1;
	s10 =	sld [smem:$0x3FB8]  }
0x3d: {  	_ =	shalt  }
0x3e: {  	_ =	shalt  }
0x3f: {  	_ =	shalt  }
0x40: {  	_ =	shalt  }
0x41: {  	_ =	shalt  }
0x42: {  	_ =	shalt  }
0x43: {  	_ =	shalt  }
0x44: {  	_ =	shalt  }
0x45: {  	_ =	shalt  }
0x46: {  	_ =	shalt  }
0x47: {  	_ =	shalt  }
0x48: {  	_ =	shalt  }
0x49: {  	_ =	shalt  }
0x4a: {  	_ =	shalt  }
0x4b: {  	_ =	shalt  }
0x4c: {  	_ =	shalt  }
0x4d: {  	_ =	shalt  }
0x4e: {  	_ =	shalt  }
0x4f: {  	_ =	shalt  }
0x50: {  	_ =	shalt  }
0x51: {  	_ =	shalt  }
0x52: {  	_ =	shalt  }
0x53: {  	_ =	shalt  }
0x54: {  	_ =	shalt  }
0x55: {  	_ =	shalt  }
0x56: {  	_ =	shalt  }
0x57: {  	_ =	shalt  }
0x58: {  	_ =	shalt  }
0x59: {  	_ =	shalt  }
0x5a: {  	_ =	shalt  }
0x5b: {  	_ =	shalt  }
0x5c: {  	_ =	shalt  }
0x5d: {  	_ =	shalt  }
0x5e: {  	_ =	shalt  }
0x5f: {  	_ =	shalt  }
0x60: {  	_ =	shalt  }
0x61: {  	_ =	shalt  }
0x62: {  	_ =	shalt  }
0x63: {  	_ =	shalt  }
0x64: {  	_ =	shalt  }
0x65: {  	_ =	shalt  }
0x66: {  	_ =	shalt  }
0x67: {  	_ =	shalt  }
0x68: {  	_ =	shalt  }
0x69: {  	_ =	shalt  }
0x6a: {  	_ =	shalt  }
0x6b: {  	_ =	shalt  }
0x6c: {  	_ =	shalt  }
0x6d: {  	_ =	shalt  }
0x6e: {  	_ =	shalt  }
0x6f: {  	_ =	shalt  }
0x70: {  	_ =	shalt  }
0x71: {  	_ =	shalt  }
0x72: {  	_ =	shalt  }
0x73: {  	_ =	shalt  }
0x74: {  	_ =	shalt  }
0x75: {  	_ =	shalt  }
0x76: {  	_ =	shalt  }
0x77: {  	_ =	shalt  }
0x78: {  	_ =	shalt  }
0x79: {  	_ =	shalt  }
0x7a: {  	_ =	shalt  }
0x7b: {  	_ =	shalt  }
0x7c: {  	_ =	shalt  }
0x7d: {  	_ =	shalt  }
0x7e: {  	_ =	shalt  }
0x7f: {  	_ =	shalt  }
0x80: {  	_ =	shalt  }
0x81: {  	_ =	shalt  }
0x82: {  	_ =	shalt  }
0x83: {  	_ =	shalt  }
0x84: {  	_ =	shalt  }
0x85: {  	_ =	shalt  }
0x86: {  	_ =	shalt  }
0x87: {  	_ =	shalt  }
.Lfunc_end0:
.L_simem_size_0:
called_computation_lowered:
.L_overlay_start_0:
0x88: {  	s2 =	sld [smem:$0x3FD9]  }
0x89: {  	s3 =	sld [smem:$0x3FFE];
	_ =	sdelay $0x1  }
0x8a: {  	s1 =	srdreg.scid  }
0x8b: {  	s0 =	sand.u32 $0x1, s1  }
0x8c: {  	s17 =	sshll.u32 s0, $0xA;
	s2 =	sadd.s32 s3, s2  }
0x8d: {  	s2 =	sadd.s32 s2, s17  }
0x8e: {  	[smem:$0x3FC4] =	sst s2  }
0x8f: {  	_ = 	snop  }
0x90: {  	s2 =	sld [smem:$0x3FD0];
	(tm) =	ssettm $0x1  }
0x91: {  	s18 =	sld [smem:$0x3FFB];
	_ =	sdelay $0x3  }
0x92: {  	_ =	strace s18  }
0x93: {  	s3 =	sld [smem:$0x3FFC];
	_ =	sdelay $0x3  }
0x94: {  	_ =	strace s3  }
0x95: {  	s3 =	sld [smem:$0x3FFD];
	_ =	sdelay $0x3  }
0x96: {  	_ =	strace s3  }
0x97: {  	_ =	strace $0x8FFFFFFF  }
0x98: {  	s19 =	sld [smem:$0x3FDB];
	_ =	sdelay $0x1  }
0x99: {  	s4 =	simm.s32 $_scs_section_size  }
0x9a: {  	s5 =	simm.s32 $_size__tile_overlayer_lowered;
	s6 =	simm.s32 $_tile_overlayer_lowered  }
0x9b: {  	s22 =	simm.s32 $0x1BFF;
	s21 =	sshll.u32 s6, $0x1;
	s3 =	sadd.s32 s4, s19  }
0x9c: {  	s7 =	simm.s32 $0x0;
	s20 =	sshll.u32 s5, $0x1;
	s5 =	sadd.s32 s21, s3  }
0x9d: {  	[timem:s7], [sflag:s22] =	dma.local [hbm:s5], s20  }
0x9e: {  	_ =	swait.ge [sflag:s22], s20  }
0x9f: {  	s4 =	ssub.s32 $0x0, s20;
	[sflag:s22] =	ssyncset.done $0x0  }
0xa0: {  	[sflag:s22] =	ssyncadd.s32 s4;
	_ =	sdelay $0x1  }
0xa1: {  	s23 =	simm.s32 $0x1B8B  }
0xa2: {  	_ =	swait.ge [sflag:s23], $0x1  }
0xa3: {  	[sflag:s23] =	ssyncset.done $0x0  }
0xa4: {  	s25 =	simm.s32 $0x1B8E;
	s24 =	sld [smem:$0x3FFE];
	[sflag:s23] =	ssyncadd.s32 $0xFFFFFFFF  }
0xa5: {  	s26 =	simm.s32 $execute0_lowered;
	[smem:$0x3FD2] =	sst s25  }
0xa6: {  	s5 =	sshll.u32 s26, $0x1;
	_ =	strace $0x80000046;
	[dreg:$0x1] =	wrdreg $0xFFFFFFFF  }
0xa7: {  	s28 =	simm.s32 $_size_execute0_lowered;
	s3 =	sadd.s32 s3, s5;
	[dreg:$0x0] =	wrdreg $0x0  }
0xa8: {  	s5 =	sshll.u32 s28, $0x1;
	[dreg:$0x2] =	wrdreg s3  }
0xa9: {  	[dreg:$0x3] =	wrdreg s5  }
0xaa: {  	[dreg:$0x4] =	wrdreg $0xC0  }
0xab: {  	_ =	task [dreg:s7], $0x5FFFF  }
0xac: {  	[dreg:$0x1] =	wrdreg $0xFFFFFFFF  }
0xad: {  	[dreg:$0x0] =	wrdreg $0x60  }
0xae: {  	[dreg:$0x2] =	wrdreg s24  }
0xaf: {  	[dreg:$0x3] =	wrdreg s2  }
0xb0: {  	[dreg:$0x4] =	wrdreg $0x9  }
0xb1: {  	_ =	task.clear_ibuf [dreg:s7], $0x5FFFF;
	_ =	strace $0x90000046  }
0xb2: {  	s29 =	simm.s32 $0x9;
	_ =	strace $0x80000048  }
0xb3: {  	_ =	swait.ge [sflag:s29], $0x1  }
0xb4: {  	[sflag:s29] =	ssyncadd.s32 $0xFFFFFFFF  }
0xb5: {  	_ =	strace $0x90000048  }
0xb6: {  	_ =	sfence  }
0xb7: {  	s30 =	sld [smem:$0x0];
	_ =	sdelay $0x2  }
0xb8: {  	s31 =	sshll.u32 s1, $0xD;
	s1 =	sshrl.u32 s1, $0x2  }
0xb9: {  	s3 =	sand.u32 $0x4000, s31;
	s1 =	sadd.s32 s1, s30  }
0xba: {  	s0 =	sor.u32 s3, s0;
	s1 =	sshll.u32 s1, $0x11  }
0xbb: {  	s0 =	sor.u32 s1, s0  }
0xbc: {  	s0 =	sadd.s32 $0x8F2B, s0  }
0xbd: {  	[sflag:s0] =	ssyncadd.remote.s32 $0x1  }
0xbe: {  	_ =	sfence.sel $0xFFFF  }
0xbf: {  	[dreg:$0x0] =	wrdreg $0xFFFFFFFF;
	(pc) =	sbr.abs _section_cstart, $3  }
0xc0: {  	[dreg:$0x1] =	wrdreg $0xFFFFFFFF  }
0xc1: {  	_ =	task.clear_ibuf [dreg:s7], $0x2FFFF;
	_ =	strace $0x9FFFFFFF  }
0xc2: {  	(tm) =	ssettm $0x7FFFFFFF  }
0xc3: {  	_ =	shalt  }
tec
execute0_lowered:
.L_overlay_start_1:
0x0: {  	(tag) =	ssettag $0x1  }
0x1: {  	s0 =	rddreg [dreg:$0x0];
	s1 =	srdreg.scid  }
0x2: {  	s2 =	stileid.u32;
	s5 =	rddreg [dreg:$0x1]  }
0x3: {  	s11 =	simm.s32 $0x3;
	s12 =	simm.s32 $0x50;
	s22 =	simm.s32 $0x4B0  }
0x4: {  	s23 =	simm.s32 $0x13240;
	s28 =	simm.s32 $0x15A40;
	s29 =	simm.s32 $0x5A0  }
0x5: {  	s30 =	simm.s32 $0x16E40;
	s31 =	simm.s32 $0x5F0;
	s10 =	simm.s32 $0x19640  }
0x6: {  	s13 =	simm.s32 $0x19740;
	s14 =	simm.s32 $0x4;
	s16 =	simm.s32 $0x0  }
0x7: {  	s1 =	sand.u32 $0x1, s1;
	s3 =	sshll.u32 s2, $0x1;
	s2 =	simm.s32 $0x0  }
0x8: {  	s4 =	sadd.s32 $0xF42E00, s0;
	s6 =	sor.u32 s1, s3;
	[smem:$0x7FF] =	sst s2  }
0x9: {  	s3 =	sadd.s32 $0xA00, s0;
	s1 =	ssub.s32 $0x2, s1;
	s9 =	smul.u32 $0x19000, s6  }
0xa: {  	_ =	strace $0x80000047;
	s24 =	sshrl.u32 s1, $0x1;
	s25 =	sshll.u32 s6, $0xC  }
0xb: {  	s0 =	ssub.s32 s1, s24;
	s8 =	sadd.s32 s5, s25;
	s1 =	simm.s32 $0x320  }
0xc: {  	s24 =	simm.s32 $0x500;
	s25 =	simm.s32 $0x14640;
	s7 =	sshrl.u32 s9, $0x3  }
0xd: {  	s5 =	simm.s32 $0x2;
	s0 =	smax.u32 s0, $0x1;
	s26 =	sadd.s32 s3, s7  }
0xe: {  	s7 =	sor.u32 $0x640, s9;
	s9 =	sor.u32 $0x960, s9;
	[dreg:$0x5] =	wrdreg s0  }
0xf: {  	s0 =	simm.s32 $0x1;
	[dreg:$0x3] =	wrdreg s26;
	s6 =	sadd.s32 $0x64, s26  }
0x10: {  	s26 =	simm.s32 $0x550;
	[dreg:$0x4] =	wrdreg s6;
	s6 =	simm.s32 $0x18240  }
.LBB2_1:
0x11: {  	[dreg:$0x6] =	wrdreg s16  }
0x12: {  	s15 =	rddreg [dreg:$0x3]  }
0x13: {  	[tilespmem:s2], [sflag:$0x3] =	stream.linear.gather [hbm4b:s15+s2], $0x320, $0x38;
	[tilespmem:$0x19840] =	vst v63  }
0x14: {  	_ =	swait.ge [sflag:s11], $0x320  }
0x15: {  	[sflag:s11] =	ssyncset.done $0x0  }
0x16: {  	s20 =	simm.s32 $0x640;
	[sflag:s11] =	ssyncadd.s32 $0xFFFFFCE0  }
0x17: {  	[tilespmem:s20], [sflag:$0x1] =	stream.indirect.gather [hbm4b:s4+s12], $0x40, s2, s12, $0xb8;
	[tilespmem:$0x19840] =	vst v63  }
0x18: {  	s21 =	simm.s32 $0x1A40  }
0x19: {  	[tilespmem:s21], [sflag:$0x1] =	stream.indirect.gather [hbm4b:s4+s12], $0x40, s12, s12, $0xb8;
	[tilespmem:$0x19840] =	vst v63  }
0x1a: {  	s16 =	simm.s32 $0xA0;
	s17 =	simm.s32 $0x2E40  }
0x1b: {  	[tilespmem:s17], [sflag:$0x1] =	stream.indirect.gather [hbm4b:s4+s12], $0x40, s16, s12, $0xb8;
	[tilespmem:$0x19840] =	vst v63  }
0x1c: {  	s18 =	simm.s32 $0xF0;
	s19 =	simm.s32 $0x4240  }
0x1d: {  	[tilespmem:s19], [sflag:$0x1] =	stream.indirect.gather [hbm4b:s4+s12], $0x40, s18, s12, $0xb8;
	[tilespmem:$0x19840] =	vst v63  }
0x1e: {  	s20 =	simm.s32 $0x140;
	s21 =	simm.s32 $0x5640  }
0x1f: {  	[tilespmem:s21], [sflag:$0x1] =	stream.indirect.gather [hbm4b:s4+s12], $0x40, s20, s12, $0xb8;
	[tilespmem:$0x19840] =	vst v63  }
0x20: {  	s16 =	simm.s32 $0x190;
	s17 =	simm.s32 $0x6A40  }
0x21: {  	[tilespmem:s17], [sflag:$0x1] =	stream.indirect.gather [hbm4b:s4+s12], $0x40, s16, s12, $0xb8;
	[tilespmem:$0x19840] =	vst v63  }
0x22: {  	s18 =	simm.s32 $0x1E0;
	s19 =	simm.s32 $0x7E40  }
0x23: {  	[tilespmem:s19], [sflag:$0x1] =	stream.indirect.gather [hbm4b:s4+s12], $0x40, s18, s12, $0xb8;
	[tilespmem:$0x19840] =	vst v63  }
0x24: {  	s20 =	simm.s32 $0x230;
	s21 =	simm.s32 $0x9240  }
0x25: {  	[tilespmem:s21], [sflag:$0x1] =	stream.indirect.gather [hbm4b:s4+s12], $0x40, s20, s12, $0xb8;
	[tilespmem:$0x19840] =	vst v63  }
0x26: {  	s17 =	simm.s32 $0x280;
	s18 =	simm.s32 $0xA640  }
0x27: {  	[tilespmem:s18], [sflag:$0x1] =	stream.indirect.gather [hbm4b:s4+s12], $0x40, s17, s12, $0xb8;
	[tilespmem:$0x19840] =	vst v63  }
0x28: {  	s19 =	simm.s32 $0x2D0;
	s20 =	simm.s32 $0xBA40  }
0x29: {  	[tilespmem:s20], [sflag:$0x1] =	stream.indirect.gather [hbm4b:s4+s12], $0x40, s19, s12, $0xb8;
	[tilespmem:$0x19840] =	vst v63  }
0x2a: {  	s15 =	simm.s32 $0x0;
	s21 =	rddreg [dreg:$0x4]  }
0x2b: {  	[tilespmem:s1], [sflag:$0x3] =	stream.linear.gather [hbm4b:s21+s2], $0x320, $0x38;
	[tilespmem:$0x19840] =	vst v63  }
.LBB2_2:
0x2c: {  	_ =	swait.ge [sflag:s0], $0xC800  }
0x2d: {  	[sflag:s0] =	ssyncset.done $0x0  }
0x2e: {  	[sflag:s0] =	ssyncadd.s32 $0xFFFF3800  }
0x2f: {  	_ =	swait.ge [sflag:s11], $0x320  }
0x30: {  	[sflag:s11] =	ssyncset.done $0x0  }
0x31: {  	s16 =	simm.s32 $0xCE40;
	[sflag:s11] =	ssyncadd.s32 $0xFFFFFCE0  }
0x32: {  	[tilespmem:s16], [sflag:$0x2] =	stream.indirect.gather [hbm4b:s4+s12], $0x40, s1, s12, $0xb8;
	[tilespmem:$0x19840] =	vst v63  }
0x33: {  	s19 =	simm.s32 $0x370;
	s17 =	simm.s32 $0xE240  }
0x34: {  	[tilespmem:s17], [sflag:$0x2] =	stream.indirect.gather [hbm4b:s4+s12], $0x40, s19, s12, $0xb8;
	[tilespmem:$0x19840] =	vst v63  }
0x35: {  	s20 =	simm.s32 $0x3C0;
	s21 =	simm.s32 $0xF640  }
0x36: {  	[tilespmem:s21], [sflag:$0x2] =	stream.indirect.gather [hbm4b:s4+s12], $0x40, s20, s12, $0xb8;
	[tilespmem:$0x19840] =	vst v63  }
0x37: {  	s18 =	simm.s32 $0x410;
	s19 =	simm.s32 $0x10A40  }
0x38: {  	[tilespmem:s19], [sflag:$0x2] =	stream.indirect.gather [hbm4b:s4+s12], $0x40, s18, s12, $0xb8;
	[tilespmem:$0x19840] =	vst v63  }
0x39: {  	s20 =	simm.s32 $0x460;
	s21 =	simm.s32 $0x11E40  }
0x3a: {  	[tilespmem:s21], [sflag:$0x2] =	stream.indirect.gather [hbm4b:s4+s12], $0x40, s20, s12, $0xb8;
	[tilespmem:$0x19840] =	vst v63  }
0x3b: {  	_ = 	snop  }
0x3c: {  	[tilespmem:s23], [sflag:$0x2] =	stream.indirect.gather [hbm4b:s4+s12], $0x40, s22, s12, $0xb8;
	[tilespmem:$0x19840] =	vst v63  }
0x3d: {  	p0 =	seq.s32 s15, $0x3F  }
0x3e: {  	[tilespmem:s25], [sflag:$0x2] =	stream.indirect.gather [hbm4b:s4+s12], $0x40, s24, s12, $0xb8;
	[tilespmem:$0x19840] =	vst v63  }
0x3f: {  	p1 =	seq.s32 @!p0 s15, $0x0  }
0x40: {  	[tilespmem:s28], [sflag:$0x2] =	stream.indirect.gather [hbm4b:s4+s12], $0x40, s26, s12, $0xb8;
	[tilespmem:$0x19840] =	vst v63  }
0x41: {  	p1 =	por p0, !p1;
	s17 =	smul.u32 @!p0 $0x640, s15  }
0x42: {  	[tilespmem:s30], [sflag:$0x2] =	stream.indirect.gather [hbm4b:s4+s12], $0x40, s29, s12, $0xb8;
	[tilespmem:$0x19840] =	vst v63  }
.Ltmp0:
0x43: {  	s16 =	sadd.s32 @!p0 s17, s7;
	(pc) =	sbr.rel @!p1 .LBB2_3-.Ltmp0, $4  }
0x44: {  	s16 =	sshrl.u32 @!p0 s16, $0x3  }
0x45: {  	[tilespmem:s6], [sflag:$0x2] =	stream.indirect.gather [hbm4b:s4+s12], $0x40, s31, s12, $0xb8;
	[tilespmem:$0x19840] =	vst v63  }
0x46: {  	s16 =	sadd.s32 @!p0 s3, s16;
	s18 =	simm.s32 @!p0 $0x0  }
0x47: {  	[tilespmem:s18], [sflag:$0x3] =	stream.linear.gather @!p0 [hbm4b:s16+s18], $0x320, $0x38;
	[tilespmem:$0x19840] =	vst v63  }
.Ltmp1:
0x48: {  	(pc) =	sbr.rel .LBB2_5-.Ltmp1, $4  }
0x49: {  	_ = 	snop  }
0x4a: {  	_ =	swait.ge [sflag:s14], $0x100  }
0x4b: {  	[sflag:s14] =	ssyncset.done $0x0  }
0x4c: {  	p1 =	por $0x0, $0x0;
	[sflag:s14] =	ssyncadd.s32 $0xFFFFFF00  }
.LBB2_3:
0x4d: {  	p1 =	por @!p0 $0x1, $0x1  }
.LBB2_5:
0x4e: {  	s16 =	simm.s32 $0x0  }
0x4f: {  	v0 =	vld [tilespmem:s16+$0x670]  }
0x50: {  	v1 =	vld [tilespmem:s16+$0x6B0]  }
0x51: {  	v2 =	vld [tilespmem:s16+$0x6F0]  }
0x52: {  	v3 =	vld [tilespmem:s16+$0x730]  }
0x53: {  	v4 =	vld [tilespmem:s16+$0x770]  }
0x54: {  	v5 =	vld [tilespmem:s16+$0x7B0]  }
0x55: {  	v6 =	vld [tilespmem:s16+$0x7F0]  }
0x56: {  	v7 =	vld [tilespmem:s16+$0x830]  }
0x57: {  	v8 =	vld [tilespmem:s16+$0x640]  }
0x58: {  	v9 =	vld [tilespmem:s16+$0x680]  }
0x59: {  	v10 =	vld [tilespmem:s16+$0x6C0]  }
0x5a: {  	v11 =	vld [tilespmem:s16+$0x700]  }
0x5b: {  	v12 =	vld [tilespmem:s16+$0x740]  }
0x5c: {  	v13 =	vld [tilespmem:s16+$0x780]  }
0x5d: {  	v14 =	vld [tilespmem:s16+$0x7C0]  }
0x5e: {  	v15 =	vld [tilespmem:s16+$0x800]  }
0x5f: {  	v16 =	vld [tilespmem:s16+$0x650]  }
0x60: {  	v17 =	vld [tilespmem:s16+$0x690]  }
0x61: {  	v18 =	vld [tilespmem:s16+$0x6D0]  }
0x62: {  	v19 =	vld [tilespmem:s16+$0x710]  }
0x63: {  	v20 =	vld [tilespmem:s16+$0x750]  }
0x64: {  	v21 =	vld [tilespmem:s16+$0x790]  }
0x65: {  	v22 =	vld [tilespmem:s16+$0x7D0]  }
0x66: {  	v23 =	vld [tilespmem:s16+$0x6E0];
	v0 =	vadd.f32 v1, v0  }
0x67: {  	v1 =	vadd.f32 v3, v2;
	v2 =	vld [tilespmem:s16+$0x810];
	v3 =	vadd.f32 v5, v4  }
0x68: {  	v4 =	vadd.f32 v7, v6;
	v6 =	vld [tilespmem:s16+$0x660];
	v5 =	vadd.f32 v13, v12  }
0x69: {  	v7 =	vld [tilespmem:s16+$0x6A0];
	v12 =	vadd.f32 v19, v18;
	v0 =	vadd.f32 v1, v0  }
0x6a: {  	v13 =	vld [tilespmem:s16+$0x7A0];
	v1 =	vadd.f32 v4, v3;
	v3 =	vadd.f32 v9, v8  }
0x6b: {  	v4 =	vadd.f32 v11, v10;
	v8 =	vld [tilespmem:s16+$0x720];
	v9 =	vadd.f32 v15, v14  }
0x6c: {  	v10 =	vld [tilespmem:s16+$0x760];
	v11 =	vadd.f32 v17, v16;
	v14 =	vadd.f32 v21, v20  }
0x6d: {  	v15 =	vld [tilespmem:s16+$0x7E0];
	v3 =	vadd.f32 v4, v3;
	v5 =	vadd.f32 v9, v5  }
0x6e: {  	s19 =	simm.s32 $0x200;
	v9 =	vld [tilespmem:s16+$0x820];
	v11 =	vadd.f32 v12, v11;
	v2 =	vadd.f32 v2, v22  }
0x6f: {  	v4 =	vld [tilespmem:s19+$0x670];
	v0 =	vadd.f32 v1, v0;
	v12 =	vadd.f32 v7, v6  }
0x70: {  	v6 =	vld [tilespmem:s19+$0x6F0];
	v1 =	vadd.f32 v5, v3;
	v3 =	vimm.f32 $0.0e+00;
	v2 =	vadd.f32 v2, v14  }
0x71: {  	v7 =	vld [tilespmem:s19+$0x770];
	v0 =	vadd.f32 v0, v3  }
0x72: {  	v5 =	vld [tilespmem:s19+$0x6B0];
	v2 =	vadd.f32 v2, v11;
	v11 =	vadd.f32 v8, v23  }
0x73: {  	v13 =	vadd.f32 v13, v10;
	v10 =	vld [tilespmem:s19+$0x7F0];
	v14 =	vadd.f32 v9, v15  }
0x74: {  	s18 =	sshll.u32 s15, $0x6;
	v1 =	vadd.f32 v1, v3;
	v8 =	vld [tilespmem:s19+$0x730];
	v11 =	vadd.f32 v11, v12  }
0x75: {  	s20 =	simm.s32 $0x1000;
	s16 =	sor.u32 $0x20, s18;
	v9 =	vld [tilespmem:s19+$0x7B0];
	v2 =	vadd.f32 v2, v3;
	v12 =	vadd.f32 v14, v13  }
.LBB2_6:
0x76: {  	p2 =	sne.s32 s20, $0xC000;
	v13 =	vld [tilespmem:s19+$0x830]  }
0x77: {  	v14 =	vld [tilespmem:s19+$0x640];
	v11 =	vadd.f32 v12, v11  }
0x78: {  	v12 =	vld [tilespmem:s19+$0x680]  }
0x79: {  	v15 =	vld [tilespmem:s19+$0x6C0];
	v3 =	vadd.f32 v11, v3  }
0x7a: {  	v4 =	vadd.f32 v5, v4;
	v5 =	vadd.f32 v8, v6;
	v11 =	vld [tilespmem:s19+$0x700]  }
0x7b: {  	v7 =	vadd.f32 v9, v7;
	v6 =	vld [tilespmem:s19+$0x740];
	v8 =	vadd.f32 v13, v10  }
0x7c: {  	v9 =	vld [tilespmem:s19+$0x780]  }
0x7d: {  	v4 =	vadd.f32 v5, v4;
	v10 =	vld [tilespmem:s19+$0x7C0];
	v5 =	vadd.f32 v8, v7  }
0x7e: {  	v8 =	vadd.f32 v12, v14;
	v7 =	vld [tilespmem:s19+$0x800]  }
0x7f: {  	v11 =	vadd.f32 v11, v15;
	v12 =	vld [tilespmem:s19+$0x650];
	v4 =	vadd.f32 v5, v4  }
0x80: {  	v5 =	vld [tilespmem:s19+$0x690]  }
0x81: {  	v6 =	vadd.f32 v9, v6;
	v9 =	vld [tilespmem:s19+$0x6D0];
	v0 =	vadd.f32 v4, v0  }
0x82: {  	v4 =	vadd.f32 v11, v8;
	v8 =	vld [tilespmem:s19+$0x710]  }
0x83: {  	v7 =	vadd.f32 v7, v10;
	v10 =	vld [tilespmem:s19+$0x750]  }
0x84: {  	v11 =	vld [tilespmem:s19+$0x790]  }
0x85: {  	v6 =	vadd.f32 v7, v6;
	v7 =	vld [tilespmem:s19+$0x7D0];
	v5 =	vadd.f32 v5, v12  }
0x86: {  	v12 =	vld [tilespmem:s19+$0x810]  }
0x87: {  	v4 =	vadd.f32 v6, v4;
	v6 =	vadd.f32 v8, v9;
	v8 =	vld [tilespmem:s19+$0x660]  }
0x88: {  	v9 =	vld [tilespmem:s19+$0x6A0]  }
0x89: {  	v10 =	vadd.f32 v11, v10;
	v5 =	vadd.f32 v6, v5;
	v6 =	vld [tilespmem:s19+$0x6E0]  }
0x8a: {  	v1 =	vadd.f32 v4, v1;
	v11 =	vld [tilespmem:s19+$0x720]  }
0x8b: {  	v4 =	vadd.f32 v12, v7;
	v7 =	vld [tilespmem:s19+$0x760]  }
0x8c: {  	v12 =	vld [tilespmem:s19+$0x7A0]  }
0x8d: {  	v10 =	vadd.f32 v4, v10;
	v13 =	vld [tilespmem:s19+$0x7E0];
	v8 =	vadd.f32 v9, v8  }
0x8e: {  	v9 =	vld [tilespmem:s19+$0x820];
	s19 =	sshra.s32 s20, $0x2  }
0x8f: {  	v4 =	vld [tilespmem:s19+$0x670];
	v10 =	vadd.f32 v10, v5;
	v11 =	vadd.f32 v11, v6  }
0x90: {  	v5 =	vld [tilespmem:s19+$0x6B0]  }
.Ltmp2:
0x91: {  	v6 =	vld [tilespmem:s19+$0x6F0];
	v12 =	vadd.f32 v12, v7;
	v11 =	vadd.f32 v11, v8;
	(pc) =	sbr.rel @p2 .LBB2_6-.Ltmp2, $4  }
0x92: {  	v2 =	vadd.f32 v10, v2;
	v8 =	vld [tilespmem:s19+$0x730]  }
0x93: {  	v7 =	vld [tilespmem:s19+$0x770];
	v13 =	vadd.f32 v9, v13  }
0x94: {  	v9 =	vld [tilespmem:s19+$0x7B0]  }
0x95: {  	s20 =	sadd.s32 $0x800, s20;
	v10 =	vld [tilespmem:s19+$0x7F0];
	v12 =	vadd.f32 v13, v12  }
0x96: {  	v13 =	vld [tilespmem:s19+$0x830]  }
0x97: {  	v14 =	vld [tilespmem:s19+$0x640]  }
0x98: {  	v15 =	vld [tilespmem:s19+$0x680]  }
0x99: {  	v16 =	vld [tilespmem:s19+$0x6C0]  }
0x9a: {  	v17 =	vld [tilespmem:s19+$0x700]  }
0x9b: {  	v18 =	vld [tilespmem:s19+$0x740]  }
0x9c: {  	v19 =	vld [tilespmem:s19+$0x780]  }
0x9d: {  	v20 =	vld [tilespmem:s19+$0x7C0]  }
0x9e: {  	v21 =	vld [tilespmem:s19+$0x800]  }
0x9f: {  	v22 =	vld [tilespmem:s19+$0x650]  }
0xa0: {  	v23 =	vld [tilespmem:s19+$0x690]  }
0xa1: {  	v24 =	vld [tilespmem:s19+$0x6D0]  }
0xa2: {  	v25 =	vld [tilespmem:s19+$0x710]  }
0xa3: {  	v26 =	vld [tilespmem:s19+$0x750]  }
0xa4: {  	v27 =	vld [tilespmem:s19+$0x790]  }
0xa5: {  	v28 =	vld [tilespmem:s19+$0x7D0]  }
0xa6: {  	v29 =	vld [tilespmem:s19+$0x810]  }
0xa7: {  	v30 =	vld [tilespmem:s19+$0x6A0];
	v11 =	vadd.f32 v12, v11  }
0xa8: {  	v4 =	vadd.f32 v5, v4;
	v53 =	vld [tilespmem:s19+$0x7A0];
	v5 =	vadd.f32 v8, v6  }
0xa9: {  	v12 =	vld [tilespmem:s19+$0x660];
	v3 =	vadd.f32 v11, v3  }
0xaa: {  	v6 =	vld [tilespmem:s19+$0x720];
	v7 =	vadd.f32 v9, v7;
	v4 =	vadd.f32 v5, v4  }
0xab: {  	v11 =	vld [tilespmem:s19+$0x6E0];
	v8 =	vadd.f32 v15, v14;
	v14 =	vadd.f32 v17, v16  }
0xac: {  	v15 =	vld [tilespmem:s19+$0x760];
	v51 =	vadd.f32 v19, v18;
	v52 =	vadd.f32 v21, v20  }
0xad: {  	v9 =	vadd.f32 v13, v10;
	v10 =	vld [tilespmem:s19+$0x7E0];
	v5 =	vadd.f32 v23, v22  }
0xae: {  	v54 =	vadd.f32 v27, v26;
	v8 =	vadd.f32 v14, v8;
	v14 =	vld [tilespmem:s19+$0x820]  }
0xaf: {  	v55 =	vadd.f32 v29, v28;
	v13 =	vadd.f32 v52, v51  }
0xb0: {  	v12 =	vadd.f32 v30, v12;
	v7 =	vadd.f32 v9, v7  }
0xb1: {  	v6 =	vadd.f32 v6, v11;
	v8 =	vadd.f32 v13, v8  }
0xb2: {  	v13 =	vadd.f32 v25, v24;
	v4 =	vadd.f32 v7, v4  }
0xb3: {  	v11 =	vadd.f32 v53, v15;
	v10 =	vadd.f32 v14, v10  }
0xb4: {  	v5 =	vadd.f32 v13, v5;
	v13 =	vadd.f32 v55, v54  }
0xb5: {  	v6 =	vadd.f32 v6, v12;
	v10 =	vadd.f32 v10, v11  }
0xb6: {  	v1 =	vadd.f32 v8, v1;
	v5 =	vadd.f32 v13, v5  }
0xb7: {  	v0 =	vadd.f32 v4, v0;
	v6 =	vadd.f32 v10, v6  }
0xb8: {  	[tilespmem:$0x19640] =	vst v1;
	v2 =	vadd.f32 v5, v2  }
0xb9: {  	[tilespmem:$0x19670] =	vst v0;
	v3 =	vadd.f32 v6, v3  }
0xba: {  	[tilespmem:$0x19650] =	vst v2  }
0xbb: {  	s20 =	simm.s32 $0x0;
	[tilespmem:$0x19660] =	vst v3  }
0xbc: {  	v0 =	vld [tilespmem:s20+$0x3870]  }
0xbd: {  	v1 =	vld [tilespmem:s20+$0x38B0]  }
0xbe: {  	v2 =	vld [tilespmem:s20+$0x38F0]  }
0xbf: {  	v3 =	vld [tilespmem:s20+$0x3930]  }
0xc0: {  	v4 =	vld [tilespmem:s20+$0x3970]  }
0xc1: {  	v5 =	vld [tilespmem:s20+$0x39B0]  }
0xc2: {  	v6 =	vld [tilespmem:s20+$0x39F0]  }
0xc3: {  	v7 =	vld [tilespmem:s20+$0x3A30]  }
0xc4: {  	v8 =	vld [tilespmem:s20+$0x3840]  }
0xc5: {  	v9 =	vld [tilespmem:s20+$0x3880]  }
0xc6: {  	v10 =	vld [tilespmem:s20+$0x38C0]  }
0xc7: {  	v11 =	vld [tilespmem:s20+$0x3900]  }
0xc8: {  	v12 =	vld [tilespmem:s20+$0x3940]  }
0xc9: {  	v13 =	vld [tilespmem:s20+$0x3980]  }
0xca: {  	v14 =	vld [tilespmem:s20+$0x39C0]  }
0xcb: {  	v15 =	vld [tilespmem:s20+$0x3A00]  }
0xcc: {  	v56 =	vld [tilespmem:s20+$0x3850]  }
0xcd: {  	v57 =	vld [tilespmem:s20+$0x3890]  }
0xce: {  	v58 =	vld [tilespmem:s20+$0x38D0]  }
0xcf: {  	v59 =	vld [tilespmem:s20+$0x3910]  }
0xd0: {  	v60 =	vld [tilespmem:s20+$0x3950]  }
0xd1: {  	v61 =	vld [tilespmem:s20+$0x3990]  }
0xd2: {  	v62 =	vld [tilespmem:s20+$0x39D0]  }
0xd3: {  	v63 =	vld [tilespmem:s20+$0x38E0];
	v0 =	vadd.f32 v1, v0;
	v1 =	vadd.f32 v3, v2  }
0xd4: {  	v2 =	vld [tilespmem:s20+$0x3A10];
	v3 =	vadd.f32 v5, v4;
	v4 =	vadd.f32 v7, v6  }
0xd5: {  	v6 =	vld [tilespmem:s20+$0x3860]  }
0xd6: {  	v7 =	vld [tilespmem:s20+$0x38A0];
	v0 =	vadd.f32 v1, v0;
	v1 =	vadd.f32 v4, v3  }
0xd7: {  	v3 =	vadd.f32 v9, v8;
	v4 =	vadd.f32 v11, v10;
	v8 =	vld [tilespmem:s20+$0x3920]  }
0xd8: {  	v5 =	vadd.f32 v59, v58;
	v9 =	vld [tilespmem:s20+$0x3960];
	v0 =	vadd.f32 v1, v0  }
0xd9: {  	v11 =	vld [tilespmem:s20+$0x39A0];
	v1 =	vadd.f32 v13, v12;
	v10 =	vadd.f32 v4, v3  }
0xda: {  	v3 =	vadd.f32 v15, v14;
	v4 =	vadd.f32 v57, v56;
	v12 =	vld [tilespmem:s20+$0x39E0]  }
0xdb: {  	s19 =	simm.s32 $0x200;
	v13 =	vadd.f32 v61, v60;
	v14 =	vld [tilespmem:s20+$0x3A20];
	v2 =	vadd.f32 v2, v62  }
0xdc: {  	v1 =	vadd.f32 v3, v1;
	v3 =	vimm.f32 $0.0e+00;
	v15 =	vadd.f32 v5, v4;
	v4 =	vld [tilespmem:s19+$0x3870]  }
0xdd: {  	v5 =	vld [tilespmem:s19+$0x38B0];
	v0 =	vadd.f32 v0, v3;
	v2 =	vadd.f32 v2, v13  }
0xde: {  	v13 =	vadd.f32 v8, v63;
	v8 =	vld [tilespmem:s19+$0x3930];
	v1 =	vadd.f32 v1, v10  }
0xdf: {  	v10 =	vadd.f32 v7, v6;
	v6 =	vld [tilespmem:s19+$0x38F0];
	v2 =	vadd.f32 v2, v15  }
0xe0: {  	v7 =	vld [tilespmem:s19+$0x3970];
	v15 =	vadd.f32 v11, v9;
	v12 =	vadd.f32 v14, v12  }
0xe1: {  	v9 =	vld [tilespmem:s19+$0x39B0];
	v1 =	vadd.f32 v1, v3;
	v11 =	vadd.f32 v13, v10  }
0xe2: {  	s20 =	simm.s32 $0x1000;
	v10 =	vld [tilespmem:s19+$0x39F0];
	v2 =	vadd.f32 v2, v3;
	v12 =	vadd.f32 v12, v15  }
.LBB2_8:
0xe3: {  	p2 =	sne.s32 s20, $0xC000;
	v13 =	vld [tilespmem:s19+$0x3A30]  }
0xe4: {  	v14 =	vld [tilespmem:s19+$0x3840];
	v11 =	vadd.f32 v12, v11  }
0xe5: {  	v12 =	vld [tilespmem:s19+$0x3880]  }
0xe6: {  	v15 =	vld [tilespmem:s19+$0x38C0];
	v3 =	vadd.f32 v11, v3  }
0xe7: {  	v4 =	vadd.f32 v5, v4;
	v5 =	vadd.f32 v8, v6;
	v11 =	vld [tilespmem:s19+$0x3900]  }
0xe8: {  	v7 =	vadd.f32 v9, v7;
	v6 =	vld [tilespmem:s19+$0x3940];
	v8 =	vadd.f32 v13, v10  }
0xe9: {  	v9 =	vld [tilespmem:s19+$0x3980]  }
0xea: {  	v4 =	vadd.f32 v5, v4;
	v10 =	vld [tilespmem:s19+$0x39C0];
	v5 =	vadd.f32 v8, v7  }
0xeb: {  	v8 =	vadd.f32 v12, v14;
	v7 =	vld [tilespmem:s19+$0x3A00]  }
0xec: {  	v11 =	vadd.f32 v11, v15;
	v12 =	vld [tilespmem:s19+$0x3850];
	v4 =	vadd.f32 v5, v4  }
0xed: {  	v5 =	vld [tilespmem:s19+$0x3890]  }
0xee: {  	v6 =	vadd.f32 v9, v6;
	v9 =	vld [tilespmem:s19+$0x38D0];
	v0 =	vadd.f32 v4, v0  }
0xef: {  	v4 =	vadd.f32 v11, v8;
	v8 =	vld [tilespmem:s19+$0x3910]  }
0xf0: {  	v7 =	vadd.f32 v7, v10;
	v10 =	vld [tilespmem:s19+$0x3950]  }
0xf1: {  	v11 =	vld [tilespmem:s19+$0x3990]  }
0xf2: {  	v6 =	vadd.f32 v7, v6;
	v7 =	vld [tilespmem:s19+$0x39D0];
	v5 =	vadd.f32 v5, v12  }
0xf3: {  	v12 =	vld [tilespmem:s19+$0x3A10]  }
0xf4: {  	v4 =	vadd.f32 v6, v4;
	v6 =	vadd.f32 v8, v9;
	v8 =	vld [tilespmem:s19+$0x3860]  }
0xf5: {  	v9 =	vld [tilespmem:s19+$0x38A0]  }
0xf6: {  	v10 =	vadd.f32 v11, v10;
	v5 =	vadd.f32 v6, v5;
	v6 =	vld [tilespmem:s19+$0x38E0]  }
0xf7: {  	v1 =	vadd.f32 v4, v1;
	v11 =	vld [tilespmem:s19+$0x3920]  }
0xf8: {  	v4 =	vadd.f32 v12, v7;
	v7 =	vld [tilespmem:s19+$0x3960]  }
0xf9: {  	v12 =	vld [tilespmem:s19+$0x39A0]  }
0xfa: {  	v10 =	vadd.f32 v4, v10;
	v13 =	vld [tilespmem:s19+$0x39E0];
	v8 =	vadd.f32 v9, v8  }
0xfb: {  	v9 =	vld [tilespmem:s19+$0x3A20];
	s19 =	sshra.s32 s20, $0x2  }
0xfc: {  	v4 =	vld [tilespmem:s19+$0x3870];
	v10 =	vadd.f32 v10, v5;
	v11 =	vadd.f32 v11, v6  }
0xfd: {  	v5 =	vld [tilespmem:s19+$0x38B0]  }
.Ltmp3:
0xfe: {  	v6 =	vld [tilespmem:s19+$0x38F0];
	v12 =	vadd.f32 v12, v7;
	v11 =	vadd.f32 v11, v8;
	(pc) =	sbr.rel @p2 .LBB2_8-.Ltmp3, $4  }
0xff: {  	v2 =	vadd.f32 v10, v2;
	v8 =	vld [tilespmem:s19+$0x3930]  }
0x100: {  	v7 =	vld [tilespmem:s19+$0x3970];
	v13 =	vadd.f32 v9, v13  }
0x101: {  	v9 =	vld [tilespmem:s19+$0x39B0]  }
0x102: {  	s20 =	sadd.s32 $0x800, s20;
	v10 =	vld [tilespmem:s19+$0x39F0];
	v12 =	vadd.f32 v13, v12  }
0x103: {  	v13 =	vld [tilespmem:s19+$0x3A30]  }
0x104: {  	v14 =	vld [tilespmem:s19+$0x3840]  }
0x105: {  	v15 =	vld [tilespmem:s19+$0x3880]  }
0x106: {  	v16 =	vld [tilespmem:s19+$0x38C0]  }
0x107: {  	v17 =	vld [tilespmem:s19+$0x3900]  }
0x108: {  	v18 =	vld [tilespmem:s19+$0x3940]  }
0x109: {  	v19 =	vld [tilespmem:s19+$0x3980]  }
0x10a: {  	v20 =	vld [tilespmem:s19+$0x39C0]  }
0x10b: {  	v21 =	vld [tilespmem:s19+$0x3A00]  }
0x10c: {  	v22 =	vld [tilespmem:s19+$0x3850]  }
0x10d: {  	v23 =	vld [tilespmem:s19+$0x3890]  }
0x10e: {  	v24 =	vld [tilespmem:s19+$0x38D0]  }
0x10f: {  	v25 =	vld [tilespmem:s19+$0x3910]  }
0x110: {  	v26 =	vld [tilespmem:s19+$0x3950]  }
0x111: {  	v27 =	vld [tilespmem:s19+$0x3990]  }
0x112: {  	v28 =	vld [tilespmem:s19+$0x39D0]  }
0x113: {  	v29 =	vld [tilespmem:s19+$0x3A10]  }
0x114: {  	v30 =	vld [tilespmem:s19+$0x38A0];
	v11 =	vadd.f32 v12, v11  }
0x115: {  	v4 =	vadd.f32 v5, v4;
	v53 =	vld [tilespmem:s19+$0x39A0];
	v5 =	vadd.f32 v8, v6  }
0x116: {  	v12 =	vld [tilespmem:s19+$0x3860];
	v3 =	vadd.f32 v11, v3  }
0x117: {  	v6 =	vld [tilespmem:s19+$0x3920];
	v7 =	vadd.f32 v9, v7;
	v4 =	vadd.f32 v5, v4  }
0x118: {  	v11 =	vld [tilespmem:s19+$0x38E0];
	v8 =	vadd.f32 v15, v14;
	v14 =	vadd.f32 v17, v16  }
0x119: {  	v15 =	vld [tilespmem:s19+$0x3960];
	v51 =	vadd.f32 v19, v18;
	v52 =	vadd.f32 v21, v20  }
0x11a: {  	v9 =	vadd.f32 v13, v10;
	v10 =	vld [tilespmem:s19+$0x39E0];
	v5 =	vadd.f32 v23, v22  }
0x11b: {  	v54 =	vadd.f32 v27, v26;
	v8 =	vadd.f32 v14, v8;
	v14 =	vld [tilespmem:s19+$0x3A20]  }
0x11c: {  	v55 =	vadd.f32 v29, v28;
	v13 =	vadd.f32 v52, v51  }
0x11d: {  	v12 =	vadd.f32 v30, v12;
	v7 =	vadd.f32 v9, v7  }
0x11e: {  	v6 =	vadd.f32 v6, v11;
	v8 =	vadd.f32 v13, v8  }
0x11f: {  	v13 =	vadd.f32 v25, v24;
	v4 =	vadd.f32 v7, v4  }
0x120: {  	v11 =	vadd.f32 v53, v15;
	v10 =	vadd.f32 v14, v10  }
0x121: {  	v5 =	vadd.f32 v13, v5;
	v13 =	vadd.f32 v55, v54  }
0x122: {  	v6 =	vadd.f32 v6, v12;
	v10 =	vadd.f32 v10, v11  }
0x123: {  	v1 =	vadd.f32 v8, v1;
	v5 =	vadd.f32 v13, v5  }
0x124: {  	v0 =	vadd.f32 v4, v0;
	v6 =	vadd.f32 v10, v6  }
0x125: {  	[tilespmem:$0x19680] =	vst v1;
	v2 =	vadd.f32 v5, v2  }
0x126: {  	[tilespmem:$0x196B0] =	vst v0;
	v3 =	vadd.f32 v6, v3  }
0x127: {  	[tilespmem:$0x19690] =	vst v2  }
0x128: {  	s20 =	simm.s32 $0x0;
	[tilespmem:$0x196A0] =	vst v3  }
0x129: {  	v0 =	vld [tilespmem:s20+$0x6A70]  }
0x12a: {  	v1 =	vld [tilespmem:s20+$0x6AB0]  }
0x12b: {  	v2 =	vld [tilespmem:s20+$0x6AF0]  }
0x12c: {  	v3 =	vld [tilespmem:s20+$0x6B30]  }
0x12d: {  	v4 =	vld [tilespmem:s20+$0x6B70]  }
0x12e: {  	v5 =	vld [tilespmem:s20+$0x6BB0]  }
0x12f: {  	v6 =	vld [tilespmem:s20+$0x6BF0]  }
0x130: {  	v7 =	vld [tilespmem:s20+$0x6C30]  }
0x131: {  	v8 =	vld [tilespmem:s20+$0x6A40]  }
0x132: {  	v9 =	vld [tilespmem:s20+$0x6A80]  }
0x133: {  	v10 =	vld [tilespmem:s20+$0x6AC0]  }
0x134: {  	v11 =	vld [tilespmem:s20+$0x6B00]  }
0x135: {  	v12 =	vld [tilespmem:s20+$0x6B40]  }
0x136: {  	v13 =	vld [tilespmem:s20+$0x6B80]  }
0x137: {  	v14 =	vld [tilespmem:s20+$0x6BC0]  }
0x138: {  	v15 =	vld [tilespmem:s20+$0x6C00]  }
0x139: {  	v56 =	vld [tilespmem:s20+$0x6A50]  }
0x13a: {  	v57 =	vld [tilespmem:s20+$0x6A90]  }
0x13b: {  	v58 =	vld [tilespmem:s20+$0x6AD0]  }
0x13c: {  	v59 =	vld [tilespmem:s20+$0x6B10]  }
0x13d: {  	v60 =	vld [tilespmem:s20+$0x6B50]  }
0x13e: {  	v61 =	vld [tilespmem:s20+$0x6B90]  }
0x13f: {  	v62 =	vld [tilespmem:s20+$0x6BD0]  }
0x140: {  	v63 =	vld [tilespmem:s20+$0x6AE0];
	v0 =	vadd.f32 v1, v0;
	v1 =	vadd.f32 v3, v2  }
0x141: {  	v2 =	vld [tilespmem:s20+$0x6C10];
	v3 =	vadd.f32 v5, v4;
	v4 =	vadd.f32 v7, v6  }
0x142: {  	v6 =	vld [tilespmem:s20+$0x6A60]  }
0x143: {  	v7 =	vld [tilespmem:s20+$0x6AA0];
	v0 =	vadd.f32 v1, v0;
	v1 =	vadd.f32 v4, v3  }
0x144: {  	v3 =	vadd.f32 v9, v8;
	v4 =	vadd.f32 v11, v10;
	v8 =	vld [tilespmem:s20+$0x6B20]  }
0x145: {  	v5 =	vadd.f32 v59, v58;
	v9 =	vld [tilespmem:s20+$0x6B60];
	v0 =	vadd.f32 v1, v0  }
0x146: {  	v11 =	vld [tilespmem:s20+$0x6BA0];
	v1 =	vadd.f32 v13, v12;
	v10 =	vadd.f32 v4, v3  }
0x147: {  	v3 =	vadd.f32 v15, v14;
	v4 =	vadd.f32 v57, v56;
	v12 =	vld [tilespmem:s20+$0x6BE0]  }
0x148: {  	s19 =	simm.s32 $0x200;
	v13 =	vadd.f32 v61, v60;
	v14 =	vld [tilespmem:s20+$0x6C20];
	v2 =	vadd.f32 v2, v62  }
0x149: {  	v1 =	vadd.f32 v3, v1;
	v3 =	vimm.f32 $0.0e+00;
	v15 =	vadd.f32 v5, v4;
	v4 =	vld [tilespmem:s19+$0x6A70]  }
0x14a: {  	v5 =	vld [tilespmem:s19+$0x6AB0];
	v0 =	vadd.f32 v0, v3;
	v2 =	vadd.f32 v2, v13  }
0x14b: {  	v13 =	vadd.f32 v8, v63;
	v8 =	vld [tilespmem:s19+$0x6B30];
	v1 =	vadd.f32 v1, v10  }
0x14c: {  	v10 =	vadd.f32 v7, v6;
	v6 =	vld [tilespmem:s19+$0x6AF0];
	v2 =	vadd.f32 v2, v15  }
0x14d: {  	v7 =	vld [tilespmem:s19+$0x6B70];
	v15 =	vadd.f32 v11, v9;
	v12 =	vadd.f32 v14, v12  }
0x14e: {  	v9 =	vld [tilespmem:s19+$0x6BB0];
	v1 =	vadd.f32 v1, v3;
	v11 =	vadd.f32 v13, v10  }
0x14f: {  	s20 =	simm.s32 $0x1000;
	v10 =	vld [tilespmem:s19+$0x6BF0];
	v2 =	vadd.f32 v2, v3;
	v12 =	vadd.f32 v12, v15  }
.LBB2_10:
0x150: {  	p2 =	sne.s32 s20, $0xC000;
	v13 =	vld [tilespmem:s19+$0x6C30]  }
0x151: {  	v14 =	vld [tilespmem:s19+$0x6A40];
	v11 =	vadd.f32 v12, v11  }
0x152: {  	v12 =	vld [tilespmem:s19+$0x6A80]  }
0x153: {  	v15 =	vld [tilespmem:s19+$0x6AC0];
	v3 =	vadd.f32 v11, v3  }
0x154: {  	v4 =	vadd.f32 v5, v4;
	v5 =	vadd.f32 v8, v6;
	v11 =	vld [tilespmem:s19+$0x6B00]  }
0x155: {  	v7 =	vadd.f32 v9, v7;
	v6 =	vld [tilespmem:s19+$0x6B40];
	v8 =	vadd.f32 v13, v10  }
0x156: {  	v9 =	vld [tilespmem:s19+$0x6B80]  }
0x157: {  	v4 =	vadd.f32 v5, v4;
	v10 =	vld [tilespmem:s19+$0x6BC0];
	v5 =	vadd.f32 v8, v7  }
0x158: {  	v8 =	vadd.f32 v12, v14;
	v7 =	vld [tilespmem:s19+$0x6C00]  }
0x159: {  	v11 =	vadd.f32 v11, v15;
	v12 =	vld [tilespmem:s19+$0x6A50];
	v4 =	vadd.f32 v5, v4  }
0x15a: {  	v5 =	vld [tilespmem:s19+$0x6A90]  }
0x15b: {  	v6 =	vadd.f32 v9, v6;
	v9 =	vld [tilespmem:s19+$0x6AD0];
	v0 =	vadd.f32 v4, v0  }
0x15c: {  	v4 =	vadd.f32 v11, v8;
	v8 =	vld [tilespmem:s19+$0x6B10]  }
0x15d: {  	v7 =	vadd.f32 v7, v10;
	v10 =	vld [tilespmem:s19+$0x6B50]  }
0x15e: {  	v11 =	vld [tilespmem:s19+$0x6B90]  }
0x15f: {  	v6 =	vadd.f32 v7, v6;
	v7 =	vld [tilespmem:s19+$0x6BD0];
	v5 =	vadd.f32 v5, v12  }
0x160: {  	v12 =	vld [tilespmem:s19+$0x6C10]  }
0x161: {  	v4 =	vadd.f32 v6, v4;
	v6 =	vadd.f32 v8, v9;
	v8 =	vld [tilespmem:s19+$0x6A60]  }
0x162: {  	v9 =	vld [tilespmem:s19+$0x6AA0]  }
0x163: {  	v10 =	vadd.f32 v11, v10;
	v5 =	vadd.f32 v6, v5;
	v6 =	vld [tilespmem:s19+$0x6AE0]  }
0x164: {  	v1 =	vadd.f32 v4, v1;
	v11 =	vld [tilespmem:s19+$0x6B20]  }
0x165: {  	v4 =	vadd.f32 v12, v7;
	v7 =	vld [tilespmem:s19+$0x6B60]  }
0x166: {  	v12 =	vld [tilespmem:s19+$0x6BA0]  }
0x167: {  	v10 =	vadd.f32 v4, v10;
	v13 =	vld [tilespmem:s19+$0x6BE0];
	v8 =	vadd.f32 v9, v8  }
0x168: {  	v9 =	vld [tilespmem:s19+$0x6C20];
	s19 =	sshra.s32 s20, $0x2  }
0x169: {  	v4 =	vld [tilespmem:s19+$0x6A70];
	v10 =	vadd.f32 v10, v5;
	v11 =	vadd.f32 v11, v6  }
0x16a: {  	v5 =	vld [tilespmem:s19+$0x6AB0]  }
.Ltmp4:
0x16b: {  	v6 =	vld [tilespmem:s19+$0x6AF0];
	v12 =	vadd.f32 v12, v7;
	v11 =	vadd.f32 v11, v8;
	(pc) =	sbr.rel @p2 .LBB2_10-.Ltmp4, $4  }
0x16c: {  	v2 =	vadd.f32 v10, v2;
	v8 =	vld [tilespmem:s19+$0x6B30]  }
0x16d: {  	v7 =	vld [tilespmem:s19+$0x6B70];
	v13 =	vadd.f32 v9, v13  }
0x16e: {  	v9 =	vld [tilespmem:s19+$0x6BB0]  }
0x16f: {  	s20 =	sadd.s32 $0x800, s20;
	v10 =	vld [tilespmem:s19+$0x6BF0];
	v12 =	vadd.f32 v13, v12  }
0x170: {  	v13 =	vld [tilespmem:s19+$0x6C30]  }
0x171: {  	v14 =	vld [tilespmem:s19+$0x6A40]  }
0x172: {  	v15 =	vld [tilespmem:s19+$0x6A80]  }
0x173: {  	v16 =	vld [tilespmem:s19+$0x6AC0]  }
0x174: {  	v17 =	vld [tilespmem:s19+$0x6B00]  }
0x175: {  	v18 =	vld [tilespmem:s19+$0x6B40]  }
0x176: {  	v19 =	vld [tilespmem:s19+$0x6B80]  }
0x177: {  	v20 =	vld [tilespmem:s19+$0x6BC0]  }
0x178: {  	v21 =	vld [tilespmem:s19+$0x6C00]  }
0x179: {  	v22 =	vld [tilespmem:s19+$0x6A50]  }
0x17a: {  	v23 =	vld [tilespmem:s19+$0x6A90]  }
0x17b: {  	v24 =	vld [tilespmem:s19+$0x6AD0]  }
0x17c: {  	v25 =	vld [tilespmem:s19+$0x6B10]  }
0x17d: {  	v26 =	vld [tilespmem:s19+$0x6B50]  }
0x17e: {  	v27 =	vld [tilespmem:s19+$0x6B90]  }
0x17f: {  	v28 =	vld [tilespmem:s19+$0x6BD0]  }
0x180: {  	v29 =	vld [tilespmem:s19+$0x6C10]  }
0x181: {  	v30 =	vld [tilespmem:s19+$0x6AA0];
	v11 =	vadd.f32 v12, v11  }
0x182: {  	v4 =	vadd.f32 v5, v4;
	v53 =	vld [tilespmem:s19+$0x6BA0];
	v5 =	vadd.f32 v8, v6  }
0x183: {  	v12 =	vld [tilespmem:s19+$0x6A60];
	v3 =	vadd.f32 v11, v3  }
0x184: {  	v6 =	vld [tilespmem:s19+$0x6B20];
	v7 =	vadd.f32 v9, v7;
	v4 =	vadd.f32 v5, v4  }
0x185: {  	v11 =	vld [tilespmem:s19+$0x6AE0];
	v8 =	vadd.f32 v15, v14;
	v14 =	vadd.f32 v17, v16  }
0x186: {  	v15 =	vld [tilespmem:s19+$0x6B60];
	v51 =	vadd.f32 v19, v18;
	v52 =	vadd.f32 v21, v20  }
0x187: {  	v9 =	vadd.f32 v13, v10;
	v10 =	vld [tilespmem:s19+$0x6BE0];
	v5 =	vadd.f32 v23, v22  }
0x188: {  	v54 =	vadd.f32 v27, v26;
	v8 =	vadd.f32 v14, v8;
	v14 =	vld [tilespmem:s19+$0x6C20]  }
0x189: {  	v55 =	vadd.f32 v29, v28;
	v13 =	vadd.f32 v52, v51  }
0x18a: {  	v12 =	vadd.f32 v30, v12;
	v7 =	vadd.f32 v9, v7  }
0x18b: {  	v6 =	vadd.f32 v6, v11;
	v8 =	vadd.f32 v13, v8  }
0x18c: {  	v13 =	vadd.f32 v25, v24;
	v4 =	vadd.f32 v7, v4  }
0x18d: {  	v11 =	vadd.f32 v53, v15;
	v10 =	vadd.f32 v14, v10  }
0x18e: {  	v5 =	vadd.f32 v13, v5;
	v13 =	vadd.f32 v55, v54  }
0x18f: {  	v6 =	vadd.f32 v6, v12;
	v10 =	vadd.f32 v10, v11  }
0x190: {  	v1 =	vadd.f32 v8, v1;
	v5 =	vadd.f32 v13, v5  }
0x191: {  	v0 =	vadd.f32 v4, v0;
	v6 =	vadd.f32 v10, v6  }
0x192: {  	[tilespmem:$0x196C0] =	vst v1;
	v2 =	vadd.f32 v5, v2  }
0x193: {  	[tilespmem:$0x196F0] =	vst v0;
	v3 =	vadd.f32 v6, v3  }
0x194: {  	[tilespmem:$0x196D0] =	vst v2  }
0x195: {  	s20 =	simm.s32 $0x0;
	[tilespmem:$0x196E0] =	vst v3  }
0x196: {  	v0 =	vld [tilespmem:s20+$0x9C70]  }
0x197: {  	v1 =	vld [tilespmem:s20+$0x9CB0]  }
0x198: {  	v2 =	vld [tilespmem:s20+$0x9CF0]  }
0x199: {  	v3 =	vld [tilespmem:s20+$0x9D30]  }
0x19a: {  	v4 =	vld [tilespmem:s20+$0x9D70]  }
0x19b: {  	v5 =	vld [tilespmem:s20+$0x9DB0]  }
0x19c: {  	v6 =	vld [tilespmem:s20+$0x9DF0]  }
0x19d: {  	v7 =	vld [tilespmem:s20+$0x9E30]  }
0x19e: {  	v8 =	vld [tilespmem:s20+$0x9C40]  }
0x19f: {  	v9 =	vld [tilespmem:s20+$0x9C80]  }
0x1a0: {  	v10 =	vld [tilespmem:s20+$0x9CC0]  }
0x1a1: {  	v11 =	vld [tilespmem:s20+$0x9D00]  }
0x1a2: {  	v12 =	vld [tilespmem:s20+$0x9D40]  }
0x1a3: {  	v13 =	vld [tilespmem:s20+$0x9D80]  }
0x1a4: {  	v14 =	vld [tilespmem:s20+$0x9DC0]  }
0x1a5: {  	v15 =	vld [tilespmem:s20+$0x9E00]  }
0x1a6: {  	v56 =	vld [tilespmem:s20+$0x9C50]  }
0x1a7: {  	v57 =	vld [tilespmem:s20+$0x9C90]  }
0x1a8: {  	v58 =	vld [tilespmem:s20+$0x9CD0]  }
0x1a9: {  	v59 =	vld [tilespmem:s20+$0x9D10]  }
0x1aa: {  	v60 =	vld [tilespmem:s20+$0x9D50]  }
0x1ab: {  	v61 =	vld [tilespmem:s20+$0x9D90]  }
0x1ac: {  	v62 =	vld [tilespmem:s20+$0x9DD0]  }
0x1ad: {  	v63 =	vld [tilespmem:s20+$0x9CE0];
	v0 =	vadd.f32 v1, v0;
	v1 =	vadd.f32 v3, v2  }
0x1ae: {  	v2 =	vld [tilespmem:s20+$0x9E10];
	v3 =	vadd.f32 v5, v4;
	v4 =	vadd.f32 v7, v6  }
0x1af: {  	v6 =	vld [tilespmem:s20+$0x9C60]  }
0x1b0: {  	v7 =	vld [tilespmem:s20+$0x9CA0];
	v0 =	vadd.f32 v1, v0;
	v1 =	vadd.f32 v4, v3  }
0x1b1: {  	v3 =	vadd.f32 v9, v8;
	v4 =	vadd.f32 v11, v10;
	v8 =	vld [tilespmem:s20+$0x9D20]  }
0x1b2: {  	v5 =	vadd.f32 v59, v58;
	v9 =	vld [tilespmem:s20+$0x9D60];
	v0 =	vadd.f32 v1, v0  }
0x1b3: {  	v11 =	vld [tilespmem:s20+$0x9DA0];
	v1 =	vadd.f32 v13, v12;
	v10 =	vadd.f32 v4, v3  }
0x1b4: {  	v3 =	vadd.f32 v15, v14;
	v4 =	vadd.f32 v57, v56;
	v12 =	vld [tilespmem:s20+$0x9DE0]  }
0x1b5: {  	s19 =	simm.s32 $0x200;
	v13 =	vadd.f32 v61, v60;
	v14 =	vld [tilespmem:s20+$0x9E20];
	v2 =	vadd.f32 v2, v62  }
0x1b6: {  	v1 =	vadd.f32 v3, v1;
	v3 =	vimm.f32 $0.0e+00;
	v15 =	vadd.f32 v5, v4;
	v4 =	vld [tilespmem:s19+$0x9C70]  }
0x1b7: {  	v5 =	vld [tilespmem:s19+$0x9CB0];
	v0 =	vadd.f32 v0, v3;
	v2 =	vadd.f32 v2, v13  }
0x1b8: {  	v13 =	vadd.f32 v8, v63;
	v8 =	vld [tilespmem:s19+$0x9D30];
	v1 =	vadd.f32 v1, v10  }
0x1b9: {  	v10 =	vadd.f32 v7, v6;
	v6 =	vld [tilespmem:s19+$0x9CF0];
	v2 =	vadd.f32 v2, v15  }
0x1ba: {  	v7 =	vld [tilespmem:s19+$0x9D70];
	v15 =	vadd.f32 v11, v9;
	v12 =	vadd.f32 v14, v12  }
0x1bb: {  	v9 =	vld [tilespmem:s19+$0x9DB0];
	v1 =	vadd.f32 v1, v3;
	v11 =	vadd.f32 v13, v10  }
0x1bc: {  	s20 =	simm.s32 $0x1000;
	v10 =	vld [tilespmem:s19+$0x9DF0];
	v2 =	vadd.f32 v2, v3;
	v12 =	vadd.f32 v12, v15  }
.LBB2_12:
0x1bd: {  	p2 =	sne.s32 s20, $0xC000;
	v13 =	vld [tilespmem:s19+$0x9E30]  }
0x1be: {  	v14 =	vld [tilespmem:s19+$0x9C40];
	v11 =	vadd.f32 v12, v11  }
0x1bf: {  	v12 =	vld [tilespmem:s19+$0x9C80]  }
0x1c0: {  	v15 =	vld [tilespmem:s19+$0x9CC0];
	v3 =	vadd.f32 v11, v3  }
0x1c1: {  	v4 =	vadd.f32 v5, v4;
	v5 =	vadd.f32 v8, v6;
	v11 =	vld [tilespmem:s19+$0x9D00]  }
0x1c2: {  	v7 =	vadd.f32 v9, v7;
	v6 =	vld [tilespmem:s19+$0x9D40];
	v8 =	vadd.f32 v13, v10  }
0x1c3: {  	v9 =	vld [tilespmem:s19+$0x9D80]  }
0x1c4: {  	v4 =	vadd.f32 v5, v4;
	v10 =	vld [tilespmem:s19+$0x9DC0];
	v5 =	vadd.f32 v8, v7  }
0x1c5: {  	v8 =	vadd.f32 v12, v14;
	v7 =	vld [tilespmem:s19+$0x9E00]  }
0x1c6: {  	v11 =	vadd.f32 v11, v15;
	v12 =	vld [tilespmem:s19+$0x9C50];
	v4 =	vadd.f32 v5, v4  }
0x1c7: {  	v5 =	vld [tilespmem:s19+$0x9C90]  }
0x1c8: {  	v6 =	vadd.f32 v9, v6;
	v9 =	vld [tilespmem:s19+$0x9CD0];
	v0 =	vadd.f32 v4, v0  }
0x1c9: {  	v4 =	vadd.f32 v11, v8;
	v8 =	vld [tilespmem:s19+$0x9D10]  }
0x1ca: {  	v7 =	vadd.f32 v7, v10;
	v10 =	vld [tilespmem:s19+$0x9D50]  }
0x1cb: {  	v11 =	vld [tilespmem:s19+$0x9D90]  }
0x1cc: {  	v6 =	vadd.f32 v7, v6;
	v7 =	vld [tilespmem:s19+$0x9DD0];
	v5 =	vadd.f32 v5, v12  }
0x1cd: {  	v12 =	vld [tilespmem:s19+$0x9E10]  }
0x1ce: {  	v4 =	vadd.f32 v6, v4;
	v6 =	vadd.f32 v8, v9;
	v8 =	vld [tilespmem:s19+$0x9C60]  }
0x1cf: {  	v9 =	vld [tilespmem:s19+$0x9CA0]  }
0x1d0: {  	v10 =	vadd.f32 v11, v10;
	v5 =	vadd.f32 v6, v5;
	v6 =	vld [tilespmem:s19+$0x9CE0]  }
0x1d1: {  	v1 =	vadd.f32 v4, v1;
	v11 =	vld [tilespmem:s19+$0x9D20]  }
0x1d2: {  	v4 =	vadd.f32 v12, v7;
	v7 =	vld [tilespmem:s19+$0x9D60]  }
0x1d3: {  	v12 =	vld [tilespmem:s19+$0x9DA0]  }
0x1d4: {  	v10 =	vadd.f32 v4, v10;
	v13 =	vld [tilespmem:s19+$0x9DE0];
	v8 =	vadd.f32 v9, v8  }
0x1d5: {  	v9 =	vld [tilespmem:s19+$0x9E20];
	s19 =	sshra.s32 s20, $0x2  }
0x1d6: {  	v4 =	vld [tilespmem:s19+$0x9C70];
	v10 =	vadd.f32 v10, v5;
	v11 =	vadd.f32 v11, v6  }
0x1d7: {  	v5 =	vld [tilespmem:s19+$0x9CB0]  }
.Ltmp5:
0x1d8: {  	v6 =	vld [tilespmem:s19+$0x9CF0];
	v12 =	vadd.f32 v12, v7;
	v11 =	vadd.f32 v11, v8;
	(pc) =	sbr.rel @p2 .LBB2_12-.Ltmp5, $4  }
0x1d9: {  	v2 =	vadd.f32 v10, v2;
	v8 =	vld [tilespmem:s19+$0x9D30]  }
0x1da: {  	v7 =	vld [tilespmem:s19+$0x9D70];
	v13 =	vadd.f32 v9, v13  }
0x1db: {  	v9 =	vld [tilespmem:s19+$0x9DB0]  }
0x1dc: {  	s20 =	sadd.s32 $0x800, s20;
	v10 =	vld [tilespmem:s19+$0x9DF0];
	v12 =	vadd.f32 v13, v12  }
0x1dd: {  	v13 =	vld [tilespmem:s19+$0x9E30]  }
0x1de: {  	v14 =	vld [tilespmem:s19+$0x9C40]  }
0x1df: {  	v15 =	vld [tilespmem:s19+$0x9C80]  }
0x1e0: {  	v16 =	vld [tilespmem:s19+$0x9CC0]  }
0x1e1: {  	v17 =	vld [tilespmem:s19+$0x9D00]  }
0x1e2: {  	v18 =	vld [tilespmem:s19+$0x9D40]  }
0x1e3: {  	v19 =	vld [tilespmem:s19+$0x9D80]  }
0x1e4: {  	v20 =	vld [tilespmem:s19+$0x9DC0]  }
0x1e5: {  	v21 =	vld [tilespmem:s19+$0x9E00]  }
0x1e6: {  	v22 =	vld [tilespmem:s19+$0x9C50]  }
0x1e7: {  	v23 =	vld [tilespmem:s19+$0x9C90]  }
0x1e8: {  	v24 =	vld [tilespmem:s19+$0x9CD0]  }
0x1e9: {  	v25 =	vld [tilespmem:s19+$0x9D10]  }
0x1ea: {  	v26 =	vld [tilespmem:s19+$0x9D50]  }
0x1eb: {  	v27 =	vld [tilespmem:s19+$0x9D90]  }
0x1ec: {  	v28 =	vld [tilespmem:s19+$0x9DD0]  }
0x1ed: {  	v29 =	vld [tilespmem:s19+$0x9E10]  }
0x1ee: {  	v30 =	vld [tilespmem:s19+$0x9CA0];
	v11 =	vadd.f32 v12, v11  }
0x1ef: {  	v4 =	vadd.f32 v5, v4;
	v53 =	vld [tilespmem:s19+$0x9DA0];
	v5 =	vadd.f32 v8, v6  }
0x1f0: {  	v12 =	vld [tilespmem:s19+$0x9C60];
	v3 =	vadd.f32 v11, v3  }
0x1f1: {  	v6 =	vld [tilespmem:s19+$0x9D20];
	v7 =	vadd.f32 v9, v7;
	v4 =	vadd.f32 v5, v4  }
0x1f2: {  	v11 =	vld [tilespmem:s19+$0x9CE0];
	v8 =	vadd.f32 v15, v14;
	v14 =	vadd.f32 v17, v16  }
0x1f3: {  	v15 =	vld [tilespmem:s19+$0x9D60];
	v51 =	vadd.f32 v19, v18;
	v52 =	vadd.f32 v21, v20  }
0x1f4: {  	v9 =	vadd.f32 v13, v10;
	v10 =	vld [tilespmem:s19+$0x9DE0];
	v5 =	vadd.f32 v23, v22  }
0x1f5: {  	v54 =	vadd.f32 v27, v26;
	v8 =	vadd.f32 v14, v8;
	v14 =	vld [tilespmem:s19+$0x9E20]  }
0x1f6: {  	v55 =	vadd.f32 v29, v28;
	v13 =	vadd.f32 v52, v51  }
0x1f7: {  	v12 =	vadd.f32 v30, v12;
	v7 =	vadd.f32 v9, v7  }
0x1f8: {  	v6 =	vadd.f32 v6, v11;
	v8 =	vadd.f32 v13, v8  }
0x1f9: {  	v13 =	vadd.f32 v25, v24;
	v4 =	vadd.f32 v7, v4  }
0x1fa: {  	v11 =	vadd.f32 v53, v15;
	v10 =	vadd.f32 v14, v10  }
0x1fb: {  	v5 =	vadd.f32 v13, v5;
	v13 =	vadd.f32 v55, v54  }
0x1fc: {  	v6 =	vadd.f32 v6, v12;
	v10 =	vadd.f32 v10, v11  }
0x1fd: {  	v1 =	vadd.f32 v8, v1;
	v5 =	vadd.f32 v13, v5  }
0x1fe: {  	v0 =	vadd.f32 v4, v0;
	v6 =	vadd.f32 v10, v6  }
0x1ff: {  	[tilespmem:$0x19700] =	vst v1;
	v2 =	vadd.f32 v5, v2  }
0x200: {  	[tilespmem:$0x19730] =	vst v0;
	v3 =	vadd.f32 v6, v3  }
0x201: {  	[tilespmem:$0x19710] =	vst v2  }
0x202: {  	s18 =	sadd.s32 s18, s8;
	[tilespmem:$0x19720] =	vst v3  }
0x203: {  	[hbm4b:s18+s2] =	stream.linear.scatter [tilespmem:s10], [sflag:$0x4], $0x100, $0x38;
	[tilespmem:$0x19840] =	vst v63  }
0x204: {  	_ =	swait.ge [sflag:s5], $0xC800  }
0x205: {  	[sflag:s5] =	ssyncset.done $0x0  }
0x206: {  	s18 =	simm.s32 @!p0 $0x3;
	[sflag:s5] =	ssyncadd.s32 $0xFFFF3800  }
0x207: {  	_ =	swait.ge @!p0 [sflag:s18], $0x320  }
0x208: {  	s20 =	simm.s32 @!p0 $0x640;
	[sflag:s18] =	ssyncset.done @!p0 $0x0  }
0x209: {  	s19 =	simm.s32 @!p0 $0x0;
	[sflag:s18] =	ssyncadd.s32 @!p0 $0xFFFFFCE0;
	s18 =	simm.s32 @!p0 $0x50  }
0x20a: {  	[tilespmem:s20], [sflag:$0x1] =	stream.indirect.gather @!p0 [hbm4b:s4+s18], $0x40, s19, s18, $0xb8;
	[tilespmem:$0x19840] =	vst v63  }
0x20b: {  	s20 =	simm.s32 @!p0 $0x1A40  }
0x20c: {  	[tilespmem:s20], [sflag:$0x1] =	stream.indirect.gather @!p0 [hbm4b:s4+s18], $0x40, s18, s18, $0xb8;
	[tilespmem:$0x19840] =	vst v63  }
0x20d: {  	s21 =	simm.s32 @!p0 $0x2E40;
	s20 =	simm.s32 @!p0 $0xA0  }
0x20e: {  	[tilespmem:s21], [sflag:$0x1] =	stream.indirect.gather @!p0 [hbm4b:s4+s18], $0x40, s20, s18, $0xb8;
	[tilespmem:$0x19840] =	vst v63  }
0x20f: {  	s20 =	simm.s32 @!p0 $0xF0;
	s21 =	simm.s32 @!p0 $0x4240  }
0x210: {  	[tilespmem:s21], [sflag:$0x1] =	stream.indirect.gather @!p0 [hbm4b:s4+s18], $0x40, s20, s18, $0xb8;
	[tilespmem:$0x19840] =	vst v63  }
0x211: {  	s20 =	simm.s32 @!p0 $0x140;
	s21 =	simm.s32 @!p0 $0x5640  }
0x212: {  	[tilespmem:s21], [sflag:$0x1] =	stream.indirect.gather @!p0 [hbm4b:s4+s18], $0x40, s20, s18, $0xb8;
	[tilespmem:$0x19840] =	vst v63  }
0x213: {  	s20 =	simm.s32 @!p0 $0x190;
	s21 =	simm.s32 @!p0 $0x6A40  }
0x214: {  	[tilespmem:s21], [sflag:$0x1] =	stream.indirect.gather @!p0 [hbm4b:s4+s18], $0x40, s20, s18, $0xb8;
	[tilespmem:$0x19840] =	vst v63  }
0x215: {  	s20 =	simm.s32 @!p0 $0x1E0;
	s21 =	simm.s32 @!p0 $0x7E40  }
0x216: {  	[tilespmem:s21], [sflag:$0x1] =	stream.indirect.gather @!p0 [hbm4b:s4+s18], $0x40, s20, s18, $0xb8;
	[tilespmem:$0x19840] =	vst v63  }
0x217: {  	s20 =	simm.s32 @!p0 $0x230;
	s21 =	simm.s32 @!p0 $0x9240  }
0x218: {  	[tilespmem:s21], [sflag:$0x1] =	stream.indirect.gather @!p0 [hbm4b:s4+s18], $0x40, s20, s18, $0xb8;
	[tilespmem:$0x19840] =	vst v63  }
0x219: {  	s17 =	sadd.s32 @!p0 s17, s9;
	s20 =	simm.s32 @!p0 $0x280;
	s21 =	simm.s32 @!p0 $0xA640  }
0x21a: {  	[tilespmem:s21], [sflag:$0x1] =	stream.indirect.gather @!p0 [hbm4b:s4+s18], $0x40, s20, s18, $0xb8;
	[tilespmem:$0x19840] =	vst v63  }
0x21b: {  	s17 =	sshrl.u32 @!p0 s17, $0x3;
	s20 =	simm.s32 @!p0 $0x2D0;
	s21 =	simm.s32 @!p0 $0xBA40  }
0x21c: {  	[tilespmem:s21], [sflag:$0x1] =	stream.indirect.gather @!p0 [hbm4b:s4+s18], $0x40, s20, s18, $0xb8;
	[tilespmem:$0x19840] =	vst v63  }
0x21d: {  	s17 =	sadd.s32 @!p0 s3, s17;
	s18 =	simm.s32 @!p0 $0x320  }
0x21e: {  	[tilespmem:s18], [sflag:$0x3] =	stream.linear.gather @!p0 [hbm4b:s17+s19], $0x320, $0x38;
	[tilespmem:$0x19840] =	vst v63  }
0x21f: {  	p0 =	por p0, !p1  }
0x220: {  	_ =	swait.ge @p0 [sflag:s14], $0x100  }
0x221: {  	[sflag:s14] =	ssyncset.done @p0 $0x0  }
0x222: {  	s21 =	simm.s32 $0x0;
	[sflag:s14] =	ssyncadd.s32 @p0 $0xFFFFFF00  }
0x223: {  	v0 =	vld [tilespmem:s21+$0xCE70]  }
0x224: {  	v1 =	vld [tilespmem:s21+$0xCEB0]  }
0x225: {  	v2 =	vld [tilespmem:s21+$0xCEF0]  }
0x226: {  	v3 =	vld [tilespmem:s21+$0xCF30]  }
0x227: {  	v4 =	vld [tilespmem:s21+$0xCF70]  }
0x228: {  	v5 =	vld [tilespmem:s21+$0xCFB0]  }
0x229: {  	v6 =	vld [tilespmem:s21+$0xCFF0]  }
0x22a: {  	v7 =	vld [tilespmem:s21+$0xD030]  }
0x22b: {  	v8 =	vld [tilespmem:s21+$0xCE40]  }
0x22c: {  	v9 =	vld [tilespmem:s21+$0xCE80]  }
0x22d: {  	v10 =	vld [tilespmem:s21+$0xCEC0]  }
0x22e: {  	v11 =	vld [tilespmem:s21+$0xCF00]  }
0x22f: {  	v12 =	vld [tilespmem:s21+$0xCF40]  }
0x230: {  	v13 =	vld [tilespmem:s21+$0xCF80]  }
0x231: {  	v14 =	vld [tilespmem:s21+$0xCFC0]  }
0x232: {  	v15 =	vld [tilespmem:s21+$0xD000]  }
0x233: {  	v56 =	vld [tilespmem:s21+$0xCE50]  }
0x234: {  	v57 =	vld [tilespmem:s21+$0xCE90]  }
0x235: {  	v58 =	vld [tilespmem:s21+$0xCED0]  }
0x236: {  	v59 =	vld [tilespmem:s21+$0xCF10]  }
0x237: {  	v60 =	vld [tilespmem:s21+$0xCF50]  }
0x238: {  	v61 =	vld [tilespmem:s21+$0xCF90]  }
0x239: {  	v62 =	vld [tilespmem:s21+$0xCFD0]  }
0x23a: {  	v63 =	vld [tilespmem:s21+$0xCEE0];
	v0 =	vadd.f32 v1, v0  }
0x23b: {  	v1 =	vadd.f32 v3, v2;
	v2 =	vld [tilespmem:s21+$0xD010];
	v3 =	vadd.f32 v5, v4  }
0x23c: {  	v4 =	vadd.f32 v7, v6;
	v6 =	vld [tilespmem:s21+$0xCE60];
	v5 =	vadd.f32 v13, v12  }
0x23d: {  	v7 =	vld [tilespmem:s21+$0xCEA0];
	v12 =	vadd.f32 v59, v58;
	v0 =	vadd.f32 v1, v0  }
0x23e: {  	v13 =	vld [tilespmem:s21+$0xCFA0];
	v1 =	vadd.f32 v4, v3;
	v3 =	vadd.f32 v9, v8  }
0x23f: {  	v4 =	vadd.f32 v11, v10;
	v8 =	vld [tilespmem:s21+$0xCF20];
	v9 =	vadd.f32 v15, v14  }
0x240: {  	v10 =	vld [tilespmem:s21+$0xCF60];
	v11 =	vadd.f32 v57, v56;
	v14 =	vadd.f32 v61, v60  }
0x241: {  	v15 =	vld [tilespmem:s21+$0xCFE0];
	v3 =	vadd.f32 v4, v3;
	v5 =	vadd.f32 v9, v5  }
0x242: {  	s17 =	simm.s32 $0x200;
	v9 =	vld [tilespmem:s21+$0xD020];
	v11 =	vadd.f32 v12, v11;
	v2 =	vadd.f32 v2, v62  }
0x243: {  	v4 =	vld [tilespmem:s17+$0xCE70];
	v0 =	vadd.f32 v1, v0;
	v12 =	vadd.f32 v7, v6  }
0x244: {  	v6 =	vld [tilespmem:s17+$0xCEF0];
	v1 =	vadd.f32 v5, v3;
	v3 =	vimm.f32 $0.0e+00;
	v2 =	vadd.f32 v2, v14  }
0x245: {  	v7 =	vld [tilespmem:s17+$0xCF70];
	v0 =	vadd.f32 v0, v3  }
0x246: {  	v5 =	vld [tilespmem:s17+$0xCEB0];
	v2 =	vadd.f32 v2, v11;
	v11 =	vadd.f32 v8, v63  }
0x247: {  	v13 =	vadd.f32 v13, v10;
	v10 =	vld [tilespmem:s17+$0xCFF0];
	v14 =	vadd.f32 v9, v15  }
0x248: {  	v1 =	vadd.f32 v1, v3;
	v8 =	vld [tilespmem:s17+$0xCF30];
	v11 =	vadd.f32 v11, v12  }
0x249: {  	s18 =	simm.s32 $0x1000;
	v9 =	vld [tilespmem:s17+$0xCFB0];
	v2 =	vadd.f32 v2, v3;
	v12 =	vadd.f32 v14, v13  }
.LBB2_14:
0x24a: {  	p0 =	sne.s32 s18, $0xC000;
	v13 =	vld [tilespmem:s17+$0xD030]  }
0x24b: {  	v14 =	vld [tilespmem:s17+$0xCE40];
	v11 =	vadd.f32 v12, v11  }
0x24c: {  	v12 =	vld [tilespmem:s17+$0xCE80]  }
0x24d: {  	v15 =	vld [tilespmem:s17+$0xCEC0];
	v3 =	vadd.f32 v11, v3  }
0x24e: {  	v4 =	vadd.f32 v5, v4;
	v5 =	vadd.f32 v8, v6;
	v11 =	vld [tilespmem:s17+$0xCF00]  }
0x24f: {  	v7 =	vadd.f32 v9, v7;
	v6 =	vld [tilespmem:s17+$0xCF40];
	v8 =	vadd.f32 v13, v10  }
0x250: {  	v9 =	vld [tilespmem:s17+$0xCF80]  }
0x251: {  	v4 =	vadd.f32 v5, v4;
	v10 =	vld [tilespmem:s17+$0xCFC0];
	v5 =	vadd.f32 v8, v7  }
0x252: {  	v8 =	vadd.f32 v12, v14;
	v7 =	vld [tilespmem:s17+$0xD000]  }
0x253: {  	v11 =	vadd.f32 v11, v15;
	v12 =	vld [tilespmem:s17+$0xCE50];
	v4 =	vadd.f32 v5, v4  }
0x254: {  	v5 =	vld [tilespmem:s17+$0xCE90]  }
0x255: {  	v6 =	vadd.f32 v9, v6;
	v9 =	vld [tilespmem:s17+$0xCED0];
	v0 =	vadd.f32 v4, v0  }
0x256: {  	v4 =	vadd.f32 v11, v8;
	v8 =	vld [tilespmem:s17+$0xCF10]  }
0x257: {  	v7 =	vadd.f32 v7, v10;
	v10 =	vld [tilespmem:s17+$0xCF50]  }
0x258: {  	v11 =	vld [tilespmem:s17+$0xCF90]  }
0x259: {  	v6 =	vadd.f32 v7, v6;
	v7 =	vld [tilespmem:s17+$0xCFD0];
	v5 =	vadd.f32 v5, v12  }
0x25a: {  	v12 =	vld [tilespmem:s17+$0xD010]  }
0x25b: {  	v4 =	vadd.f32 v6, v4;
	v6 =	vadd.f32 v8, v9;
	v8 =	vld [tilespmem:s17+$0xCE60]  }
0x25c: {  	v9 =	vld [tilespmem:s17+$0xCEA0]  }
0x25d: {  	v10 =	vadd.f32 v11, v10;
	v5 =	vadd.f32 v6, v5;
	v6 =	vld [tilespmem:s17+$0xCEE0]  }
0x25e: {  	v1 =	vadd.f32 v4, v1;
	v11 =	vld [tilespmem:s17+$0xCF20]  }
0x25f: {  	v4 =	vadd.f32 v12, v7;
	v7 =	vld [tilespmem:s17+$0xCF60]  }
0x260: {  	v12 =	vld [tilespmem:s17+$0xCFA0]  }
0x261: {  	v10 =	vadd.f32 v4, v10;
	v13 =	vld [tilespmem:s17+$0xCFE0];
	v8 =	vadd.f32 v9, v8  }
0x262: {  	v9 =	vld [tilespmem:s17+$0xD020];
	s17 =	sshra.s32 s18, $0x2  }
0x263: {  	v4 =	vld [tilespmem:s17+$0xCE70];
	v10 =	vadd.f32 v10, v5;
	v11 =	vadd.f32 v11, v6  }
0x264: {  	v5 =	vld [tilespmem:s17+$0xCEB0]  }
.Ltmp6:
0x265: {  	v6 =	vld [tilespmem:s17+$0xCEF0];
	v12 =	vadd.f32 v12, v7;
	v11 =	vadd.f32 v11, v8;
	(pc) =	sbr.rel @p0 .LBB2_14-.Ltmp6, $4  }
0x266: {  	v2 =	vadd.f32 v10, v2;
	v8 =	vld [tilespmem:s17+$0xCF30]  }
0x267: {  	v7 =	vld [tilespmem:s17+$0xCF70];
	v13 =	vadd.f32 v9, v13  }
0x268: {  	v9 =	vld [tilespmem:s17+$0xCFB0]  }
0x269: {  	s18 =	sadd.s32 $0x800, s18;
	v10 =	vld [tilespmem:s17+$0xCFF0];
	v12 =	vadd.f32 v13, v12  }
0x26a: {  	v13 =	vld [tilespmem:s17+$0xD030]  }
0x26b: {  	v14 =	vld [tilespmem:s17+$0xCE40]  }
0x26c: {  	v15 =	vld [tilespmem:s17+$0xCE80]  }
0x26d: {  	v16 =	vld [tilespmem:s17+$0xCEC0]  }
0x26e: {  	v17 =	vld [tilespmem:s17+$0xCF00]  }
0x26f: {  	v18 =	vld [tilespmem:s17+$0xCF40]  }
0x270: {  	v19 =	vld [tilespmem:s17+$0xCF80]  }
0x271: {  	v20 =	vld [tilespmem:s17+$0xCFC0]  }
0x272: {  	v21 =	vld [tilespmem:s17+$0xD000]  }
0x273: {  	v22 =	vld [tilespmem:s17+$0xCE50]  }
0x274: {  	v23 =	vld [tilespmem:s17+$0xCE90]  }
0x275: {  	v24 =	vld [tilespmem:s17+$0xCED0]  }
0x276: {  	v25 =	vld [tilespmem:s17+$0xCF10]  }
0x277: {  	v26 =	vld [tilespmem:s17+$0xCF50]  }
0x278: {  	v27 =	vld [tilespmem:s17+$0xCF90]  }
0x279: {  	v28 =	vld [tilespmem:s17+$0xCFD0]  }
0x27a: {  	v29 =	vld [tilespmem:s17+$0xD010]  }
0x27b: {  	v30 =	vld [tilespmem:s17+$0xCEA0];
	v11 =	vadd.f32 v12, v11  }
0x27c: {  	v4 =	vadd.f32 v5, v4;
	v53 =	vld [tilespmem:s17+$0xCFA0];
	v5 =	vadd.f32 v8, v6  }
0x27d: {  	v12 =	vld [tilespmem:s17+$0xCE60];
	v3 =	vadd.f32 v11, v3  }
0x27e: {  	v6 =	vld [tilespmem:s17+$0xCF20];
	v7 =	vadd.f32 v9, v7;
	v4 =	vadd.f32 v5, v4  }
0x27f: {  	v11 =	vld [tilespmem:s17+$0xCEE0];
	v8 =	vadd.f32 v15, v14;
	v14 =	vadd.f32 v17, v16  }
0x280: {  	v15 =	vld [tilespmem:s17+$0xCF60];
	v51 =	vadd.f32 v19, v18;
	v52 =	vadd.f32 v21, v20  }
0x281: {  	v9 =	vadd.f32 v13, v10;
	v10 =	vld [tilespmem:s17+$0xCFE0];
	v5 =	vadd.f32 v23, v22  }
0x282: {  	v54 =	vadd.f32 v27, v26;
	v8 =	vadd.f32 v14, v8;
	v14 =	vld [tilespmem:s17+$0xD020]  }
0x283: {  	v55 =	vadd.f32 v29, v28;
	v13 =	vadd.f32 v52, v51  }
0x284: {  	v12 =	vadd.f32 v30, v12;
	v7 =	vadd.f32 v9, v7  }
0x285: {  	v6 =	vadd.f32 v6, v11;
	v8 =	vadd.f32 v13, v8  }
0x286: {  	v13 =	vadd.f32 v25, v24;
	v4 =	vadd.f32 v7, v4  }
0x287: {  	v11 =	vadd.f32 v53, v15;
	v10 =	vadd.f32 v14, v10  }
0x288: {  	v5 =	vadd.f32 v13, v5;
	v13 =	vadd.f32 v55, v54  }
0x289: {  	v6 =	vadd.f32 v6, v12;
	v10 =	vadd.f32 v10, v11  }
0x28a: {  	v1 =	vadd.f32 v8, v1;
	v5 =	vadd.f32 v13, v5  }
0x28b: {  	v0 =	vadd.f32 v4, v0;
	v6 =	vadd.f32 v10, v6  }
0x28c: {  	[tilespmem:$0x19740] =	vst v1;
	v2 =	vadd.f32 v5, v2  }
0x28d: {  	[tilespmem:$0x19770] =	vst v0;
	v3 =	vadd.f32 v6, v3  }
0x28e: {  	[tilespmem:$0x19750] =	vst v2  }
0x28f: {  	s18 =	simm.s32 $0x0;
	[tilespmem:$0x19760] =	vst v3  }
0x290: {  	v0 =	vld [tilespmem:s18+$0x10070]  }
0x291: {  	v1 =	vld [tilespmem:s18+$0x100B0]  }
0x292: {  	v2 =	vld [tilespmem:s18+$0x100F0]  }
0x293: {  	v3 =	vld [tilespmem:s18+$0x10130]  }
0x294: {  	v4 =	vld [tilespmem:s18+$0x10170]  }
0x295: {  	v5 =	vld [tilespmem:s18+$0x101B0]  }
0x296: {  	v6 =	vld [tilespmem:s18+$0x101F0]  }
0x297: {  	v7 =	vld [tilespmem:s18+$0x10230]  }
0x298: {  	v8 =	vld [tilespmem:s18+$0x10040]  }
0x299: {  	v9 =	vld [tilespmem:s18+$0x10080]  }
0x29a: {  	v10 =	vld [tilespmem:s18+$0x100C0]  }
0x29b: {  	v11 =	vld [tilespmem:s18+$0x10100]  }
0x29c: {  	v12 =	vld [tilespmem:s18+$0x10140]  }
0x29d: {  	v13 =	vld [tilespmem:s18+$0x10180]  }
0x29e: {  	v14 =	vld [tilespmem:s18+$0x101C0]  }
0x29f: {  	v15 =	vld [tilespmem:s18+$0x10200]  }
0x2a0: {  	v56 =	vld [tilespmem:s18+$0x10050]  }
0x2a1: {  	v57 =	vld [tilespmem:s18+$0x10090]  }
0x2a2: {  	v58 =	vld [tilespmem:s18+$0x100D0]  }
0x2a3: {  	v59 =	vld [tilespmem:s18+$0x10110]  }
0x2a4: {  	v60 =	vld [tilespmem:s18+$0x10150]  }
0x2a5: {  	v61 =	vld [tilespmem:s18+$0x10190]  }
0x2a6: {  	v62 =	vld [tilespmem:s18+$0x101D0]  }
0x2a7: {  	v63 =	vld [tilespmem:s18+$0x100E0];
	v0 =	vadd.f32 v1, v0;
	v1 =	vadd.f32 v3, v2  }
0x2a8: {  	v2 =	vld [tilespmem:s18+$0x10210];
	v3 =	vadd.f32 v5, v4;
	v4 =	vadd.f32 v7, v6  }
0x2a9: {  	v6 =	vld [tilespmem:s18+$0x10060]  }
0x2aa: {  	v7 =	vld [tilespmem:s18+$0x100A0];
	v0 =	vadd.f32 v1, v0;
	v1 =	vadd.f32 v4, v3  }
0x2ab: {  	v3 =	vadd.f32 v9, v8;
	v4 =	vadd.f32 v11, v10;
	v8 =	vld [tilespmem:s18+$0x10120]  }
0x2ac: {  	v5 =	vadd.f32 v59, v58;
	v9 =	vld [tilespmem:s18+$0x10160];
	v0 =	vadd.f32 v1, v0  }
0x2ad: {  	v11 =	vld [tilespmem:s18+$0x101A0];
	v1 =	vadd.f32 v13, v12;
	v10 =	vadd.f32 v4, v3  }
0x2ae: {  	v3 =	vadd.f32 v15, v14;
	v4 =	vadd.f32 v57, v56;
	v12 =	vld [tilespmem:s18+$0x101E0]  }
0x2af: {  	s17 =	simm.s32 $0x200;
	v13 =	vadd.f32 v61, v60;
	v14 =	vld [tilespmem:s18+$0x10220];
	v2 =	vadd.f32 v2, v62  }
0x2b0: {  	v1 =	vadd.f32 v3, v1;
	v3 =	vimm.f32 $0.0e+00;
	v15 =	vadd.f32 v5, v4;
	v4 =	vld [tilespmem:s17+$0x10070]  }
0x2b1: {  	v5 =	vld [tilespmem:s17+$0x100B0];
	v0 =	vadd.f32 v0, v3;
	v2 =	vadd.f32 v2, v13  }
0x2b2: {  	v13 =	vadd.f32 v8, v63;
	v8 =	vld [tilespmem:s17+$0x10130];
	v1 =	vadd.f32 v1, v10  }
0x2b3: {  	v10 =	vadd.f32 v7, v6;
	v6 =	vld [tilespmem:s17+$0x100F0];
	v2 =	vadd.f32 v2, v15  }
0x2b4: {  	v7 =	vld [tilespmem:s17+$0x10170];
	v15 =	vadd.f32 v11, v9;
	v12 =	vadd.f32 v14, v12  }
0x2b5: {  	v9 =	vld [tilespmem:s17+$0x101B0];
	v1 =	vadd.f32 v1, v3;
	v11 =	vadd.f32 v13, v10  }
0x2b6: {  	s18 =	simm.s32 $0x1000;
	v10 =	vld [tilespmem:s17+$0x101F0];
	v2 =	vadd.f32 v2, v3;
	v12 =	vadd.f32 v12, v15  }
.LBB2_16:
0x2b7: {  	p0 =	sne.s32 s18, $0xC000;
	v13 =	vld [tilespmem:s17+$0x10230]  }
0x2b8: {  	v14 =	vld [tilespmem:s17+$0x10040];
	v11 =	vadd.f32 v12, v11  }
0x2b9: {  	v12 =	vld [tilespmem:s17+$0x10080]  }
0x2ba: {  	v15 =	vld [tilespmem:s17+$0x100C0];
	v3 =	vadd.f32 v11, v3  }
0x2bb: {  	v4 =	vadd.f32 v5, v4;
	v5 =	vadd.f32 v8, v6;
	v11 =	vld [tilespmem:s17+$0x10100]  }
0x2bc: {  	v7 =	vadd.f32 v9, v7;
	v6 =	vld [tilespmem:s17+$0x10140];
	v8 =	vadd.f32 v13, v10  }
0x2bd: {  	v9 =	vld [tilespmem:s17+$0x10180]  }
0x2be: {  	v4 =	vadd.f32 v5, v4;
	v10 =	vld [tilespmem:s17+$0x101C0];
	v5 =	vadd.f32 v8, v7  }
0x2bf: {  	v8 =	vadd.f32 v12, v14;
	v7 =	vld [tilespmem:s17+$0x10200]  }
0x2c0: {  	v11 =	vadd.f32 v11, v15;
	v12 =	vld [tilespmem:s17+$0x10050];
	v4 =	vadd.f32 v5, v4  }
0x2c1: {  	v5 =	vld [tilespmem:s17+$0x10090]  }
0x2c2: {  	v6 =	vadd.f32 v9, v6;
	v9 =	vld [tilespmem:s17+$0x100D0];
	v0 =	vadd.f32 v4, v0  }
0x2c3: {  	v4 =	vadd.f32 v11, v8;
	v8 =	vld [tilespmem:s17+$0x10110]  }
0x2c4: {  	v7 =	vadd.f32 v7, v10;
	v10 =	vld [tilespmem:s17+$0x10150]  }
0x2c5: {  	v11 =	vld [tilespmem:s17+$0x10190]  }
0x2c6: {  	v6 =	vadd.f32 v7, v6;
	v7 =	vld [tilespmem:s17+$0x101D0];
	v5 =	vadd.f32 v5, v12  }
0x2c7: {  	v12 =	vld [tilespmem:s17+$0x10210]  }
0x2c8: {  	v4 =	vadd.f32 v6, v4;
	v6 =	vadd.f32 v8, v9;
	v8 =	vld [tilespmem:s17+$0x10060]  }
0x2c9: {  	v9 =	vld [tilespmem:s17+$0x100A0]  }
0x2ca: {  	v10 =	vadd.f32 v11, v10;
	v5 =	vadd.f32 v6, v5;
	v6 =	vld [tilespmem:s17+$0x100E0]  }
0x2cb: {  	v1 =	vadd.f32 v4, v1;
	v11 =	vld [tilespmem:s17+$0x10120]  }
0x2cc: {  	v4 =	vadd.f32 v12, v7;
	v7 =	vld [tilespmem:s17+$0x10160]  }
0x2cd: {  	v12 =	vld [tilespmem:s17+$0x101A0]  }
0x2ce: {  	v10 =	vadd.f32 v4, v10;
	v13 =	vld [tilespmem:s17+$0x101E0];
	v8 =	vadd.f32 v9, v8  }
0x2cf: {  	v9 =	vld [tilespmem:s17+$0x10220];
	s17 =	sshra.s32 s18, $0x2  }
0x2d0: {  	v4 =	vld [tilespmem:s17+$0x10070];
	v10 =	vadd.f32 v10, v5;
	v11 =	vadd.f32 v11, v6  }
0x2d1: {  	v5 =	vld [tilespmem:s17+$0x100B0]  }
.Ltmp7:
0x2d2: {  	v6 =	vld [tilespmem:s17+$0x100F0];
	v12 =	vadd.f32 v12, v7;
	v11 =	vadd.f32 v11, v8;
	(pc) =	sbr.rel @p0 .LBB2_16-.Ltmp7, $4  }
0x2d3: {  	v2 =	vadd.f32 v10, v2;
	v8 =	vld [tilespmem:s17+$0x10130]  }
0x2d4: {  	v7 =	vld [tilespmem:s17+$0x10170];
	v13 =	vadd.f32 v9, v13  }
0x2d5: {  	v9 =	vld [tilespmem:s17+$0x101B0]  }
0x2d6: {  	s18 =	sadd.s32 $0x800, s18;
	v10 =	vld [tilespmem:s17+$0x101F0];
	v12 =	vadd.f32 v13, v12  }
0x2d7: {  	v13 =	vld [tilespmem:s17+$0x10230]  }
0x2d8: {  	v14 =	vld [tilespmem:s17+$0x10040]  }
0x2d9: {  	v15 =	vld [tilespmem:s17+$0x10080]  }
0x2da: {  	v16 =	vld [tilespmem:s17+$0x100C0]  }
0x2db: {  	v17 =	vld [tilespmem:s17+$0x10100]  }
0x2dc: {  	v18 =	vld [tilespmem:s17+$0x10140]  }
0x2dd: {  	v19 =	vld [tilespmem:s17+$0x10180]  }
0x2de: {  	v20 =	vld [tilespmem:s17+$0x101C0]  }
0x2df: {  	v21 =	vld [tilespmem:s17+$0x10200]  }
0x2e0: {  	v22 =	vld [tilespmem:s17+$0x10050]  }
0x2e1: {  	v23 =	vld [tilespmem:s17+$0x10090]  }
0x2e2: {  	v24 =	vld [tilespmem:s17+$0x100D0]  }
0x2e3: {  	v25 =	vld [tilespmem:s17+$0x10110]  }
0x2e4: {  	v26 =	vld [tilespmem:s17+$0x10150]  }
0x2e5: {  	v27 =	vld [tilespmem:s17+$0x10190]  }
0x2e6: {  	v28 =	vld [tilespmem:s17+$0x101D0]  }
0x2e7: {  	v29 =	vld [tilespmem:s17+$0x10210]  }
0x2e8: {  	v30 =	vld [tilespmem:s17+$0x100A0];
	v11 =	vadd.f32 v12, v11  }
0x2e9: {  	v4 =	vadd.f32 v5, v4;
	v53 =	vld [tilespmem:s17+$0x101A0];
	v5 =	vadd.f32 v8, v6  }
0x2ea: {  	v12 =	vld [tilespmem:s17+$0x10060];
	v3 =	vadd.f32 v11, v3  }
0x2eb: {  	v6 =	vld [tilespmem:s17+$0x10120];
	v7 =	vadd.f32 v9, v7;
	v4 =	vadd.f32 v5, v4  }
0x2ec: {  	v11 =	vld [tilespmem:s17+$0x100E0];
	v8 =	vadd.f32 v15, v14;
	v14 =	vadd.f32 v17, v16  }
0x2ed: {  	v15 =	vld [tilespmem:s17+$0x10160];
	v51 =	vadd.f32 v19, v18;
	v52 =	vadd.f32 v21, v20  }
0x2ee: {  	v9 =	vadd.f32 v13, v10;
	v10 =	vld [tilespmem:s17+$0x101E0];
	v5 =	vadd.f32 v23, v22  }
0x2ef: {  	v54 =	vadd.f32 v27, v26;
	v8 =	vadd.f32 v14, v8;
	v14 =	vld [tilespmem:s17+$0x10220]  }
0x2f0: {  	v55 =	vadd.f32 v29, v28;
	v13 =	vadd.f32 v52, v51  }
0x2f1: {  	v12 =	vadd.f32 v30, v12;
	v7 =	vadd.f32 v9, v7  }
0x2f2: {  	v6 =	vadd.f32 v6, v11;
	v8 =	vadd.f32 v13, v8  }
0x2f3: {  	v13 =	vadd.f32 v25, v24;
	v4 =	vadd.f32 v7, v4  }
0x2f4: {  	v11 =	vadd.f32 v53, v15;
	v10 =	vadd.f32 v14, v10  }
0x2f5: {  	v5 =	vadd.f32 v13, v5;
	v13 =	vadd.f32 v55, v54  }
0x2f6: {  	v6 =	vadd.f32 v6, v12;
	v10 =	vadd.f32 v10, v11  }
0x2f7: {  	v1 =	vadd.f32 v8, v1;
	v5 =	vadd.f32 v13, v5  }
0x2f8: {  	v0 =	vadd.f32 v4, v0;
	v6 =	vadd.f32 v10, v6  }
0x2f9: {  	[tilespmem:$0x19780] =	vst v1;
	v2 =	vadd.f32 v5, v2  }
0x2fa: {  	[tilespmem:$0x197B0] =	vst v0;
	v3 =	vadd.f32 v6, v3  }
0x2fb: {  	[tilespmem:$0x19790] =	vst v2  }
0x2fc: {  	s18 =	simm.s32 $0x0;
	[tilespmem:$0x197A0] =	vst v3  }
0x2fd: {  	v0 =	vld [tilespmem:s18+$0x13270]  }
0x2fe: {  	v1 =	vld [tilespmem:s18+$0x132B0]  }
0x2ff: {  	v2 =	vld [tilespmem:s18+$0x132F0]  }
0x300: {  	v3 =	vld [tilespmem:s18+$0x13330]  }
0x301: {  	v4 =	vld [tilespmem:s18+$0x13370]  }
0x302: {  	v5 =	vld [tilespmem:s18+$0x133B0]  }
0x303: {  	v6 =	vld [tilespmem:s18+$0x133F0]  }
0x304: {  	v7 =	vld [tilespmem:s18+$0x13430]  }
0x305: {  	v8 =	vld [tilespmem:s18+$0x13240]  }
0x306: {  	v9 =	vld [tilespmem:s18+$0x13280]  }
0x307: {  	v10 =	vld [tilespmem:s18+$0x132C0]  }
0x308: {  	v11 =	vld [tilespmem:s18+$0x13300]  }
0x309: {  	v12 =	vld [tilespmem:s18+$0x13340]  }
0x30a: {  	v13 =	vld [tilespmem:s18+$0x13380]  }
0x30b: {  	v14 =	vld [tilespmem:s18+$0x133C0]  }
0x30c: {  	v15 =	vld [tilespmem:s18+$0x13400]  }
0x30d: {  	v56 =	vld [tilespmem:s18+$0x13250]  }
0x30e: {  	v57 =	vld [tilespmem:s18+$0x13290]  }
0x30f: {  	v58 =	vld [tilespmem:s18+$0x132D0]  }
0x310: {  	v59 =	vld [tilespmem:s18+$0x13310]  }
0x311: {  	v60 =	vld [tilespmem:s18+$0x13350]  }
0x312: {  	v61 =	vld [tilespmem:s18+$0x13390]  }
0x313: {  	v62 =	vld [tilespmem:s18+$0x133D0]  }
0x314: {  	v63 =	vld [tilespmem:s18+$0x132E0];
	v0 =	vadd.f32 v1, v0;
	v1 =	vadd.f32 v3, v2  }
0x315: {  	v2 =	vld [tilespmem:s18+$0x13410];
	v3 =	vadd.f32 v5, v4;
	v4 =	vadd.f32 v7, v6  }
0x316: {  	v6 =	vld [tilespmem:s18+$0x13260]  }
0x317: {  	v7 =	vld [tilespmem:s18+$0x132A0];
	v0 =	vadd.f32 v1, v0;
	v1 =	vadd.f32 v4, v3  }
0x318: {  	v3 =	vadd.f32 v9, v8;
	v4 =	vadd.f32 v11, v10;
	v8 =	vld [tilespmem:s18+$0x13320]  }
0x319: {  	v5 =	vadd.f32 v59, v58;
	v9 =	vld [tilespmem:s18+$0x13360];
	v0 =	vadd.f32 v1, v0  }
0x31a: {  	v11 =	vld [tilespmem:s18+$0x133A0];
	v1 =	vadd.f32 v13, v12;
	v10 =	vadd.f32 v4, v3  }
0x31b: {  	v3 =	vadd.f32 v15, v14;
	v4 =	vadd.f32 v57, v56;
	v12 =	vld [tilespmem:s18+$0x133E0]  }
0x31c: {  	s17 =	simm.s32 $0x200;
	v13 =	vadd.f32 v61, v60;
	v14 =	vld [tilespmem:s18+$0x13420];
	v2 =	vadd.f32 v2, v62  }
0x31d: {  	v1 =	vadd.f32 v3, v1;
	v3 =	vimm.f32 $0.0e+00;
	v15 =	vadd.f32 v5, v4;
	v4 =	vld [tilespmem:s17+$0x13270]  }
0x31e: {  	v5 =	vld [tilespmem:s17+$0x132B0];
	v0 =	vadd.f32 v0, v3;
	v2 =	vadd.f32 v2, v13  }
0x31f: {  	v13 =	vadd.f32 v8, v63;
	v8 =	vld [tilespmem:s17+$0x13330];
	v1 =	vadd.f32 v1, v10  }
0x320: {  	v10 =	vadd.f32 v7, v6;
	v6 =	vld [tilespmem:s17+$0x132F0];
	v2 =	vadd.f32 v2, v15  }
0x321: {  	v7 =	vld [tilespmem:s17+$0x13370];
	v15 =	vadd.f32 v11, v9;
	v12 =	vadd.f32 v14, v12  }
0x322: {  	v9 =	vld [tilespmem:s17+$0x133B0];
	v1 =	vadd.f32 v1, v3;
	v11 =	vadd.f32 v13, v10  }
0x323: {  	s18 =	simm.s32 $0x1000;
	v10 =	vld [tilespmem:s17+$0x133F0];
	v2 =	vadd.f32 v2, v3;
	v12 =	vadd.f32 v12, v15  }
.LBB2_18:
0x324: {  	p0 =	sne.s32 s18, $0xC000;
	v13 =	vld [tilespmem:s17+$0x13430]  }
0x325: {  	v14 =	vld [tilespmem:s17+$0x13240];
	v11 =	vadd.f32 v12, v11  }
0x326: {  	v12 =	vld [tilespmem:s17+$0x13280]  }
0x327: {  	v15 =	vld [tilespmem:s17+$0x132C0];
	v3 =	vadd.f32 v11, v3  }
0x328: {  	v4 =	vadd.f32 v5, v4;
	v5 =	vadd.f32 v8, v6;
	v11 =	vld [tilespmem:s17+$0x13300]  }
0x329: {  	v7 =	vadd.f32 v9, v7;
	v6 =	vld [tilespmem:s17+$0x13340];
	v8 =	vadd.f32 v13, v10  }
0x32a: {  	v9 =	vld [tilespmem:s17+$0x13380]  }
0x32b: {  	v4 =	vadd.f32 v5, v4;
	v10 =	vld [tilespmem:s17+$0x133C0];
	v5 =	vadd.f32 v8, v7  }
0x32c: {  	v8 =	vadd.f32 v12, v14;
	v7 =	vld [tilespmem:s17+$0x13400]  }
0x32d: {  	v11 =	vadd.f32 v11, v15;
	v12 =	vld [tilespmem:s17+$0x13250];
	v4 =	vadd.f32 v5, v4  }
0x32e: {  	v5 =	vld [tilespmem:s17+$0x13290]  }
0x32f: {  	v6 =	vadd.f32 v9, v6;
	v9 =	vld [tilespmem:s17+$0x132D0];
	v0 =	vadd.f32 v4, v0  }
0x330: {  	v4 =	vadd.f32 v11, v8;
	v8 =	vld [tilespmem:s17+$0x13310]  }
0x331: {  	v7 =	vadd.f32 v7, v10;
	v10 =	vld [tilespmem:s17+$0x13350]  }
0x332: {  	v11 =	vld [tilespmem:s17+$0x13390]  }
0x333: {  	v6 =	vadd.f32 v7, v6;
	v7 =	vld [tilespmem:s17+$0x133D0];
	v5 =	vadd.f32 v5, v12  }
0x334: {  	v12 =	vld [tilespmem:s17+$0x13410]  }
0x335: {  	v4 =	vadd.f32 v6, v4;
	v6 =	vadd.f32 v8, v9;
	v8 =	vld [tilespmem:s17+$0x13260]  }
0x336: {  	v9 =	vld [tilespmem:s17+$0x132A0]  }
0x337: {  	v10 =	vadd.f32 v11, v10;
	v5 =	vadd.f32 v6, v5;
	v6 =	vld [tilespmem:s17+$0x132E0]  }
0x338: {  	v1 =	vadd.f32 v4, v1;
	v11 =	vld [tilespmem:s17+$0x13320]  }
0x339: {  	v4 =	vadd.f32 v12, v7;
	v7 =	vld [tilespmem:s17+$0x13360]  }
0x33a: {  	v12 =	vld [tilespmem:s17+$0x133A0]  }
0x33b: {  	v10 =	vadd.f32 v4, v10;
	v13 =	vld [tilespmem:s17+$0x133E0];
	v8 =	vadd.f32 v9, v8  }
0x33c: {  	v9 =	vld [tilespmem:s17+$0x13420];
	s17 =	sshra.s32 s18, $0x2  }
0x33d: {  	v4 =	vld [tilespmem:s17+$0x13270];
	v10 =	vadd.f32 v10, v5;
	v11 =	vadd.f32 v11, v6  }
0x33e: {  	v5 =	vld [tilespmem:s17+$0x132B0]  }
.Ltmp8:
0x33f: {  	v6 =	vld [tilespmem:s17+$0x132F0];
	v12 =	vadd.f32 v12, v7;
	v11 =	vadd.f32 v11, v8;
	(pc) =	sbr.rel @p0 .LBB2_18-.Ltmp8, $4  }
0x340: {  	v2 =	vadd.f32 v10, v2;
	v8 =	vld [tilespmem:s17+$0x13330]  }
0x341: {  	v7 =	vld [tilespmem:s17+$0x13370];
	v13 =	vadd.f32 v9, v13  }
0x342: {  	v9 =	vld [tilespmem:s17+$0x133B0]  }
0x343: {  	s18 =	sadd.s32 $0x800, s18;
	v10 =	vld [tilespmem:s17+$0x133F0];
	v12 =	vadd.f32 v13, v12  }
0x344: {  	v13 =	vld [tilespmem:s17+$0x13430]  }
0x345: {  	v14 =	vld [tilespmem:s17+$0x13240]  }
0x346: {  	v15 =	vld [tilespmem:s17+$0x13280]  }
0x347: {  	v16 =	vld [tilespmem:s17+$0x132C0]  }
0x348: {  	v17 =	vld [tilespmem:s17+$0x13300]  }
0x349: {  	v18 =	vld [tilespmem:s17+$0x13340]  }
0x34a: {  	v19 =	vld [tilespmem:s17+$0x13380]  }
0x34b: {  	v20 =	vld [tilespmem:s17+$0x133C0]  }
0x34c: {  	v21 =	vld [tilespmem:s17+$0x13400]  }
0x34d: {  	v22 =	vld [tilespmem:s17+$0x13250]  }
0x34e: {  	v23 =	vld [tilespmem:s17+$0x13290]  }
0x34f: {  	v24 =	vld [tilespmem:s17+$0x132D0]  }
0x350: {  	v25 =	vld [tilespmem:s17+$0x13310]  }
0x351: {  	v26 =	vld [tilespmem:s17+$0x13350]  }
0x352: {  	v27 =	vld [tilespmem:s17+$0x13390]  }
0x353: {  	v28 =	vld [tilespmem:s17+$0x133D0]  }
0x354: {  	v29 =	vld [tilespmem:s17+$0x13410]  }
0x355: {  	v30 =	vld [tilespmem:s17+$0x132A0];
	v11 =	vadd.f32 v12, v11  }
0x356: {  	v4 =	vadd.f32 v5, v4;
	v53 =	vld [tilespmem:s17+$0x133A0];
	v5 =	vadd.f32 v8, v6  }
0x357: {  	v12 =	vld [tilespmem:s17+$0x13260];
	v3 =	vadd.f32 v11, v3  }
0x358: {  	v6 =	vld [tilespmem:s17+$0x13320];
	v7 =	vadd.f32 v9, v7;
	v4 =	vadd.f32 v5, v4  }
0x359: {  	v11 =	vld [tilespmem:s17+$0x132E0];
	v8 =	vadd.f32 v15, v14;
	v14 =	vadd.f32 v17, v16  }
0x35a: {  	v15 =	vld [tilespmem:s17+$0x13360];
	v51 =	vadd.f32 v19, v18;
	v52 =	vadd.f32 v21, v20  }
0x35b: {  	v9 =	vadd.f32 v13, v10;
	v10 =	vld [tilespmem:s17+$0x133E0];
	v5 =	vadd.f32 v23, v22  }
0x35c: {  	v54 =	vadd.f32 v27, v26;
	v8 =	vadd.f32 v14, v8;
	v14 =	vld [tilespmem:s17+$0x13420]  }
0x35d: {  	v55 =	vadd.f32 v29, v28;
	v13 =	vadd.f32 v52, v51  }
0x35e: {  	v12 =	vadd.f32 v30, v12;
	v7 =	vadd.f32 v9, v7  }
0x35f: {  	v6 =	vadd.f32 v6, v11;
	v8 =	vadd.f32 v13, v8  }
0x360: {  	v13 =	vadd.f32 v25, v24;
	v4 =	vadd.f32 v7, v4  }
0x361: {  	v11 =	vadd.f32 v53, v15;
	v10 =	vadd.f32 v14, v10  }
0x362: {  	v5 =	vadd.f32 v13, v5;
	v13 =	vadd.f32 v55, v54  }
0x363: {  	v6 =	vadd.f32 v6, v12;
	v10 =	vadd.f32 v10, v11  }
0x364: {  	v1 =	vadd.f32 v8, v1;
	v5 =	vadd.f32 v13, v5  }
0x365: {  	v0 =	vadd.f32 v4, v0;
	v6 =	vadd.f32 v10, v6  }
0x366: {  	[tilespmem:$0x197C0] =	vst v1;
	v2 =	vadd.f32 v5, v2  }
0x367: {  	[tilespmem:$0x197F0] =	vst v0;
	v3 =	vadd.f32 v6, v3  }
0x368: {  	[tilespmem:$0x197D0] =	vst v2  }
0x369: {  	s18 =	simm.s32 $0x0;
	[tilespmem:$0x197E0] =	vst v3  }
0x36a: {  	v0 =	vld [tilespmem:s18+$0x16470]  }
0x36b: {  	v1 =	vld [tilespmem:s18+$0x164B0]  }
0x36c: {  	v2 =	vld [tilespmem:s18+$0x164F0]  }
0x36d: {  	v3 =	vld [tilespmem:s18+$0x16530]  }
0x36e: {  	v4 =	vld [tilespmem:s18+$0x16570]  }
0x36f: {  	v5 =	vld [tilespmem:s18+$0x165B0]  }
0x370: {  	v6 =	vld [tilespmem:s18+$0x165F0]  }
0x371: {  	v7 =	vld [tilespmem:s18+$0x16630]  }
0x372: {  	v8 =	vld [tilespmem:s18+$0x16440]  }
0x373: {  	v9 =	vld [tilespmem:s18+$0x16480]  }
0x374: {  	v10 =	vld [tilespmem:s18+$0x164C0]  }
0x375: {  	v11 =	vld [tilespmem:s18+$0x16500]  }
0x376: {  	v12 =	vld [tilespmem:s18+$0x16540]  }
0x377: {  	v13 =	vld [tilespmem:s18+$0x16580]  }
0x378: {  	v14 =	vld [tilespmem:s18+$0x165C0]  }
0x379: {  	v15 =	vld [tilespmem:s18+$0x16600]  }
0x37a: {  	v56 =	vld [tilespmem:s18+$0x16450]  }
0x37b: {  	v57 =	vld [tilespmem:s18+$0x16490]  }
0x37c: {  	v58 =	vld [tilespmem:s18+$0x164D0]  }
0x37d: {  	v59 =	vld [tilespmem:s18+$0x16510]  }
0x37e: {  	v60 =	vld [tilespmem:s18+$0x16550]  }
0x37f: {  	v61 =	vld [tilespmem:s18+$0x16590]  }
0x380: {  	v62 =	vld [tilespmem:s18+$0x165D0]  }
0x381: {  	v63 =	vld [tilespmem:s18+$0x164E0];
	v0 =	vadd.f32 v1, v0;
	v1 =	vadd.f32 v3, v2  }
0x382: {  	v2 =	vld [tilespmem:s18+$0x16610];
	v3 =	vadd.f32 v5, v4;
	v4 =	vadd.f32 v7, v6  }
0x383: {  	v6 =	vld [tilespmem:s18+$0x16460]  }
0x384: {  	v7 =	vld [tilespmem:s18+$0x164A0];
	v0 =	vadd.f32 v1, v0;
	v1 =	vadd.f32 v4, v3  }
0x385: {  	v3 =	vadd.f32 v9, v8;
	v4 =	vadd.f32 v11, v10;
	v8 =	vld [tilespmem:s18+$0x16520]  }
0x386: {  	v5 =	vadd.f32 v59, v58;
	v9 =	vld [tilespmem:s18+$0x16560];
	v0 =	vadd.f32 v1, v0  }
0x387: {  	v11 =	vld [tilespmem:s18+$0x165A0];
	v1 =	vadd.f32 v13, v12;
	v10 =	vadd.f32 v4, v3  }
0x388: {  	v3 =	vadd.f32 v15, v14;
	v4 =	vadd.f32 v57, v56;
	v12 =	vld [tilespmem:s18+$0x165E0]  }
0x389: {  	s17 =	simm.s32 $0x200;
	v13 =	vadd.f32 v61, v60;
	v14 =	vld [tilespmem:s18+$0x16620];
	v2 =	vadd.f32 v2, v62  }
0x38a: {  	v1 =	vadd.f32 v3, v1;
	v3 =	vimm.f32 $0.0e+00;
	v15 =	vadd.f32 v5, v4;
	v4 =	vld [tilespmem:s17+$0x16470]  }
0x38b: {  	v5 =	vld [tilespmem:s17+$0x164B0];
	v0 =	vadd.f32 v0, v3;
	v2 =	vadd.f32 v2, v13  }
0x38c: {  	v13 =	vadd.f32 v8, v63;
	v8 =	vld [tilespmem:s17+$0x16530];
	v1 =	vadd.f32 v1, v10  }
0x38d: {  	v10 =	vadd.f32 v7, v6;
	v6 =	vld [tilespmem:s17+$0x164F0];
	v2 =	vadd.f32 v2, v15  }
0x38e: {  	v7 =	vld [tilespmem:s17+$0x16570];
	v15 =	vadd.f32 v11, v9;
	v12 =	vadd.f32 v14, v12  }
0x38f: {  	v9 =	vld [tilespmem:s17+$0x165B0];
	v1 =	vadd.f32 v1, v3;
	v11 =	vadd.f32 v13, v10  }
0x390: {  	s18 =	simm.s32 $0x1000;
	v10 =	vld [tilespmem:s17+$0x165F0];
	v2 =	vadd.f32 v2, v3;
	v12 =	vadd.f32 v12, v15  }
.LBB2_20:
0x391: {  	p0 =	sne.s32 s18, $0xC000;
	v13 =	vld [tilespmem:s17+$0x16630]  }
0x392: {  	v14 =	vld [tilespmem:s17+$0x16440];
	v11 =	vadd.f32 v12, v11  }
0x393: {  	v12 =	vld [tilespmem:s17+$0x16480]  }
0x394: {  	v15 =	vld [tilespmem:s17+$0x164C0];
	v3 =	vadd.f32 v11, v3  }
0x395: {  	v4 =	vadd.f32 v5, v4;
	v5 =	vadd.f32 v8, v6;
	v11 =	vld [tilespmem:s17+$0x16500]  }
0x396: {  	v7 =	vadd.f32 v9, v7;
	v6 =	vld [tilespmem:s17+$0x16540];
	v8 =	vadd.f32 v13, v10  }
0x397: {  	v9 =	vld [tilespmem:s17+$0x16580]  }
0x398: {  	v4 =	vadd.f32 v5, v4;
	v10 =	vld [tilespmem:s17+$0x165C0];
	v5 =	vadd.f32 v8, v7  }
0x399: {  	v8 =	vadd.f32 v12, v14;
	v7 =	vld [tilespmem:s17+$0x16600]  }
0x39a: {  	v11 =	vadd.f32 v11, v15;
	v12 =	vld [tilespmem:s17+$0x16450];
	v4 =	vadd.f32 v5, v4  }
0x39b: {  	v5 =	vld [tilespmem:s17+$0x16490]  }
0x39c: {  	v6 =	vadd.f32 v9, v6;
	v9 =	vld [tilespmem:s17+$0x164D0];
	v0 =	vadd.f32 v4, v0  }
0x39d: {  	v4 =	vadd.f32 v11, v8;
	v8 =	vld [tilespmem:s17+$0x16510]  }
0x39e: {  	v7 =	vadd.f32 v7, v10;
	v10 =	vld [tilespmem:s17+$0x16550]  }
0x39f: {  	v11 =	vld [tilespmem:s17+$0x16590]  }
0x3a0: {  	v6 =	vadd.f32 v7, v6;
	v7 =	vld [tilespmem:s17+$0x165D0];
	v5 =	vadd.f32 v5, v12  }
0x3a1: {  	v12 =	vld [tilespmem:s17+$0x16610]  }
0x3a2: {  	v4 =	vadd.f32 v6, v4;
	v6 =	vadd.f32 v8, v9;
	v8 =	vld [tilespmem:s17+$0x16460]  }
0x3a3: {  	v9 =	vld [tilespmem:s17+$0x164A0]  }
0x3a4: {  	v10 =	vadd.f32 v11, v10;
	v5 =	vadd.f32 v6, v5;
	v6 =	vld [tilespmem:s17+$0x164E0]  }
0x3a5: {  	v1 =	vadd.f32 v4, v1;
	v11 =	vld [tilespmem:s17+$0x16520]  }
0x3a6: {  	v4 =	vadd.f32 v12, v7;
	v7 =	vld [tilespmem:s17+$0x16560]  }
0x3a7: {  	v12 =	vld [tilespmem:s17+$0x165A0]  }
0x3a8: {  	v10 =	vadd.f32 v4, v10;
	v13 =	vld [tilespmem:s17+$0x165E0];
	v8 =	vadd.f32 v9, v8  }
0x3a9: {  	v9 =	vld [tilespmem:s17+$0x16620];
	s17 =	sshra.s32 s18, $0x2  }
0x3aa: {  	v4 =	vld [tilespmem:s17+$0x16470];
	v10 =	vadd.f32 v10, v5;
	v11 =	vadd.f32 v11, v6  }
0x3ab: {  	v5 =	vld [tilespmem:s17+$0x164B0]  }
.Ltmp9:
0x3ac: {  	v6 =	vld [tilespmem:s17+$0x164F0];
	v12 =	vadd.f32 v12, v7;
	v11 =	vadd.f32 v11, v8;
	(pc) =	sbr.rel @p0 .LBB2_20-.Ltmp9, $4  }
0x3ad: {  	v2 =	vadd.f32 v10, v2;
	v8 =	vld [tilespmem:s17+$0x16530]  }
0x3ae: {  	v7 =	vld [tilespmem:s17+$0x16570];
	v13 =	vadd.f32 v9, v13  }
0x3af: {  	v9 =	vld [tilespmem:s17+$0x165B0]  }
0x3b0: {  	s18 =	sadd.s32 $0x800, s18;
	v10 =	vld [tilespmem:s17+$0x165F0];
	v12 =	vadd.f32 v13, v12  }
0x3b1: {  	v13 =	vld [tilespmem:s17+$0x16630]  }
0x3b2: {  	v14 =	vld [tilespmem:s17+$0x16440]  }
0x3b3: {  	v15 =	vld [tilespmem:s17+$0x16480]  }
0x3b4: {  	v16 =	vld [tilespmem:s17+$0x164C0]  }
0x3b5: {  	v17 =	vld [tilespmem:s17+$0x16500]  }
0x3b6: {  	v18 =	vld [tilespmem:s17+$0x16540]  }
0x3b7: {  	v19 =	vld [tilespmem:s17+$0x16580]  }
0x3b8: {  	v20 =	vld [tilespmem:s17+$0x165C0]  }
0x3b9: {  	v21 =	vld [tilespmem:s17+$0x16600]  }
0x3ba: {  	v22 =	vld [tilespmem:s17+$0x16450]  }
0x3bb: {  	v23 =	vld [tilespmem:s17+$0x16490]  }
0x3bc: {  	v24 =	vld [tilespmem:s17+$0x164D0]  }
0x3bd: {  	v25 =	vld [tilespmem:s17+$0x16510]  }
0x3be: {  	v26 =	vld [tilespmem:s17+$0x16550]  }
0x3bf: {  	v27 =	vld [tilespmem:s17+$0x16590]  }
0x3c0: {  	v28 =	vld [tilespmem:s17+$0x165D0]  }
0x3c1: {  	v29 =	vld [tilespmem:s17+$0x16610]  }
0x3c2: {  	v44 =	vld [tilespmem:s17+$0x16460]  }
0x3c3: {  	v30 =	vld [tilespmem:s17+$0x164A0]  }
0x3c4: {  	v45 =	vld [tilespmem:s17+$0x164E0];
	v11 =	vadd.f32 v12, v11  }
0x3c5: {  	v4 =	vadd.f32 v5, v4;
	v47 =	vld [tilespmem:s17+$0x16520];
	v46 =	vadd.f32 v8, v6  }
0x3c6: {  	v50 =	vld [tilespmem:s17+$0x16560];
	v3 =	vadd.f32 v11, v3  }
0x3c7: {  	v53 =	vld [tilespmem:s17+$0x165A0];
	v7 =	vadd.f32 v9, v7;
	v4 =	vadd.f32 v46, v4  }
0x3c8: {  	v55 =	vld [tilespmem:s17+$0x165E0];
	v48 =	vadd.f32 v15, v14;
	v49 =	vadd.f32 v17, v16  }
0x3c9: {  	v57 =	vld [tilespmem:s17+$0x16620];
	v51 =	vadd.f32 v19, v18;
	v52 =	vadd.f32 v21, v20  }
0x3ca: {  	v54 =	vadd.f32 v13, v10;
	v58 =	vadd.f32 v23, v22  }
0x3cb: {  	v59 =	vadd.f32 v25, v24;
	v60 =	vadd.f32 v27, v26  }
0x3cc: {  	v61 =	vadd.f32 v29, v28;
	v12 =	vadd.f32 v30, v44  }
0x3cd: {  	v6 =	vadd.f32 v47, v45;
	v62 =	vadd.f32 v53, v50  }
0x3ce: {  	v10 =	vadd.f32 v57, v55;
	v8 =	vadd.f32 v49, v48  }
0x3cf: {  	v56 =	vadd.f32 v52, v51;
	v5 =	vadd.f32 v59, v58  }
0x3d0: {  	v63 =	vadd.f32 v61, v60;
	v6 =	vadd.f32 v6, v12  }
0x3d1: {  	v10 =	vadd.f32 v10, v62;
	v8 =	vadd.f32 v56, v8  }
0x3d2: {  	v7 =	vadd.f32 v54, v7;
	v5 =	vadd.f32 v63, v5  }
0x3d3: {  	s15 =	sadd.s32 $0x1, s15;
	v6 =	vadd.f32 v10, v6;
	v1 =	vadd.f32 v8, v1  }
0x3d4: {  	p0 =	sne.s32 s15, $0x40;
	v4 =	vadd.f32 v7, v4;
	v2 =	vadd.f32 v5, v2  }
.Ltmp10:
0x3d5: {  	v3 =	vadd.f32 v6, v3;
	[tilespmem:$0x19800] =	vst v1;
	(pc) =	sbr.rel @p0 .LBB2_2-.Ltmp10, $4  }
0x3d6: {  	v0 =	vadd.f32 v4, v0;
	[tilespmem:$0x19810] =	vst v2  }
0x3d7: {  	[tilespmem:$0x19820] =	vst v3  }
0x3d8: {  	s16 =	sadd.s32 s16, s8;
	[tilespmem:$0x19830] =	vst v0  }
0x3d9: {  	[hbm4b:s16+s2] =	stream.linear.scatter [tilespmem:s13], [sflag:$0x4], $0x100, $0x38;
	[tilespmem:$0x19840] =	vst v63  }
0x3da: {  	_ =	swait.ge [sflag:s14], $0x100  }
0x3db: {  	[sflag:s14] =	ssyncset.done $0x0  }
0x3dc: {  	[sflag:s14] =	ssyncadd.s32 $0xFFFFFF00  }
0x3dd: {  	_ =	swait.ge [sflag:s14], $0x100  }
0x3de: {  	s16 =	rddreg [dreg:$0x6]  }
0x3df: {  	s15 =	rddreg [dreg:$0x5];
	s16 =	sadd.s32 $0x1, s16  }
0x3e0: {  	p0 =	sne.s32 s16, s15  }
.Ltmp11:
0x3e1: {  	_ = 	snop;
	(pc) =	sbr.rel @p0 .LBB2_1-.Ltmp11, $3  }
0x3e2: {  	_ =	sdelay $0x1  }
0x3e3: {  	[sflag:s14] =	ssyncset.done $0x0  }
0x3e4: {  	[sflag:s14] =	ssyncadd.s32 $0xFFFFFF00  }
0x3e5: {  	_ =	sfence.sel $0x180000  }
0x3e6: {  	[bflag:$0x0] =	sbarrier.arrive $0xFFFF  }
0x3e7: {  	_ =	strace $0x90000047  }
0x3e8: {  	s0 =	stileid.u32;
	[bflag:$0x2] =	sbarrier.arrive $0xFFFF  }
0x3e9: {  	p0 =	sne.s32 s0, $0x0;
	s0 =	rddreg [dreg:$0x2]  }
0x3ea: {  	s0 =	sadd.s32 @!p0 $0x100000, s0  }
0x3eb: {  	[sflag:s0] =	ssyncadd.tile.s32 @!p0 $0x1;
	_ =	shalt  }
.Lfunc_end2:
_tile_overlayer_lowered:
.L_overlay_start_2:
0x3ec: {  	(tag) =	ssettag $0x2  }
0x3ed: {  	s0 =	rddreg [dreg:$0x0];
	s2 =	stileid.u32  }
0x3ee: {  	s1 =	rddreg [dreg:$0x1];
	p0 =	sne.s32 s2, $0x0  }
0x3ef: {  	s3 =	rddreg [dreg:$0x2];
	[bflag:$0x3] =	sbarrier.arrive $0xFFFF;
	s2 =	simm.s32 @!p0 $0x1C05  }
0x3f0: {  	[timem:s3], [sflag:s2] =	dma.local @!p0 [hbm:s0], s1  }
0x3f1: {  	s0 =	simm.s32 @!p0 $0x5  }
0x3f2: {  	_ =	swait.ge @!p0 [sflag:s0], s1  }
0x3f3: {  	s1 =	ssub.s32 @!p0 $0x0, s1;
	[sflag:s0] =	ssyncset.done @!p0 $0x0  }
0x3f4: {  	[sflag:s0] =	ssyncadd.s32 @!p0 s1  }
0x3f5: {  	[bflag:$0x3] =	sbarrier.arrive $0xFFFF  }
0x3f6: {  	_ =	shalt  }

</sc_bundles>
